<compile_context>
chip_gen: v7x
topology: tpu7x:2x2x1
jax: 0.10.2.dev20260603
libtpu: 0.0.44.dev20260713+nightly
codegen_flags: <defaults>
</compile_context>

<pallas_src>
import functools

import jax
import jax.numpy as jnp
from jax import lax
from jax.experimental import pallas as pl
from jax.experimental.pallas import tpu as pltpu
from jax.experimental.pallas import tpu_sc as plsc

_NUM_EMBED = 8192
_EMBED_DIM = 32
_BETA = 0.25
_N_TOK = 8192
_B = 8
_T = 1024

_BN = 1024
_NB = _N_TOK // _BN


_KC = 32
_CK = _NUM_EMBED // _KC


def _tree_argmax(v, base):
    idx = lax.broadcasted_iota(jnp.int32, v.shape, 0) + base
    r = v.shape[0]
    while r > 1:
        h = r // 2
        cond = v[h:] > v[:h]
        v = jnp.where(cond, v[h:], v[:h])
        idx = jnp.where(cond, idx[h:], idx[:h])
        r = h
    return v[0], idx[0]


def _argmax_body(z_ref, w_ref, idx_ref, wn_ref):
    @pl.when(pl.program_id(0) == 0)
    def _norm_w():
        w = w_ref[...]
        wn_ref[...] = w / jnp.maximum(
            jnp.sqrt(jnp.sum(w * w, axis=1, keepdims=True)), 1e-12)

    z = z_ref[...].reshape(_BN, _EMBED_DIM)
    zn = z / jnp.maximum(
        jnp.sqrt(jnp.sum(z * z, axis=1, keepdims=True)), 1e-12)
    bv = bi = None
    for kc in range(_KC):
        s_c = lax.dot_general(wn_ref[pl.ds(kc * _CK, _CK), :], zn,
                              (((1,), (1,)), ((), ())),
                              preferred_element_type=jnp.float32)
        v_c, i_c = _tree_argmax(s_c, kc * _CK)
        if kc == 0:
            bv, bi = v_c, i_c
        else:
            upd = v_c > bv
            bv = jnp.where(upd, v_c, bv)
            bi = jnp.where(upd, i_c, bi)
    idx_ref[...] = bi


_argmax_call = pl.pallas_call(
    _argmax_body,
    grid=(_NB,),
    in_specs=[
        pl.BlockSpec((1, _BN, _EMBED_DIM),
                     lambda n: (n // (_T // _BN), n % (_T // _BN), 0)),
        pl.BlockSpec((_NUM_EMBED, _EMBED_DIM), lambda n: (0, 0)),
    ],
    out_specs=pl.BlockSpec((_BN,), lambda n: (n,)),
    out_shape=jax.ShapeDtypeStruct((_N_TOK,), jnp.int32),
    scratch_shapes=[pltpu.VMEM((_NUM_EMBED, _EMBED_DIM), jnp.float32)],
)


_NC, _NS = 2, 16
_NW = _NC * _NS
_CH = 128
_CPW = _N_TOK // _NW // _CH
_ZPS = _NUM_EMBED // _NS


@functools.cache
def _sc_gather_hist_call():
    mesh = plsc.VectorSubcoreMesh(core_axis_name="c", subcore_axis_name="s",
                                  num_cores=_NC, num_subcores=_NS)
    return pl.kernel(
        _sc_gather_hist,
        mesh=mesh,
        compiler_params=pltpu.CompilerParams(use_tc_tiling_on_sc=False),
        out_type=[
            jax.ShapeDtypeStruct((_N_TOK, _EMBED_DIM), jnp.float32),
            jax.ShapeDtypeStruct((_NC, _NUM_EMBED), jnp.float32),
        ],
        scratch_types=[
            pltpu.VMEM((_CPW, _CH), jnp.int32),
            pltpu.VMEM((_CPW, _CH, _EMBED_DIM), jnp.float32),
            pltpu.VMEM((_CPW * _CH,), jnp.float32),
            pltpu.VMEM((_ZPS,), jnp.float32),
            pltpu.VMEM_SHARED((_NUM_EMBED,), jnp.float32),
            pltpu.SemaphoreType.DMA,
        ],
    )


def _sc_gather_hist(w_hbm, idx_hbm, zq_hbm, cnt_hbm,
                    idx_v, rows_v, ones_v, zeros_v, cnt_sh, sem):
    cid = lax.axis_index("c")
    sid = lax.axis_index("s")
    wid = sid * _NC + cid
    base = wid * _CPW * _CH
    for j in range(_CPW):
        pltpu.sync_copy(idx_hbm.at[pl.ds(base + j * _CH, _CH)], idx_v.at[j])
    cps = []
    for j in range(_CPW):
        cps.append(pltpu.async_copy(w_hbm.at[idx_v.at[j]], rows_v.at[j], sem))

    def _fill_z(i, _):
        zeros_v[pl.ds(i * 16, 16)] = jnp.zeros((16,), jnp.float32)
        return 0

    lax.fori_loop(0, _ZPS // 16, _fill_z, 0)

    def _fill_o(i, _):
        ones_v[pl.ds(i * 16, 16)] = jnp.ones((16,), jnp.float32)
        return 0

    lax.fori_loop(0, (_CPW * _CH) // 16, _fill_o, 0)

    pltpu.sync_copy(zeros_v, cnt_sh.at[pl.ds(sid * _ZPS, _ZPS)])
    for cp in cps:
        cp.wait()
    for j in range(_CPW):
        pltpu.sync_copy(rows_v.at[j], zq_hbm.at[pl.ds(base + j * _CH, _CH)])
    plsc.subcore_barrier()
    for j in range(_CPW):
        pltpu.sync_copy(ones_v.at[pl.ds(j * _CH, _CH)],
                        cnt_sh.at[idx_v.at[j]], add=True)
    plsc.subcore_barrier()

    @pl.when(sid == 0)
    def _flush():
        pltpu.sync_copy(cnt_sh, cnt_hbm.at[cid])


def _finish_body(z_ref, zq_ref, cnt_ref, zqst_ref, loss_ref, perp_ref):
    z = z_ref[...]
    zq = zq_ref[...].reshape(_B, _T, _EMBED_DIM)
    zqst_ref[...] = z + (zq - z)
    d = zq - z
    m = jnp.sum(d * d) / float(_N_TOK * _EMBED_DIM)
    loss_ref[...] = jnp.full((1, 1), _BETA * m + m, jnp.float32)
    c = cnt_ref[0, :] + cnt_ref[1, :]
    avg = c * (1.0 / _N_TOK)
    ent = jnp.sum(avg * jnp.log(avg + 1e-10))
    perp_ref[...] = jnp.full((1, 1), jnp.exp(-ent), jnp.float32)


_finish_call = pl.pallas_call(
    _finish_body,
    out_shape=[
        jax.ShapeDtypeStruct((_B, _T, _EMBED_DIM), jnp.float32),
        jax.ShapeDtypeStruct((1, 1), jnp.float32),
        jax.ShapeDtypeStruct((1, 1), jnp.float32),
    ],
)


def kernel(z, W):
    idx = _argmax_call(z, W)
    zq, cnt = _sc_gather_hist_call()(W, idx)
    zqst, loss, perp = _finish_call(z, zq, cnt)
    return (zqst, loss.reshape(()), perp.reshape(()), idx)

# --- scband reference (transcript-rebuilt; emitter-appended) ---
"""Pipeline reference for scband-vector-quantizer-52106543235260 (READ-ONLY COPY).

The authoritative reference and input builder live on the scoring server;
editing this copy changes nothing except your own understanding.
"""

import jax, jax.numpy as jnp
import numpy as np

NUM_EMBED = 8192
EMBED_DIM = 32
BETA = 0.25


def setup_inputs(seed: int = 0) -> dict:
    key = jax.random.key(seed)
    k1, k2 = jax.random.split(key)
    z = jax.random.normal(k1, (8, 1024, EMBED_DIM), dtype=jnp.float32)
    W = jax.random.uniform(k2, (NUM_EMBED, EMBED_DIM), minval=-1.0 / NUM_EMBED, maxval=1.0 / NUM_EMBED, dtype=jnp.float32)
    return {"z": z, "W": W}


def _normalize(x, eps=1e-12):
    n = jnp.linalg.norm(x, axis=1, keepdims=True)
    return x / jnp.maximum(n, eps)


def reference(z, W):
    # VectorQuantizer.forward with distance='cos', training=True,
    # calling_from=-1 (no buffer update), contras_loss=False.
    z_shape = z.shape
    z_flat = z.reshape(-1, EMBED_DIM)
    # cosine distance; z is detached for the distance computation
    normed_z = _normalize(jax.lax.stop_gradient(z_flat))
    normed_codebook = _normalize(W)
    d = jnp.matmul(normed_z, normed_codebook.T)  # [N, K]
    # d.sort(dim=1); indices[:, -1] == argmax over codebook axis
    encoding_indices = jnp.argmax(d, axis=1)  # int [N]
    z_q = jnp.take(W, encoding_indices, axis=0).reshape(z_shape)
    # commitment + codebook loss
    loss = BETA * jnp.mean((jax.lax.stop_gradient(z_q) - z) ** 2) + jnp.mean((z_q - jax.lax.stop_gradient(z)) ** 2)
    # straight-through estimator
    z_q = z + jax.lax.stop_gradient(z_q - z)
    # perplexity: avg_probs = mean over one-hot encodings == normalized bincount
    n_tok = encoding_indices.shape[0]
    avg_probs = jnp.bincount(encoding_indices, length=NUM_EMBED).astype(jnp.float32) / n_tok
    perplexity = jnp.exp(-jnp.sum(avg_probs * jnp.log(avg_probs + 1e-10)))
    return (z_q, loss, perplexity, encoding_indices)

if __name__ == "__main__":
    import jax
    _d = setup_inputs()
    print(jax.jit(kernel)(*tuple(_d.values())))

</pallas_src>

<mosaic_0001>
#map = affine_map<(d0, d1) -> (0, 0)>
#map1 = affine_map<(d0, d1) -> (0)>
module attributes {stable_mosaic.version = 14 : i64} {
  func.func @_sc_gather_hist(%arg0: i32, %arg1: i32, %arg2: memref<8192x32xf32, #tpu.memory_space<hbm>>, %arg3: memref<8192xi32, #tpu.memory_space<hbm>>, %arg4: memref<8192x32xf32, #tpu.memory_space<hbm>>, %arg5: memref<2x8192xf32, #tpu.memory_space<hbm>>, %arg6: memref<2x128xi32, #tpu.memory_space<vmem>>, %arg7: memref<2x128x32xf32, #tpu.memory_space<vmem>>, %arg8: memref<256xf32, #tpu.memory_space<vmem>>, %arg9: memref<512xf32, #tpu.memory_space<vmem>>, %arg10: memref<8192xf32, #tpu.memory_space<vmem_shared>>, %arg11: memref<!tpu.dma_semaphore, #tpu.memory_space<semaphore_mem>>) attributes {dimension_semantics = [#tpu.dimension_semantics<core_parallel>, #tpu.dimension_semantics<subcore_parallel>], iteration_bounds = array<i64: 2, 16>, scalar_prefetch = 0 : i64, scratch_operands = 6 : i64, tpu.core_type = #tpu.core_type<sc_vector_subcore>, window_params = [{transform_indices = #map}, {transform_indices = #map1}, {transform_indices = #map}, {transform_indices = #map}]} {
    %mul3A = arith.constant 2 : i32
    %mul3A_0 = arith.muli %arg1, %mul3A : i32
    %add3A = arith.addi %mul3A_0, %arg0 : i32
    %mul3A_1 = arith.constant 2 : i32
    %mul3A_2 = arith.muli %add3A, %mul3A_1 : i32
    %mul3A_3 = arith.constant 128 : i32
    %mul3A_4 = arith.muli %mul3A_2, %mul3A_3 : i32
    %add3A_5 = arith.constant 0 : i32
    %add3A_6 = arith.addi %mul3A_4, %add3A_5 : i32
    %run_scoped3A = arith.constant 0 : i32
    "tpu.region"() ({
      %run_scoped3A_82 = tpu.sem_alloc : memref<!tpu.dma_semaphore, #tpu.memory_space<semaphore_mem>>
      %dma_start3A_83 = arith.constant 0 : i32
      %dma_start3A_84 = tpu.memref_slice %arg6[%run_scoped3A, %dma_start3A_83] : memref<2x128xi32, #tpu.memory_space<vmem>> -> memref<1x128xi32, #tpu.memory_space<vmem>>
      %dma_start3A_85 = tpu.memref_squeeze %dma_start3A_84 : memref<1x128xi32, #tpu.memory_space<vmem>> -> memref<128xi32, #tpu.memory_space<vmem>>
      %dma_start3A_86 = tpu.memref_slice %arg3[%add3A_6] : memref<8192xi32, #tpu.memory_space<hbm>> -> memref<128xi32, #tpu.memory_space<hbm>>
      %dma_start3A_87 = arith.constant 0 : i32
      %dma_start3A_88 = tpu.memref_slice %arg6[%run_scoped3A, %dma_start3A_87] : memref<2x128xi32, #tpu.memory_space<vmem>> -> memref<1x128xi32, #tpu.memory_space<vmem>>
      %dma_start3A_89 = tpu.memref_squeeze %dma_start3A_88 : memref<1x128xi32, #tpu.memory_space<vmem>> -> memref<128xi32, #tpu.memory_space<vmem>>
      %dma_start3A_90 = tpu.memref_slice %arg3[%add3A_6] : memref<8192xi32, #tpu.memory_space<hbm>> -> memref<128xi32, #tpu.memory_space<hbm>>
      tpu.enqueue_dma source(%dma_start3A_90 : memref<128xi32, #tpu.memory_space<hbm>>) target(%dma_start3A_89 : memref<128xi32, #tpu.memory_space<vmem>>) target_semaphore(%run_scoped3A_82 : memref<!tpu.dma_semaphore, #tpu.memory_space<semaphore_mem>>)
      %dma_wait3A_91 = arith.constant 0 : i32
      %dma_wait3A_92 = tpu.memref_slice %arg6[%run_scoped3A, %dma_wait3A_91] : memref<2x128xi32, #tpu.memory_space<vmem>> -> memref<1x128xi32, #tpu.memory_space<vmem>>
      %dma_wait3A_93 = tpu.memref_squeeze %dma_wait3A_92 : memref<1x128xi32, #tpu.memory_space<vmem>> -> memref<128xi32, #tpu.memory_space<vmem>>
      %dma_wait3A_94 = tpu.memref_slice %arg3[%add3A_6] : memref<8192xi32, #tpu.memory_space<hbm>> -> memref<128xi32, #tpu.memory_space<hbm>>
      %dma_wait3A_95 = arith.constant 0 : i32
      %dma_wait3A_96 = tpu.memref_slice %arg6[%run_scoped3A, %dma_wait3A_95] : memref<2x128xi32, #tpu.memory_space<vmem>> -> memref<1x128xi32, #tpu.memory_space<vmem>>
      %dma_wait3A_97 = tpu.memref_squeeze %dma_wait3A_96 : memref<1x128xi32, #tpu.memory_space<vmem>> -> memref<128xi32, #tpu.memory_space<vmem>>
      %dma_wait3A_98 = tpu.memref_slice %arg3[%add3A_6] : memref<8192xi32, #tpu.memory_space<hbm>> -> memref<128xi32, #tpu.memory_space<hbm>>
      tpu.wait_dma2 semaphore(%run_scoped3A_82 : memref<!tpu.dma_semaphore, #tpu.memory_space<semaphore_mem>>) src(%dma_wait3A_98 : memref<128xi32, #tpu.memory_space<hbm>>) dst(%dma_wait3A_97 : memref<128xi32, #tpu.memory_space<vmem>>)
      tpu.yield
    }) : () -> ()
    %add3A_7 = arith.constant 128 : i32
    %add3A_8 = arith.addi %mul3A_4, %add3A_7 : i32
    %run_scoped3A_9 = arith.constant 1 : i32
    "tpu.region"() ({
      %run_scoped3A_82 = tpu.sem_alloc : memref<!tpu.dma_semaphore, #tpu.memory_space<semaphore_mem>>
      %dma_start3A_83 = arith.constant 0 : i32
      %dma_start3A_84 = tpu.memref_slice %arg6[%run_scoped3A_9, %dma_start3A_83] : memref<2x128xi32, #tpu.memory_space<vmem>> -> memref<1x128xi32, #tpu.memory_space<vmem>>
      %dma_start3A_85 = tpu.memref_squeeze %dma_start3A_84 : memref<1x128xi32, #tpu.memory_space<vmem>> -> memref<128xi32, #tpu.memory_space<vmem>>
      %dma_start3A_86 = tpu.memref_slice %arg3[%add3A_8] : memref<8192xi32, #tpu.memory_space<hbm>> -> memref<128xi32, #tpu.memory_space<hbm>>
      %dma_start3A_87 = arith.constant 0 : i32
      %dma_start3A_88 = tpu.memref_slice %arg6[%run_scoped3A_9, %dma_start3A_87] : memref<2x128xi32, #tpu.memory_space<vmem>> -> memref<1x128xi32, #tpu.memory_space<vmem>>
      %dma_start3A_89 = tpu.memref_squeeze %dma_start3A_88 : memref<1x128xi32, #tpu.memory_space<vmem>> -> memref<128xi32, #tpu.memory_space<vmem>>
      %dma_start3A_90 = tpu.memref_slice %arg3[%add3A_8] : memref<8192xi32, #tpu.memory_space<hbm>> -> memref<128xi32, #tpu.memory_space<hbm>>
      tpu.enqueue_dma source(%dma_start3A_90 : memref<128xi32, #tpu.memory_space<hbm>>) target(%dma_start3A_89 : memref<128xi32, #tpu.memory_space<vmem>>) target_semaphore(%run_scoped3A_82 : memref<!tpu.dma_semaphore, #tpu.memory_space<semaphore_mem>>)
      %dma_wait3A_91 = arith.constant 0 : i32
      %dma_wait3A_92 = tpu.memref_slice %arg6[%run_scoped3A_9, %dma_wait3A_91] : memref<2x128xi32, #tpu.memory_space<vmem>> -> memref<1x128xi32, #tpu.memory_space<vmem>>
      %dma_wait3A_93 = tpu.memref_squeeze %dma_wait3A_92 : memref<1x128xi32, #tpu.memory_space<vmem>> -> memref<128xi32, #tpu.memory_space<vmem>>
      %dma_wait3A_94 = tpu.memref_slice %arg3[%add3A_8] : memref<8192xi32, #tpu.memory_space<hbm>> -> memref<128xi32, #tpu.memory_space<hbm>>
      %dma_wait3A_95 = arith.constant 0 : i32
      %dma_wait3A_96 = tpu.memref_slice %arg6[%run_scoped3A_9, %dma_wait3A_95] : memref<2x128xi32, #tpu.memory_space<vmem>> -> memref<1x128xi32, #tpu.memory_space<vmem>>
      %dma_wait3A_97 = tpu.memref_squeeze %dma_wait3A_96 : memref<1x128xi32, #tpu.memory_space<vmem>> -> memref<128xi32, #tpu.memory_space<vmem>>
      %dma_wait3A_98 = tpu.memref_slice %arg3[%add3A_8] : memref<8192xi32, #tpu.memory_space<hbm>> -> memref<128xi32, #tpu.memory_space<hbm>>
      tpu.wait_dma2 semaphore(%run_scoped3A_82 : memref<!tpu.dma_semaphore, #tpu.memory_space<semaphore_mem>>) src(%dma_wait3A_98 : memref<128xi32, #tpu.memory_space<hbm>>) dst(%dma_wait3A_97 : memref<128xi32, #tpu.memory_space<vmem>>)
      tpu.yield
    }) : () -> ()
    %dma_start3A = arith.constant 0 : i32
    %dma_start3A_10 = arith.constant 0 : i32
    %dma_start3A_11 = arith.constant 0 : i32
    %dma_start3A_12 = arith.constant 0 : i32
    %dma_start3A_13 = tpu.memref_slice %arg7[%dma_start3A_10, %dma_start3A_11, %dma_start3A_12] : memref<2x128x32xf32, #tpu.memory_space<vmem>> -> memref<1x128x32xf32, #tpu.memory_space<vmem>>
    %dma_start3A_14 = tpu.memref_squeeze %dma_start3A_13 : memref<1x128x32xf32, #tpu.memory_space<vmem>> -> memref<128x32xf32, #tpu.memory_space<vmem>>
    %dma_start3A_15 = arith.constant 0 : i32
    %dma_start3A_16 = tpu.memref_slice %arg6[%dma_start3A, %dma_start3A_15] : memref<2x128xi32, #tpu.memory_space<vmem>> -> memref<1x128xi32, #tpu.memory_space<vmem>>
    %dma_start3A_17 = tpu.memref_squeeze %dma_start3A_16 : memref<1x128xi32, #tpu.memory_space<vmem>> -> memref<128xi32, #tpu.memory_space<vmem>>
    %dma_start3A_18 = arith.constant 0 : i32
    %dma_start3A_19 = arith.constant 0 : i32
    %dma_start3A_20 = tpu.memref_slice %arg2[%dma_start3A_18, %dma_start3A_19] : memref<8192x32xf32, #tpu.memory_space<hbm>> -> memref<8192x32xf32, #tpu.memory_space<hbm>>
    tpu.enqueue_indirect_dma source(%dma_start3A_20 : memref<8192x32xf32, #tpu.memory_space<hbm>>) target(%dma_start3A_14 : memref<128x32xf32, #tpu.memory_space<vmem>>) offsets(%dma_start3A_17 : memref<128xi32, #tpu.memory_space<vmem>>) semaphore(%arg11 : memref<!tpu.dma_semaphore, #tpu.memory_space<semaphore_mem>>)
    %dma_start3A_21 = arith.constant 1 : i32
    %dma_start3A_22 = arith.constant 1 : i32
    %dma_start3A_23 = arith.constant 0 : i32
    %dma_start3A_24 = arith.constant 0 : i32
    %dma_start3A_25 = tpu.memref_slice %arg7[%dma_start3A_22, %dma_start3A_23, %dma_start3A_24] : memref<2x128x32xf32, #tpu.memory_space<vmem>> -> memref<1x128x32xf32, #tpu.memory_space<vmem>>
    %dma_start3A_26 = tpu.memref_squeeze %dma_start3A_25 : memref<1x128x32xf32, #tpu.memory_space<vmem>> -> memref<128x32xf32, #tpu.memory_space<vmem>>
    %dma_start3A_27 = arith.constant 0 : i32
    %dma_start3A_28 = tpu.memref_slice %arg6[%dma_start3A_21, %dma_start3A_27] : memref<2x128xi32, #tpu.memory_space<vmem>> -> memref<1x128xi32, #tpu.memory_space<vmem>>
    %dma_start3A_29 = tpu.memref_squeeze %dma_start3A_28 : memref<1x128xi32, #tpu.memory_space<vmem>> -> memref<128xi32, #tpu.memory_space<vmem>>
    %dma_start3A_30 = arith.constant 0 : i32
    %dma_start3A_31 = arith.constant 0 : i32
    %dma_start3A_32 = tpu.memref_slice %arg2[%dma_start3A_30, %dma_start3A_31] : memref<8192x32xf32, #tpu.memory_space<hbm>> -> memref<8192x32xf32, #tpu.memory_space<hbm>>
    tpu.enqueue_indirect_dma source(%dma_start3A_32 : memref<8192x32xf32, #tpu.memory_space<hbm>>) target(%dma_start3A_26 : memref<128x32xf32, #tpu.memory_space<vmem>>) offsets(%dma_start3A_29 : memref<128xi32, #tpu.memory_space<vmem>>) semaphore(%arg11 : memref<!tpu.dma_semaphore, #tpu.memory_space<semaphore_mem>>)
    %scan3A = arith.constant 0 : i32
    %scan3A_33 = arith.constant 0 : i32
    %scan3A_34 = arith.constant 32 : i32
    %scan3A_35 = arith.addi %scan3A_33, %scan3A_34 : i32
    %scan3A_36 = arith.constant 1 : i32
    %scan3A_37 = scf.for %scan3A_82 = %scan3A_33 to %scan3A_35 step %scan3A_36 iter_args(%scan3A_83 = %scan3A) -> (i32)  : i32 {
      %broadcast_in_dim3A = arith.constant 0.000000e+00 : f32
      %broadcast_in_dim3A_84 = vector.broadcast %broadcast_in_dim3A : f32 to vector<16xf32>
      %mul3A_85 = arith.constant 16 : i32
      %mul3A_86 = arith.muli %scan3A_82, %mul3A_85 : i32
      %swap3A = arith.index_cast %mul3A_86 : i32 to index
      %swap3A_87 = tpu.vector_load %arg9[%swap3A] {strides = array<i32>} : memref<512xf32, #tpu.memory_space<vmem>>, vector<16xf32>,
      %swap3A_88 = vector.shape_cast %swap3A_87 : vector<16xf32> to vector<16xf32>
      %swap3A_89 = vector.shape_cast %broadcast_in_dim3A_84 : vector<16xf32> to vector<16xf32>
      tpu.vector_store %arg9[%swap3A], %swap3A_89 {strides = array<i32>} : memref<512xf32, #tpu.memory_space<vmem>>, vector<16xf32>,
      %scan3A_90 = arith.constant 0 : i32
      scf.yield %scan3A_90 : i32
    }
    %scan3A_38 = arith.constant 32 : i32
    %scan3A_39 = arith.constant 0 : i32
    %scan3A_40 = arith.constant 0 : i32
    %scan3A_41 = arith.constant 16 : i32
    %scan3A_42 = arith.addi %scan3A_40, %scan3A_41 : i32
    %scan3A_43 = arith.constant 1 : i32
    %scan3A_44 = scf.for %scan3A_82 = %scan3A_40 to %scan3A_42 step %scan3A_43 iter_args(%scan3A_83 = %scan3A_39) -> (i32)  : i32 {
      %broadcast_in_dim3A = arith.constant 1.000000e+00 : f32
      %broadcast_in_dim3A_84 = vector.broadcast %broadcast_in_dim3A : f32 to vector<16xf32>
      %mul3A_85 = arith.constant 16 : i32
      %mul3A_86 = arith.muli %scan3A_82, %mul3A_85 : i32
      %swap3A = arith.index_cast %mul3A_86 : i32 to index
      %swap3A_87 = tpu.vector_load %arg8[%swap3A] {strides = array<i32>} : memref<256xf32, #tpu.memory_space<vmem>>, vector<16xf32>,
      %swap3A_88 = vector.shape_cast %swap3A_87 : vector<16xf32> to vector<16xf32>
      %swap3A_89 = vector.shape_cast %broadcast_in_dim3A_84 : vector<16xf32> to vector<16xf32>
      tpu.vector_store %arg8[%swap3A], %swap3A_89 {strides = array<i32>} : memref<256xf32, #tpu.memory_space<vmem>>, vector<16xf32>,
      %scan3A_90 = arith.constant 0 : i32
      scf.yield %scan3A_90 : i32
    }
    %scan3A_45 = arith.constant 16 : i32
    %mul3A_46 = arith.constant 512 : i32
    %mul3A_47 = arith.muli %arg1, %mul3A_46 : i32
    "tpu.region"() ({
      %run_scoped3A_82 = tpu.sem_alloc : memref<!tpu.dma_semaphore, #tpu.memory_space<semaphore_mem>>
      %dma_start3A_83 = tpu.memref_slice %arg10[%mul3A_47] : memref<8192xf32, #tpu.memory_space<vmem_shared>> -> memref<512xf32, #tpu.memory_space<vmem_shared>>
      %dma_start3A_84 = tpu.memref_slice %arg10[%mul3A_47] : memref<8192xf32, #tpu.memory_space<vmem_shared>> -> memref<512xf32, #tpu.memory_space<vmem_shared>>
      tpu.enqueue_dma source(%arg9 : memref<512xf32, #tpu.memory_space<vmem>>) target(%dma_start3A_84 : memref<512xf32, #tpu.memory_space<vmem_shared>>) target_semaphore(%run_scoped3A_82 : memref<!tpu.dma_semaphore, #tpu.memory_space<semaphore_mem>>)
      %dma_wait3A_85 = tpu.memref_slice %arg10[%mul3A_47] : memref<8192xf32, #tpu.memory_space<vmem_shared>> -> memref<512xf32, #tpu.memory_space<vmem_shared>>
      %dma_wait3A_86 = tpu.memref_slice %arg10[%mul3A_47] : memref<8192xf32, #tpu.memory_space<vmem_shared>> -> memref<512xf32, #tpu.memory_space<vmem_shared>>
      tpu.wait_dma2 semaphore(%run_scoped3A_82 : memref<!tpu.dma_semaphore, #tpu.memory_space<semaphore_mem>>) src(%arg9 : memref<512xf32, #tpu.memory_space<vmem>>) dst(%dma_wait3A_86 : memref<512xf32, #tpu.memory_space<vmem_shared>>)
      tpu.yield
    }) : () -> ()
    %dma_wait3A = arith.constant 0 : i32
    %dma_wait3A_48 = arith.constant 0 : i32
    %dma_wait3A_49 = arith.constant 0 : i32
    %dma_wait3A_50 = arith.constant 0 : i32
    %dma_wait3A_51 = tpu.memref_slice %arg7[%dma_wait3A_48, %dma_wait3A_49, %dma_wait3A_50] : memref<2x128x32xf32, #tpu.memory_space<vmem>> -> memref<1x128x32xf32, #tpu.memory_space<vmem>>
    %dma_wait3A_52 = tpu.memref_squeeze %dma_wait3A_51 : memref<1x128x32xf32, #tpu.memory_space<vmem>> -> memref<128x32xf32, #tpu.memory_space<vmem>>
    %dma_wait3A_53 = arith.constant 0 : i32
    %dma_wait3A_54 = tpu.memref_slice %arg6[%dma_wait3A, %dma_wait3A_53] : memref<2x128xi32, #tpu.memory_space<vmem>> -> memref<1x128xi32, #tpu.memory_space<vmem>>
    %dma_wait3A_55 = tpu.memref_squeeze %dma_wait3A_54 : memref<1x128xi32, #tpu.memory_space<vmem>> -> memref<128xi32, #tpu.memory_space<vmem>>
    %dma_wait3A_56 = arith.constant 0 : i32
    %dma_wait3A_57 = arith.constant 0 : i32
    %dma_wait3A_58 = tpu.memref_slice %arg2[%dma_wait3A_56, %dma_wait3A_57] : memref<8192x32xf32, #tpu.memory_space<hbm>> -> memref<8192x32xf32, #tpu.memory_space<hbm>>
    tpu.wait_indirect_dma semaphore(%arg11 : memref<!tpu.dma_semaphore, #tpu.memory_space<semaphore_mem>>) src(%dma_wait3A_58 : memref<8192x32xf32, #tpu.memory_space<hbm>>) dst(%dma_wait3A_52 : memref<128x32xf32, #tpu.memory_space<vmem>>)
    %dma_wait3A_59 = arith.constant 1 : i32
    %dma_wait3A_60 = arith.constant 1 : i32
    %dma_wait3A_61 = arith.constant 0 : i32
    %dma_wait3A_62 = arith.constant 0 : i32
    %dma_wait3A_63 = tpu.memref_slice %arg7[%dma_wait3A_60, %dma_wait3A_61, %dma_wait3A_62] : memref<2x128x32xf32, #tpu.memory_space<vmem>> -> memref<1x128x32xf32, #tpu.memory_space<vmem>>
    %dma_wait3A_64 = tpu.memref_squeeze %dma_wait3A_63 : memref<1x128x32xf32, #tpu.memory_space<vmem>> -> memref<128x32xf32, #tpu.memory_space<vmem>>
    %dma_wait3A_65 = arith.constant 0 : i32
    %dma_wait3A_66 = tpu.memref_slice %arg6[%dma_wait3A_59, %dma_wait3A_65] : memref<2x128xi32, #tpu.memory_space<vmem>> -> memref<1x128xi32, #tpu.memory_space<vmem>>
    %dma_wait3A_67 = tpu.memref_squeeze %dma_wait3A_66 : memref<1x128xi32, #tpu.memory_space<vmem>> -> memref<128xi32, #tpu.memory_space<vmem>>
    %dma_wait3A_68 = arith.constant 0 : i32
    %dma_wait3A_69 = arith.constant 0 : i32
    %dma_wait3A_70 = tpu.memref_slice %arg2[%dma_wait3A_68, %dma_wait3A_69] : memref<8192x32xf32, #tpu.memory_space<hbm>> -> memref<8192x32xf32, #tpu.memory_space<hbm>>
    tpu.wait_indirect_dma semaphore(%arg11 : memref<!tpu.dma_semaphore, #tpu.memory_space<semaphore_mem>>) src(%dma_wait3A_70 : memref<8192x32xf32, #tpu.memory_space<hbm>>) dst(%dma_wait3A_64 : memref<128x32xf32, #tpu.memory_space<vmem>>)
    %add3A_71 = arith.constant 0 : i32
    %add3A_72 = arith.addi %mul3A_4, %add3A_71 : i32
    %run_scoped3A_73 = arith.constant 0 : i32
    "tpu.region"() ({
      %run_scoped3A_82 = tpu.sem_alloc : memref<!tpu.dma_semaphore, #tpu.memory_space<semaphore_mem>>
      %dma_start3A_83 = arith.constant 0 : i32
      %dma_start3A_84 = arith.constant 0 : i32
      %dma_start3A_85 = tpu.memref_slice %arg7[%run_scoped3A_73, %dma_start3A_83, %dma_start3A_84] : memref<2x128x32xf32, #tpu.memory_space<vmem>> -> memref<1x128x32xf32, #tpu.memory_space<vmem>>
      %dma_start3A_86 = tpu.memref_squeeze %dma_start3A_85 : memref<1x128x32xf32, #tpu.memory_space<vmem>> -> memref<128x32xf32, #tpu.memory_space<vmem>>
      %dma_start3A_87 = arith.constant 0 : i32
      %dma_start3A_88 = tpu.memref_slice %arg4[%add3A_72, %dma_start3A_87] : memref<8192x32xf32, #tpu.memory_space<hbm>> -> memref<128x32xf32, #tpu.memory_space<hbm>>
      %dma_start3A_89 = arith.constant 0 : i32
      %dma_start3A_90 = tpu.memref_slice %arg4[%add3A_72, %dma_start3A_89] : memref<8192x32xf32, #tpu.memory_space<hbm>> -> memref<128x32xf32, #tpu.memory_space<hbm>>
      %dma_start3A_91 = arith.constant 0 : i32
      %dma_start3A_92 = arith.constant 0 : i32
      %dma_start3A_93 = tpu.memref_slice %arg7[%run_scoped3A_73, %dma_start3A_91, %dma_start3A_92] : memref<2x128x32xf32, #tpu.memory_space<vmem>> -> memref<1x128x32xf32, #tpu.memory_space<vmem>>
      %dma_start3A_94 = tpu.memref_squeeze %dma_start3A_93 : memref<1x128x32xf32, #tpu.memory_space<vmem>> -> memref<128x32xf32, #tpu.memory_space<vmem>>
      tpu.enqueue_dma source(%dma_start3A_94 : memref<128x32xf32, #tpu.memory_space<vmem>>) target(%dma_start3A_90 : memref<128x32xf32, #tpu.memory_space<hbm>>) target_semaphore(%run_scoped3A_82 : memref<!tpu.dma_semaphore, #tpu.memory_space<semaphore_mem>>)
      %dma_wait3A_95 = arith.constant 0 : i32
      %dma_wait3A_96 = arith.constant 0 : i32
      %dma_wait3A_97 = tpu.memref_slice %arg7[%run_scoped3A_73, %dma_wait3A_95, %dma_wait3A_96] : memref<2x128x32xf32, #tpu.memory_space<vmem>> -> memref<1x128x32xf32, #tpu.memory_space<vmem>>
      %dma_wait3A_98 = tpu.memref_squeeze %dma_wait3A_97 : memref<1x128x32xf32, #tpu.memory_space<vmem>> -> memref<128x32xf32, #tpu.memory_space<vmem>>
      %dma_wait3A_99 = arith.constant 0 : i32
      %dma_wait3A_100 = tpu.memref_slice %arg4[%add3A_72, %dma_wait3A_99] : memref<8192x32xf32, #tpu.memory_space<hbm>> -> memref<128x32xf32, #tpu.memory_space<hbm>>
      %dma_wait3A_101 = arith.constant 0 : i32
      %dma_wait3A_102 = tpu.memref_slice %arg4[%add3A_72, %dma_wait3A_101] : memref<8192x32xf32, #tpu.memory_space<hbm>> -> memref<128x32xf32, #tpu.memory_space<hbm>>
      %dma_wait3A_103 = arith.constant 0 : i32
      %dma_wait3A_104 = arith.constant 0 : i32
      %dma_wait3A_105 = tpu.memref_slice %arg7[%run_scoped3A_73, %dma_wait3A_103, %dma_wait3A_104] : memref<2x128x32xf32, #tpu.memory_space<vmem>> -> memref<1x128x32xf32, #tpu.memory_space<vmem>>
      %dma_wait3A_106 = tpu.memref_squeeze %dma_wait3A_105 : memref<1x128x32xf32, #tpu.memory_space<vmem>> -> memref<128x32xf32, #tpu.memory_space<vmem>>
      tpu.wait_dma2 semaphore(%run_scoped3A_82 : memref<!tpu.dma_semaphore, #tpu.memory_space<semaphore_mem>>) src(%dma_wait3A_106 : memref<128x32xf32, #tpu.memory_space<vmem>>) dst(%dma_wait3A_102 : memref<128x32xf32, #tpu.memory_space<hbm>>)
      tpu.yield
    }) : () -> ()
    %add3A_74 = arith.constant 128 : i32
    %add3A_75 = arith.addi %mul3A_4, %add3A_74 : i32
    %run_scoped3A_76 = arith.constant 1 : i32
    "tpu.region"() ({
      %run_scoped3A_82 = tpu.sem_alloc : memref<!tpu.dma_semaphore, #tpu.memory_space<semaphore_mem>>
      %dma_start3A_83 = arith.constant 0 : i32
      %dma_start3A_84 = arith.constant 0 : i32
      %dma_start3A_85 = tpu.memref_slice %arg7[%run_scoped3A_76, %dma_start3A_83, %dma_start3A_84] : memref<2x128x32xf32, #tpu.memory_space<vmem>> -> memref<1x128x32xf32, #tpu.memory_space<vmem>>
      %dma_start3A_86 = tpu.memref_squeeze %dma_start3A_85 : memref<1x128x32xf32, #tpu.memory_space<vmem>> -> memref<128x32xf32, #tpu.memory_space<vmem>>
      %dma_start3A_87 = arith.constant 0 : i32
      %dma_start3A_88 = tpu.memref_slice %arg4[%add3A_75, %dma_start3A_87] : memref<8192x32xf32, #tpu.memory_space<hbm>> -> memref<128x32xf32, #tpu.memory_space<hbm>>
      %dma_start3A_89 = arith.constant 0 : i32
      %dma_start3A_90 = tpu.memref_slice %arg4[%add3A_75, %dma_start3A_89] : memref<8192x32xf32, #tpu.memory_space<hbm>> -> memref<128x32xf32, #tpu.memory_space<hbm>>
      %dma_start3A_91 = arith.constant 0 : i32
      %dma_start3A_92 = arith.constant 0 : i32
      %dma_start3A_93 = tpu.memref_slice %arg7[%run_scoped3A_76, %dma_start3A_91, %dma_start3A_92] : memref<2x128x32xf32, #tpu.memory_space<vmem>> -> memref<1x128x32xf32, #tpu.memory_space<vmem>>
      %dma_start3A_94 = tpu.memref_squeeze %dma_start3A_93 : memref<1x128x32xf32, #tpu.memory_space<vmem>> -> memref<128x32xf32, #tpu.memory_space<vmem>>
      tpu.enqueue_dma source(%dma_start3A_94 : memref<128x32xf32, #tpu.memory_space<vmem>>) target(%dma_start3A_90 : memref<128x32xf32, #tpu.memory_space<hbm>>) target_semaphore(%run_scoped3A_82 : memref<!tpu.dma_semaphore, #tpu.memory_space<semaphore_mem>>)
      %dma_wait3A_95 = arith.constant 0 : i32
      %dma_wait3A_96 = arith.constant 0 : i32
      %dma_wait3A_97 = tpu.memref_slice %arg7[%run_scoped3A_76, %dma_wait3A_95, %dma_wait3A_96] : memref<2x128x32xf32, #tpu.memory_space<vmem>> -> memref<1x128x32xf32, #tpu.memory_space<vmem>>
      %dma_wait3A_98 = tpu.memref_squeeze %dma_wait3A_97 : memref<1x128x32xf32, #tpu.memory_space<vmem>> -> memref<128x32xf32, #tpu.memory_space<vmem>>
      %dma_wait3A_99 = arith.constant 0 : i32
      %dma_wait3A_100 = tpu.memref_slice %arg4[%add3A_75, %dma_wait3A_99] : memref<8192x32xf32, #tpu.memory_space<hbm>> -> memref<128x32xf32, #tpu.memory_space<hbm>>
      %dma_wait3A_101 = arith.constant 0 : i32
      %dma_wait3A_102 = tpu.memref_slice %arg4[%add3A_75, %dma_wait3A_101] : memref<8192x32xf32, #tpu.memory_space<hbm>> -> memref<128x32xf32, #tpu.memory_space<hbm>>
      %dma_wait3A_103 = arith.constant 0 : i32
      %dma_wait3A_104 = arith.constant 0 : i32
      %dma_wait3A_105 = tpu.memref_slice %arg7[%run_scoped3A_76, %dma_wait3A_103, %dma_wait3A_104] : memref<2x128x32xf32, #tpu.memory_space<vmem>> -> memref<1x128x32xf32, #tpu.memory_space<vmem>>
      %dma_wait3A_106 = tpu.memref_squeeze %dma_wait3A_105 : memref<1x128x32xf32, #tpu.memory_space<vmem>> -> memref<128x32xf32, #tpu.memory_space<vmem>>
      tpu.wait_dma2 semaphore(%run_scoped3A_82 : memref<!tpu.dma_semaphore, #tpu.memory_space<semaphore_mem>>) src(%dma_wait3A_106 : memref<128x32xf32, #tpu.memory_space<vmem>>) dst(%dma_wait3A_102 : memref<128x32xf32, #tpu.memory_space<hbm>>)
      tpu.yield
    }) : () -> ()
    %barrier3A = arith.constant 0 : index
    tpu.barrier barrier_id(%barrier3A)
    %run_scoped3A_77 = arith.constant 0 : i32
    "tpu.region"() ({
      %run_scoped3A_82 = tpu.sem_alloc : memref<!tpu.dma_semaphore, #tpu.memory_space<semaphore_mem>>
      %dma_start3A_83 = arith.constant 0 : i32
      %dma_start3A_84 = tpu.memref_slice %arg8[%dma_start3A_83] : memref<256xf32, #tpu.memory_space<vmem>> -> memref<128xf32, #tpu.memory_space<vmem>>
      %dma_start3A_85 = arith.constant 0 : i32
      %dma_start3A_86 = tpu.memref_slice %arg6[%run_scoped3A_77, %dma_start3A_85] : memref<2x128xi32, #tpu.memory_space<vmem>> -> memref<1x128xi32, #tpu.memory_space<vmem>>
      %dma_start3A_87 = tpu.memref_squeeze %dma_start3A_86 : memref<1x128xi32, #tpu.memory_space<vmem>> -> memref<128xi32, #tpu.memory_space<vmem>>
      %dma_start3A_88 = arith.constant 0 : i32
      %dma_start3A_89 = tpu.memref_slice %arg10[%dma_start3A_88] : memref<8192xf32, #tpu.memory_space<vmem_shared>> -> memref<8192xf32, #tpu.memory_space<vmem_shared>>
      tpu.enqueue_indirect_dma source(%dma_start3A_84 : memref<128xf32, #tpu.memory_space<vmem>>) target(%dma_start3A_89 : memref<8192xf32, #tpu.memory_space<vmem_shared>>) offsets(%dma_start3A_87 : memref<128xi32, #tpu.memory_space<vmem>>) semaphore(%run_scoped3A_82 : memref<!tpu.dma_semaphore, #tpu.memory_space<semaphore_mem>>) {add = true}
      %dma_wait3A_90 = arith.constant 0 : i32
      %dma_wait3A_91 = tpu.memref_slice %arg8[%dma_wait3A_90] : memref<256xf32, #tpu.memory_space<vmem>> -> memref<128xf32, #tpu.memory_space<vmem>>
      %dma_wait3A_92 = arith.constant 0 : i32
      %dma_wait3A_93 = tpu.memref_slice %arg6[%run_scoped3A_77, %dma_wait3A_92] : memref<2x128xi32, #tpu.memory_space<vmem>> -> memref<1x128xi32, #tpu.memory_space<vmem>>
      %dma_wait3A_94 = tpu.memref_squeeze %dma_wait3A_93 : memref<1x128xi32, #tpu.memory_space<vmem>> -> memref<128xi32, #tpu.memory_space<vmem>>
      %dma_wait3A_95 = arith.constant 0 : i32
      %dma_wait3A_96 = tpu.memref_slice %arg10[%dma_wait3A_95] : memref<8192xf32, #tpu.memory_space<vmem_shared>> -> memref<8192xf32, #tpu.memory_space<vmem_shared>>
      tpu.wait_indirect_dma semaphore(%run_scoped3A_82 : memref<!tpu.dma_semaphore, #tpu.memory_space<semaphore_mem>>) src(%dma_wait3A_91 : memref<128xf32, #tpu.memory_space<vmem>>) dst(%dma_wait3A_96 : memref<8192xf32, #tpu.memory_space<vmem_shared>>)
      tpu.yield
    }) : () -> ()
    %run_scoped3A_78 = arith.constant 1 : i32
    "tpu.region"() ({
      %run_scoped3A_82 = tpu.sem_alloc : memref<!tpu.dma_semaphore, #tpu.memory_space<semaphore_mem>>
      %dma_start3A_83 = arith.constant 128 : i32
      %dma_start3A_84 = tpu.memref_slice %arg8[%dma_start3A_83] : memref<256xf32, #tpu.memory_space<vmem>> -> memref<128xf32, #tpu.memory_space<vmem>>
      %dma_start3A_85 = arith.constant 0 : i32
      %dma_start3A_86 = tpu.memref_slice %arg6[%run_scoped3A_78, %dma_start3A_85] : memref<2x128xi32, #tpu.memory_space<vmem>> -> memref<1x128xi32, #tpu.memory_space<vmem>>
      %dma_start3A_87 = tpu.memref_squeeze %dma_start3A_86 : memref<1x128xi32, #tpu.memory_space<vmem>> -> memref<128xi32, #tpu.memory_space<vmem>>
      %dma_start3A_88 = arith.constant 0 : i32
      %dma_start3A_89 = tpu.memref_slice %arg10[%dma_start3A_88] : memref<8192xf32, #tpu.memory_space<vmem_shared>> -> memref<8192xf32, #tpu.memory_space<vmem_shared>>
      tpu.enqueue_indirect_dma source(%dma_start3A_84 : memref<128xf32, #tpu.memory_space<vmem>>) target(%dma_start3A_89 : memref<8192xf32, #tpu.memory_space<vmem_shared>>) offsets(%dma_start3A_87 : memref<128xi32, #tpu.memory_space<vmem>>) semaphore(%run_scoped3A_82 : memref<!tpu.dma_semaphore, #tpu.memory_space<semaphore_mem>>) {add = true}
      %dma_wait3A_90 = arith.constant 128 : i32
      %dma_wait3A_91 = tpu.memref_slice %arg8[%dma_wait3A_90] : memref<256xf32, #tpu.memory_space<vmem>> -> memref<128xf32, #tpu.memory_space<vmem>>
      %dma_wait3A_92 = arith.constant 0 : i32
      %dma_wait3A_93 = tpu.memref_slice %arg6[%run_scoped3A_78, %dma_wait3A_92] : memref<2x128xi32, #tpu.memory_space<vmem>> -> memref<1x128xi32, #tpu.memory_space<vmem>>
      %dma_wait3A_94 = tpu.memref_squeeze %dma_wait3A_93 : memref<1x128xi32, #tpu.memory_space<vmem>> -> memref<128xi32, #tpu.memory_space<vmem>>
      %dma_wait3A_95 = arith.constant 0 : i32
      %dma_wait3A_96 = tpu.memref_slice %arg10[%dma_wait3A_95] : memref<8192xf32, #tpu.memory_space<vmem_shared>> -> memref<8192xf32, #tpu.memory_space<vmem_shared>>
      tpu.wait_indirect_dma semaphore(%run_scoped3A_82 : memref<!tpu.dma_semaphore, #tpu.memory_space<semaphore_mem>>) src(%dma_wait3A_91 : memref<128xf32, #tpu.memory_space<vmem>>) dst(%dma_wait3A_96 : memref<8192xf32, #tpu.memory_space<vmem_shared>>)
      tpu.yield
    }) : () -> ()
    %barrier3A_79 = arith.constant 0 : index
    tpu.barrier barrier_id(%barrier3A_79)
    %eq3A = arith.constant 0 : i32
    %eq3A_80 = arith.cmpi eq, %arg1, %eq3A : i32
    %convert_element_type3A = arith.extui %eq3A_80 : i1 to i32
    %cond3A = arith.constant 0 : i32
    %cond3A_81 = arith.cmpi ne, %convert_element_type3A, %cond3A : i32
    scf.if %cond3A_81 {
      "tpu.region"() ({
        %run_scoped3A_82 = tpu.sem_alloc : memref<!tpu.dma_semaphore, #tpu.memory_space<semaphore_mem>>
        %dma_start3A_83 = arith.constant 0 : i32
        %dma_start3A_84 = tpu.memref_slice %arg5[%arg0, %dma_start3A_83] : memref<2x8192xf32, #tpu.memory_space<hbm>> -> memref<1x8192xf32, #tpu.memory_space<hbm>>
        %dma_start3A_85 = tpu.memref_squeeze %dma_start3A_84 : memref<1x8192xf32, #tpu.memory_space<hbm>> -> memref<8192xf32, #tpu.memory_space<hbm>>
        tpu.enqueue_dma source(%arg10 : memref<8192xf32, #tpu.memory_space<vmem_shared>>) target(%dma_start3A_85 : memref<8192xf32, #tpu.memory_space<hbm>>) target_semaphore(%run_scoped3A_82 : memref<!tpu.dma_semaphore, #tpu.memory_space<semaphore_mem>>)
        %dma_wait3A_86 = arith.constant 0 : i32
        %dma_wait3A_87 = tpu.memref_slice %arg5[%arg0, %dma_wait3A_86] : memref<2x8192xf32, #tpu.memory_space<hbm>> -> memref<1x8192xf32, #tpu.memory_space<hbm>>
        %dma_wait3A_88 = tpu.memref_squeeze %dma_wait3A_87 : memref<1x8192xf32, #tpu.memory_space<hbm>> -> memref<8192xf32, #tpu.memory_space<hbm>>
        tpu.wait_dma2 semaphore(%run_scoped3A_82 : memref<!tpu.dma_semaphore, #tpu.memory_space<semaphore_mem>>) src(%arg10 : memref<8192xf32, #tpu.memory_space<vmem_shared>>) dst(%dma_wait3A_88 : memref<8192xf32, #tpu.memory_space<hbm>>)
        tpu.yield
      }) : () -> ()
    } else {
    }
    return
  }
}

module attributes {stable_mosaic.version = 14 : i64} {
  func.func @_argmax_body(%arg0: i32, %arg1: memref<1x1024x32xf32, #tpu.memory_space<vmem>>, %arg2: memref<8192x32xf32, #tpu.memory_space<vmem>>, %arg3: memref<1024xi32, #tpu.memory_space<vmem>>, %arg4: memref<8192x32xf32, #tpu.memory_space<vmem>>) attributes {dimension_semantics = [#tpu.dimension_semantics<arbitrary>], iteration_bounds = array<i64: 8>, scalar_prefetch = 0 : i64, scratch_operands = 1 : i64, tpu.core_type = #tpu.core_type<tc>, window_params = [{transform_indices = @transform_0, window_bounds = array<i64: 1, 1024, 32>}, {pipeline_mode = #tpu.pipeline_mode<synchronous>, transform_indices = @transform_1, window_bounds = array<i64: 8192, 32>}, {transform_indices = @transform_2, window_bounds = array<i64: 1024>}]} {
    %eq3A = arith.constant 0 : i32
    %eq3A_0 = arith.cmpi eq, %arg0, %eq3A : i32
    %convert_element_type3A = arith.extui %eq3A_0 : i1 to i32
    %cond3A = arith.constant 0 : i32
    %cond3A_1 = arith.cmpi ne, %convert_element_type3A, %cond3A : i32
    scf.if %cond3A_1 {
      %get3A_2751 = arith.constant 0 : index
      %get3A_2752 = arith.constant 0 : index
      %get3A_2753 = vector.load %arg2[%get3A_2751, %get3A_2752] : memref<8192x32xf32, #tpu.memory_space<vmem>>, vector<8192x32xf32>
      %mul3A_2754 = arith.mulf %get3A_2753, %get3A_2753 : vector<8192x32xf32>
      %reduce_sum3A_2755 = arith.constant dense<0.000000e+00> : vector<8192xf32>
      %reduce_sum3A_2756 = vector.multi_reduction <add>, %mul3A_2754, %reduce_sum3A_2755 [1] : vector<8192x32xf32> to vector<8192xf32>
      %broadcast_in_dim3A_2757 = vector.shape_cast %reduce_sum3A_2756 : vector<8192xf32> to vector<8192x1xf32>
      %sqrt3A_2758 = math.sqrt %broadcast_in_dim3A_2757 : vector<8192x1xf32>
      %max3A_2759 = arith.constant 9.99999996E-13 : f32
      %max3A_2760 = vector.broadcast %max3A_2759 : f32 to vector<8192x1xf32>
      %max3A_2761 = arith.maximumf %sqrt3A_2758, %max3A_2760 : vector<8192x1xf32>
      %div3A_2762 = vector.broadcast %max3A_2761 : vector<8192x1xf32> to vector<8192x32xf32>
      %div3A_2763 = arith.divf %get3A_2753, %div3A_2762 : vector<8192x32xf32>
      %swap3A_2764 = arith.constant 0 : index
      %swap3A_2765 = arith.constant 0 : index
      %swap3A_2766 = vector.load %arg4[%swap3A_2764, %swap3A_2765] : memref<8192x32xf32, #tpu.memory_space<vmem>>, vector<8192x32xf32>
      tpu.vector_store %arg4[%swap3A_2764, %swap3A_2765], %div3A_2763 {strides = array<i32>} : memref<8192x32xf32, #tpu.memory_space<vmem>>, vector<8192x32xf32>,
    } else {
    }
    %get3A = arith.constant 0 : index
    %get3A_2 = arith.constant 0 : index
    %get3A_3 = arith.constant 0 : index
    %get3A_4 = vector.load %arg1[%get3A, %get3A_2, %get3A_3] : memref<1x1024x32xf32, #tpu.memory_space<vmem>>, vector<1x1024x32xf32>
    %reshape3A = vector.shape_cast %get3A_4 : vector<1x1024x32xf32> to vector<1024x32xf32>
    %mul3A = arith.mulf %reshape3A, %reshape3A : vector<1024x32xf32>
    %reduce_sum3A = arith.constant dense<0.000000e+00> : vector<1024xf32>
    %reduce_sum3A_5 = vector.multi_reduction <add>, %mul3A, %reduce_sum3A [1] : vector<1024x32xf32> to vector<1024xf32>
    %broadcast_in_dim3A = vector.shape_cast %reduce_sum3A_5 : vector<1024xf32> to vector<1024x1xf32>
    %sqrt3A = math.sqrt %broadcast_in_dim3A : vector<1024x1xf32>
    %max3A = arith.constant 9.99999996E-13 : f32
    %max3A_6 = vector.broadcast %max3A : f32 to vector<1024x1xf32>
    %max3A_7 = arith.maximumf %sqrt3A, %max3A_6 : vector<1024x1xf32>
    %div3A = vector.broadcast %max3A_7 : vector<1024x1xf32> to vector<1024x32xf32>
    %div3A_8 = arith.divf %reshape3A, %div3A : vector<1024x32xf32>
    %get3A_9 = arith.constant 0 : index
    %get3A_10 = arith.constant 0 : index
    %get3A_11 = vector.load %arg4[%get3A_9, %get3A_10] : memref<8192x32xf32, #tpu.memory_space<vmem>>, vector<256x32xf32>
    %dot_general3A = arith.constant dense<0.000000e+00> : vector<256x1024xf32>
    %dot_general3A_12 = tpu.matmul %get3A_11, %div3A_8, %dot_general3A {dimension_numbers = #tpu.dot_dimension_numbers<[1], [1], [0], [0], [0, 0, 1, 0], [], []>, transpose_lhs_hint = false} : vector<256x32xf32>, vector<1024x32xf32>, vector<256x1024xf32> -> vector<256x1024xf32>
    %iota3A = tpu.iota {dimensions = array<i32: 0>} : vector<256x1024xi32>
    %add3A = arith.constant 0 : i32
    %add3A_13 = vector.broadcast %add3A : i32 to vector<256x1024xi32>
    %add3A_14 = arith.addi %iota3A, %add3A_13 : vector<256x1024xi32>
    %slice3A = vector.extract_strided_slice %dot_general3A_12 {offsets = [128, 0], sizes = [128, 1024], strides = [1, 1]} : vector<256x1024xf32> to vector<128x1024xf32>
    %slice3A_15 = vector.extract_strided_slice %dot_general3A_12 {offsets = [0, 0], sizes = [128, 1024], strides = [1, 1]} : vector<256x1024xf32> to vector<128x1024xf32>
    %gt3A = arith.cmpf ogt, %slice3A, %slice3A_15 : vector<128x1024xf32>
    %slice3A_16 = vector.extract_strided_slice %dot_general3A_12 {offsets = [128, 0], sizes = [128, 1024], strides = [1, 1]} : vector<256x1024xf32> to vector<128x1024xf32>
    %slice3A_17 = vector.extract_strided_slice %dot_general3A_12 {offsets = [0, 0], sizes = [128, 1024], strides = [1, 1]} : vector<256x1024xf32> to vector<128x1024xf32>
    %select_n3A = arith.select %gt3A, %slice3A_16, %slice3A_17 : vector<128x1024xi1>, vector<128x1024xf32>
    %slice3A_18 = vector.extract_strided_slice %add3A_14 {offsets = [128, 0], sizes = [128, 1024], strides = [1, 1]} : vector<256x1024xi32> to vector<128x1024xi32>
    %slice3A_19 = vector.extract_strided_slice %add3A_14 {offsets = [0, 0], sizes = [128, 1024], strides = [1, 1]} : vector<256x1024xi32> to vector<128x1024xi32>
    %select_n3A_20 = arith.select %gt3A, %slice3A_18, %slice3A_19 : vector<128x1024xi1>, vector<128x1024xi32>
    %slice3A_21 = vector.extract_strided_slice %select_n3A {offsets = [64, 0], sizes = [64, 1024], strides = [1, 1]} : vector<128x1024xf32> to vector<64x1024xf32>
    %slice3A_22 = vector.extract_strided_slice %select_n3A {offsets = [0, 0], sizes = [64, 1024], strides = [1, 1]} : vector<128x1024xf32> to vector<64x1024xf32>
    %gt3A_23 = arith.cmpf ogt, %slice3A_21, %slice3A_22 : vector<64x1024xf32>
    %slice3A_24 = vector.extract_strided_slice %select_n3A {offsets = [64, 0], sizes = [64, 1024], strides = [1, 1]} : vector<128x1024xf32> to vector<64x1024xf32>
    %slice3A_25 = vector.extract_strided_slice %select_n3A {offsets = [0, 0], sizes = [64, 1024], strides = [1, 1]} : vector<128x1024xf32> to vector<64x1024xf32>
    %select_n3A_26 = arith.select %gt3A_23, %slice3A_24, %slice3A_25 : vector<64x1024xi1>, vector<64x1024xf32>
    %slice3A_27 = vector.extract_strided_slice %select_n3A_20 {offsets = [64, 0], sizes = [64, 1024], strides = [1, 1]} : vector<128x1024xi32> to vector<64x1024xi32>
    %slice3A_28 = vector.extract_strided_slice %select_n3A_20 {offsets = [0, 0], sizes = [64, 1024], strides = [1, 1]} : vector<128x1024xi32> to vector<64x1024xi32>
    %select_n3A_29 = arith.select %gt3A_23, %slice3A_27, %slice3A_28 : vector<64x1024xi1>, vector<64x1024xi32>
    %slice3A_30 = vector.extract_strided_slice %select_n3A_26 {offsets = [32, 0], sizes = [32, 1024], strides = [1, 1]} : vector<64x1024xf32> to vector<32x1024xf32>
    %slice3A_31 = vector.extract_strided_slice %select_n3A_26 {offsets = [0, 0], sizes = [32, 1024], strides = [1, 1]} : vector<64x1024xf32> to vector<32x1024xf32>
    %gt3A_32 = arith.cmpf ogt, %slice3A_30, %slice3A_31 : vector<32x1024xf32>
    %slice3A_33 = vector.extract_strided_slice %select_n3A_26 {offsets = [32, 0], sizes = [32, 1024], strides = [1, 1]} : vector<64x1024xf32> to vector<32x1024xf32>
    %slice3A_34 = vector.extract_strided_slice %select_n3A_26 {offsets = [0, 0], sizes = [32, 1024], strides = [1, 1]} : vector<64x1024xf32> to vector<32x1024xf32>
    %select_n3A_35 = arith.select %gt3A_32, %slice3A_33, %slice3A_34 : vector<32x1024xi1>, vector<32x1024xf32>
    %slice3A_36 = vector.extract_strided_slice %select_n3A_29 {offsets = [32, 0], sizes = [32, 1024], strides = [1, 1]} : vector<64x1024xi32> to vector<32x1024xi32>
    %slice3A_37 = vector.extract_strided_slice %select_n3A_29 {offsets = [0, 0], sizes = [32, 1024], strides = [1, 1]} : vector<64x1024xi32> to vector<32x1024xi32>
    %select_n3A_38 = arith.select %gt3A_32, %slice3A_36, %slice3A_37 : vector<32x1024xi1>, vector<32x1024xi32>
    %slice3A_39 = vector.extract_strided_slice %select_n3A_35 {offsets = [16, 0], sizes = [16, 1024], strides = [1, 1]} : vector<32x1024xf32> to vector<16x1024xf32>
    %slice3A_40 = vector.extract_strided_slice %select_n3A_35 {offsets = [0, 0], sizes = [16, 1024], strides = [1, 1]} : vector<32x1024xf32> to vector<16x1024xf32>
    %gt3A_41 = arith.cmpf ogt, %slice3A_39, %slice3A_40 : vector<16x1024xf32>
    %slice3A_42 = vector.extract_strided_slice %select_n3A_35 {offsets = [16, 0], sizes = [16, 1024], strides = [1, 1]} : vector<32x1024xf32> to vector<16x1024xf32>
    %slice3A_43 = vector.extract_strided_slice %select_n3A_35 {offsets = [0, 0], sizes = [16, 1024], strides = [1, 1]} : vector<32x1024xf32> to vector<16x1024xf32>
    %select_n3A_44 = arith.select %gt3A_41, %slice3A_42, %slice3A_43 : vector<16x1024xi1>, vector<16x1024xf32>
    %slice3A_45 = vector.extract_strided_slice %select_n3A_38 {offsets = [16, 0], sizes = [16, 1024], strides = [1, 1]} : vector<32x1024xi32> to vector<16x1024xi32>
    %slice3A_46 = vector.extract_strided_slice %select_n3A_38 {offsets = [0, 0], sizes = [16, 1024], strides = [1, 1]} : vector<32x1024xi32> to vector<16x1024xi32>
    %select_n3A_47 = arith.select %gt3A_41, %slice3A_45, %slice3A_46 : vector<16x1024xi1>, vector<16x1024xi32>
    %slice3A_48 = vector.extract_strided_slice %select_n3A_44 {offsets = [8, 0], sizes = [8, 1024], strides = [1, 1]} : vector<16x1024xf32> to vector<8x1024xf32>
    %slice3A_49 = vector.extract_strided_slice %select_n3A_44 {offsets = [0, 0], sizes = [8, 1024], strides = [1, 1]} : vector<16x1024xf32> to vector<8x1024xf32>
    %gt3A_50 = arith.cmpf ogt, %slice3A_48, %slice3A_49 : vector<8x1024xf32>
    %slice3A_51 = vector.extract_strided_slice %select_n3A_44 {offsets = [8, 0], sizes = [8, 1024], strides = [1, 1]} : vector<16x1024xf32> to vector<8x1024xf32>
    %slice3A_52 = vector.extract_strided_slice %select_n3A_44 {offsets = [0, 0], sizes = [8, 1024], strides = [1, 1]} : vector<16x1024xf32> to vector<8x1024xf32>
    %select_n3A_53 = arith.select %gt3A_50, %slice3A_51, %slice3A_52 : vector<8x1024xi1>, vector<8x1024xf32>
    %slice3A_54 = vector.extract_strided_slice %select_n3A_47 {offsets = [8, 0], sizes = [8, 1024], strides = [1, 1]} : vector<16x1024xi32> to vector<8x1024xi32>
    %slice3A_55 = vector.extract_strided_slice %select_n3A_47 {offsets = [0, 0], sizes = [8, 1024], strides = [1, 1]} : vector<16x1024xi32> to vector<8x1024xi32>
    %select_n3A_56 = arith.select %gt3A_50, %slice3A_54, %slice3A_55 : vector<8x1024xi1>, vector<8x1024xi32>
    %slice3A_57 = vector.extract_strided_slice %select_n3A_53 {offsets = [4, 0], sizes = [4, 1024], strides = [1, 1]} : vector<8x1024xf32> to vector<4x1024xf32>
    %slice3A_58 = vector.extract_strided_slice %select_n3A_53 {offsets = [0, 0], sizes = [4, 1024], strides = [1, 1]} : vector<8x1024xf32> to vector<4x1024xf32>
    %gt3A_59 = arith.cmpf ogt, %slice3A_57, %slice3A_58 : vector<4x1024xf32>
    %slice3A_60 = vector.extract_strided_slice %select_n3A_53 {offsets = [4, 0], sizes = [4, 1024], strides = [1, 1]} : vector<8x1024xf32> to vector<4x1024xf32>
    %slice3A_61 = vector.extract_strided_slice %select_n3A_53 {offsets = [0, 0], sizes = [4, 1024], strides = [1, 1]} : vector<8x1024xf32> to vector<4x1024xf32>
    %select_n3A_62 = arith.select %gt3A_59, %slice3A_60, %slice3A_61 : vector<4x1024xi1>, vector<4x1024xf32>
    %slice3A_63 = vector.extract_strided_slice %select_n3A_56 {offsets = [4, 0], sizes = [4, 1024], strides = [1, 1]} : vector<8x1024xi32> to vector<4x1024xi32>
    %slice3A_64 = vector.extract_strided_slice %select_n3A_56 {offsets = [0, 0], sizes = [4, 1024], strides = [1, 1]} : vector<8x1024xi32> to vector<4x1024xi32>
    %select_n3A_65 = arith.select %gt3A_59, %slice3A_63, %slice3A_64 : vector<4x1024xi1>, vector<4x1024xi32>
    %slice3A_66 = vector.extract_strided_slice %select_n3A_62 {offsets = [2, 0], sizes = [2, 1024], strides = [1, 1]} : vector<4x1024xf32> to vector<2x1024xf32>
    %slice3A_67 = vector.extract_strided_slice %select_n3A_62 {offsets = [0, 0], sizes = [2, 1024], strides = [1, 1]} : vector<4x1024xf32> to vector<2x1024xf32>
    %gt3A_68 = arith.cmpf ogt, %slice3A_66, %slice3A_67 : vector<2x1024xf32>
    %slice3A_69 = vector.extract_strided_slice %select_n3A_62 {offsets = [2, 0], sizes = [2, 1024], strides = [1, 1]} : vector<4x1024xf32> to vector<2x1024xf32>
    %slice3A_70 = vector.extract_strided_slice %select_n3A_62 {offsets = [0, 0], sizes = [2, 1024], strides = [1, 1]} : vector<4x1024xf32> to vector<2x1024xf32>
    %select_n3A_71 = arith.select %gt3A_68, %slice3A_69, %slice3A_70 : vector<2x1024xi1>, vector<2x1024xf32>
    %slice3A_72 = vector.extract_strided_slice %select_n3A_65 {offsets = [2, 0], sizes = [2, 1024], strides = [1, 1]} : vector<4x1024xi32> to vector<2x1024xi32>
    %slice3A_73 = vector.extract_strided_slice %select_n3A_65 {offsets = [0, 0], sizes = [2, 1024], strides = [1, 1]} : vector<4x1024xi32> to vector<2x1024xi32>
    %select_n3A_74 = arith.select %gt3A_68, %slice3A_72, %slice3A_73 : vector<2x1024xi1>, vector<2x1024xi32>
    %slice3A_75 = vector.extract_strided_slice %select_n3A_71 {offsets = [1, 0], sizes = [1, 1024], strides = [1, 1]} : vector<2x1024xf32> to vector<1x1024xf32>
    %slice3A_76 = vector.extract_strided_slice %select_n3A_71 {offsets = [0, 0], sizes = [1, 1024], strides = [1, 1]} : vector<2x1024xf32> to vector<1x1024xf32>
    %gt3A_77 = arith.cmpf ogt, %slice3A_75, %slice3A_76 : vector<1x1024xf32>
    %slice3A_78 = vector.extract_strided_slice %select_n3A_71 {offsets = [1, 0], sizes = [1, 1024], strides = [1, 1]} : vector<2x1024xf32> to vector<1x1024xf32>
    %slice3A_79 = vector.extract_strided_slice %select_n3A_71 {offsets = [0, 0], sizes = [1, 1024], strides = [1, 1]} : vector<2x1024xf32> to vector<1x1024xf32>
    %select_n3A_80 = arith.select %gt3A_77, %slice3A_78, %slice3A_79 : vector<1x1024xi1>, vector<1x1024xf32>
    %slice3A_81 = vector.extract_strided_slice %select_n3A_74 {offsets = [1, 0], sizes = [1, 1024], strides = [1, 1]} : vector<2x1024xi32> to vector<1x1024xi32>
    %slice3A_82 = vector.extract_strided_slice %select_n3A_74 {offsets = [0, 0], sizes = [1, 1024], strides = [1, 1]} : vector<2x1024xi32> to vector<1x1024xi32>
    %select_n3A_83 = arith.select %gt3A_77, %slice3A_81, %slice3A_82 : vector<1x1024xi1>, vector<1x1024xi32>
    %squeeze3A = vector.shape_cast %select_n3A_80 : vector<1x1024xf32> to vector<1024xf32>
    %squeeze3A_84 = vector.shape_cast %select_n3A_83 : vector<1x1024xi32> to vector<1024xi32>
    %get3A_85 = arith.constant 256 : index
    %get3A_86 = arith.constant 0 : index
    %get3A_87 = vector.load %arg4[%get3A_85, %get3A_86] : memref<8192x32xf32, #tpu.memory_space<vmem>>, vector<256x32xf32>
    %dot_general3A_88 = arith.constant dense<0.000000e+00> : vector<256x1024xf32>
    %dot_general3A_89 = tpu.matmul %get3A_87, %div3A_8, %dot_general3A_88 {dimension_numbers = #tpu.dot_dimension_numbers<[1], [1], [0], [0], [0, 0, 1, 0], [], []>, transpose_lhs_hint = false} : vector<256x32xf32>, vector<1024x32xf32>, vector<256x1024xf32> -> vector<256x1024xf32>
    %iota3A_90 = tpu.iota {dimensions = array<i32: 0>} : vector<256x1024xi32>
    %add3A_91 = arith.constant 256 : i32
    %add3A_92 = vector.broadcast %add3A_91 : i32 to vector<256x1024xi32>
    %add3A_93 = arith.addi %iota3A_90, %add3A_92 : vector<256x1024xi32>
    %slice3A_94 = vector.extract_strided_slice %dot_general3A_89 {offsets = [128, 0], sizes = [128, 1024], strides = [1, 1]} : vector<256x1024xf32> to vector<128x1024xf32>
    %slice3A_95 = vector.extract_strided_slice %dot_general3A_89 {offsets = [0, 0], sizes = [128, 1024], strides = [1, 1]} : vector<256x1024xf32> to vector<128x1024xf32>
    %gt3A_96 = arith.cmpf ogt, %slice3A_94, %slice3A_95 : vector<128x1024xf32>
    %slice3A_97 = vector.extract_strided_slice %dot_general3A_89 {offsets = [128, 0], sizes = [128, 1024], strides = [1, 1]} : vector<256x1024xf32> to vector<128x1024xf32>
    %slice3A_98 = vector.extract_strided_slice %dot_general3A_89 {offsets = [0, 0], sizes = [128, 1024], strides = [1, 1]} : vector<256x1024xf32> to vector<128x1024xf32>
    %select_n3A_99 = arith.select %gt3A_96, %slice3A_97, %slice3A_98 : vector<128x1024xi1>, vector<128x1024xf32>
    %slice3A_100 = vector.extract_strided_slice %add3A_93 {offsets = [128, 0], sizes = [128, 1024], strides = [1, 1]} : vector<256x1024xi32> to vector<128x1024xi32>
    %slice3A_101 = vector.extract_strided_slice %add3A_93 {offsets = [0, 0], sizes = [128, 1024], strides = [1, 1]} : vector<256x1024xi32> to vector<128x1024xi32>
    %select_n3A_102 = arith.select %gt3A_96, %slice3A_100, %slice3A_101 : vector<128x1024xi1>, vector<128x1024xi32>
    %slice3A_103 = vector.extract_strided_slice %select_n3A_99 {offsets = [64, 0], sizes = [64, 1024], strides = [1, 1]} : vector<128x1024xf32> to vector<64x1024xf32>
    %slice3A_104 = vector.extract_strided_slice %select_n3A_99 {offsets = [0, 0], sizes = [64, 1024], strides = [1, 1]} : vector<128x1024xf32> to vector<64x1024xf32>
    %gt3A_105 = arith.cmpf ogt, %slice3A_103, %slice3A_104 : vector<64x1024xf32>
    %slice3A_106 = vector.extract_strided_slice %select_n3A_99 {offsets = [64, 0], sizes = [64, 1024], strides = [1, 1]} : vector<128x1024xf32> to vector<64x1024xf32>
    %slice3A_107 = vector.extract_strided_slice %select_n3A_99 {offsets = [0, 0], sizes = [64, 1024], strides = [1, 1]} : vector<128x1024xf32> to vector<64x1024xf32>
    %select_n3A_108 = arith.select %gt3A_105, %slice3A_106, %slice3A_107 : vector<64x1024xi1>, vector<64x1024xf32>
    %slice3A_109 = vector.extract_strided_slice %select_n3A_102 {offsets = [64, 0], sizes = [64, 1024], strides = [1, 1]} : vector<128x1024xi32> to vector<64x1024xi32>
    %slice3A_110 = vector.extract_strided_slice %select_n3A_102 {offsets = [0, 0], sizes = [64, 1024], strides = [1, 1]} : vector<128x1024xi32> to vector<64x1024xi32>
    %select_n3A_111 = arith.select %gt3A_105, %slice3A_109, %slice3A_110 : vector<64x1024xi1>, vector<64x1024xi32>
    %slice3A_112 = vector.extract_strided_slice %select_n3A_108 {offsets = [32, 0], sizes = [32, 1024], strides = [1, 1]} : vector<64x1024xf32> to vector<32x1024xf32>
    %slice3A_113 = vector.extract_strided_slice %select_n3A_108 {offsets = [0, 0], sizes = [32, 1024], strides = [1, 1]} : vector<64x1024xf32> to vector<32x1024xf32>
    %gt3A_114 = arith.cmpf ogt, %slice3A_112, %slice3A_113 : vector<32x1024xf32>
    %slice3A_115 = vector.extract_strided_slice %select_n3A_108 {offsets = [32, 0], sizes = [32, 1024], strides = [1, 1]} : vector<64x1024xf32> to vector<32x1024xf32>
    %slice3A_116 = vector.extract_strided_slice %select_n3A_108 {offsets = [0, 0], sizes = [32, 1024], strides = [1, 1]} : vector<64x1024xf32> to vector<32x1024xf32>
    %select_n3A_117 = arith.select %gt3A_114, %slice3A_115, %slice3A_116 : vector<32x1024xi1>, vector<32x1024xf32>
    %slice3A_118 = vector.extract_strided_slice %select_n3A_111 {offsets = [32, 0], sizes = [32, 1024], strides = [1, 1]} : vector<64x1024xi32> to vector<32x1024xi32>
    %slice3A_119 = vector.extract_strided_slice %select_n3A_111 {offsets = [0, 0], sizes = [32, 1024], strides = [1, 1]} : vector<64x1024xi32> to vector<32x1024xi32>
    %select_n3A_120 = arith.select %gt3A_114, %slice3A_118, %slice3A_119 : vector<32x1024xi1>, vector<32x1024xi32>
    %slice3A_121 = vector.extract_strided_slice %select_n3A_117 {offsets = [16, 0], sizes = [16, 1024], strides = [1, 1]} : vector<32x1024xf32> to vector<16x1024xf32>
    %slice3A_122 = vector.extract_strided_slice %select_n3A_117 {offsets = [0, 0], sizes = [16, 1024], strides = [1, 1]} : vector<32x1024xf32> to vector<16x1024xf32>
    %gt3A_123 = arith.cmpf ogt, %slice3A_121, %slice3A_122 : vector<16x1024xf32>
    %slice3A_124 = vector.extract_strided_slice %select_n3A_117 {offsets = [16, 0], sizes = [16, 1024], strides = [1, 1]} : vector<32x1024xf32> to vector<16x1024xf32>
    %slice3A_125 = vector.extract_strided_slice %select_n3A_117 {offsets = [0, 0], sizes = [16, 1024], strides = [1, 1]} : vector<32x1024xf32> to vector<16x1024xf32>
    %select_n3A_126 = arith.select %gt3A_123, %slice3A_124, %slice3A_125 : vector<16x1024xi1>, vector<16x1024xf32>
    %slice3A_127 = vector.extract_strided_slice %select_n3A_120 {offsets = [16, 0], sizes = [16, 1024], strides = [1, 1]} : vector<32x1024xi32> to vector<16x1024xi32>
    %slice3A_128 = vector.extract_strided_slice %select_n3A_120 {offsets = [0, 0], sizes = [16, 1024], strides = [1, 1]} : vector<32x1024xi32> to vector<16x1024xi32>
    %select_n3A_129 = arith.select %gt3A_123, %slice3A_127, %slice3A_128 : vector<16x1024xi1>, vector<16x1024xi32>
    %slice3A_130 = vector.extract_strided_slice %select_n3A_126 {offsets = [8, 0], sizes = [8, 1024], strides = [1, 1]} : vector<16x1024xf32> to vector<8x1024xf32>
    %slice3A_131 = vector.extract_strided_slice %select_n3A_126 {offsets = [0, 0], sizes = [8, 1024], strides = [1, 1]} : vector<16x1024xf32> to vector<8x1024xf32>
    %gt3A_132 = arith.cmpf ogt, %slice3A_130, %slice3A_131 : vector<8x1024xf32>
    %slice3A_133 = vector.extract_strided_slice %select_n3A_126 {offsets = [8, 0], sizes = [8, 1024], strides = [1, 1]} : vector<16x1024xf32> to vector<8x1024xf32>
    %slice3A_134 = vector.extract_strided_slice %select_n3A_126 {offsets = [0, 0], sizes = [8, 1024], strides = [1, 1]} : vector<16x1024xf32> to vector<8x1024xf32>
    %select_n3A_135 = arith.select %gt3A_132, %slice3A_133, %slice3A_134 : vector<8x1024xi1>, vector<8x1024xf32>
    %slice3A_136 = vector.extract_strided_slice %select_n3A_129 {offsets = [8, 0], sizes = [8, 1024], strides = [1, 1]} : vector<16x1024xi32> to vector<8x1024xi32>
    %slice3A_137 = vector.extract_strided_slice %select_n3A_129 {offsets = [0, 0], sizes = [8, 1024], strides = [1, 1]} : vector<16x1024xi32> to vector<8x1024xi32>
    %select_n3A_138 = arith.select %gt3A_132, %slice3A_136, %slice3A_137 : vector<8x1024xi1>, vector<8x1024xi32>
    %slice3A_139 = vector.extract_strided_slice %select_n3A_135 {offsets = [4, 0], sizes = [4, 1024], strides = [1, 1]} : vector<8x1024xf32> to vector<4x1024xf32>
    %slice3A_140 = vector.extract_strided_slice %select_n3A_135 {offsets = [0, 0], sizes = [4, 1024], strides = [1, 1]} : vector<8x1024xf32> to vector<4x1024xf32>
    %gt3A_141 = arith.cmpf ogt, %slice3A_139, %slice3A_140 : vector<4x1024xf32>
    %slice3A_142 = vector.extract_strided_slice %select_n3A_135 {offsets = [4, 0], sizes = [4, 1024], strides = [1, 1]} : vector<8x1024xf32> to vector<4x1024xf32>
    %slice3A_143 = vector.extract_strided_slice %select_n3A_135 {offsets = [0, 0], sizes = [4, 1024], strides = [1, 1]} : vector<8x1024xf32> to vector<4x1024xf32>
    %select_n3A_144 = arith.select %gt3A_141, %slice3A_142, %slice3A_143 : vector<4x1024xi1>, vector<4x1024xf32>
    %slice3A_145 = vector.extract_strided_slice %select_n3A_138 {offsets = [4, 0], sizes = [4, 1024], strides = [1, 1]} : vector<8x1024xi32> to vector<4x1024xi32>
    %slice3A_146 = vector.extract_strided_slice %select_n3A_138 {offsets = [0, 0], sizes = [4, 1024], strides = [1, 1]} : vector<8x1024xi32> to vector<4x1024xi32>
    %select_n3A_147 = arith.select %gt3A_141, %slice3A_145, %slice3A_146 : vector<4x1024xi1>, vector<4x1024xi32>
    %slice3A_148 = vector.extract_strided_slice %select_n3A_144 {offsets = [2, 0], sizes = [2, 1024], strides = [1, 1]} : vector<4x1024xf32> to vector<2x1024xf32>
    %slice3A_149 = vector.extract_strided_slice %select_n3A_144 {offsets = [0, 0], sizes = [2, 1024], strides = [1, 1]} : vector<4x1024xf32> to vector<2x1024xf32>
    %gt3A_150 = arith.cmpf ogt, %slice3A_148, %slice3A_149 : vector<2x1024xf32>
    %slice3A_151 = vector.extract_strided_slice %select_n3A_144 {offsets = [2, 0], sizes = [2, 1024], strides = [1, 1]} : vector<4x1024xf32> to vector<2x1024xf32>
    %slice3A_152 = vector.extract_strided_slice %select_n3A_144 {offsets = [0, 0], sizes = [2, 1024], strides = [1, 1]} : vector<4x1024xf32> to vector<2x1024xf32>
    %select_n3A_153 = arith.select %gt3A_150, %slice3A_151, %slice3A_152 : vector<2x1024xi1>, vector<2x1024xf32>
    %slice3A_154 = vector.extract_strided_slice %select_n3A_147 {offsets = [2, 0], sizes = [2, 1024], strides = [1, 1]} : vector<4x1024xi32> to vector<2x1024xi32>
    %slice3A_155 = vector.extract_strided_slice %select_n3A_147 {offsets = [0, 0], sizes = [2, 1024], strides = [1, 1]} : vector<4x1024xi32> to vector<2x1024xi32>
    %select_n3A_156 = arith.select %gt3A_150, %slice3A_154, %slice3A_155 : vector<2x1024xi1>, vector<2x1024xi32>
    %slice3A_157 = vector.extract_strided_slice %select_n3A_153 {offsets = [1, 0], sizes = [1, 1024], strides = [1, 1]} : vector<2x1024xf32> to vector<1x1024xf32>
    %slice3A_158 = vector.extract_strided_slice %select_n3A_153 {offsets = [0, 0], sizes = [1, 1024], strides = [1, 1]} : vector<2x1024xf32> to vector<1x1024xf32>
    %gt3A_159 = arith.cmpf ogt, %slice3A_157, %slice3A_158 : vector<1x1024xf32>
    %slice3A_160 = vector.extract_strided_slice %select_n3A_153 {offsets = [1, 0], sizes = [1, 1024], strides = [1, 1]} : vector<2x1024xf32> to vector<1x1024xf32>
    %slice3A_161 = vector.extract_strided_slice %select_n3A_153 {offsets = [0, 0], sizes = [1, 1024], strides = [1, 1]} : vector<2x1024xf32> to vector<1x1024xf32>
    %select_n3A_162 = arith.select %gt3A_159, %slice3A_160, %slice3A_161 : vector<1x1024xi1>, vector<1x1024xf32>
    %slice3A_163 = vector.extract_strided_slice %select_n3A_156 {offsets = [1, 0], sizes = [1, 1024], strides = [1, 1]} : vector<2x1024xi32> to vector<1x1024xi32>
    %slice3A_164 = vector.extract_strided_slice %select_n3A_156 {offsets = [0, 0], sizes = [1, 1024], strides = [1, 1]} : vector<2x1024xi32> to vector<1x1024xi32>
    %select_n3A_165 = arith.select %gt3A_159, %slice3A_163, %slice3A_164 : vector<1x1024xi1>, vector<1x1024xi32>
    %squeeze3A_166 = vector.shape_cast %select_n3A_162 : vector<1x1024xf32> to vector<1024xf32>
    %squeeze3A_167 = vector.shape_cast %select_n3A_165 : vector<1x1024xi32> to vector<1024xi32>
    %gt3A_168 = arith.cmpf ogt, %squeeze3A_166, %squeeze3A : vector<1024xf32>
    %select_n3A_169 = arith.select %gt3A_168, %squeeze3A_166, %squeeze3A : vector<1024xi1>, vector<1024xf32>
    %select_n3A_170 = arith.select %gt3A_168, %squeeze3A_167, %squeeze3A_84 : vector<1024xi1>, vector<1024xi32>
    %get3A_171 = arith.constant 512 : index
    %get3A_172 = arith.constant 0 : index
    %get3A_173 = vector.load %arg4[%get3A_171, %get3A_172] : memref<8192x32xf32, #tpu.memory_space<vmem>>, vector<256x32xf32>
    %dot_general3A_174 = arith.constant dense<0.000000e+00> : vector<256x1024xf32>
    %dot_general3A_175 = tpu.matmul %get3A_173, %div3A_8, %dot_general3A_174 {dimension_numbers = #tpu.dot_dimension_numbers<[1], [1], [0], [0], [0, 0, 1, 0], [], []>, transpose_lhs_hint = false} : vector<256x32xf32>, vector<1024x32xf32>, vector<256x1024xf32> -> vector<256x1024xf32>
    %iota3A_176 = tpu.iota {dimensions = array<i32: 0>} : vector<256x1024xi32>
    %add3A_177 = arith.constant 512 : i32
    %add3A_178 = vector.broadcast %add3A_177 : i32 to vector<256x1024xi32>
    %add3A_179 = arith.addi %iota3A_176, %add3A_178 : vector<256x1024xi32>
    %slice3A_180 = vector.extract_strided_slice %dot_general3A_175 {offsets = [128, 0], sizes = [128, 1024], strides = [1, 1]} : vector<256x1024xf32> to vector<128x1024xf32>
    %slice3A_181 = vector.extract_strided_slice %dot_general3A_175 {offsets = [0, 0], sizes = [128, 1024], strides = [1, 1]} : vector<256x1024xf32> to vector<128x1024xf32>
    %gt3A_182 = arith.cmpf ogt, %slice3A_180, %slice3A_181 : vector<128x1024xf32>
    %slice3A_183 = vector.extract_strided_slice %dot_general3A_175 {offsets = [128, 0], sizes = [128, 1024], strides = [1, 1]} : vector<256x1024xf32> to vector<128x1024xf32>
    %slice3A_184 = vector.extract_strided_slice %dot_general3A_175 {offsets = [0, 0], sizes = [128, 1024], strides = [1, 1]} : vector<256x1024xf32> to vector<128x1024xf32>
    %select_n3A_185 = arith.select %gt3A_182, %slice3A_183, %slice3A_184 : vector<128x1024xi1>, vector<128x1024xf32>
    %slice3A_186 = vector.extract_strided_slice %add3A_179 {offsets = [128, 0], sizes = [128, 1024], strides = [1, 1]} : vector<256x1024xi32> to vector<128x1024xi32>
    %slice3A_187 = vector.extract_strided_slice %add3A_179 {offsets = [0, 0], sizes = [128, 1024], strides = [1, 1]} : vector<256x1024xi32> to vector<128x1024xi32>
    %select_n3A_188 = arith.select %gt3A_182, %slice3A_186, %slice3A_187 : vector<128x1024xi1>, vector<128x1024xi32>
    %slice3A_189 = vector.extract_strided_slice %select_n3A_185 {offsets = [64, 0], sizes = [64, 1024], strides = [1, 1]} : vector<128x1024xf32> to vector<64x1024xf32>
    %slice3A_190 = vector.extract_strided_slice %select_n3A_185 {offsets = [0, 0], sizes = [64, 1024], strides = [1, 1]} : vector<128x1024xf32> to vector<64x1024xf32>
    %gt3A_191 = arith.cmpf ogt, %slice3A_189, %slice3A_190 : vector<64x1024xf32>
    %slice3A_192 = vector.extract_strided_slice %select_n3A_185 {offsets = [64, 0], sizes = [64, 1024], strides = [1, 1]} : vector<128x1024xf32> to vector<64x1024xf32>
    %slice3A_193 = vector.extract_strided_slice %select_n3A_185 {offsets = [0, 0], sizes = [64, 1024], strides = [1, 1]} : vector<128x1024xf32> to vector<64x1024xf32>
    %select_n3A_194 = arith.select %gt3A_191, %slice3A_192, %slice3A_193 : vector<64x1024xi1>, vector<64x1024xf32>
    %slice3A_195 = vector.extract_strided_slice %select_n3A_188 {offsets = [64, 0], sizes = [64, 1024], strides = [1, 1]} : vector<128x1024xi32> to vector<64x1024xi32>
    %slice3A_196 = vector.extract_strided_slice %select_n3A_188 {offsets = [0, 0], sizes = [64, 1024], strides = [1, 1]} : vector<128x1024xi32> to vector<64x1024xi32>
    %select_n3A_197 = arith.select %gt3A_191, %slice3A_195, %slice3A_196 : vector<64x1024xi1>, vector<64x1024xi32>
    %slice3A_198 = vector.extract_strided_slice %select_n3A_194 {offsets = [32, 0], sizes = [32, 1024], strides = [1, 1]} : vector<64x1024xf32> to vector<32x1024xf32>
    %slice3A_199 = vector.extract_strided_slice %select_n3A_194 {offsets = [0, 0], sizes = [32, 1024], strides = [1, 1]} : vector<64x1024xf32> to vector<32x1024xf32>
    %gt3A_200 = arith.cmpf ogt, %slice3A_198, %slice3A_199 : vector<32x1024xf32>
    %slice3A_201 = vector.extract_strided_slice %select_n3A_194 {offsets = [32, 0], sizes = [32, 1024], strides = [1, 1]} : vector<64x1024xf32> to vector<32x1024xf32>
    %slice3A_202 = vector.extract_strided_slice %select_n3A_194 {offsets = [0, 0], sizes = [32, 1024], strides = [1, 1]} : vector<64x1024xf32> to vector<32x1024xf32>
    %select_n3A_203 = arith.select %gt3A_200, %slice3A_201, %slice3A_202 : vector<32x1024xi1>, vector<32x1024xf32>
    %slice3A_204 = vector.extract_strided_slice %select_n3A_197 {offsets = [32, 0], sizes = [32, 1024], strides = [1, 1]} : vector<64x1024xi32> to vector<32x1024xi32>
    %slice3A_205 = vector.extract_strided_slice %select_n3A_197 {offsets = [0, 0], sizes = [32, 1024], strides = [1, 1]} : vector<64x1024xi32> to vector<32x1024xi32>
    %select_n3A_206 = arith.select %gt3A_200, %slice3A_204, %slice3A_205 : vector<32x1024xi1>, vector<32x1024xi32>
    %slice3A_207 = vector.extract_strided_slice %select_n3A_203 {offsets = [16, 0], sizes = [16, 1024], strides = [1, 1]} : vector<32x1024xf32> to vector<16x1024xf32>
    %slice3A_208 = vector.extract_strided_slice %select_n3A_203 {offsets = [0, 0], sizes = [16, 1024], strides = [1, 1]} : vector<32x1024xf32> to vector<16x1024xf32>
    %gt3A_209 = arith.cmpf ogt, %slice3A_207, %slice3A_208 : vector<16x1024xf32>
    %slice3A_210 = vector.extract_strided_slice %select_n3A_203 {offsets = [16, 0], sizes = [16, 1024], strides = [1, 1]} : vector<32x1024xf32> to vector<16x1024xf32>
    %slice3A_211 = vector.extract_strided_slice %select_n3A_203 {offsets = [0, 0], sizes = [16, 1024], strides = [1, 1]} : vector<32x1024xf32> to vector<16x1024xf32>
    %select_n3A_212 = arith.select %gt3A_209, %slice3A_210, %slice3A_211 : vector<16x1024xi1>, vector<16x1024xf32>
    %slice3A_213 = vector.extract_strided_slice %select_n3A_206 {offsets = [16, 0], sizes = [16, 1024], strides = [1, 1]} : vector<32x1024xi32> to vector<16x1024xi32>
    %slice3A_214 = vector.extract_strided_slice %select_n3A_206 {offsets = [0, 0], sizes = [16, 1024], strides = [1, 1]} : vector<32x1024xi32> to vector<16x1024xi32>
    %select_n3A_215 = arith.select %gt3A_209, %slice3A_213, %slice3A_214 : vector<16x1024xi1>, vector<16x1024xi32>
    %slice3A_216 = vector.extract_strided_slice %select_n3A_212 {offsets = [8, 0], sizes = [8, 1024], strides = [1, 1]} : vector<16x1024xf32> to vector<8x1024xf32>
    %slice3A_217 = vector.extract_strided_slice %select_n3A_212 {offsets = [0, 0], sizes = [8, 1024], strides = [1, 1]} : vector<16x1024xf32> to vector<8x1024xf32>
    %gt3A_218 = arith.cmpf ogt, %slice3A_216, %slice3A_217 : vector<8x1024xf32>
    %slice3A_219 = vector.extract_strided_slice %select_n3A_212 {offsets = [8, 0], sizes = [8, 1024], strides = [1, 1]} : vector<16x1024xf32> to vector<8x1024xf32>
    %slice3A_220 = vector.extract_strided_slice %select_n3A_212 {offsets = [0, 0], sizes = [8, 1024], strides = [1, 1]} : vector<16x1024xf32> to vector<8x1024xf32>
    %select_n3A_221 = arith.select %gt3A_218, %slice3A_219, %slice3A_220 : vector<8x1024xi1>, vector<8x1024xf32>
    %slice3A_222 = vector.extract_strided_slice %select_n3A_215 {offsets = [8, 0], sizes = [8, 1024], strides = [1, 1]} : vector<16x1024xi32> to vector<8x1024xi32>
    %slice3A_223 = vector.extract_strided_slice %select_n3A_215 {offsets = [0, 0], sizes = [8, 1024], strides = [1, 1]} : vector<16x1024xi32> to vector<8x1024xi32>
    %select_n3A_224 = arith.select %gt3A_218, %slice3A_222, %slice3A_223 : vector<8x1024xi1>, vector<8x1024xi32>
    %slice3A_225 = vector.extract_strided_slice %select_n3A_221 {offsets = [4, 0], sizes = [4, 1024], strides = [1, 1]} : vector<8x1024xf32> to vector<4x1024xf32>
    %slice3A_226 = vector.extract_strided_slice %select_n3A_221 {offsets = [0, 0], sizes = [4, 1024], strides = [1, 1]} : vector<8x1024xf32> to vector<4x1024xf32>
    %gt3A_227 = arith.cmpf ogt, %slice3A_225, %slice3A_226 : vector<4x1024xf32>
    %slice3A_228 = vector.extract_strided_slice %select_n3A_221 {offsets = [4, 0], sizes = [4, 1024], strides = [1, 1]} : vector<8x1024xf32> to vector<4x1024xf32>
    %slice3A_229 = vector.extract_strided_slice %select_n3A_221 {offsets = [0, 0], sizes = [4, 1024], strides = [1, 1]} : vector<8x1024xf32> to vector<4x1024xf32>
    %select_n3A_230 = arith.select %gt3A_227, %slice3A_228, %slice3A_229 : vector<4x1024xi1>, vector<4x1024xf32>
    %slice3A_231 = vector.extract_strided_slice %select_n3A_224 {offsets = [4, 0], sizes = [4, 1024], strides = [1, 1]} : vector<8x1024xi32> to vector<4x1024xi32>
    %slice3A_232 = vector.extract_strided_slice %select_n3A_224 {offsets = [0, 0], sizes = [4, 1024], strides = [1, 1]} : vector<8x1024xi32> to vector<4x1024xi32>
    %select_n3A_233 = arith.select %gt3A_227, %slice3A_231, %slice3A_232 : vector<4x1024xi1>, vector<4x1024xi32>
    %slice3A_234 = vector.extract_strided_slice %select_n3A_230 {offsets = [2, 0], sizes = [2, 1024], strides = [1, 1]} : vector<4x1024xf32> to vector<2x1024xf32>
    %slice3A_235 = vector.extract_strided_slice %select_n3A_230 {offsets = [0, 0], sizes = [2, 1024], strides = [1, 1]} : vector<4x1024xf32> to vector<2x1024xf32>
    %gt3A_236 = arith.cmpf ogt, %slice3A_234, %slice3A_235 : vector<2x1024xf32>
    %slice3A_237 = vector.extract_strided_slice %select_n3A_230 {offsets = [2, 0], sizes = [2, 1024], strides = [1, 1]} : vector<4x1024xf32> to vector<2x1024xf32>
    %slice3A_238 = vector.extract_strided_slice %select_n3A_230 {offsets = [0, 0], sizes = [2, 1024], strides = [1, 1]} : vector<4x1024xf32> to vector<2x1024xf32>
    %select_n3A_239 = arith.select %gt3A_236, %slice3A_237, %slice3A_238 : vector<2x1024xi1>, vector<2x1024xf32>
    %slice3A_240 = vector.extract_strided_slice %select_n3A_233 {offsets = [2, 0], sizes = [2, 1024], strides = [1, 1]} : vector<4x1024xi32> to vector<2x1024xi32>
    %slice3A_241 = vector.extract_strided_slice %select_n3A_233 {offsets = [0, 0], sizes = [2, 1024], strides = [1, 1]} : vector<4x1024xi32> to vector<2x1024xi32>
    %select_n3A_242 = arith.select %gt3A_236, %slice3A_240, %slice3A_241 : vector<2x1024xi1>, vector<2x1024xi32>
    %slice3A_243 = vector.extract_strided_slice %select_n3A_239 {offsets = [1, 0], sizes = [1, 1024], strides = [1, 1]} : vector<2x1024xf32> to vector<1x1024xf32>
    %slice3A_244 = vector.extract_strided_slice %select_n3A_239 {offsets = [0, 0], sizes = [1, 1024], strides = [1, 1]} : vector<2x1024xf32> to vector<1x1024xf32>
    %gt3A_245 = arith.cmpf ogt, %slice3A_243, %slice3A_244 : vector<1x1024xf32>
    %slice3A_246 = vector.extract_strided_slice %select_n3A_239 {offsets = [1, 0], sizes = [1, 1024], strides = [1, 1]} : vector<2x1024xf32> to vector<1x1024xf32>
    %slice3A_247 = vector.extract_strided_slice %select_n3A_239 {offsets = [0, 0], sizes = [1, 1024], strides = [1, 1]} : vector<2x1024xf32> to vector<1x1024xf32>
    %select_n3A_248 = arith.select %gt3A_245, %slice3A_246, %slice3A_247 : vector<1x1024xi1>, vector<1x1024xf32>
    %slice3A_249 = vector.extract_strided_slice %select_n3A_242 {offsets = [1, 0], sizes = [1, 1024], strides = [1, 1]} : vector<2x1024xi32> to vector<1x1024xi32>
    %slice3A_250 = vector.extract_strided_slice %select_n3A_242 {offsets = [0, 0], sizes = [1, 1024], strides = [1, 1]} : vector<2x1024xi32> to vector<1x1024xi32>
    %select_n3A_251 = arith.select %gt3A_245, %slice3A_249, %slice3A_250 : vector<1x1024xi1>, vector<1x1024xi32>
    %squeeze3A_252 = vector.shape_cast %select_n3A_248 : vector<1x1024xf32> to vector<1024xf32>
    %squeeze3A_253 = vector.shape_cast %select_n3A_251 : vector<1x1024xi32> to vector<1024xi32>
    %gt3A_254 = arith.cmpf ogt, %squeeze3A_252, %select_n3A_169 : vector<1024xf32>
    %select_n3A_255 = arith.select %gt3A_254, %squeeze3A_252, %select_n3A_169 : vector<1024xi1>, vector<1024xf32>
    %select_n3A_256 = arith.select %gt3A_254, %squeeze3A_253, %select_n3A_170 : vector<1024xi1>, vector<1024xi32>
    %get3A_257 = arith.constant 768 : index
    %get3A_258 = arith.constant 0 : index
    %get3A_259 = vector.load %arg4[%get3A_257, %get3A_258] : memref<8192x32xf32, #tpu.memory_space<vmem>>, vector<256x32xf32>
    %dot_general3A_260 = arith.constant dense<0.000000e+00> : vector<256x1024xf32>
    %dot_general3A_261 = tpu.matmul %get3A_259, %div3A_8, %dot_general3A_260 {dimension_numbers = #tpu.dot_dimension_numbers<[1], [1], [0], [0], [0, 0, 1, 0], [], []>, transpose_lhs_hint = false} : vector<256x32xf32>, vector<1024x32xf32>, vector<256x1024xf32> -> vector<256x1024xf32>
    %iota3A_262 = tpu.iota {dimensions = array<i32: 0>} : vector<256x1024xi32>
    %add3A_263 = arith.constant 768 : i32
    %add3A_264 = vector.broadcast %add3A_263 : i32 to vector<256x1024xi32>
    %add3A_265 = arith.addi %iota3A_262, %add3A_264 : vector<256x1024xi32>
    %slice3A_266 = vector.extract_strided_slice %dot_general3A_261 {offsets = [128, 0], sizes = [128, 1024], strides = [1, 1]} : vector<256x1024xf32> to vector<128x1024xf32>
    %slice3A_267 = vector.extract_strided_slice %dot_general3A_261 {offsets = [0, 0], sizes = [128, 1024], strides = [1, 1]} : vector<256x1024xf32> to vector<128x1024xf32>
    %gt3A_268 = arith.cmpf ogt, %slice3A_266, %slice3A_267 : vector<128x1024xf32>
    %slice3A_269 = vector.extract_strided_slice %dot_general3A_261 {offsets = [128, 0], sizes = [128, 1024], strides = [1, 1]} : vector<256x1024xf32> to vector<128x1024xf32>
    %slice3A_270 = vector.extract_strided_slice %dot_general3A_261 {offsets = [0, 0], sizes = [128, 1024], strides = [1, 1]} : vector<256x1024xf32> to vector<128x1024xf32>
    %select_n3A_271 = arith.select %gt3A_268, %slice3A_269, %slice3A_270 : vector<128x1024xi1>, vector<128x1024xf32>
    %slice3A_272 = vector.extract_strided_slice %add3A_265 {offsets = [128, 0], sizes = [128, 1024], strides = [1, 1]} : vector<256x1024xi32> to vector<128x1024xi32>
    %slice3A_273 = vector.extract_strided_slice %add3A_265 {offsets = [0, 0], sizes = [128, 1024], strides = [1, 1]} : vector<256x1024xi32> to vector<128x1024xi32>
    %select_n3A_274 = arith.select %gt3A_268, %slice3A_272, %slice3A_273 : vector<128x1024xi1>, vector<128x1024xi32>
    %slice3A_275 = vector.extract_strided_slice %select_n3A_271 {offsets = [64, 0], sizes = [64, 1024], strides = [1, 1]} : vector<128x1024xf32> to vector<64x1024xf32>
    %slice3A_276 = vector.extract_strided_slice %select_n3A_271 {offsets = [0, 0], sizes = [64, 1024], strides = [1, 1]} : vector<128x1024xf32> to vector<64x1024xf32>
    %gt3A_277 = arith.cmpf ogt, %slice3A_275, %slice3A_276 : vector<64x1024xf32>
    %slice3A_278 = vector.extract_strided_slice %select_n3A_271 {offsets = [64, 0], sizes = [64, 1024], strides = [1, 1]} : vector<128x1024xf32> to vector<64x1024xf32>
    %slice3A_279 = vector.extract_strided_slice %select_n3A_271 {offsets = [0, 0], sizes = [64, 1024], strides = [1, 1]} : vector<128x1024xf32> to vector<64x1024xf32>
    %select_n3A_280 = arith.select %gt3A_277, %slice3A_278, %slice3A_279 : vector<64x1024xi1>, vector<64x1024xf32>
    %slice3A_281 = vector.extract_strided_slice %select_n3A_274 {offsets = [64, 0], sizes = [64, 1024], strides = [1, 1]} : vector<128x1024xi32> to vector<64x1024xi32>
    %slice3A_282 = vector.extract_strided_slice %select_n3A_274 {offsets = [0, 0], sizes = [64, 1024], strides = [1, 1]} : vector<128x1024xi32> to vector<64x1024xi32>
    %select_n3A_283 = arith.select %gt3A_277, %slice3A_281, %slice3A_282 : vector<64x1024xi1>, vector<64x1024xi32>
    %slice3A_284 = vector.extract_strided_slice %select_n3A_280 {offsets = [32, 0], sizes = [32, 1024], strides = [1, 1]} : vector<64x1024xf32> to vector<32x1024xf32>
    %slice3A_285 = vector.extract_strided_slice %select_n3A_280 {offsets = [0, 0], sizes = [32, 1024], strides = [1, 1]} : vector<64x1024xf32> to vector<32x1024xf32>
    %gt3A_286 = arith.cmpf ogt, %slice3A_284, %slice3A_285 : vector<32x1024xf32>
    %slice3A_287 = vector.extract_strided_slice %select_n3A_280 {offsets = [32, 0], sizes = [32, 1024], strides = [1, 1]} : vector<64x1024xf32> to vector<32x1024xf32>
    %slice3A_288 = vector.extract_strided_slice %select_n3A_280 {offsets = [0, 0], sizes = [32, 1024], strides = [1, 1]} : vector<64x1024xf32> to vector<32x1024xf32>
    %select_n3A_289 = arith.select %gt3A_286, %slice3A_287, %slice3A_288 : vector<32x1024xi1>, vector<32x1024xf32>
    %slice3A_290 = vector.extract_strided_slice %select_n3A_283 {offsets = [32, 0], sizes = [32, 1024], strides = [1, 1]} : vector<64x1024xi32> to vector<32x1024xi32>
    %slice3A_291 = vector.extract_strided_slice %select_n3A_283 {offsets = [0, 0], sizes = [32, 1024], strides = [1, 1]} : vector<64x1024xi32> to vector<32x1024xi32>
    %select_n3A_292 = arith.select %gt3A_286, %slice3A_290, %slice3A_291 : vector<32x1024xi1>, vector<32x1024xi32>
    %slice3A_293 = vector.extract_strided_slice %select_n3A_289 {offsets = [16, 0], sizes = [16, 1024], strides = [1, 1]} : vector<32x1024xf32> to vector<16x1024xf32>
    %slice3A_294 = vector.extract_strided_slice %select_n3A_289 {offsets = [0, 0], sizes = [16, 1024], strides = [1, 1]} : vector<32x1024xf32> to vector<16x1024xf32>
    %gt3A_295 = arith.cmpf ogt, %slice3A_293, %slice3A_294 : vector<16x1024xf32>
    %slice3A_296 = vector.extract_strided_slice %select_n3A_289 {offsets = [16, 0], sizes = [16, 1024], strides = [1, 1]} : vector<32x1024xf32> to vector<16x1024xf32>
    %slice3A_297 = vector.extract_strided_slice %select_n3A_289 {offsets = [0, 0], sizes = [16, 1024], strides = [1, 1]} : vector<32x1024xf32> to vector<16x1024xf32>
    %select_n3A_298 = arith.select %gt3A_295, %slice3A_296, %slice3A_297 : vector<16x1024xi1>, vector<16x1024xf32>
    %slice3A_299 = vector.extract_strided_slice %select_n3A_292 {offsets = [16, 0], sizes = [16, 1024], strides = [1, 1]} : vector<32x1024xi32> to vector<16x1024xi32>
    %slice3A_300 = vector.extract_strided_slice %select_n3A_292 {offsets = [0, 0], sizes = [16, 1024], strides = [1, 1]} : vector<32x1024xi32> to vector<16x1024xi32>
    %select_n3A_301 = arith.select %gt3A_295, %slice3A_299, %slice3A_300 : vector<16x1024xi1>, vector<16x1024xi32>
    %slice3A_302 = vector.extract_strided_slice %select_n3A_298 {offsets = [8, 0], sizes = [8, 1024], strides = [1, 1]} : vector<16x1024xf32> to vector<8x1024xf32>
    %slice3A_303 = vector.extract_strided_slice %select_n3A_298 {offsets = [0, 0], sizes = [8, 1024], strides = [1, 1]} : vector<16x1024xf32> to vector<8x1024xf32>
    %gt3A_304 = arith.cmpf ogt, %slice3A_302, %slice3A_303 : vector<8x1024xf32>
    %slice3A_305 = vector.extract_strided_slice %select_n3A_298 {offsets = [8, 0], sizes = [8, 1024], strides = [1, 1]} : vector<16x1024xf32> to vector<8x1024xf32>
    %slice3A_306 = vector.extract_strided_slice %select_n3A_298 {offsets = [0, 0], sizes = [8, 1024], strides = [1, 1]} : vector<16x1024xf32> to vector<8x1024xf32>
    %select_n3A_307 = arith.select %gt3A_304, %slice3A_305, %slice3A_306 : vector<8x1024xi1>, vector<8x1024xf32>
    %slice3A_308 = vector.extract_strided_slice %select_n3A_301 {offsets = [8, 0], sizes = [8, 1024], strides = [1, 1]} : vector<16x1024xi32> to vector<8x1024xi32>
    %slice3A_309 = vector.extract_strided_slice %select_n3A_301 {offsets = [0, 0], sizes = [8, 1024], strides = [1, 1]} : vector<16x1024xi32> to vector<8x1024xi32>
    %select_n3A_310 = arith.select %gt3A_304, %slice3A_308, %slice3A_309 : vector<8x1024xi1>, vector<8x1024xi32>
    %slice3A_311 = vector.extract_strided_slice %select_n3A_307 {offsets = [4, 0], sizes = [4, 1024], strides = [1, 1]} : vector<8x1024xf32> to vector<4x1024xf32>
    %slice3A_312 = vector.extract_strided_slice %select_n3A_307 {offsets = [0, 0], sizes = [4, 1024], strides = [1, 1]} : vector<8x1024xf32> to vector<4x1024xf32>
    %gt3A_313 = arith.cmpf ogt, %slice3A_311, %slice3A_312 : vector<4x1024xf32>
    %slice3A_314 = vector.extract_strided_slice %select_n3A_307 {offsets = [4, 0], sizes = [4, 1024], strides = [1, 1]} : vector<8x1024xf32> to vector<4x1024xf32>
    %slice3A_315 = vector.extract_strided_slice %select_n3A_307 {offsets = [0, 0], sizes = [4, 1024], strides = [1, 1]} : vector<8x1024xf32> to vector<4x1024xf32>
    %select_n3A_316 = arith.select %gt3A_313, %slice3A_314, %slice3A_315 : vector<4x1024xi1>, vector<4x1024xf32>
    %slice3A_317 = vector.extract_strided_slice %select_n3A_310 {offsets = [4, 0], sizes = [4, 1024], strides = [1, 1]} : vector<8x1024xi32> to vector<4x1024xi32>
    %slice3A_318 = vector.extract_strided_slice %select_n3A_310 {offsets = [0, 0], sizes = [4, 1024], strides = [1, 1]} : vector<8x1024xi32> to vector<4x1024xi32>
    %select_n3A_319 = arith.select %gt3A_313, %slice3A_317, %slice3A_318 : vector<4x1024xi1>, vector<4x1024xi32>
    %slice3A_320 = vector.extract_strided_slice %select_n3A_316 {offsets = [2, 0], sizes = [2, 1024], strides = [1, 1]} : vector<4x1024xf32> to vector<2x1024xf32>
    %slice3A_321 = vector.extract_strided_slice %select_n3A_316 {offsets = [0, 0], sizes = [2, 1024], strides = [1, 1]} : vector<4x1024xf32> to vector<2x1024xf32>
    %gt3A_322 = arith.cmpf ogt, %slice3A_320, %slice3A_321 : vector<2x1024xf32>
    %slice3A_323 = vector.extract_strided_slice %select_n3A_316 {offsets = [2, 0], sizes = [2, 1024], strides = [1, 1]} : vector<4x1024xf32> to vector<2x1024xf32>
    %slice3A_324 = vector.extract_strided_slice %select_n3A_316 {offsets = [0, 0], sizes = [2, 1024], strides = [1, 1]} : vector<4x1024xf32> to vector<2x1024xf32>
    %select_n3A_325 = arith.select %gt3A_322, %slice3A_323, %slice3A_324 : vector<2x1024xi1>, vector<2x1024xf32>
    %slice3A_326 = vector.extract_strided_slice %select_n3A_319 {offsets = [2, 0], sizes = [2, 1024], strides = [1, 1]} : vector<4x1024xi32> to vector<2x1024xi32>
    %slice3A_327 = vector.extract_strided_slice %select_n3A_319 {offsets = [0, 0], sizes = [2, 1024], strides = [1, 1]} : vector<4x1024xi32> to vector<2x1024xi32>
    %select_n3A_328 = arith.select %gt3A_322, %slice3A_326, %slice3A_327 : vector<2x1024xi1>, vector<2x1024xi32>
    %slice3A_329 = vector.extract_strided_slice %select_n3A_325 {offsets = [1, 0], sizes = [1, 1024], strides = [1, 1]} : vector<2x1024xf32> to vector<1x1024xf32>
    %slice3A_330 = vector.extract_strided_slice %select_n3A_325 {offsets = [0, 0], sizes = [1, 1024], strides = [1, 1]} : vector<2x1024xf32> to vector<1x1024xf32>
    %gt3A_331 = arith.cmpf ogt, %slice3A_329, %slice3A_330 : vector<1x1024xf32>
    %slice3A_332 = vector.extract_strided_slice %select_n3A_325 {offsets = [1, 0], sizes = [1, 1024], strides = [1, 1]} : vector<2x1024xf32> to vector<1x1024xf32>
    %slice3A_333 = vector.extract_strided_slice %select_n3A_325 {offsets = [0, 0], sizes = [1, 1024], strides = [1, 1]} : vector<2x1024xf32> to vector<1x1024xf32>
    %select_n3A_334 = arith.select %gt3A_331, %slice3A_332, %slice3A_333 : vector<1x1024xi1>, vector<1x1024xf32>
    %slice3A_335 = vector.extract_strided_slice %select_n3A_328 {offsets = [1, 0], sizes = [1, 1024], strides = [1, 1]} : vector<2x1024xi32> to vector<1x1024xi32>
    %slice3A_336 = vector.extract_strided_slice %select_n3A_328 {offsets = [0, 0], sizes = [1, 1024], strides = [1, 1]} : vector<2x1024xi32> to vector<1x1024xi32>
    %select_n3A_337 = arith.select %gt3A_331, %slice3A_335, %slice3A_336 : vector<1x1024xi1>, vector<1x1024xi32>
    %squeeze3A_338 = vector.shape_cast %select_n3A_334 : vector<1x1024xf32> to vector<1024xf32>
    %squeeze3A_339 = vector.shape_cast %select_n3A_337 : vector<1x1024xi32> to vector<1024xi32>
    %gt3A_340 = arith.cmpf ogt, %squeeze3A_338, %select_n3A_255 : vector<1024xf32>
    %select_n3A_341 = arith.select %gt3A_340, %squeeze3A_338, %select_n3A_255 : vector<1024xi1>, vector<1024xf32>
    %select_n3A_342 = arith.select %gt3A_340, %squeeze3A_339, %select_n3A_256 : vector<1024xi1>, vector<1024xi32>
    %get3A_343 = arith.constant 1024 : index
    %get3A_344 = arith.constant 0 : index
    %get3A_345 = vector.load %arg4[%get3A_343, %get3A_344] : memref<8192x32xf32, #tpu.memory_space<vmem>>, vector<256x32xf32>
    %dot_general3A_346 = arith.constant dense<0.000000e+00> : vector<256x1024xf32>
    %dot_general3A_347 = tpu.matmul %get3A_345, %div3A_8, %dot_general3A_346 {dimension_numbers = #tpu.dot_dimension_numbers<[1], [1], [0], [0], [0, 0, 1, 0], [], []>, transpose_lhs_hint = false} : vector<256x32xf32>, vector<1024x32xf32>, vector<256x1024xf32> -> vector<256x1024xf32>
    %iota3A_348 = tpu.iota {dimensions = array<i32: 0>} : vector<256x1024xi32>
    %add3A_349 = arith.constant 1024 : i32
    %add3A_350 = vector.broadcast %add3A_349 : i32 to vector<256x1024xi32>
    %add3A_351 = arith.addi %iota3A_348, %add3A_350 : vector<256x1024xi32>
    %slice3A_352 = vector.extract_strided_slice %dot_general3A_347 {offsets = [128, 0], sizes = [128, 1024], strides = [1, 1]} : vector<256x1024xf32> to vector<128x1024xf32>
    %slice3A_353 = vector.extract_strided_slice %dot_general3A_347 {offsets = [0, 0], sizes = [128, 1024], strides = [1, 1]} : vector<256x1024xf32> to vector<128x1024xf32>
    %gt3A_354 = arith.cmpf ogt, %slice3A_352, %slice3A_353 : vector<128x1024xf32>
    %slice3A_355 = vector.extract_strided_slice %dot_general3A_347 {offsets = [128, 0], sizes = [128, 1024], strides = [1, 1]} : vector<256x1024xf32> to vector<128x1024xf32>
    %slice3A_356 = vector.extract_strided_slice %dot_general3A_347 {offsets = [0, 0], sizes = [128, 1024], strides = [1, 1]} : vector<256x1024xf32> to vector<128x1024xf32>
    %select_n3A_357 = arith.select %gt3A_354, %slice3A_355, %slice3A_356 : vector<128x1024xi1>, vector<128x1024xf32>
    %slice3A_358 = vector.extract_strided_slice %add3A_351 {offsets = [128, 0], sizes = [128, 1024], strides = [1, 1]} : vector<256x1024xi32> to vector<128x1024xi32>
    %slice3A_359 = vector.extract_strided_slice %add3A_351 {offsets = [0, 0], sizes = [128, 1024], strides = [1, 1]} : vector<256x1024xi32> to vector<128x1024xi32>
    %select_n3A_360 = arith.select %gt3A_354, %slice3A_358, %slice3A_359 : vector<128x1024xi1>, vector<128x1024xi32>
    %slice3A_361 = vector.extract_strided_slice %select_n3A_357 {offsets = [64, 0], sizes = [64, 1024], strides = [1, 1]} : vector<128x1024xf32> to vector<64x1024xf32>
    %slice3A_362 = vector.extract_strided_slice %select_n3A_357 {offsets = [0, 0], sizes = [64, 1024], strides = [1, 1]} : vector<128x1024xf32> to vector<64x1024xf32>
    %gt3A_363 = arith.cmpf ogt, %slice3A_361, %slice3A_362 : vector<64x1024xf32>
    %slice3A_364 = vector.extract_strided_slice %select_n3A_357 {offsets = [64, 0], sizes = [64, 1024], strides = [1, 1]} : vector<128x1024xf32> to vector<64x1024xf32>
    %slice3A_365 = vector.extract_strided_slice %select_n3A_357 {offsets = [0, 0], sizes = [64, 1024], strides = [1, 1]} : vector<128x1024xf32> to vector<64x1024xf32>
    %select_n3A_366 = arith.select %gt3A_363, %slice3A_364, %slice3A_365 : vector<64x1024xi1>, vector<64x1024xf32>
    %slice3A_367 = vector.extract_strided_slice %select_n3A_360 {offsets = [64, 0], sizes = [64, 1024], strides = [1, 1]} : vector<128x1024xi32> to vector<64x1024xi32>
    %slice3A_368 = vector.extract_strided_slice %select_n3A_360 {offsets = [0, 0], sizes = [64, 1024], strides = [1, 1]} : vector<128x1024xi32> to vector<64x1024xi32>
    %select_n3A_369 = arith.select %gt3A_363, %slice3A_367, %slice3A_368 : vector<64x1024xi1>, vector<64x1024xi32>
    %slice3A_370 = vector.extract_strided_slice %select_n3A_366 {offsets = [32, 0], sizes = [32, 1024], strides = [1, 1]} : vector<64x1024xf32> to vector<32x1024xf32>
    %slice3A_371 = vector.extract_strided_slice %select_n3A_366 {offsets = [0, 0], sizes = [32, 1024], strides = [1, 1]} : vector<64x1024xf32> to vector<32x1024xf32>
    %gt3A_372 = arith.cmpf ogt, %slice3A_370, %slice3A_371 : vector<32x1024xf32>
    %slice3A_373 = vector.extract_strided_slice %select_n3A_366 {offsets = [32, 0], sizes = [32, 1024], strides = [1, 1]} : vector<64x1024xf32> to vector<32x1024xf32>
    %slice3A_374 = vector.extract_strided_slice %select_n3A_366 {offsets = [0, 0], sizes = [32, 1024], strides = [1, 1]} : vector<64x1024xf32> to vector<32x1024xf32>
    %select_n3A_375 = arith.select %gt3A_372, %slice3A_373, %slice3A_374 : vector<32x1024xi1>, vector<32x1024xf32>
    %slice3A_376 = vector.extract_strided_slice %select_n3A_369 {offsets = [32, 0], sizes = [32, 1024], strides = [1, 1]} : vector<64x1024xi32> to vector<32x1024xi32>
    %slice3A_377 = vector.extract_strided_slice %select_n3A_369 {offsets = [0, 0], sizes = [32, 1024], strides = [1, 1]} : vector<64x1024xi32> to vector<32x1024xi32>
    %select_n3A_378 = arith.select %gt3A_372, %slice3A_376, %slice3A_377 : vector<32x1024xi1>, vector<32x1024xi32>
    %slice3A_379 = vector.extract_strided_slice %select_n3A_375 {offsets = [16, 0], sizes = [16, 1024], strides = [1, 1]} : vector<32x1024xf32> to vector<16x1024xf32>
    %slice3A_380 = vector.extract_strided_slice %select_n3A_375 {offsets = [0, 0], sizes = [16, 1024], strides = [1, 1]} : vector<32x1024xf32> to vector<16x1024xf32>
    %gt3A_381 = arith.cmpf ogt, %slice3A_379, %slice3A_380 : vector<16x1024xf32>
    %slice3A_382 = vector.extract_strided_slice %select_n3A_375 {offsets = [16, 0], sizes = [16, 1024], strides = [1, 1]} : vector<32x1024xf32> to vector<16x1024xf32>
    %slice3A_383 = vector.extract_strided_slice %select_n3A_375 {offsets = [0, 0], sizes = [16, 1024], strides = [1, 1]} : vector<32x1024xf32> to vector<16x1024xf32>
    %select_n3A_384 = arith.select %gt3A_381, %slice3A_382, %slice3A_383 : vector<16x1024xi1>, vector<16x1024xf32>
    %slice3A_385 = vector.extract_strided_slice %select_n3A_378 {offsets = [16, 0], sizes = [16, 1024], strides = [1, 1]} : vector<32x1024xi32> to vector<16x1024xi32>
    %slice3A_386 = vector.extract_strided_slice %select_n3A_378 {offsets = [0, 0], sizes = [16, 1024], strides = [1, 1]} : vector<32x1024xi32> to vector<16x1024xi32>
    %select_n3A_387 = arith.select %gt3A_381, %slice3A_385, %slice3A_386 : vector<16x1024xi1>, vector<16x1024xi32>
    %slice3A_388 = vector.extract_strided_slice %select_n3A_384 {offsets = [8, 0], sizes = [8, 1024], strides = [1, 1]} : vector<16x1024xf32> to vector<8x1024xf32>
    %slice3A_389 = vector.extract_strided_slice %select_n3A_384 {offsets = [0, 0], sizes = [8, 1024], strides = [1, 1]} : vector<16x1024xf32> to vector<8x1024xf32>
    %gt3A_390 = arith.cmpf ogt, %slice3A_388, %slice3A_389 : vector<8x1024xf32>
    %slice3A_391 = vector.extract_strided_slice %select_n3A_384 {offsets = [8, 0], sizes = [8, 1024], strides = [1, 1]} : vector<16x1024xf32> to vector<8x1024xf32>
    %slice3A_392 = vector.extract_strided_slice %select_n3A_384 {offsets = [0, 0], sizes = [8, 1024], strides = [1, 1]} : vector<16x1024xf32> to vector<8x1024xf32>
    %select_n3A_393 = arith.select %gt3A_390, %slice3A_391, %slice3A_392 : vector<8x1024xi1>, vector<8x1024xf32>
    %slice3A_394 = vector.extract_strided_slice %select_n3A_387 {offsets = [8, 0], sizes = [8, 1024], strides = [1, 1]} : vector<16x1024xi32> to vector<8x1024xi32>
    %slice3A_395 = vector.extract_strided_slice %select_n3A_387 {offsets = [0, 0], sizes = [8, 1024], strides = [1, 1]} : vector<16x1024xi32> to vector<8x1024xi32>
    %select_n3A_396 = arith.select %gt3A_390, %slice3A_394, %slice3A_395 : vector<8x1024xi1>, vector<8x1024xi32>
    %slice3A_397 = vector.extract_strided_slice %select_n3A_393 {offsets = [4, 0], sizes = [4, 1024], strides = [1, 1]} : vector<8x1024xf32> to vector<4x1024xf32>
    %slice3A_398 = vector.extract_strided_slice %select_n3A_393 {offsets = [0, 0], sizes = [4, 1024], strides = [1, 1]} : vector<8x1024xf32> to vector<4x1024xf32>
    %gt3A_399 = arith.cmpf ogt, %slice3A_397, %slice3A_398 : vector<4x1024xf32>
    %slice3A_400 = vector.extract_strided_slice %select_n3A_393 {offsets = [4, 0], sizes = [4, 1024], strides = [1, 1]} : vector<8x1024xf32> to vector<4x1024xf32>
    %slice3A_401 = vector.extract_strided_slice %select_n3A_393 {offsets = [0, 0], sizes = [4, 1024], strides = [1, 1]} : vector<8x1024xf32> to vector<4x1024xf32>
    %select_n3A_402 = arith.select %gt3A_399, %slice3A_400, %slice3A_401 : vector<4x1024xi1>, vector<4x1024xf32>
    %slice3A_403 = vector.extract_strided_slice %select_n3A_396 {offsets = [4, 0], sizes = [4, 1024], strides = [1, 1]} : vector<8x1024xi32> to vector<4x1024xi32>
    %slice3A_404 = vector.extract_strided_slice %select_n3A_396 {offsets = [0, 0], sizes = [4, 1024], strides = [1, 1]} : vector<8x1024xi32> to vector<4x1024xi32>
    %select_n3A_405 = arith.select %gt3A_399, %slice3A_403, %slice3A_404 : vector<4x1024xi1>, vector<4x1024xi32>
    %slice3A_406 = vector.extract_strided_slice %select_n3A_402 {offsets = [2, 0], sizes = [2, 1024], strides = [1, 1]} : vector<4x1024xf32> to vector<2x1024xf32>
    %slice3A_407 = vector.extract_strided_slice %select_n3A_402 {offsets = [0, 0], sizes = [2, 1024], strides = [1, 1]} : vector<4x1024xf32> to vector<2x1024xf32>
    %gt3A_408 = arith.cmpf ogt, %slice3A_406, %slice3A_407 : vector<2x1024xf32>
    %slice3A_409 = vector.extract_strided_slice %select_n3A_402 {offsets = [2, 0], sizes = [2, 1024], strides = [1, 1]} : vector<4x1024xf32> to vector<2x1024xf32>
    %slice3A_410 = vector.extract_strided_slice %select_n3A_402 {offsets = [0, 0], sizes = [2, 1024], strides = [1, 1]} : vector<4x1024xf32> to vector<2x1024xf32>
    %select_n3A_411 = arith.select %gt3A_408, %slice3A_409, %slice3A_410 : vector<2x1024xi1>, vector<2x1024xf32>
    %slice3A_412 = vector.extract_strided_slice %select_n3A_405 {offsets = [2, 0], sizes = [2, 1024], strides = [1, 1]} : vector<4x1024xi32> to vector<2x1024xi32>
    %slice3A_413 = vector.extract_strided_slice %select_n3A_405 {offsets = [0, 0], sizes = [2, 1024], strides = [1, 1]} : vector<4x1024xi32> to vector<2x1024xi32>
    %select_n3A_414 = arith.select %gt3A_408, %slice3A_412, %slice3A_413 : vector<2x1024xi1>, vector<2x1024xi32>
    %slice3A_415 = vector.extract_strided_slice %select_n3A_411 {offsets = [1, 0], sizes = [1, 1024], strides = [1, 1]} : vector<2x1024xf32> to vector<1x1024xf32>
    %slice3A_416 = vector.extract_strided_slice %select_n3A_411 {offsets = [0, 0], sizes = [1, 1024], strides = [1, 1]} : vector<2x1024xf32> to vector<1x1024xf32>
    %gt3A_417 = arith.cmpf ogt, %slice3A_415, %slice3A_416 : vector<1x1024xf32>
    %slice3A_418 = vector.extract_strided_slice %select_n3A_411 {offsets = [1, 0], sizes = [1, 1024], strides = [1, 1]} : vector<2x1024xf32> to vector<1x1024xf32>
    %slice3A_419 = vector.extract_strided_slice %select_n3A_411 {offsets = [0, 0], sizes = [1, 1024], strides = [1, 1]} : vector<2x1024xf32> to vector<1x1024xf32>
    %select_n3A_420 = arith.select %gt3A_417, %slice3A_418, %slice3A_419 : vector<1x1024xi1>, vector<1x1024xf32>
    %slice3A_421 = vector.extract_strided_slice %select_n3A_414 {offsets = [1, 0], sizes = [1, 1024], strides = [1, 1]} : vector<2x1024xi32> to vector<1x1024xi32>
    %slice3A_422 = vector.extract_strided_slice %select_n3A_414 {offsets = [0, 0], sizes = [1, 1024], strides = [1, 1]} : vector<2x1024xi32> to vector<1x1024xi32>
    %select_n3A_423 = arith.select %gt3A_417, %slice3A_421, %slice3A_422 : vector<1x1024xi1>, vector<1x1024xi32>
    %squeeze3A_424 = vector.shape_cast %select_n3A_420 : vector<1x1024xf32> to vector<1024xf32>
    %squeeze3A_425 = vector.shape_cast %select_n3A_423 : vector<1x1024xi32> to vector<1024xi32>
    %gt3A_426 = arith.cmpf ogt, %squeeze3A_424, %select_n3A_341 : vector<1024xf32>
    %select_n3A_427 = arith.select %gt3A_426, %squeeze3A_424, %select_n3A_341 : vector<1024xi1>, vector<1024xf32>
    %select_n3A_428 = arith.select %gt3A_426, %squeeze3A_425, %select_n3A_342 : vector<1024xi1>, vector<1024xi32>
    %get3A_429 = arith.constant 1280 : index
    %get3A_430 = arith.constant 0 : index
    %get3A_431 = vector.load %arg4[%get3A_429, %get3A_430] : memref<8192x32xf32, #tpu.memory_space<vmem>>, vector<256x32xf32>
    %dot_general3A_432 = arith.constant dense<0.000000e+00> : vector<256x1024xf32>
    %dot_general3A_433 = tpu.matmul %get3A_431, %div3A_8, %dot_general3A_432 {dimension_numbers = #tpu.dot_dimension_numbers<[1], [1], [0], [0], [0, 0, 1, 0], [], []>, transpose_lhs_hint = false} : vector<256x32xf32>, vector<1024x32xf32>, vector<256x1024xf32> -> vector<256x1024xf32>
    %iota3A_434 = tpu.iota {dimensions = array<i32: 0>} : vector<256x1024xi32>
    %add3A_435 = arith.constant 1280 : i32
    %add3A_436 = vector.broadcast %add3A_435 : i32 to vector<256x1024xi32>
    %add3A_437 = arith.addi %iota3A_434, %add3A_436 : vector<256x1024xi32>
    %slice3A_438 = vector.extract_strided_slice %dot_general3A_433 {offsets = [128, 0], sizes = [128, 1024], strides = [1, 1]} : vector<256x1024xf32> to vector<128x1024xf32>
    %slice3A_439 = vector.extract_strided_slice %dot_general3A_433 {offsets = [0, 0], sizes = [128, 1024], strides = [1, 1]} : vector<256x1024xf32> to vector<128x1024xf32>
    %gt3A_440 = arith.cmpf ogt, %slice3A_438, %slice3A_439 : vector<128x1024xf32>
    %slice3A_441 = vector.extract_strided_slice %dot_general3A_433 {offsets = [128, 0], sizes = [128, 1024], strides = [1, 1]} : vector<256x1024xf32> to vector<128x1024xf32>
    %slice3A_442 = vector.extract_strided_slice %dot_general3A_433 {offsets = [0, 0], sizes = [128, 1024], strides = [1, 1]} : vector<256x1024xf32> to vector<128x1024xf32>
    %select_n3A_443 = arith.select %gt3A_440, %slice3A_441, %slice3A_442 : vector<128x1024xi1>, vector<128x1024xf32>
    %slice3A_444 = vector.extract_strided_slice %add3A_437 {offsets = [128, 0], sizes = [128, 1024], strides = [1, 1]} : vector<256x1024xi32> to vector<128x1024xi32>
    %slice3A_445 = vector.extract_strided_slice %add3A_437 {offsets = [0, 0], sizes = [128, 1024], strides = [1, 1]} : vector<256x1024xi32> to vector<128x1024xi32>
    %select_n3A_446 = arith.select %gt3A_440, %slice3A_444, %slice3A_445 : vector<128x1024xi1>, vector<128x1024xi32>
    %slice3A_447 = vector.extract_strided_slice %select_n3A_443 {offsets = [64, 0], sizes = [64, 1024], strides = [1, 1]} : vector<128x1024xf32> to vector<64x1024xf32>
    %slice3A_448 = vector.extract_strided_slice %select_n3A_443 {offsets = [0, 0], sizes = [64, 1024], strides = [1, 1]} : vector<128x1024xf32> to vector<64x1024xf32>
    %gt3A_449 = arith.cmpf ogt, %slice3A_447, %slice3A_448 : vector<64x1024xf32>
    %slice3A_450 = vector.extract_strided_slice %select_n3A_443 {offsets = [64, 0], sizes = [64, 1024], strides = [1, 1]} : vector<128x1024xf32> to vector<64x1024xf32>
    %slice3A_451 = vector.extract_strided_slice %select_n3A_443 {offsets = [0, 0], sizes = [64, 1024], strides = [1, 1]} : vector<128x1024xf32> to vector<64x1024xf32>
    %select_n3A_452 = arith.select %gt3A_449, %slice3A_450, %slice3A_451 : vector<64x1024xi1>, vector<64x1024xf32>
    %slice3A_453 = vector.extract_strided_slice %select_n3A_446 {offsets = [64, 0], sizes = [64, 1024], strides = [1, 1]} : vector<128x1024xi32> to vector<64x1024xi32>
    %slice3A_454 = vector.extract_strided_slice %select_n3A_446 {offsets = [0, 0], sizes = [64, 1024], strides = [1, 1]} : vector<128x1024xi32> to vector<64x1024xi32>
    %select_n3A_455 = arith.select %gt3A_449, %slice3A_453, %slice3A_454 : vector<64x1024xi1>, vector<64x1024xi32>
    %slice3A_456 = vector.extract_strided_slice %select_n3A_452 {offsets = [32, 0], sizes = [32, 1024], strides = [1, 1]} : vector<64x1024xf32> to vector<32x1024xf32>
    %slice3A_457 = vector.extract_strided_slice %select_n3A_452 {offsets = [0, 0], sizes = [32, 1024], strides = [1, 1]} : vector<64x1024xf32> to vector<32x1024xf32>
    %gt3A_458 = arith.cmpf ogt, %slice3A_456, %slice3A_457 : vector<32x1024xf32>
    %slice3A_459 = vector.extract_strided_slice %select_n3A_452 {offsets = [32, 0], sizes = [32, 1024], strides = [1, 1]} : vector<64x1024xf32> to vector<32x1024xf32>
    %slice3A_460 = vector.extract_strided_slice %select_n3A_452 {offsets = [0, 0], sizes = [32, 1024], strides = [1, 1]} : vector<64x1024xf32> to vector<32x1024xf32>
    %select_n3A_461 = arith.select %gt3A_458, %slice3A_459, %slice3A_460 : vector<32x1024xi1>, vector<32x1024xf32>
    %slice3A_462 = vector.extract_strided_slice %select_n3A_455 {offsets = [32, 0], sizes = [32, 1024], strides = [1, 1]} : vector<64x1024xi32> to vector<32x1024xi32>
    %slice3A_463 = vector.extract_strided_slice %select_n3A_455 {offsets = [0, 0], sizes = [32, 1024], strides = [1, 1]} : vector<64x1024xi32> to vector<32x1024xi32>
    %select_n3A_464 = arith.select %gt3A_458, %slice3A_462, %slice3A_463 : vector<32x1024xi1>, vector<32x1024xi32>
    %slice3A_465 = vector.extract_strided_slice %select_n3A_461 {offsets = [16, 0], sizes = [16, 1024], strides = [1, 1]} : vector<32x1024xf32> to vector<16x1024xf32>
    %slice3A_466 = vector.extract_strided_slice %select_n3A_461 {offsets = [0, 0], sizes = [16, 1024], strides = [1, 1]} : vector<32x1024xf32> to vector<16x1024xf32>
    %gt3A_467 = arith.cmpf ogt, %slice3A_465, %slice3A_466 : vector<16x1024xf32>
    %slice3A_468 = vector.extract_strided_slice %select_n3A_461 {offsets = [16, 0], sizes = [16, 1024], strides = [1, 1]} : vector<32x1024xf32> to vector<16x1024xf32>
    %slice3A_469 = vector.extract_strided_slice %select_n3A_461 {offsets = [0, 0], sizes = [16, 1024], strides = [1, 1]} : vector<32x1024xf32> to vector<16x1024xf32>
    %select_n3A_470 = arith.select %gt3A_467, %slice3A_468, %slice3A_469 : vector<16x1024xi1>, vector<16x1024xf32>
    %slice3A_471 = vector.extract_strided_slice %select_n3A_464 {offsets = [16, 0], sizes = [16, 1024], strides = [1, 1]} : vector<32x1024xi32> to vector<16x1024xi32>
    %slice3A_472 = vector.extract_strided_slice %select_n3A_464 {offsets = [0, 0], sizes = [16, 1024], strides = [1, 1]} : vector<32x1024xi32> to vector<16x1024xi32>
    %select_n3A_473 = arith.select %gt3A_467, %slice3A_471, %slice3A_472 : vector<16x1024xi1>, vector<16x1024xi32>
    %slice3A_474 = vector.extract_strided_slice %select_n3A_470 {offsets = [8, 0], sizes = [8, 1024], strides = [1, 1]} : vector<16x1024xf32> to vector<8x1024xf32>
    %slice3A_475 = vector.extract_strided_slice %select_n3A_470 {offsets = [0, 0], sizes = [8, 1024], strides = [1, 1]} : vector<16x1024xf32> to vector<8x1024xf32>
    %gt3A_476 = arith.cmpf ogt, %slice3A_474, %slice3A_475 : vector<8x1024xf32>
    %slice3A_477 = vector.extract_strided_slice %select_n3A_470 {offsets = [8, 0], sizes = [8, 1024], strides = [1, 1]} : vector<16x1024xf32> to vector<8x1024xf32>
    %slice3A_478 = vector.extract_strided_slice %select_n3A_470 {offsets = [0, 0], sizes = [8, 1024], strides = [1, 1]} : vector<16x1024xf32> to vector<8x1024xf32>
    %select_n3A_479 = arith.select %gt3A_476, %slice3A_477, %slice3A_478 : vector<8x1024xi1>, vector<8x1024xf32>
    %slice3A_480 = vector.extract_strided_slice %select_n3A_473 {offsets = [8, 0], sizes = [8, 1024], strides = [1, 1]} : vector<16x1024xi32> to vector<8x1024xi32>
    %slice3A_481 = vector.extract_strided_slice %select_n3A_473 {offsets = [0, 0], sizes = [8, 1024], strides = [1, 1]} : vector<16x1024xi32> to vector<8x1024xi32>
    %select_n3A_482 = arith.select %gt3A_476, %slice3A_480, %slice3A_481 : vector<8x1024xi1>, vector<8x1024xi32>
    %slice3A_483 = vector.extract_strided_slice %select_n3A_479 {offsets = [4, 0], sizes = [4, 1024], strides = [1, 1]} : vector<8x1024xf32> to vector<4x1024xf32>
    %slice3A_484 = vector.extract_strided_slice %select_n3A_479 {offsets = [0, 0], sizes = [4, 1024], strides = [1, 1]} : vector<8x1024xf32> to vector<4x1024xf32>
    %gt3A_485 = arith.cmpf ogt, %slice3A_483, %slice3A_484 : vector<4x1024xf32>
    %slice3A_486 = vector.extract_strided_slice %select_n3A_479 {offsets = [4, 0], sizes = [4, 1024], strides = [1, 1]} : vector<8x1024xf32> to vector<4x1024xf32>
    %slice3A_487 = vector.extract_strided_slice %select_n3A_479 {offsets = [0, 0], sizes = [4, 1024], strides = [1, 1]} : vector<8x1024xf32> to vector<4x1024xf32>
    %select_n3A_488 = arith.select %gt3A_485, %slice3A_486, %slice3A_487 : vector<4x1024xi1>, vector<4x1024xf32>
    %slice3A_489 = vector.extract_strided_slice %select_n3A_482 {offsets = [4, 0], sizes = [4, 1024], strides = [1, 1]} : vector<8x1024xi32> to vector<4x1024xi32>
    %slice3A_490 = vector.extract_strided_slice %select_n3A_482 {offsets = [0, 0], sizes = [4, 1024], strides = [1, 1]} : vector<8x1024xi32> to vector<4x1024xi32>
    %select_n3A_491 = arith.select %gt3A_485, %slice3A_489, %slice3A_490 : vector<4x1024xi1>, vector<4x1024xi32>
    %slice3A_492 = vector.extract_strided_slice %select_n3A_488 {offsets = [2, 0], sizes = [2, 1024], strides = [1, 1]} : vector<4x1024xf32> to vector<2x1024xf32>
    %slice3A_493 = vector.extract_strided_slice %select_n3A_488 {offsets = [0, 0], sizes = [2, 1024], strides = [1, 1]} : vector<4x1024xf32> to vector<2x1024xf32>
    %gt3A_494 = arith.cmpf ogt, %slice3A_492, %slice3A_493 : vector<2x1024xf32>
    %slice3A_495 = vector.extract_strided_slice %select_n3A_488 {offsets = [2, 0], sizes = [2, 1024], strides = [1, 1]} : vector<4x1024xf32> to vector<2x1024xf32>
    %slice3A_496 = vector.extract_strided_slice %select_n3A_488 {offsets = [0, 0], sizes = [2, 1024], strides = [1, 1]} : vector<4x1024xf32> to vector<2x1024xf32>
    %select_n3A_497 = arith.select %gt3A_494, %slice3A_495, %slice3A_496 : vector<2x1024xi1>, vector<2x1024xf32>
    %slice3A_498 = vector.extract_strided_slice %select_n3A_491 {offsets = [2, 0], sizes = [2, 1024], strides = [1, 1]} : vector<4x1024xi32> to vector<2x1024xi32>
    %slice3A_499 = vector.extract_strided_slice %select_n3A_491 {offsets = [0, 0], sizes = [2, 1024], strides = [1, 1]} : vector<4x1024xi32> to vector<2x1024xi32>
    %select_n3A_500 = arith.select %gt3A_494, %slice3A_498, %slice3A_499 : vector<2x1024xi1>, vector<2x1024xi32>
    %slice3A_501 = vector.extract_strided_slice %select_n3A_497 {offsets = [1, 0], sizes = [1, 1024], strides = [1, 1]} : vector<2x1024xf32> to vector<1x1024xf32>
    %slice3A_502 = vector.extract_strided_slice %select_n3A_497 {offsets = [0, 0], sizes = [1, 1024], strides = [1, 1]} : vector<2x1024xf32> to vector<1x1024xf32>
    %gt3A_503 = arith.cmpf ogt, %slice3A_501, %slice3A_502 : vector<1x1024xf32>
    %slice3A_504 = vector.extract_strided_slice %select_n3A_497 {offsets = [1, 0], sizes = [1, 1024], strides = [1, 1]} : vector<2x1024xf32> to vector<1x1024xf32>
    %slice3A_505 = vector.extract_strided_slice %select_n3A_497 {offsets = [0, 0], sizes = [1, 1024], strides = [1, 1]} : vector<2x1024xf32> to vector<1x1024xf32>
    %select_n3A_506 = arith.select %gt3A_503, %slice3A_504, %slice3A_505 : vector<1x1024xi1>, vector<1x1024xf32>
    %slice3A_507 = vector.extract_strided_slice %select_n3A_500 {offsets = [1, 0], sizes = [1, 1024], strides = [1, 1]} : vector<2x1024xi32> to vector<1x1024xi32>
    %slice3A_508 = vector.extract_strided_slice %select_n3A_500 {offsets = [0, 0], sizes = [1, 1024], strides = [1, 1]} : vector<2x1024xi32> to vector<1x1024xi32>
    %select_n3A_509 = arith.select %gt3A_503, %slice3A_507, %slice3A_508 : vector<1x1024xi1>, vector<1x1024xi32>
    %squeeze3A_510 = vector.shape_cast %select_n3A_506 : vector<1x1024xf32> to vector<1024xf32>
    %squeeze3A_511 = vector.shape_cast %select_n3A_509 : vector<1x1024xi32> to vector<1024xi32>
    %gt3A_512 = arith.cmpf ogt, %squeeze3A_510, %select_n3A_427 : vector<1024xf32>
    %select_n3A_513 = arith.select %gt3A_512, %squeeze3A_510, %select_n3A_427 : vector<1024xi1>, vector<1024xf32>
    %select_n3A_514 = arith.select %gt3A_512, %squeeze3A_511, %select_n3A_428 : vector<1024xi1>, vector<1024xi32>
    %get3A_515 = arith.constant 1536 : index
    %get3A_516 = arith.constant 0 : index
    %get3A_517 = vector.load %arg4[%get3A_515, %get3A_516] : memref<8192x32xf32, #tpu.memory_space<vmem>>, vector<256x32xf32>
    %dot_general3A_518 = arith.constant dense<0.000000e+00> : vector<256x1024xf32>
    %dot_general3A_519 = tpu.matmul %get3A_517, %div3A_8, %dot_general3A_518 {dimension_numbers = #tpu.dot_dimension_numbers<[1], [1], [0], [0], [0, 0, 1, 0], [], []>, transpose_lhs_hint = false} : vector<256x32xf32>, vector<1024x32xf32>, vector<256x1024xf32> -> vector<256x1024xf32>
    %iota3A_520 = tpu.iota {dimensions = array<i32: 0>} : vector<256x1024xi32>
    %add3A_521 = arith.constant 1536 : i32
    %add3A_522 = vector.broadcast %add3A_521 : i32 to vector<256x1024xi32>
    %add3A_523 = arith.addi %iota3A_520, %add3A_522 : vector<256x1024xi32>
    %slice3A_524 = vector.extract_strided_slice %dot_general3A_519 {offsets = [128, 0], sizes = [128, 1024], strides = [1, 1]} : vector<256x1024xf32> to vector<128x1024xf32>
    %slice3A_525 = vector.extract_strided_slice %dot_general3A_519 {offsets = [0, 0], sizes = [128, 1024], strides = [1, 1]} : vector<256x1024xf32> to vector<128x1024xf32>
    %gt3A_526 = arith.cmpf ogt, %slice3A_524, %slice3A_525 : vector<128x1024xf32>
    %slice3A_527 = vector.extract_strided_slice %dot_general3A_519 {offsets = [128, 0], sizes = [128, 1024], strides = [1, 1]} : vector<256x1024xf32> to vector<128x1024xf32>
    %slice3A_528 = vector.extract_strided_slice %dot_general3A_519 {offsets = [0, 0], sizes = [128, 1024], strides = [1, 1]} : vector<256x1024xf32> to vector<128x1024xf32>
    %select_n3A_529 = arith.select %gt3A_526, %slice3A_527, %slice3A_528 : vector<128x1024xi1>, vector<128x1024xf32>
    %slice3A_530 = vector.extract_strided_slice %add3A_523 {offsets = [128, 0], sizes = [128, 1024], strides = [1, 1]} : vector<256x1024xi32> to vector<128x1024xi32>
    %slice3A_531 = vector.extract_strided_slice %add3A_523 {offsets = [0, 0], sizes = [128, 1024], strides = [1, 1]} : vector<256x1024xi32> to vector<128x1024xi32>
    %select_n3A_532 = arith.select %gt3A_526, %slice3A_530, %slice3A_531 : vector<128x1024xi1>, vector<128x1024xi32>
    %slice3A_533 = vector.extract_strided_slice %select_n3A_529 {offsets = [64, 0], sizes = [64, 1024], strides = [1, 1]} : vector<128x1024xf32> to vector<64x1024xf32>
    %slice3A_534 = vector.extract_strided_slice %select_n3A_529 {offsets = [0, 0], sizes = [64, 1024], strides = [1, 1]} : vector<128x1024xf32> to vector<64x1024xf32>
    %gt3A_535 = arith.cmpf ogt, %slice3A_533, %slice3A_534 : vector<64x1024xf32>
    %slice3A_536 = vector.extract_strided_slice %select_n3A_529 {offsets = [64, 0], sizes = [64, 1024], strides = [1, 1]} : vector<128x1024xf32> to vector<64x1024xf32>
    %slice3A_537 = vector.extract_strided_slice %select_n3A_529 {offsets = [0, 0], sizes = [64, 1024], strides = [1, 1]} : vector<128x1024xf32> to vector<64x1024xf32>
    %select_n3A_538 = arith.select %gt3A_535, %slice3A_536, %slice3A_537 : vector<64x1024xi1>, vector<64x1024xf32>
    %slice3A_539 = vector.extract_strided_slice %select_n3A_532 {offsets = [64, 0], sizes = [64, 1024], strides = [1, 1]} : vector<128x1024xi32> to vector<64x1024xi32>
    %slice3A_540 = vector.extract_strided_slice %select_n3A_532 {offsets = [0, 0], sizes = [64, 1024], strides = [1, 1]} : vector<128x1024xi32> to vector<64x1024xi32>
    %select_n3A_541 = arith.select %gt3A_535, %slice3A_539, %slice3A_540 : vector<64x1024xi1>, vector<64x1024xi32>
    %slice3A_542 = vector.extract_strided_slice %select_n3A_538 {offsets = [32, 0], sizes = [32, 1024], strides = [1, 1]} : vector<64x1024xf32> to vector<32x1024xf32>
    %slice3A_543 = vector.extract_strided_slice %select_n3A_538 {offsets = [0, 0], sizes = [32, 1024], strides = [1, 1]} : vector<64x1024xf32> to vector<32x1024xf32>
    %gt3A_544 = arith.cmpf ogt, %slice3A_542, %slice3A_543 : vector<32x1024xf32>
    %slice3A_545 = vector.extract_strided_slice %select_n3A_538 {offsets = [32, 0], sizes = [32, 1024], strides = [1, 1]} : vector<64x1024xf32> to vector<32x1024xf32>
    %slice3A_546 = vector.extract_strided_slice %select_n3A_538 {offsets = [0, 0], sizes = [32, 1024], strides = [1, 1]} : vector<64x1024xf32> to vector<32x1024xf32>
    %select_n3A_547 = arith.select %gt3A_544, %slice3A_545, %slice3A_546 : vector<32x1024xi1>, vector<32x1024xf32>
    %slice3A_548 = vector.extract_strided_slice %select_n3A_541 {offsets = [32, 0], sizes = [32, 1024], strides = [1, 1]} : vector<64x1024xi32> to vector<32x1024xi32>
    %slice3A_549 = vector.extract_strided_slice %select_n3A_541 {offsets = [0, 0], sizes = [32, 1024], strides = [1, 1]} : vector<64x1024xi32> to vector<32x1024xi32>
    %select_n3A_550 = arith.select %gt3A_544, %slice3A_548, %slice3A_549 : vector<32x1024xi1>, vector<32x1024xi32>
    %slice3A_551 = vector.extract_strided_slice %select_n3A_547 {offsets = [16, 0], sizes = [16, 1024], strides = [1, 1]} : vector<32x1024xf32> to vector<16x1024xf32>
    %slice3A_552 = vector.extract_strided_slice %select_n3A_547 {offsets = [0, 0], sizes = [16, 1024], strides = [1, 1]} : vector<32x1024xf32> to vector<16x1024xf32>
    %gt3A_553 = arith.cmpf ogt, %slice3A_551, %slice3A_552 : vector<16x1024xf32>
    %slice3A_554 = vector.extract_strided_slice %select_n3A_547 {offsets = [16, 0], sizes = [16, 1024], strides = [1, 1]} : vector<32x1024xf32> to vector<16x1024xf32>
    %slice3A_555 = vector.extract_strided_slice %select_n3A_547 {offsets = [0, 0], sizes = [16, 1024], strides = [1, 1]} : vector<32x1024xf32> to vector<16x1024xf32>
    %select_n3A_556 = arith.select %gt3A_553, %slice3A_554, %slice3A_555 : vector<16x1024xi1>, vector<16x1024xf32>
    %slice3A_557 = vector.extract_strided_slice %select_n3A_550 {offsets = [16, 0], sizes = [16, 1024], strides = [1, 1]} : vector<32x1024xi32> to vector<16x1024xi32>
    %slice3A_558 = vector.extract_strided_slice %select_n3A_550 {offsets = [0, 0], sizes = [16, 1024], strides = [1, 1]} : vector<32x1024xi32> to vector<16x1024xi32>
    %select_n3A_559 = arith.select %gt3A_553, %slice3A_557, %slice3A_558 : vector<16x1024xi1>, vector<16x1024xi32>
    %slice3A_560 = vector.extract_strided_slice %select_n3A_556 {offsets = [8, 0], sizes = [8, 1024], strides = [1, 1]} : vector<16x1024xf32> to vector<8x1024xf32>
    %slice3A_561 = vector.extract_strided_slice %select_n3A_556 {offsets = [0, 0], sizes = [8, 1024], strides = [1, 1]} : vector<16x1024xf32> to vector<8x1024xf32>
    %gt3A_562 = arith.cmpf ogt, %slice3A_560, %slice3A_561 : vector<8x1024xf32>
    %slice3A_563 = vector.extract_strided_slice %select_n3A_556 {offsets = [8, 0], sizes = [8, 1024], strides = [1, 1]} : vector<16x1024xf32> to vector<8x1024xf32>
    %slice3A_564 = vector.extract_strided_slice %select_n3A_556 {offsets = [0, 0], sizes = [8, 1024], strides = [1, 1]} : vector<16x1024xf32> to vector<8x1024xf32>
    %select_n3A_565 = arith.select %gt3A_562, %slice3A_563, %slice3A_564 : vector<8x1024xi1>, vector<8x1024xf32>
    %slice3A_566 = vector.extract_strided_slice %select_n3A_559 {offsets = [8, 0], sizes = [8, 1024], strides = [1, 1]} : vector<16x1024xi32> to vector<8x1024xi32>
    %slice3A_567 = vector.extract_strided_slice %select_n3A_559 {offsets = [0, 0], sizes = [8, 1024], strides = [1, 1]} : vector<16x1024xi32> to vector<8x1024xi32>
    %select_n3A_568 = arith.select %gt3A_562, %slice3A_566, %slice3A_567 : vector<8x1024xi1>, vector<8x1024xi32>
    %slice3A_569 = vector.extract_strided_slice %select_n3A_565 {offsets = [4, 0], sizes = [4, 1024], strides = [1, 1]} : vector<8x1024xf32> to vector<4x1024xf32>
    %slice3A_570 = vector.extract_strided_slice %select_n3A_565 {offsets = [0, 0], sizes = [4, 1024], strides = [1, 1]} : vector<8x1024xf32> to vector<4x1024xf32>
    %gt3A_571 = arith.cmpf ogt, %slice3A_569, %slice3A_570 : vector<4x1024xf32>
    %slice3A_572 = vector.extract_strided_slice %select_n3A_565 {offsets = [4, 0], sizes = [4, 1024], strides = [1, 1]} : vector<8x1024xf32> to vector<4x1024xf32>
    %slice3A_573 = vector.extract_strided_slice %select_n3A_565 {offsets = [0, 0], sizes = [4, 1024], strides = [1, 1]} : vector<8x1024xf32> to vector<4x1024xf32>
    %select_n3A_574 = arith.select %gt3A_571, %slice3A_572, %slice3A_573 : vector<4x1024xi1>, vector<4x1024xf32>
    %slice3A_575 = vector.extract_strided_slice %select_n3A_568 {offsets = [4, 0], sizes = [4, 1024], strides = [1, 1]} : vector<8x1024xi32> to vector<4x1024xi32>
    %slice3A_576 = vector.extract_strided_slice %select_n3A_568 {offsets = [0, 0], sizes = [4, 1024], strides = [1, 1]} : vector<8x1024xi32> to vector<4x1024xi32>
    %select_n3A_577 = arith.select %gt3A_571, %slice3A_575, %slice3A_576 : vector<4x1024xi1>, vector<4x1024xi32>
    %slice3A_578 = vector.extract_strided_slice %select_n3A_574 {offsets = [2, 0], sizes = [2, 1024], strides = [1, 1]} : vector<4x1024xf32> to vector<2x1024xf32>
    %slice3A_579 = vector.extract_strided_slice %select_n3A_574 {offsets = [0, 0], sizes = [2, 1024], strides = [1, 1]} : vector<4x1024xf32> to vector<2x1024xf32>
    %gt3A_580 = arith.cmpf ogt, %slice3A_578, %slice3A_579 : vector<2x1024xf32>
    %slice3A_581 = vector.extract_strided_slice %select_n3A_574 {offsets = [2, 0], sizes = [2, 1024], strides = [1, 1]} : vector<4x1024xf32> to vector<2x1024xf32>
    %slice3A_582 = vector.extract_strided_slice %select_n3A_574 {offsets = [0, 0], sizes = [2, 1024], strides = [1, 1]} : vector<4x1024xf32> to vector<2x1024xf32>
    %select_n3A_583 = arith.select %gt3A_580, %slice3A_581, %slice3A_582 : vector<2x1024xi1>, vector<2x1024xf32>
    %slice3A_584 = vector.extract_strided_slice %select_n3A_577 {offsets = [2, 0], sizes = [2, 1024], strides = [1, 1]} : vector<4x1024xi32> to vector<2x1024xi32>
    %slice3A_585 = vector.extract_strided_slice %select_n3A_577 {offsets = [0, 0], sizes = [2, 1024], strides = [1, 1]} : vector<4x1024xi32> to vector<2x1024xi32>
    %select_n3A_586 = arith.select %gt3A_580, %slice3A_584, %slice3A_585 : vector<2x1024xi1>, vector<2x1024xi32>
    %slice3A_587 = vector.extract_strided_slice %select_n3A_583 {offsets = [1, 0], sizes = [1, 1024], strides = [1, 1]} : vector<2x1024xf32> to vector<1x1024xf32>
    %slice3A_588 = vector.extract_strided_slice %select_n3A_583 {offsets = [0, 0], sizes = [1, 1024], strides = [1, 1]} : vector<2x1024xf32> to vector<1x1024xf32>
    %gt3A_589 = arith.cmpf ogt, %slice3A_587, %slice3A_588 : vector<1x1024xf32>
    %slice3A_590 = vector.extract_strided_slice %select_n3A_583 {offsets = [1, 0], sizes = [1, 1024], strides = [1, 1]} : vector<2x1024xf32> to vector<1x1024xf32>
    %slice3A_591 = vector.extract_strided_slice %select_n3A_583 {offsets = [0, 0], sizes = [1, 1024], strides = [1, 1]} : vector<2x1024xf32> to vector<1x1024xf32>
    %select_n3A_592 = arith.select %gt3A_589, %slice3A_590, %slice3A_591 : vector<1x1024xi1>, vector<1x1024xf32>
    %slice3A_593 = vector.extract_strided_slice %select_n3A_586 {offsets = [1, 0], sizes = [1, 1024], strides = [1, 1]} : vector<2x1024xi32> to vector<1x1024xi32>
    %slice3A_594 = vector.extract_strided_slice %select_n3A_586 {offsets = [0, 0], sizes = [1, 1024], strides = [1, 1]} : vector<2x1024xi32> to vector<1x1024xi32>
    %select_n3A_595 = arith.select %gt3A_589, %slice3A_593, %slice3A_594 : vector<1x1024xi1>, vector<1x1024xi32>
    %squeeze3A_596 = vector.shape_cast %select_n3A_592 : vector<1x1024xf32> to vector<1024xf32>
    %squeeze3A_597 = vector.shape_cast %select_n3A_595 : vector<1x1024xi32> to vector<1024xi32>
    %gt3A_598 = arith.cmpf ogt, %squeeze3A_596, %select_n3A_513 : vector<1024xf32>
    %select_n3A_599 = arith.select %gt3A_598, %squeeze3A_596, %select_n3A_513 : vector<1024xi1>, vector<1024xf32>
    %select_n3A_600 = arith.select %gt3A_598, %squeeze3A_597, %select_n3A_514 : vector<1024xi1>, vector<1024xi32>
    %get3A_601 = arith.constant 1792 : index
    %get3A_602 = arith.constant 0 : index
    %get3A_603 = vector.load %arg4[%get3A_601, %get3A_602] : memref<8192x32xf32, #tpu.memory_space<vmem>>, vector<256x32xf32>
    %dot_general3A_604 = arith.constant dense<0.000000e+00> : vector<256x1024xf32>
    %dot_general3A_605 = tpu.matmul %get3A_603, %div3A_8, %dot_general3A_604 {dimension_numbers = #tpu.dot_dimension_numbers<[1], [1], [0], [0], [0, 0, 1, 0], [], []>, transpose_lhs_hint = false} : vector<256x32xf32>, vector<1024x32xf32>, vector<256x1024xf32> -> vector<256x1024xf32>
    %iota3A_606 = tpu.iota {dimensions = array<i32: 0>} : vector<256x1024xi32>
    %add3A_607 = arith.constant 1792 : i32
    %add3A_608 = vector.broadcast %add3A_607 : i32 to vector<256x1024xi32>
    %add3A_609 = arith.addi %iota3A_606, %add3A_608 : vector<256x1024xi32>
    %slice3A_610 = vector.extract_strided_slice %dot_general3A_605 {offsets = [128, 0], sizes = [128, 1024], strides = [1, 1]} : vector<256x1024xf32> to vector<128x1024xf32>
    %slice3A_611 = vector.extract_strided_slice %dot_general3A_605 {offsets = [0, 0], sizes = [128, 1024], strides = [1, 1]} : vector<256x1024xf32> to vector<128x1024xf32>
    %gt3A_612 = arith.cmpf ogt, %slice3A_610, %slice3A_611 : vector<128x1024xf32>
    %slice3A_613 = vector.extract_strided_slice %dot_general3A_605 {offsets = [128, 0], sizes = [128, 1024], strides = [1, 1]} : vector<256x1024xf32> to vector<128x1024xf32>
    %slice3A_614 = vector.extract_strided_slice %dot_general3A_605 {offsets = [0, 0], sizes = [128, 1024], strides = [1, 1]} : vector<256x1024xf32> to vector<128x1024xf32>
    %select_n3A_615 = arith.select %gt3A_612, %slice3A_613, %slice3A_614 : vector<128x1024xi1>, vector<128x1024xf32>
    %slice3A_616 = vector.extract_strided_slice %add3A_609 {offsets = [128, 0], sizes = [128, 1024], strides = [1, 1]} : vector<256x1024xi32> to vector<128x1024xi32>
    %slice3A_617 = vector.extract_strided_slice %add3A_609 {offsets = [0, 0], sizes = [128, 1024], strides = [1, 1]} : vector<256x1024xi32> to vector<128x1024xi32>
    %select_n3A_618 = arith.select %gt3A_612, %slice3A_616, %slice3A_617 : vector<128x1024xi1>, vector<128x1024xi32>
    %slice3A_619 = vector.extract_strided_slice %select_n3A_615 {offsets = [64, 0], sizes = [64, 1024], strides = [1, 1]} : vector<128x1024xf32> to vector<64x1024xf32>
    %slice3A_620 = vector.extract_strided_slice %select_n3A_615 {offsets = [0, 0], sizes = [64, 1024], strides = [1, 1]} : vector<128x1024xf32> to vector<64x1024xf32>
    %gt3A_621 = arith.cmpf ogt, %slice3A_619, %slice3A_620 : vector<64x1024xf32>
    %slice3A_622 = vector.extract_strided_slice %select_n3A_615 {offsets = [64, 0], sizes = [64, 1024], strides = [1, 1]} : vector<128x1024xf32> to vector<64x1024xf32>
    %slice3A_623 = vector.extract_strided_slice %select_n3A_615 {offsets = [0, 0], sizes = [64, 1024], strides = [1, 1]} : vector<128x1024xf32> to vector<64x1024xf32>
    %select_n3A_624 = arith.select %gt3A_621, %slice3A_622, %slice3A_623 : vector<64x1024xi1>, vector<64x1024xf32>
    %slice3A_625 = vector.extract_strided_slice %select_n3A_618 {offsets = [64, 0], sizes = [64, 1024], strides = [1, 1]} : vector<128x1024xi32> to vector<64x1024xi32>
    %slice3A_626 = vector.extract_strided_slice %select_n3A_618 {offsets = [0, 0], sizes = [64, 1024], strides = [1, 1]} : vector<128x1024xi32> to vector<64x1024xi32>
    %select_n3A_627 = arith.select %gt3A_621, %slice3A_625, %slice3A_626 : vector<64x1024xi1>, vector<64x1024xi32>
    %slice3A_628 = vector.extract_strided_slice %select_n3A_624 {offsets = [32, 0], sizes = [32, 1024], strides = [1, 1]} : vector<64x1024xf32> to vector<32x1024xf32>
    %slice3A_629 = vector.extract_strided_slice %select_n3A_624 {offsets = [0, 0], sizes = [32, 1024], strides = [1, 1]} : vector<64x1024xf32> to vector<32x1024xf32>
    %gt3A_630 = arith.cmpf ogt, %slice3A_628, %slice3A_629 : vector<32x1024xf32>
    %slice3A_631 = vector.extract_strided_slice %select_n3A_624 {offsets = [32, 0], sizes = [32, 1024], strides = [1, 1]} : vector<64x1024xf32> to vector<32x1024xf32>
    %slice3A_632 = vector.extract_strided_slice %select_n3A_624 {offsets = [0, 0], sizes = [32, 1024], strides = [1, 1]} : vector<64x1024xf32> to vector<32x1024xf32>
    %select_n3A_633 = arith.select %gt3A_630, %slice3A_631, %slice3A_632 : vector<32x1024xi1>, vector<32x1024xf32>
    %slice3A_634 = vector.extract_strided_slice %select_n3A_627 {offsets = [32, 0], sizes = [32, 1024], strides = [1, 1]} : vector<64x1024xi32> to vector<32x1024xi32>
    %slice3A_635 = vector.extract_strided_slice %select_n3A_627 {offsets = [0, 0], sizes = [32, 1024], strides = [1, 1]} : vector<64x1024xi32> to vector<32x1024xi32>
    %select_n3A_636 = arith.select %gt3A_630, %slice3A_634, %slice3A_635 : vector<32x1024xi1>, vector<32x1024xi32>
    %slice3A_637 = vector.extract_strided_slice %select_n3A_633 {offsets = [16, 0], sizes = [16, 1024], strides = [1, 1]} : vector<32x1024xf32> to vector<16x1024xf32>
    %slice3A_638 = vector.extract_strided_slice %select_n3A_633 {offsets = [0, 0], sizes = [16, 1024], strides = [1, 1]} : vector<32x1024xf32> to vector<16x1024xf32>
    %gt3A_639 = arith.cmpf ogt, %slice3A_637, %slice3A_638 : vector<16x1024xf32>
    %slice3A_640 = vector.extract_strided_slice %select_n3A_633 {offsets = [16, 0], sizes = [16, 1024], strides = [1, 1]} : vector<32x1024xf32> to vector<16x1024xf32>
    %slice3A_641 = vector.extract_strided_slice %select_n3A_633 {offsets = [0, 0], sizes = [16, 1024], strides = [1, 1]} : vector<32x1024xf32> to vector<16x1024xf32>
    %select_n3A_642 = arith.select %gt3A_639, %slice3A_640, %slice3A_641 : vector<16x1024xi1>, vector<16x1024xf32>
    %slice3A_643 = vector.extract_strided_slice %select_n3A_636 {offsets = [16, 0], sizes = [16, 1024], strides = [1, 1]} : vector<32x1024xi32> to vector<16x1024xi32>
    %slice3A_644 = vector.extract_strided_slice %select_n3A_636 {offsets = [0, 0], sizes = [16, 1024], strides = [1, 1]} : vector<32x1024xi32> to vector<16x1024xi32>
    %select_n3A_645 = arith.select %gt3A_639, %slice3A_643, %slice3A_644 : vector<16x1024xi1>, vector<16x1024xi32>
    %slice3A_646 = vector.extract_strided_slice %select_n3A_642 {offsets = [8, 0], sizes = [8, 1024], strides = [1, 1]} : vector<16x1024xf32> to vector<8x1024xf32>
    %slice3A_647 = vector.extract_strided_slice %select_n3A_642 {offsets = [0, 0], sizes = [8, 1024], strides = [1, 1]} : vector<16x1024xf32> to vector<8x1024xf32>
    %gt3A_648 = arith.cmpf ogt, %slice3A_646, %slice3A_647 : vector<8x1024xf32>
    %slice3A_649 = vector.extract_strided_slice %select_n3A_642 {offsets = [8, 0], sizes = [8, 1024], strides = [1, 1]} : vector<16x1024xf32> to vector<8x1024xf32>
    %slice3A_650 = vector.extract_strided_slice %select_n3A_642 {offsets = [0, 0], sizes = [8, 1024], strides = [1, 1]} : vector<16x1024xf32> to vector<8x1024xf32>
    %select_n3A_651 = arith.select %gt3A_648, %slice3A_649, %slice3A_650 : vector<8x1024xi1>, vector<8x1024xf32>
    %slice3A_652 = vector.extract_strided_slice %select_n3A_645 {offsets = [8, 0], sizes = [8, 1024], strides = [1, 1]} : vector<16x1024xi32> to vector<8x1024xi32>
    %slice3A_653 = vector.extract_strided_slice %select_n3A_645 {offsets = [0, 0], sizes = [8, 1024], strides = [1, 1]} : vector<16x1024xi32> to vector<8x1024xi32>
    %select_n3A_654 = arith.select %gt3A_648, %slice3A_652, %slice3A_653 : vector<8x1024xi1>, vector<8x1024xi32>
    %slice3A_655 = vector.extract_strided_slice %select_n3A_651 {offsets = [4, 0], sizes = [4, 1024], strides = [1, 1]} : vector<8x1024xf32> to vector<4x1024xf32>
    %slice3A_656 = vector.extract_strided_slice %select_n3A_651 {offsets = [0, 0], sizes = [4, 1024], strides = [1, 1]} : vector<8x1024xf32> to vector<4x1024xf32>
    %gt3A_657 = arith.cmpf ogt, %slice3A_655, %slice3A_656 : vector<4x1024xf32>
    %slice3A_658 = vector.extract_strided_slice %select_n3A_651 {offsets = [4, 0], sizes = [4, 1024], strides = [1, 1]} : vector<8x1024xf32> to vector<4x1024xf32>
    %slice3A_659 = vector.extract_strided_slice %select_n3A_651 {offsets = [0, 0], sizes = [4, 1024], strides = [1, 1]} : vector<8x1024xf32> to vector<4x1024xf32>
    %select_n3A_660 = arith.select %gt3A_657, %slice3A_658, %slice3A_659 : vector<4x1024xi1>, vector<4x1024xf32>
    %slice3A_661 = vector.extract_strided_slice %select_n3A_654 {offsets = [4, 0], sizes = [4, 1024], strides = [1, 1]} : vector<8x1024xi32> to vector<4x1024xi32>
    %slice3A_662 = vector.extract_strided_slice %select_n3A_654 {offsets = [0, 0], sizes = [4, 1024], strides = [1, 1]} : vector<8x1024xi32> to vector<4x1024xi32>
    %select_n3A_663 = arith.select %gt3A_657, %slice3A_661, %slice3A_662 : vector<4x1024xi1>, vector<4x1024xi32>
    %slice3A_664 = vector.extract_strided_slice %select_n3A_660 {offsets = [2, 0], sizes = [2, 1024], strides = [1, 1]} : vector<4x1024xf32> to vector<2x1024xf32>
    %slice3A_665 = vector.extract_strided_slice %select_n3A_660 {offsets = [0, 0], sizes = [2, 1024], strides = [1, 1]} : vector<4x1024xf32> to vector<2x1024xf32>
    %gt3A_666 = arith.cmpf ogt, %slice3A_664, %slice3A_665 : vector<2x1024xf32>
    %slice3A_667 = vector.extract_strided_slice %select_n3A_660 {offsets = [2, 0], sizes = [2, 1024], strides = [1, 1]} : vector<4x1024xf32> to vector<2x1024xf32>
    %slice3A_668 = vector.extract_strided_slice %select_n3A_660 {offsets = [0, 0], sizes = [2, 1024], strides = [1, 1]} : vector<4x1024xf32> to vector<2x1024xf32>
    %select_n3A_669 = arith.select %gt3A_666, %slice3A_667, %slice3A_668 : vector<2x1024xi1>, vector<2x1024xf32>
    %slice3A_670 = vector.extract_strided_slice %select_n3A_663 {offsets = [2, 0], sizes = [2, 1024], strides = [1, 1]} : vector<4x1024xi32> to vector<2x1024xi32>
    %slice3A_671 = vector.extract_strided_slice %select_n3A_663 {offsets = [0, 0], sizes = [2, 1024], strides = [1, 1]} : vector<4x1024xi32> to vector<2x1024xi32>
    %select_n3A_672 = arith.select %gt3A_666, %slice3A_670, %slice3A_671 : vector<2x1024xi1>, vector<2x1024xi32>
    %slice3A_673 = vector.extract_strided_slice %select_n3A_669 {offsets = [1, 0], sizes = [1, 1024], strides = [1, 1]} : vector<2x1024xf32> to vector<1x1024xf32>
    %slice3A_674 = vector.extract_strided_slice %select_n3A_669 {offsets = [0, 0], sizes = [1, 1024], strides = [1, 1]} : vector<2x1024xf32> to vector<1x1024xf32>
    %gt3A_675 = arith.cmpf ogt, %slice3A_673, %slice3A_674 : vector<1x1024xf32>
    %slice3A_676 = vector.extract_strided_slice %select_n3A_669 {offsets = [1, 0], sizes = [1, 1024], strides = [1, 1]} : vector<2x1024xf32> to vector<1x1024xf32>
    %slice3A_677 = vector.extract_strided_slice %select_n3A_669 {offsets = [0, 0], sizes = [1, 1024], strides = [1, 1]} : vector<2x1024xf32> to vector<1x1024xf32>
    %select_n3A_678 = arith.select %gt3A_675, %slice3A_676, %slice3A_677 : vector<1x1024xi1>, vector<1x1024xf32>
    %slice3A_679 = vector.extract_strided_slice %select_n3A_672 {offsets = [1, 0], sizes = [1, 1024], strides = [1, 1]} : vector<2x1024xi32> to vector<1x1024xi32>
    %slice3A_680 = vector.extract_strided_slice %select_n3A_672 {offsets = [0, 0], sizes = [1, 1024], strides = [1, 1]} : vector<2x1024xi32> to vector<1x1024xi32>
    %select_n3A_681 = arith.select %gt3A_675, %slice3A_679, %slice3A_680 : vector<1x1024xi1>, vector<1x1024xi32>
    %squeeze3A_682 = vector.shape_cast %select_n3A_678 : vector<1x1024xf32> to vector<1024xf32>
    %squeeze3A_683 = vector.shape_cast %select_n3A_681 : vector<1x1024xi32> to vector<1024xi32>
    %gt3A_684 = arith.cmpf ogt, %squeeze3A_682, %select_n3A_599 : vector<1024xf32>
    %select_n3A_685 = arith.select %gt3A_684, %squeeze3A_682, %select_n3A_599 : vector<1024xi1>, vector<1024xf32>
    %select_n3A_686 = arith.select %gt3A_684, %squeeze3A_683, %select_n3A_600 : vector<1024xi1>, vector<1024xi32>
    %get3A_687 = arith.constant 2048 : index
    %get3A_688 = arith.constant 0 : index
    %get3A_689 = vector.load %arg4[%get3A_687, %get3A_688] : memref<8192x32xf32, #tpu.memory_space<vmem>>, vector<256x32xf32>
    %dot_general3A_690 = arith.constant dense<0.000000e+00> : vector<256x1024xf32>
    %dot_general3A_691 = tpu.matmul %get3A_689, %div3A_8, %dot_general3A_690 {dimension_numbers = #tpu.dot_dimension_numbers<[1], [1], [0], [0], [0, 0, 1, 0], [], []>, transpose_lhs_hint = false} : vector<256x32xf32>, vector<1024x32xf32>, vector<256x1024xf32> -> vector<256x1024xf32>
    %iota3A_692 = tpu.iota {dimensions = array<i32: 0>} : vector<256x1024xi32>
    %add3A_693 = arith.constant 2048 : i32
    %add3A_694 = vector.broadcast %add3A_693 : i32 to vector<256x1024xi32>
    %add3A_695 = arith.addi %iota3A_692, %add3A_694 : vector<256x1024xi32>
    %slice3A_696 = vector.extract_strided_slice %dot_general3A_691 {offsets = [128, 0], sizes = [128, 1024], strides = [1, 1]} : vector<256x1024xf32> to vector<128x1024xf32>
    %slice3A_697 = vector.extract_strided_slice %dot_general3A_691 {offsets = [0, 0], sizes = [128, 1024], strides = [1, 1]} : vector<256x1024xf32> to vector<128x1024xf32>
    %gt3A_698 = arith.cmpf ogt, %slice3A_696, %slice3A_697 : vector<128x1024xf32>
    %slice3A_699 = vector.extract_strided_slice %dot_general3A_691 {offsets = [128, 0], sizes = [128, 1024], strides = [1, 1]} : vector<256x1024xf32> to vector<128x1024xf32>
    %slice3A_700 = vector.extract_strided_slice %dot_general3A_691 {offsets = [0, 0], sizes = [128, 1024], strides = [1, 1]} : vector<256x1024xf32> to vector<128x1024xf32>
    %select_n3A_701 = arith.select %gt3A_698, %slice3A_699, %slice3A_700 : vector<128x1024xi1>, vector<128x1024xf32>
    %slice3A_702 = vector.extract_strided_slice %add3A_695 {offsets = [128, 0], sizes = [128, 1024], strides = [1, 1]} : vector<256x1024xi32> to vector<128x1024xi32>
    %slice3A_703 = vector.extract_strided_slice %add3A_695 {offsets = [0, 0], sizes = [128, 1024], strides = [1, 1]} : vector<256x1024xi32> to vector<128x1024xi32>
    %select_n3A_704 = arith.select %gt3A_698, %slice3A_702, %slice3A_703 : vector<128x1024xi1>, vector<128x1024xi32>
    %slice3A_705 = vector.extract_strided_slice %select_n3A_701 {offsets = [64, 0], sizes = [64, 1024], strides = [1, 1]} : vector<128x1024xf32> to vector<64x1024xf32>
    %slice3A_706 = vector.extract_strided_slice %select_n3A_701 {offsets = [0, 0], sizes = [64, 1024], strides = [1, 1]} : vector<128x1024xf32> to vector<64x1024xf32>
    %gt3A_707 = arith.cmpf ogt, %slice3A_705, %slice3A_706 : vector<64x1024xf32>
    %slice3A_708 = vector.extract_strided_slice %select_n3A_701 {offsets = [64, 0], sizes = [64, 1024], strides = [1, 1]} : vector<128x1024xf32> to vector<64x1024xf32>
    %slice3A_709 = vector.extract_strided_slice %select_n3A_701 {offsets = [0, 0], sizes = [64, 1024], strides = [1, 1]} : vector<128x1024xf32> to vector<64x1024xf32>
    %select_n3A_710 = arith.select %gt3A_707, %slice3A_708, %slice3A_709 : vector<64x1024xi1>, vector<64x1024xf32>
    %slice3A_711 = vector.extract_strided_slice %select_n3A_704 {offsets = [64, 0], sizes = [64, 1024], strides = [1, 1]} : vector<128x1024xi32> to vector<64x1024xi32>
    %slice3A_712 = vector.extract_strided_slice %select_n3A_704 {offsets = [0, 0], sizes = [64, 1024], strides = [1, 1]} : vector<128x1024xi32> to vector<64x1024xi32>
    %select_n3A_713 = arith.select %gt3A_707, %slice3A_711, %slice3A_712 : vector<64x1024xi1>, vector<64x1024xi32>
    %slice3A_714 = vector.extract_strided_slice %select_n3A_710 {offsets = [32, 0], sizes = [32, 1024], strides = [1, 1]} : vector<64x1024xf32> to vector<32x1024xf32>
    %slice3A_715 = vector.extract_strided_slice %select_n3A_710 {offsets = [0, 0], sizes = [32, 1024], strides = [1, 1]} : vector<64x1024xf32> to vector<32x1024xf32>
    %gt3A_716 = arith.cmpf ogt, %slice3A_714, %slice3A_715 : vector<32x1024xf32>
    %slice3A_717 = vector.extract_strided_slice %select_n3A_710 {offsets = [32, 0], sizes = [32, 1024], strides = [1, 1]} : vector<64x1024xf32> to vector<32x1024xf32>
    %slice3A_718 = vector.extract_strided_slice %select_n3A_710 {offsets = [0, 0], sizes = [32, 1024], strides = [1, 1]} : vector<64x1024xf32> to vector<32x1024xf32>
    %select_n3A_719 = arith.select %gt3A_716, %slice3A_717, %slice3A_718 : vector<32x1024xi1>, vector<32x1024xf32>
    %slice3A_720 = vector.extract_strided_slice %select_n3A_713 {offsets = [32, 0], sizes = [32, 1024], strides = [1, 1]} : vector<64x1024xi32> to vector<32x1024xi32>
    %slice3A_721 = vector.extract_strided_slice %select_n3A_713 {offsets = [0, 0], sizes = [32, 1024], strides = [1, 1]} : vector<64x1024xi32> to vector<32x1024xi32>
    %select_n3A_722 = arith.select %gt3A_716, %slice3A_720, %slice3A_721 : vector<32x1024xi1>, vector<32x1024xi32>
    %slice3A_723 = vector.extract_strided_slice %select_n3A_719 {offsets = [16, 0], sizes = [16, 1024], strides = [1, 1]} : vector<32x1024xf32> to vector<16x1024xf32>
    %slice3A_724 = vector.extract_strided_slice %select_n3A_719 {offsets = [0, 0], sizes = [16, 1024], strides = [1, 1]} : vector<32x1024xf32> to vector<16x1024xf32>
    %gt3A_725 = arith.cmpf ogt, %slice3A_723, %slice3A_724 : vector<16x1024xf32>
    %slice3A_726 = vector.extract_strided_slice %select_n3A_719 {offsets = [16, 0], sizes = [16, 1024], strides = [1, 1]} : vector<32x1024xf32> to vector<16x1024xf32>
    %slice3A_727 = vector.extract_strided_slice %select_n3A_719 {offsets = [0, 0], sizes = [16, 1024], strides = [1, 1]} : vector<32x1024xf32> to vector<16x1024xf32>
    %select_n3A_728 = arith.select %gt3A_725, %slice3A_726, %slice3A_727 : vector<16x1024xi1>, vector<16x1024xf32>
    %slice3A_729 = vector.extract_strided_slice %select_n3A_722 {offsets = [16, 0], sizes = [16, 1024], strides = [1, 1]} : vector<32x1024xi32> to vector<16x1024xi32>
    %slice3A_730 = vector.extract_strided_slice %select_n3A_722 {offsets = [0, 0], sizes = [16, 1024], strides = [1, 1]} : vector<32x1024xi32> to vector<16x1024xi32>
    %select_n3A_731 = arith.select %gt3A_725, %slice3A_729, %slice3A_730 : vector<16x1024xi1>, vector<16x1024xi32>
    %slice3A_732 = vector.extract_strided_slice %select_n3A_728 {offsets = [8, 0], sizes = [8, 1024], strides = [1, 1]} : vector<16x1024xf32> to vector<8x1024xf32>
    %slice3A_733 = vector.extract_strided_slice %select_n3A_728 {offsets = [0, 0], sizes = [8, 1024], strides = [1, 1]} : vector<16x1024xf32> to vector<8x1024xf32>
    %gt3A_734 = arith.cmpf ogt, %slice3A_732, %slice3A_733 : vector<8x1024xf32>
    %slice3A_735 = vector.extract_strided_slice %select_n3A_728 {offsets = [8, 0], sizes = [8, 1024], strides = [1, 1]} : vector<16x1024xf32> to vector<8x1024xf32>
    %slice3A_736 = vector.extract_strided_slice %select_n3A_728 {offsets = [0, 0], sizes = [8, 1024], strides = [1, 1]} : vector<16x1024xf32> to vector<8x1024xf32>
    %select_n3A_737 = arith.select %gt3A_734, %slice3A_735, %slice3A_736 : vector<8x1024xi1>, vector<8x1024xf32>
    %slice3A_738 = vector.extract_strided_slice %select_n3A_731 {offsets = [8, 0], sizes = [8, 1024], strides = [1, 1]} : vector<16x1024xi32> to vector<8x1024xi32>
    %slice3A_739 = vector.extract_strided_slice %select_n3A_731 {offsets = [0, 0], sizes = [8, 1024], strides = [1, 1]} : vector<16x1024xi32> to vector<8x1024xi32>
    %select_n3A_740 = arith.select %gt3A_734, %slice3A_738, %slice3A_739 : vector<8x1024xi1>, vector<8x1024xi32>
    %slice3A_741 = vector.extract_strided_slice %select_n3A_737 {offsets = [4, 0], sizes = [4, 1024], strides = [1, 1]} : vector<8x1024xf32> to vector<4x1024xf32>
    %slice3A_742 = vector.extract_strided_slice %select_n3A_737 {offsets = [0, 0], sizes = [4, 1024], strides = [1, 1]} : vector<8x1024xf32> to vector<4x1024xf32>
    %gt3A_743 = arith.cmpf ogt, %slice3A_741, %slice3A_742 : vector<4x1024xf32>
    %slice3A_744 = vector.extract_strided_slice %select_n3A_737 {offsets = [4, 0], sizes = [4, 1024], strides = [1, 1]} : vector<8x1024xf32> to vector<4x1024xf32>
    %slice3A_745 = vector.extract_strided_slice %select_n3A_737 {offsets = [0, 0], sizes = [4, 1024], strides = [1, 1]} : vector<8x1024xf32> to vector<4x1024xf32>
    %select_n3A_746 = arith.select %gt3A_743, %slice3A_744, %slice3A_745 : vector<4x1024xi1>, vector<4x1024xf32>
    %slice3A_747 = vector.extract_strided_slice %select_n3A_740 {offsets = [4, 0], sizes = [4, 1024], strides = [1, 1]} : vector<8x1024xi32> to vector<4x1024xi32>
    %slice3A_748 = vector.extract_strided_slice %select_n3A_740 {offsets = [0, 0], sizes = [4, 1024], strides = [1, 1]} : vector<8x1024xi32> to vector<4x1024xi32>
    %select_n3A_749 = arith.select %gt3A_743, %slice3A_747, %slice3A_748 : vector<4x1024xi1>, vector<4x1024xi32>
    %slice3A_750 = vector.extract_strided_slice %select_n3A_746 {offsets = [2, 0], sizes = [2, 1024], strides = [1, 1]} : vector<4x1024xf32> to vector<2x1024xf32>
    %slice3A_751 = vector.extract_strided_slice %select_n3A_746 {offsets = [0, 0], sizes = [2, 1024], strides = [1, 1]} : vector<4x1024xf32> to vector<2x1024xf32>
    %gt3A_752 = arith.cmpf ogt, %slice3A_750, %slice3A_751 : vector<2x1024xf32>
    %slice3A_753 = vector.extract_strided_slice %select_n3A_746 {offsets = [2, 0], sizes = [2, 1024], strides = [1, 1]} : vector<4x1024xf32> to vector<2x1024xf32>
    %slice3A_754 = vector.extract_strided_slice %select_n3A_746 {offsets = [0, 0], sizes = [2, 1024], strides = [1, 1]} : vector<4x1024xf32> to vector<2x1024xf32>
    %select_n3A_755 = arith.select %gt3A_752, %slice3A_753, %slice3A_754 : vector<2x1024xi1>, vector<2x1024xf32>
    %slice3A_756 = vector.extract_strided_slice %select_n3A_749 {offsets = [2, 0], sizes = [2, 1024], strides = [1, 1]} : vector<4x1024xi32> to vector<2x1024xi32>
    %slice3A_757 = vector.extract_strided_slice %select_n3A_749 {offsets = [0, 0], sizes = [2, 1024], strides = [1, 1]} : vector<4x1024xi32> to vector<2x1024xi32>
    %select_n3A_758 = arith.select %gt3A_752, %slice3A_756, %slice3A_757 : vector<2x1024xi1>, vector<2x1024xi32>
    %slice3A_759 = vector.extract_strided_slice %select_n3A_755 {offsets = [1, 0], sizes = [1, 1024], strides = [1, 1]} : vector<2x1024xf32> to vector<1x1024xf32>
    %slice3A_760 = vector.extract_strided_slice %select_n3A_755 {offsets = [0, 0], sizes = [1, 1024], strides = [1, 1]} : vector<2x1024xf32> to vector<1x1024xf32>
    %gt3A_761 = arith.cmpf ogt, %slice3A_759, %slice3A_760 : vector<1x1024xf32>
    %slice3A_762 = vector.extract_strided_slice %select_n3A_755 {offsets = [1, 0], sizes = [1, 1024], strides = [1, 1]} : vector<2x1024xf32> to vector<1x1024xf32>
    %slice3A_763 = vector.extract_strided_slice %select_n3A_755 {offsets = [0, 0], sizes = [1, 1024], strides = [1, 1]} : vector<2x1024xf32> to vector<1x1024xf32>
    %select_n3A_764 = arith.select %gt3A_761, %slice3A_762, %slice3A_763 : vector<1x1024xi1>, vector<1x1024xf32>
    %slice3A_765 = vector.extract_strided_slice %select_n3A_758 {offsets = [1, 0], sizes = [1, 1024], strides = [1, 1]} : vector<2x1024xi32> to vector<1x1024xi32>
    %slice3A_766 = vector.extract_strided_slice %select_n3A_758 {offsets = [0, 0], sizes = [1, 1024], strides = [1, 1]} : vector<2x1024xi32> to vector<1x1024xi32>
    %select_n3A_767 = arith.select %gt3A_761, %slice3A_765, %slice3A_766 : vector<1x1024xi1>, vector<1x1024xi32>
    %squeeze3A_768 = vector.shape_cast %select_n3A_764 : vector<1x1024xf32> to vector<1024xf32>
    %squeeze3A_769 = vector.shape_cast %select_n3A_767 : vector<1x1024xi32> to vector<1024xi32>
    %gt3A_770 = arith.cmpf ogt, %squeeze3A_768, %select_n3A_685 : vector<1024xf32>
    %select_n3A_771 = arith.select %gt3A_770, %squeeze3A_768, %select_n3A_685 : vector<1024xi1>, vector<1024xf32>
    %select_n3A_772 = arith.select %gt3A_770, %squeeze3A_769, %select_n3A_686 : vector<1024xi1>, vector<1024xi32>
    %get3A_773 = arith.constant 2304 : index
    %get3A_774 = arith.constant 0 : index
    %get3A_775 = vector.load %arg4[%get3A_773, %get3A_774] : memref<8192x32xf32, #tpu.memory_space<vmem>>, vector<256x32xf32>
    %dot_general3A_776 = arith.constant dense<0.000000e+00> : vector<256x1024xf32>
    %dot_general3A_777 = tpu.matmul %get3A_775, %div3A_8, %dot_general3A_776 {dimension_numbers = #tpu.dot_dimension_numbers<[1], [1], [0], [0], [0, 0, 1, 0], [], []>, transpose_lhs_hint = false} : vector<256x32xf32>, vector<1024x32xf32>, vector<256x1024xf32> -> vector<256x1024xf32>
    %iota3A_778 = tpu.iota {dimensions = array<i32: 0>} : vector<256x1024xi32>
    %add3A_779 = arith.constant 2304 : i32
    %add3A_780 = vector.broadcast %add3A_779 : i32 to vector<256x1024xi32>
    %add3A_781 = arith.addi %iota3A_778, %add3A_780 : vector<256x1024xi32>
    %slice3A_782 = vector.extract_strided_slice %dot_general3A_777 {offsets = [128, 0], sizes = [128, 1024], strides = [1, 1]} : vector<256x1024xf32> to vector<128x1024xf32>
    %slice3A_783 = vector.extract_strided_slice %dot_general3A_777 {offsets = [0, 0], sizes = [128, 1024], strides = [1, 1]} : vector<256x1024xf32> to vector<128x1024xf32>
    %gt3A_784 = arith.cmpf ogt, %slice3A_782, %slice3A_783 : vector<128x1024xf32>
    %slice3A_785 = vector.extract_strided_slice %dot_general3A_777 {offsets = [128, 0], sizes = [128, 1024], strides = [1, 1]} : vector<256x1024xf32> to vector<128x1024xf32>
    %slice3A_786 = vector.extract_strided_slice %dot_general3A_777 {offsets = [0, 0], sizes = [128, 1024], strides = [1, 1]} : vector<256x1024xf32> to vector<128x1024xf32>
    %select_n3A_787 = arith.select %gt3A_784, %slice3A_785, %slice3A_786 : vector<128x1024xi1>, vector<128x1024xf32>
    %slice3A_788 = vector.extract_strided_slice %add3A_781 {offsets = [128, 0], sizes = [128, 1024], strides = [1, 1]} : vector<256x1024xi32> to vector<128x1024xi32>
    %slice3A_789 = vector.extract_strided_slice %add3A_781 {offsets = [0, 0], sizes = [128, 1024], strides = [1, 1]} : vector<256x1024xi32> to vector<128x1024xi32>
    %select_n3A_790 = arith.select %gt3A_784, %slice3A_788, %slice3A_789 : vector<128x1024xi1>, vector<128x1024xi32>
    %slice3A_791 = vector.extract_strided_slice %select_n3A_787 {offsets = [64, 0], sizes = [64, 1024], strides = [1, 1]} : vector<128x1024xf32> to vector<64x1024xf32>
    %slice3A_792 = vector.extract_strided_slice %select_n3A_787 {offsets = [0, 0], sizes = [64, 1024], strides = [1, 1]} : vector<128x1024xf32> to vector<64x1024xf32>
    %gt3A_793 = arith.cmpf ogt, %slice3A_791, %slice3A_792 : vector<64x1024xf32>
    %slice3A_794 = vector.extract_strided_slice %select_n3A_787 {offsets = [64, 0], sizes = [64, 1024], strides = [1, 1]} : vector<128x1024xf32> to vector<64x1024xf32>
    %slice3A_795 = vector.extract_strided_slice %select_n3A_787 {offsets = [0, 0], sizes = [64, 1024], strides = [1, 1]} : vector<128x1024xf32> to vector<64x1024xf32>
    %select_n3A_796 = arith.select %gt3A_793, %slice3A_794, %slice3A_795 : vector<64x1024xi1>, vector<64x1024xf32>
    %slice3A_797 = vector.extract_strided_slice %select_n3A_790 {offsets = [64, 0], sizes = [64, 1024], strides = [1, 1]} : vector<128x1024xi32> to vector<64x1024xi32>
    %slice3A_798 = vector.extract_strided_slice %select_n3A_790 {offsets = [0, 0], sizes = [64, 1024], strides = [1, 1]} : vector<128x1024xi32> to vector<64x1024xi32>
    %select_n3A_799 = arith.select %gt3A_793, %slice3A_797, %slice3A_798 : vector<64x1024xi1>, vector<64x1024xi32>
    %slice3A_800 = vector.extract_strided_slice %select_n3A_796 {offsets = [32, 0], sizes = [32, 1024], strides = [1, 1]} : vector<64x1024xf32> to vector<32x1024xf32>
    %slice3A_801 = vector.extract_strided_slice %select_n3A_796 {offsets = [0, 0], sizes = [32, 1024], strides = [1, 1]} : vector<64x1024xf32> to vector<32x1024xf32>
    %gt3A_802 = arith.cmpf ogt, %slice3A_800, %slice3A_801 : vector<32x1024xf32>
    %slice3A_803 = vector.extract_strided_slice %select_n3A_796 {offsets = [32, 0], sizes = [32, 1024], strides = [1, 1]} : vector<64x1024xf32> to vector<32x1024xf32>
    %slice3A_804 = vector.extract_strided_slice %select_n3A_796 {offsets = [0, 0], sizes = [32, 1024], strides = [1, 1]} : vector<64x1024xf32> to vector<32x1024xf32>
    %select_n3A_805 = arith.select %gt3A_802, %slice3A_803, %slice3A_804 : vector<32x1024xi1>, vector<32x1024xf32>
    %slice3A_806 = vector.extract_strided_slice %select_n3A_799 {offsets = [32, 0], sizes = [32, 1024], strides = [1, 1]} : vector<64x1024xi32> to vector<32x1024xi32>
    %slice3A_807 = vector.extract_strided_slice %select_n3A_799 {offsets = [0, 0], sizes = [32, 1024], strides = [1, 1]} : vector<64x1024xi32> to vector<32x1024xi32>
    %select_n3A_808 = arith.select %gt3A_802, %slice3A_806, %slice3A_807 : vector<32x1024xi1>, vector<32x1024xi32>
    %slice3A_809 = vector.extract_strided_slice %select_n3A_805 {offsets = [16, 0], sizes = [16, 1024], strides = [1, 1]} : vector<32x1024xf32> to vector<16x1024xf32>
    %slice3A_810 = vector.extract_strided_slice %select_n3A_805 {offsets = [0, 0], sizes = [16, 1024], strides = [1, 1]} : vector<32x1024xf32> to vector<16x1024xf32>
    %gt3A_811 = arith.cmpf ogt, %slice3A_809, %slice3A_810 : vector<16x1024xf32>
    %slice3A_812 = vector.extract_strided_slice %select_n3A_805 {offsets = [16, 0], sizes = [16, 1024], strides = [1, 1]} : vector<32x1024xf32> to vector<16x1024xf32>
    %slice3A_813 = vector.extract_strided_slice %select_n3A_805 {offsets = [0, 0], sizes = [16, 1024], strides = [1, 1]} : vector<32x1024xf32> to vector<16x1024xf32>
    %select_n3A_814 = arith.select %gt3A_811, %slice3A_812, %slice3A_813 : vector<16x1024xi1>, vector<16x1024xf32>
    %slice3A_815 = vector.extract_strided_slice %select_n3A_808 {offsets = [16, 0], sizes = [16, 1024], strides = [1, 1]} : vector<32x1024xi32> to vector<16x1024xi32>
    %slice3A_816 = vector.extract_strided_slice %select_n3A_808 {offsets = [0, 0], sizes = [16, 1024], strides = [1, 1]} : vector<32x1024xi32> to vector<16x1024xi32>
    %select_n3A_817 = arith.select %gt3A_811, %slice3A_815, %slice3A_816 : vector<16x1024xi1>, vector<16x1024xi32>
    %slice3A_818 = vector.extract_strided_slice %select_n3A_814 {offsets = [8, 0], sizes = [8, 1024], strides = [1, 1]} : vector<16x1024xf32> to vector<8x1024xf32>
    %slice3A_819 = vector.extract_strided_slice %select_n3A_814 {offsets = [0, 0], sizes = [8, 1024], strides = [1, 1]} : vector<16x1024xf32> to vector<8x1024xf32>
    %gt3A_820 = arith.cmpf ogt, %slice3A_818, %slice3A_819 : vector<8x1024xf32>
    %slice3A_821 = vector.extract_strided_slice %select_n3A_814 {offsets = [8, 0], sizes = [8, 1024], strides = [1, 1]} : vector<16x1024xf32> to vector<8x1024xf32>
    %slice3A_822 = vector.extract_strided_slice %select_n3A_814 {offsets = [0, 0], sizes = [8, 1024], strides = [1, 1]} : vector<16x1024xf32> to vector<8x1024xf32>
    %select_n3A_823 = arith.select %gt3A_820, %slice3A_821, %slice3A_822 : vector<8x1024xi1>, vector<8x1024xf32>
    %slice3A_824 = vector.extract_strided_slice %select_n3A_817 {offsets = [8, 0], sizes = [8, 1024], strides = [1, 1]} : vector<16x1024xi32> to vector<8x1024xi32>
    %slice3A_825 = vector.extract_strided_slice %select_n3A_817 {offsets = [0, 0], sizes = [8, 1024], strides = [1, 1]} : vector<16x1024xi32> to vector<8x1024xi32>
    %select_n3A_826 = arith.select %gt3A_820, %slice3A_824, %slice3A_825 : vector<8x1024xi1>, vector<8x1024xi32>
    %slice3A_827 = vector.extract_strided_slice %select_n3A_823 {offsets = [4, 0], sizes = [4, 1024], strides = [1, 1]} : vector<8x1024xf32> to vector<4x1024xf32>
    %slice3A_828 = vector.extract_strided_slice %select_n3A_823 {offsets = [0, 0], sizes = [4, 1024], strides = [1, 1]} : vector<8x1024xf32> to vector<4x1024xf32>
    %gt3A_829 = arith.cmpf ogt, %slice3A_827, %slice3A_828 : vector<4x1024xf32>
    %slice3A_830 = vector.extract_strided_slice %select_n3A_823 {offsets = [4, 0], sizes = [4, 1024], strides = [1, 1]} : vector<8x1024xf32> to vector<4x1024xf32>
    %slice3A_831 = vector.extract_strided_slice %select_n3A_823 {offsets = [0, 0], sizes = [4, 1024], strides = [1, 1]} : vector<8x1024xf32> to vector<4x1024xf32>
    %select_n3A_832 = arith.select %gt3A_829, %slice3A_830, %slice3A_831 : vector<4x1024xi1>, vector<4x1024xf32>
    %slice3A_833 = vector.extract_strided_slice %select_n3A_826 {offsets = [4, 0], sizes = [4, 1024], strides = [1, 1]} : vector<8x1024xi32> to vector<4x1024xi32>
    %slice3A_834 = vector.extract_strided_slice %select_n3A_826 {offsets = [0, 0], sizes = [4, 1024], strides = [1, 1]} : vector<8x1024xi32> to vector<4x1024xi32>
    %select_n3A_835 = arith.select %gt3A_829, %slice3A_833, %slice3A_834 : vector<4x1024xi1>, vector<4x1024xi32>
    %slice3A_836 = vector.extract_strided_slice %select_n3A_832 {offsets = [2, 0], sizes = [2, 1024], strides = [1, 1]} : vector<4x1024xf32> to vector<2x1024xf32>
    %slice3A_837 = vector.extract_strided_slice %select_n3A_832 {offsets = [0, 0], sizes = [2, 1024], strides = [1, 1]} : vector<4x1024xf32> to vector<2x1024xf32>
    %gt3A_838 = arith.cmpf ogt, %slice3A_836, %slice3A_837 : vector<2x1024xf32>
    %slice3A_839 = vector.extract_strided_slice %select_n3A_832 {offsets = [2, 0], sizes = [2, 1024], strides = [1, 1]} : vector<4x1024xf32> to vector<2x1024xf32>
    %slice3A_840 = vector.extract_strided_slice %select_n3A_832 {offsets = [0, 0], sizes = [2, 1024], strides = [1, 1]} : vector<4x1024xf32> to vector<2x1024xf32>
    %select_n3A_841 = arith.select %gt3A_838, %slice3A_839, %slice3A_840 : vector<2x1024xi1>, vector<2x1024xf32>
    %slice3A_842 = vector.extract_strided_slice %select_n3A_835 {offsets = [2, 0], sizes = [2, 1024], strides = [1, 1]} : vector<4x1024xi32> to vector<2x1024xi32>
    %slice3A_843 = vector.extract_strided_slice %select_n3A_835 {offsets = [0, 0], sizes = [2, 1024], strides = [1, 1]} : vector<4x1024xi32> to vector<2x1024xi32>
    %select_n3A_844 = arith.select %gt3A_838, %slice3A_842, %slice3A_843 : vector<2x1024xi1>, vector<2x1024xi32>
    %slice3A_845 = vector.extract_strided_slice %select_n3A_841 {offsets = [1, 0], sizes = [1, 1024], strides = [1, 1]} : vector<2x1024xf32> to vector<1x1024xf32>
    %slice3A_846 = vector.extract_strided_slice %select_n3A_841 {offsets = [0, 0], sizes = [1, 1024], strides = [1, 1]} : vector<2x1024xf32> to vector<1x1024xf32>
    %gt3A_847 = arith.cmpf ogt, %slice3A_845, %slice3A_846 : vector<1x1024xf32>
    %slice3A_848 = vector.extract_strided_slice %select_n3A_841 {offsets = [1, 0], sizes = [1, 1024], strides = [1, 1]} : vector<2x1024xf32> to vector<1x1024xf32>
    %slice3A_849 = vector.extract_strided_slice %select_n3A_841 {offsets = [0, 0], sizes = [1, 1024], strides = [1, 1]} : vector<2x1024xf32> to vector<1x1024xf32>
    %select_n3A_850 = arith.select %gt3A_847, %slice3A_848, %slice3A_849 : vector<1x1024xi1>, vector<1x1024xf32>
    %slice3A_851 = vector.extract_strided_slice %select_n3A_844 {offsets = [1, 0], sizes = [1, 1024], strides = [1, 1]} : vector<2x1024xi32> to vector<1x1024xi32>
    %slice3A_852 = vector.extract_strided_slice %select_n3A_844 {offsets = [0, 0], sizes = [1, 1024], strides = [1, 1]} : vector<2x1024xi32> to vector<1x1024xi32>
    %select_n3A_853 = arith.select %gt3A_847, %slice3A_851, %slice3A_852 : vector<1x1024xi1>, vector<1x1024xi32>
    %squeeze3A_854 = vector.shape_cast %select_n3A_850 : vector<1x1024xf32> to vector<1024xf32>
    %squeeze3A_855 = vector.shape_cast %select_n3A_853 : vector<1x1024xi32> to vector<1024xi32>
    %gt3A_856 = arith.cmpf ogt, %squeeze3A_854, %select_n3A_771 : vector<1024xf32>
    %select_n3A_857 = arith.select %gt3A_856, %squeeze3A_854, %select_n3A_771 : vector<1024xi1>, vector<1024xf32>
    %select_n3A_858 = arith.select %gt3A_856, %squeeze3A_855, %select_n3A_772 : vector<1024xi1>, vector<1024xi32>
    %get3A_859 = arith.constant 2560 : index
    %get3A_860 = arith.constant 0 : index
    %get3A_861 = vector.load %arg4[%get3A_859, %get3A_860] : memref<8192x32xf32, #tpu.memory_space<vmem>>, vector<256x32xf32>
    %dot_general3A_862 = arith.constant dense<0.000000e+00> : vector<256x1024xf32>
    %dot_general3A_863 = tpu.matmul %get3A_861, %div3A_8, %dot_general3A_862 {dimension_numbers = #tpu.dot_dimension_numbers<[1], [1], [0], [0], [0, 0, 1, 0], [], []>, transpose_lhs_hint = false} : vector<256x32xf32>, vector<1024x32xf32>, vector<256x1024xf32> -> vector<256x1024xf32>
    %iota3A_864 = tpu.iota {dimensions = array<i32: 0>} : vector<256x1024xi32>
    %add3A_865 = arith.constant 2560 : i32
    %add3A_866 = vector.broadcast %add3A_865 : i32 to vector<256x1024xi32>
    %add3A_867 = arith.addi %iota3A_864, %add3A_866 : vector<256x1024xi32>
    %slice3A_868 = vector.extract_strided_slice %dot_general3A_863 {offsets = [128, 0], sizes = [128, 1024], strides = [1, 1]} : vector<256x1024xf32> to vector<128x1024xf32>
    %slice3A_869 = vector.extract_strided_slice %dot_general3A_863 {offsets = [0, 0], sizes = [128, 1024], strides = [1, 1]} : vector<256x1024xf32> to vector<128x1024xf32>
    %gt3A_870 = arith.cmpf ogt, %slice3A_868, %slice3A_869 : vector<128x1024xf32>
    %slice3A_871 = vector.extract_strided_slice %dot_general3A_863 {offsets = [128, 0], sizes = [128, 1024], strides = [1, 1]} : vector<256x1024xf32> to vector<128x1024xf32>
    %slice3A_872 = vector.extract_strided_slice %dot_general3A_863 {offsets = [0, 0], sizes = [128, 1024], strides = [1, 1]} : vector<256x1024xf32> to vector<128x1024xf32>
    %select_n3A_873 = arith.select %gt3A_870, %slice3A_871, %slice3A_872 : vector<128x1024xi1>, vector<128x1024xf32>
    %slice3A_874 = vector.extract_strided_slice %add3A_867 {offsets = [128, 0], sizes = [128, 1024], strides = [1, 1]} : vector<256x1024xi32> to vector<128x1024xi32>
    %slice3A_875 = vector.extract_strided_slice %add3A_867 {offsets = [0, 0], sizes = [128, 1024], strides = [1, 1]} : vector<256x1024xi32> to vector<128x1024xi32>
    %select_n3A_876 = arith.select %gt3A_870, %slice3A_874, %slice3A_875 : vector<128x1024xi1>, vector<128x1024xi32>
    %slice3A_877 = vector.extract_strided_slice %select_n3A_873 {offsets = [64, 0], sizes = [64, 1024], strides = [1, 1]} : vector<128x1024xf32> to vector<64x1024xf32>
    %slice3A_878 = vector.extract_strided_slice %select_n3A_873 {offsets = [0, 0], sizes = [64, 1024], strides = [1, 1]} : vector<128x1024xf32> to vector<64x1024xf32>
    %gt3A_879 = arith.cmpf ogt, %slice3A_877, %slice3A_878 : vector<64x1024xf32>
    %slice3A_880 = vector.extract_strided_slice %select_n3A_873 {offsets = [64, 0], sizes = [64, 1024], strides = [1, 1]} : vector<128x1024xf32> to vector<64x1024xf32>
    %slice3A_881 = vector.extract_strided_slice %select_n3A_873 {offsets = [0, 0], sizes = [64, 1024], strides = [1, 1]} : vector<128x1024xf32> to vector<64x1024xf32>
    %select_n3A_882 = arith.select %gt3A_879, %slice3A_880, %slice3A_881 : vector<64x1024xi1>, vector<64x1024xf32>
    %slice3A_883 = vector.extract_strided_slice %select_n3A_876 {offsets = [64, 0], sizes = [64, 1024], strides = [1, 1]} : vector<128x1024xi32> to vector<64x1024xi32>
    %slice3A_884 = vector.extract_strided_slice %select_n3A_876 {offsets = [0, 0], sizes = [64, 1024], strides = [1, 1]} : vector<128x1024xi32> to vector<64x1024xi32>
    %select_n3A_885 = arith.select %gt3A_879, %slice3A_883, %slice3A_884 : vector<64x1024xi1>, vector<64x1024xi32>
    %slice3A_886 = vector.extract_strided_slice %select_n3A_882 {offsets = [32, 0], sizes = [32, 1024], strides = [1, 1]} : vector<64x1024xf32> to vector<32x1024xf32>
    %slice3A_887 = vector.extract_strided_slice %select_n3A_882 {offsets = [0, 0], sizes = [32, 1024], strides = [1, 1]} : vector<64x1024xf32> to vector<32x1024xf32>
    %gt3A_888 = arith.cmpf ogt, %slice3A_886, %slice3A_887 : vector<32x1024xf32>
    %slice3A_889 = vector.extract_strided_slice %select_n3A_882 {offsets = [32, 0], sizes = [32, 1024], strides = [1, 1]} : vector<64x1024xf32> to vector<32x1024xf32>
    %slice3A_890 = vector.extract_strided_slice %select_n3A_882 {offsets = [0, 0], sizes = [32, 1024], strides = [1, 1]} : vector<64x1024xf32> to vector<32x1024xf32>
    %select_n3A_891 = arith.select %gt3A_888, %slice3A_889, %slice3A_890 : vector<32x1024xi1>, vector<32x1024xf32>
    %slice3A_892 = vector.extract_strided_slice %select_n3A_885 {offsets = [32, 0], sizes = [32, 1024], strides = [1, 1]} : vector<64x1024xi32> to vector<32x1024xi32>
    %slice3A_893 = vector.extract_strided_slice %select_n3A_885 {offsets = [0, 0], sizes = [32, 1024], strides = [1, 1]} : vector<64x1024xi32> to vector<32x1024xi32>
    %select_n3A_894 = arith.select %gt3A_888, %slice3A_892, %slice3A_893 : vector<32x1024xi1>, vector<32x1024xi32>
    %slice3A_895 = vector.extract_strided_slice %select_n3A_891 {offsets = [16, 0], sizes = [16, 1024], strides = [1, 1]} : vector<32x1024xf32> to vector<16x1024xf32>
    %slice3A_896 = vector.extract_strided_slice %select_n3A_891 {offsets = [0, 0], sizes = [16, 1024], strides = [1, 1]} : vector<32x1024xf32> to vector<16x1024xf32>
    %gt3A_897 = arith.cmpf ogt, %slice3A_895, %slice3A_896 : vector<16x1024xf32>
    %slice3A_898 = vector.extract_strided_slice %select_n3A_891 {offsets = [16, 0], sizes = [16, 1024], strides = [1, 1]} : vector<32x1024xf32> to vector<16x1024xf32>
    %slice3A_899 = vector.extract_strided_slice %select_n3A_891 {offsets = [0, 0], sizes = [16, 1024], strides = [1, 1]} : vector<32x1024xf32> to vector<16x1024xf32>
    %select_n3A_900 = arith.select %gt3A_897, %slice3A_898, %slice3A_899 : vector<16x1024xi1>, vector<16x1024xf32>
    %slice3A_901 = vector.extract_strided_slice %select_n3A_894 {offsets = [16, 0], sizes = [16, 1024], strides = [1, 1]} : vector<32x1024xi32> to vector<16x1024xi32>
    %slice3A_902 = vector.extract_strided_slice %select_n3A_894 {offsets = [0, 0], sizes = [16, 1024], strides = [1, 1]} : vector<32x1024xi32> to vector<16x1024xi32>
    %select_n3A_903 = arith.select %gt3A_897, %slice3A_901, %slice3A_902 : vector<16x1024xi1>, vector<16x1024xi32>
    %slice3A_904 = vector.extract_strided_slice %select_n3A_900 {offsets = [8, 0], sizes = [8, 1024], strides = [1, 1]} : vector<16x1024xf32> to vector<8x1024xf32>
    %slice3A_905 = vector.extract_strided_slice %select_n3A_900 {offsets = [0, 0], sizes = [8, 1024], strides = [1, 1]} : vector<16x1024xf32> to vector<8x1024xf32>
    %gt3A_906 = arith.cmpf ogt, %slice3A_904, %slice3A_905 : vector<8x1024xf32>
    %slice3A_907 = vector.extract_strided_slice %select_n3A_900 {offsets = [8, 0], sizes = [8, 1024], strides = [1, 1]} : vector<16x1024xf32> to vector<8x1024xf32>
    %slice3A_908 = vector.extract_strided_slice %select_n3A_900 {offsets = [0, 0], sizes = [8, 1024], strides = [1, 1]} : vector<16x1024xf32> to vector<8x1024xf32>
    %select_n3A_909 = arith.select %gt3A_906, %slice3A_907, %slice3A_908 : vector<8x1024xi1>, vector<8x1024xf32>
    %slice3A_910 = vector.extract_strided_slice %select_n3A_903 {offsets = [8, 0], sizes = [8, 1024], strides = [1, 1]} : vector<16x1024xi32> to vector<8x1024xi32>
    %slice3A_911 = vector.extract_strided_slice %select_n3A_903 {offsets = [0, 0], sizes = [8, 1024], strides = [1, 1]} : vector<16x1024xi32> to vector<8x1024xi32>
    %select_n3A_912 = arith.select %gt3A_906, %slice3A_910, %slice3A_911 : vector<8x1024xi1>, vector<8x1024xi32>
    %slice3A_913 = vector.extract_strided_slice %select_n3A_909 {offsets = [4, 0], sizes = [4, 1024], strides = [1, 1]} : vector<8x1024xf32> to vector<4x1024xf32>
    %slice3A_914 = vector.extract_strided_slice %select_n3A_909 {offsets = [0, 0], sizes = [4, 1024], strides = [1, 1]} : vector<8x1024xf32> to vector<4x1024xf32>
    %gt3A_915 = arith.cmpf ogt, %slice3A_913, %slice3A_914 : vector<4x1024xf32>
    %slice3A_916 = vector.extract_strided_slice %select_n3A_909 {offsets = [4, 0], sizes = [4, 1024], strides = [1, 1]} : vector<8x1024xf32> to vector<4x1024xf32>
    %slice3A_917 = vector.extract_strided_slice %select_n3A_909 {offsets = [0, 0], sizes = [4, 1024], strides = [1, 1]} : vector<8x1024xf32> to vector<4x1024xf32>
    %select_n3A_918 = arith.select %gt3A_915, %slice3A_916, %slice3A_917 : vector<4x1024xi1>, vector<4x1024xf32>
    %slice3A_919 = vector.extract_strided_slice %select_n3A_912 {offsets = [4, 0], sizes = [4, 1024], strides = [1, 1]} : vector<8x1024xi32> to vector<4x1024xi32>
    %slice3A_920 = vector.extract_strided_slice %select_n3A_912 {offsets = [0, 0], sizes = [4, 1024], strides = [1, 1]} : vector<8x1024xi32> to vector<4x1024xi32>
    %select_n3A_921 = arith.select %gt3A_915, %slice3A_919, %slice3A_920 : vector<4x1024xi1>, vector<4x1024xi32>
    %slice3A_922 = vector.extract_strided_slice %select_n3A_918 {offsets = [2, 0], sizes = [2, 1024], strides = [1, 1]} : vector<4x1024xf32> to vector<2x1024xf32>
    %slice3A_923 = vector.extract_strided_slice %select_n3A_918 {offsets = [0, 0], sizes = [2, 1024], strides = [1, 1]} : vector<4x1024xf32> to vector<2x1024xf32>
    %gt3A_924 = arith.cmpf ogt, %slice3A_922, %slice3A_923 : vector<2x1024xf32>
    %slice3A_925 = vector.extract_strided_slice %select_n3A_918 {offsets = [2, 0], sizes = [2, 1024], strides = [1, 1]} : vector<4x1024xf32> to vector<2x1024xf32>
    %slice3A_926 = vector.extract_strided_slice %select_n3A_918 {offsets = [0, 0], sizes = [2, 1024], strides = [1, 1]} : vector<4x1024xf32> to vector<2x1024xf32>
    %select_n3A_927 = arith.select %gt3A_924, %slice3A_925, %slice3A_926 : vector<2x1024xi1>, vector<2x1024xf32>
    %slice3A_928 = vector.extract_strided_slice %select_n3A_921 {offsets = [2, 0], sizes = [2, 1024], strides = [1, 1]} : vector<4x1024xi32> to vector<2x1024xi32>
    %slice3A_929 = vector.extract_strided_slice %select_n3A_921 {offsets = [0, 0], sizes = [2, 1024], strides = [1, 1]} : vector<4x1024xi32> to vector<2x1024xi32>
    %select_n3A_930 = arith.select %gt3A_924, %slice3A_928, %slice3A_929 : vector<2x1024xi1>, vector<2x1024xi32>
    %slice3A_931 = vector.extract_strided_slice %select_n3A_927 {offsets = [1, 0], sizes = [1, 1024], strides = [1, 1]} : vector<2x1024xf32> to vector<1x1024xf32>
    %slice3A_932 = vector.extract_strided_slice %select_n3A_927 {offsets = [0, 0], sizes = [1, 1024], strides = [1, 1]} : vector<2x1024xf32> to vector<1x1024xf32>
    %gt3A_933 = arith.cmpf ogt, %slice3A_931, %slice3A_932 : vector<1x1024xf32>
    %slice3A_934 = vector.extract_strided_slice %select_n3A_927 {offsets = [1, 0], sizes = [1, 1024], strides = [1, 1]} : vector<2x1024xf32> to vector<1x1024xf32>
    %slice3A_935 = vector.extract_strided_slice %select_n3A_927 {offsets = [0, 0], sizes = [1, 1024], strides = [1, 1]} : vector<2x1024xf32> to vector<1x1024xf32>
    %select_n3A_936 = arith.select %gt3A_933, %slice3A_934, %slice3A_935 : vector<1x1024xi1>, vector<1x1024xf32>
    %slice3A_937 = vector.extract_strided_slice %select_n3A_930 {offsets = [1, 0], sizes = [1, 1024], strides = [1, 1]} : vector<2x1024xi32> to vector<1x1024xi32>
    %slice3A_938 = vector.extract_strided_slice %select_n3A_930 {offsets = [0, 0], sizes = [1, 1024], strides = [1, 1]} : vector<2x1024xi32> to vector<1x1024xi32>
    %select_n3A_939 = arith.select %gt3A_933, %slice3A_937, %slice3A_938 : vector<1x1024xi1>, vector<1x1024xi32>
    %squeeze3A_940 = vector.shape_cast %select_n3A_936 : vector<1x1024xf32> to vector<1024xf32>
    %squeeze3A_941 = vector.shape_cast %select_n3A_939 : vector<1x1024xi32> to vector<1024xi32>
    %gt3A_942 = arith.cmpf ogt, %squeeze3A_940, %select_n3A_857 : vector<1024xf32>
    %select_n3A_943 = arith.select %gt3A_942, %squeeze3A_940, %select_n3A_857 : vector<1024xi1>, vector<1024xf32>
    %select_n3A_944 = arith.select %gt3A_942, %squeeze3A_941, %select_n3A_858 : vector<1024xi1>, vector<1024xi32>
    %get3A_945 = arith.constant 2816 : index
    %get3A_946 = arith.constant 0 : index
    %get3A_947 = vector.load %arg4[%get3A_945, %get3A_946] : memref<8192x32xf32, #tpu.memory_space<vmem>>, vector<256x32xf32>
    %dot_general3A_948 = arith.constant dense<0.000000e+00> : vector<256x1024xf32>
    %dot_general3A_949 = tpu.matmul %get3A_947, %div3A_8, %dot_general3A_948 {dimension_numbers = #tpu.dot_dimension_numbers<[1], [1], [0], [0], [0, 0, 1, 0], [], []>, transpose_lhs_hint = false} : vector<256x32xf32>, vector<1024x32xf32>, vector<256x1024xf32> -> vector<256x1024xf32>
    %iota3A_950 = tpu.iota {dimensions = array<i32: 0>} : vector<256x1024xi32>
    %add3A_951 = arith.constant 2816 : i32
    %add3A_952 = vector.broadcast %add3A_951 : i32 to vector<256x1024xi32>
    %add3A_953 = arith.addi %iota3A_950, %add3A_952 : vector<256x1024xi32>
    %slice3A_954 = vector.extract_strided_slice %dot_general3A_949 {offsets = [128, 0], sizes = [128, 1024], strides = [1, 1]} : vector<256x1024xf32> to vector<128x1024xf32>
    %slice3A_955 = vector.extract_strided_slice %dot_general3A_949 {offsets = [0, 0], sizes = [128, 1024], strides = [1, 1]} : vector<256x1024xf32> to vector<128x1024xf32>
    %gt3A_956 = arith.cmpf ogt, %slice3A_954, %slice3A_955 : vector<128x1024xf32>
    %slice3A_957 = vector.extract_strided_slice %dot_general3A_949 {offsets = [128, 0], sizes = [128, 1024], strides = [1, 1]} : vector<256x1024xf32> to vector<128x1024xf32>
    %slice3A_958 = vector.extract_strided_slice %dot_general3A_949 {offsets = [0, 0], sizes = [128, 1024], strides = [1, 1]} : vector<256x1024xf32> to vector<128x1024xf32>
    %select_n3A_959 = arith.select %gt3A_956, %slice3A_957, %slice3A_958 : vector<128x1024xi1>, vector<128x1024xf32>
    %slice3A_960 = vector.extract_strided_slice %add3A_953 {offsets = [128, 0], sizes = [128, 1024], strides = [1, 1]} : vector<256x1024xi32> to vector<128x1024xi32>
    %slice3A_961 = vector.extract_strided_slice %add3A_953 {offsets = [0, 0], sizes = [128, 1024], strides = [1, 1]} : vector<256x1024xi32> to vector<128x1024xi32>
    %select_n3A_962 = arith.select %gt3A_956, %slice3A_960, %slice3A_961 : vector<128x1024xi1>, vector<128x1024xi32>
    %slice3A_963 = vector.extract_strided_slice %select_n3A_959 {offsets = [64, 0], sizes = [64, 1024], strides = [1, 1]} : vector<128x1024xf32> to vector<64x1024xf32>
    %slice3A_964 = vector.extract_strided_slice %select_n3A_959 {offsets = [0, 0], sizes = [64, 1024], strides = [1, 1]} : vector<128x1024xf32> to vector<64x1024xf32>
    %gt3A_965 = arith.cmpf ogt, %slice3A_963, %slice3A_964 : vector<64x1024xf32>
    %slice3A_966 = vector.extract_strided_slice %select_n3A_959 {offsets = [64, 0], sizes = [64, 1024], strides = [1, 1]} : vector<128x1024xf32> to vector<64x1024xf32>
    %slice3A_967 = vector.extract_strided_slice %select_n3A_959 {offsets = [0, 0], sizes = [64, 1024], strides = [1, 1]} : vector<128x1024xf32> to vector<64x1024xf32>
    %select_n3A_968 = arith.select %gt3A_965, %slice3A_966, %slice3A_967 : vector<64x1024xi1>, vector<64x1024xf32>
    %slice3A_969 = vector.extract_strided_slice %select_n3A_962 {offsets = [64, 0], sizes = [64, 1024], strides = [1, 1]} : vector<128x1024xi32> to vector<64x1024xi32>
    %slice3A_970 = vector.extract_strided_slice %select_n3A_962 {offsets = [0, 0], sizes = [64, 1024], strides = [1, 1]} : vector<128x1024xi32> to vector<64x1024xi32>
    %select_n3A_971 = arith.select %gt3A_965, %slice3A_969, %slice3A_970 : vector<64x1024xi1>, vector<64x1024xi32>
    %slice3A_972 = vector.extract_strided_slice %select_n3A_968 {offsets = [32, 0], sizes = [32, 1024], strides = [1, 1]} : vector<64x1024xf32> to vector<32x1024xf32>
    %slice3A_973 = vector.extract_strided_slice %select_n3A_968 {offsets = [0, 0], sizes = [32, 1024], strides = [1, 1]} : vector<64x1024xf32> to vector<32x1024xf32>
    %gt3A_974 = arith.cmpf ogt, %slice3A_972, %slice3A_973 : vector<32x1024xf32>
    %slice3A_975 = vector.extract_strided_slice %select_n3A_968 {offsets = [32, 0], sizes = [32, 1024], strides = [1, 1]} : vector<64x1024xf32> to vector<32x1024xf32>
    %slice3A_976 = vector.extract_strided_slice %select_n3A_968 {offsets = [0, 0], sizes = [32, 1024], strides = [1, 1]} : vector<64x1024xf32> to vector<32x1024xf32>
    %select_n3A_977 = arith.select %gt3A_974, %slice3A_975, %slice3A_976 : vector<32x1024xi1>, vector<32x1024xf32>
    %slice3A_978 = vector.extract_strided_slice %select_n3A_971 {offsets = [32, 0], sizes = [32, 1024], strides = [1, 1]} : vector<64x1024xi32> to vector<32x1024xi32>
    %slice3A_979 = vector.extract_strided_slice %select_n3A_971 {offsets = [0, 0], sizes = [32, 1024], strides = [1, 1]} : vector<64x1024xi32> to vector<32x1024xi32>
    %select_n3A_980 = arith.select %gt3A_974, %slice3A_978, %slice3A_979 : vector<32x1024xi1>, vector<32x1024xi32>
    %slice3A_981 = vector.extract_strided_slice %select_n3A_977 {offsets = [16, 0], sizes = [16, 1024], strides = [1, 1]} : vector<32x1024xf32> to vector<16x1024xf32>
    %slice3A_982 = vector.extract_strided_slice %select_n3A_977 {offsets = [0, 0], sizes = [16, 1024], strides = [1, 1]} : vector<32x1024xf32> to vector<16x1024xf32>
    %gt3A_983 = arith.cmpf ogt, %slice3A_981, %slice3A_982 : vector<16x1024xf32>
    %slice3A_984 = vector.extract_strided_slice %select_n3A_977 {offsets = [16, 0], sizes = [16, 1024], strides = [1, 1]} : vector<32x1024xf32> to vector<16x1024xf32>
    %slice3A_985 = vector.extract_strided_slice %select_n3A_977 {offsets = [0, 0], sizes = [16, 1024], strides = [1, 1]} : vector<32x1024xf32> to vector<16x1024xf32>
    %select_n3A_986 = arith.select %gt3A_983, %slice3A_984, %slice3A_985 : vector<16x1024xi1>, vector<16x1024xf32>
    %slice3A_987 = vector.extract_strided_slice %select_n3A_980 {offsets = [16, 0], sizes = [16, 1024], strides = [1, 1]} : vector<32x1024xi32> to vector<16x1024xi32>
    %slice3A_988 = vector.extract_strided_slice %select_n3A_980 {offsets = [0, 0], sizes = [16, 1024], strides = [1, 1]} : vector<32x1024xi32> to vector<16x1024xi32>
    %select_n3A_989 = arith.select %gt3A_983, %slice3A_987, %slice3A_988 : vector<16x1024xi1>, vector<16x1024xi32>
    %slice3A_990 = vector.extract_strided_slice %select_n3A_986 {offsets = [8, 0], sizes = [8, 1024], strides = [1, 1]} : vector<16x1024xf32> to vector<8x1024xf32>
    %slice3A_991 = vector.extract_strided_slice %select_n3A_986 {offsets = [0, 0], sizes = [8, 1024], strides = [1, 1]} : vector<16x1024xf32> to vector<8x1024xf32>
    %gt3A_992 = arith.cmpf ogt, %slice3A_990, %slice3A_991 : vector<8x1024xf32>
    %slice3A_993 = vector.extract_strided_slice %select_n3A_986 {offsets = [8, 0], sizes = [8, 1024], strides = [1, 1]} : vector<16x1024xf32> to vector<8x1024xf32>
    %slice3A_994 = vector.extract_strided_slice %select_n3A_986 {offsets = [0, 0], sizes = [8, 1024], strides = [1, 1]} : vector<16x1024xf32> to vector<8x1024xf32>
    %select_n3A_995 = arith.select %gt3A_992, %slice3A_993, %slice3A_994 : vector<8x1024xi1>, vector<8x1024xf32>
    %slice3A_996 = vector.extract_strided_slice %select_n3A_989 {offsets = [8, 0], sizes = [8, 1024], strides = [1, 1]} : vector<16x1024xi32> to vector<8x1024xi32>
    %slice3A_997 = vector.extract_strided_slice %select_n3A_989 {offsets = [0, 0], sizes = [8, 1024], strides = [1, 1]} : vector<16x1024xi32> to vector<8x1024xi32>
    %select_n3A_998 = arith.select %gt3A_992, %slice3A_996, %slice3A_997 : vector<8x1024xi1>, vector<8x1024xi32>
    %slice3A_999 = vector.extract_strided_slice %select_n3A_995 {offsets = [4, 0], sizes = [4, 1024], strides = [1, 1]} : vector<8x1024xf32> to vector<4x1024xf32>
    %slice3A_1000 = vector.extract_strided_slice %select_n3A_995 {offsets = [0, 0], sizes = [4, 1024], strides = [1, 1]} : vector<8x1024xf32> to vector<4x1024xf32>
    %gt3A_1001 = arith.cmpf ogt, %slice3A_999, %slice3A_1000 : vector<4x1024xf32>
    %slice3A_1002 = vector.extract_strided_slice %select_n3A_995 {offsets = [4, 0], sizes = [4, 1024], strides = [1, 1]} : vector<8x1024xf32> to vector<4x1024xf32>
    %slice3A_1003 = vector.extract_strided_slice %select_n3A_995 {offsets = [0, 0], sizes = [4, 1024], strides = [1, 1]} : vector<8x1024xf32> to vector<4x1024xf32>
    %select_n3A_1004 = arith.select %gt3A_1001, %slice3A_1002, %slice3A_1003 : vector<4x1024xi1>, vector<4x1024xf32>
    %slice3A_1005 = vector.extract_strided_slice %select_n3A_998 {offsets = [4, 0], sizes = [4, 1024], strides = [1, 1]} : vector<8x1024xi32> to vector<4x1024xi32>
    %slice3A_1006 = vector.extract_strided_slice %select_n3A_998 {offsets = [0, 0], sizes = [4, 1024], strides = [1, 1]} : vector<8x1024xi32> to vector<4x1024xi32>
    %select_n3A_1007 = arith.select %gt3A_1001, %slice3A_1005, %slice3A_1006 : vector<4x1024xi1>, vector<4x1024xi32>
    %slice3A_1008 = vector.extract_strided_slice %select_n3A_1004 {offsets = [2, 0], sizes = [2, 1024], strides = [1, 1]} : vector<4x1024xf32> to vector<2x1024xf32>
    %slice3A_1009 = vector.extract_strided_slice %select_n3A_1004 {offsets = [0, 0], sizes = [2, 1024], strides = [1, 1]} : vector<4x1024xf32> to vector<2x1024xf32>
    %gt3A_1010 = arith.cmpf ogt, %slice3A_1008, %slice3A_1009 : vector<2x1024xf32>
    %slice3A_1011 = vector.extract_strided_slice %select_n3A_1004 {offsets = [2, 0], sizes = [2, 1024], strides = [1, 1]} : vector<4x1024xf32> to vector<2x1024xf32>
    %slice3A_1012 = vector.extract_strided_slice %select_n3A_1004 {offsets = [0, 0], sizes = [2, 1024], strides = [1, 1]} : vector<4x1024xf32> to vector<2x1024xf32>
    %select_n3A_1013 = arith.select %gt3A_1010, %slice3A_1011, %slice3A_1012 : vector<2x1024xi1>, vector<2x1024xf32>
    %slice3A_1014 = vector.extract_strided_slice %select_n3A_1007 {offsets = [2, 0], sizes = [2, 1024], strides = [1, 1]} : vector<4x1024xi32> to vector<2x1024xi32>
    %slice3A_1015 = vector.extract_strided_slice %select_n3A_1007 {offsets = [0, 0], sizes = [2, 1024], strides = [1, 1]} : vector<4x1024xi32> to vector<2x1024xi32>
    %select_n3A_1016 = arith.select %gt3A_1010, %slice3A_1014, %slice3A_1015 : vector<2x1024xi1>, vector<2x1024xi32>
    %slice3A_1017 = vector.extract_strided_slice %select_n3A_1013 {offsets = [1, 0], sizes = [1, 1024], strides = [1, 1]} : vector<2x1024xf32> to vector<1x1024xf32>
    %slice3A_1018 = vector.extract_strided_slice %select_n3A_1013 {offsets = [0, 0], sizes = [1, 1024], strides = [1, 1]} : vector<2x1024xf32> to vector<1x1024xf32>
    %gt3A_1019 = arith.cmpf ogt, %slice3A_1017, %slice3A_1018 : vector<1x1024xf32>
    %slice3A_1020 = vector.extract_strided_slice %select_n3A_1013 {offsets = [1, 0], sizes = [1, 1024], strides = [1, 1]} : vector<2x1024xf32> to vector<1x1024xf32>
    %slice3A_1021 = vector.extract_strided_slice %select_n3A_1013 {offsets = [0, 0], sizes = [1, 1024], strides = [1, 1]} : vector<2x1024xf32> to vector<1x1024xf32>
    %select_n3A_1022 = arith.select %gt3A_1019, %slice3A_1020, %slice3A_1021 : vector<1x1024xi1>, vector<1x1024xf32>
    %slice3A_1023 = vector.extract_strided_slice %select_n3A_1016 {offsets = [1, 0], sizes = [1, 1024], strides = [1, 1]} : vector<2x1024xi32> to vector<1x1024xi32>
    %slice3A_1024 = vector.extract_strided_slice %select_n3A_1016 {offsets = [0, 0], sizes = [1, 1024], strides = [1, 1]} : vector<2x1024xi32> to vector<1x1024xi32>
    %select_n3A_1025 = arith.select %gt3A_1019, %slice3A_1023, %slice3A_1024 : vector<1x1024xi1>, vector<1x1024xi32>
    %squeeze3A_1026 = vector.shape_cast %select_n3A_1022 : vector<1x1024xf32> to vector<1024xf32>
    %squeeze3A_1027 = vector.shape_cast %select_n3A_1025 : vector<1x1024xi32> to vector<1024xi32>
    %gt3A_1028 = arith.cmpf ogt, %squeeze3A_1026, %select_n3A_943 : vector<1024xf32>
    %select_n3A_1029 = arith.select %gt3A_1028, %squeeze3A_1026, %select_n3A_943 : vector<1024xi1>, vector<1024xf32>
    %select_n3A_1030 = arith.select %gt3A_1028, %squeeze3A_1027, %select_n3A_944 : vector<1024xi1>, vector<1024xi32>
    %get3A_1031 = arith.constant 3072 : index
    %get3A_1032 = arith.constant 0 : index
    %get3A_1033 = vector.load %arg4[%get3A_1031, %get3A_1032] : memref<8192x32xf32, #tpu.memory_space<vmem>>, vector<256x32xf32>
    %dot_general3A_1034 = arith.constant dense<0.000000e+00> : vector<256x1024xf32>
    %dot_general3A_1035 = tpu.matmul %get3A_1033, %div3A_8, %dot_general3A_1034 {dimension_numbers = #tpu.dot_dimension_numbers<[1], [1], [0], [0], [0, 0, 1, 0], [], []>, transpose_lhs_hint = false} : vector<256x32xf32>, vector<1024x32xf32>, vector<256x1024xf32> -> vector<256x1024xf32>
    %iota3A_1036 = tpu.iota {dimensions = array<i32: 0>} : vector<256x1024xi32>
    %add3A_1037 = arith.constant 3072 : i32
    %add3A_1038 = vector.broadcast %add3A_1037 : i32 to vector<256x1024xi32>
    %add3A_1039 = arith.addi %iota3A_1036, %add3A_1038 : vector<256x1024xi32>
    %slice3A_1040 = vector.extract_strided_slice %dot_general3A_1035 {offsets = [128, 0], sizes = [128, 1024], strides = [1, 1]} : vector<256x1024xf32> to vector<128x1024xf32>
    %slice3A_1041 = vector.extract_strided_slice %dot_general3A_1035 {offsets = [0, 0], sizes = [128, 1024], strides = [1, 1]} : vector<256x1024xf32> to vector<128x1024xf32>
    %gt3A_1042 = arith.cmpf ogt, %slice3A_1040, %slice3A_1041 : vector<128x1024xf32>
    %slice3A_1043 = vector.extract_strided_slice %dot_general3A_1035 {offsets = [128, 0], sizes = [128, 1024], strides = [1, 1]} : vector<256x1024xf32> to vector<128x1024xf32>
    %slice3A_1044 = vector.extract_strided_slice %dot_general3A_1035 {offsets = [0, 0], sizes = [128, 1024], strides = [1, 1]} : vector<256x1024xf32> to vector<128x1024xf32>
    %select_n3A_1045 = arith.select %gt3A_1042, %slice3A_1043, %slice3A_1044 : vector<128x1024xi1>, vector<128x1024xf32>
    %slice3A_1046 = vector.extract_strided_slice %add3A_1039 {offsets = [128, 0], sizes = [128, 1024], strides = [1, 1]} : vector<256x1024xi32> to vector<128x1024xi32>
    %slice3A_1047 = vector.extract_strided_slice %add3A_1039 {offsets = [0, 0], sizes = [128, 1024], strides = [1, 1]} : vector<256x1024xi32> to vector<128x1024xi32>
    %select_n3A_1048 = arith.select %gt3A_1042, %slice3A_1046, %slice3A_1047 : vector<128x1024xi1>, vector<128x1024xi32>
    %slice3A_1049 = vector.extract_strided_slice %select_n3A_1045 {offsets = [64, 0], sizes = [64, 1024], strides = [1, 1]} : vector<128x1024xf32> to vector<64x1024xf32>
    %slice3A_1050 = vector.extract_strided_slice %select_n3A_1045 {offsets = [0, 0], sizes = [64, 1024], strides = [1, 1]} : vector<128x1024xf32> to vector<64x1024xf32>
    %gt3A_1051 = arith.cmpf ogt, %slice3A_1049, %slice3A_1050 : vector<64x1024xf32>
    %slice3A_1052 = vector.extract_strided_slice %select_n3A_1045 {offsets = [64, 0], sizes = [64, 1024], strides = [1, 1]} : vector<128x1024xf32> to vector<64x1024xf32>
    %slice3A_1053 = vector.extract_strided_slice %select_n3A_1045 {offsets = [0, 0], sizes = [64, 1024], strides = [1, 1]} : vector<128x1024xf32> to vector<64x1024xf32>
    %select_n3A_1054 = arith.select %gt3A_1051, %slice3A_1052, %slice3A_1053 : vector<64x1024xi1>, vector<64x1024xf32>
    %slice3A_1055 = vector.extract_strided_slice %select_n3A_1048 {offsets = [64, 0], sizes = [64, 1024], strides = [1, 1]} : vector<128x1024xi32> to vector<64x1024xi32>
    %slice3A_1056 = vector.extract_strided_slice %select_n3A_1048 {offsets = [0, 0], sizes = [64, 1024], strides = [1, 1]} : vector<128x1024xi32> to vector<64x1024xi32>
    %select_n3A_1057 = arith.select %gt3A_1051, %slice3A_1055, %slice3A_1056 : vector<64x1024xi1>, vector<64x1024xi32>
    %slice3A_1058 = vector.extract_strided_slice %select_n3A_1054 {offsets = [32, 0], sizes = [32, 1024], strides = [1, 1]} : vector<64x1024xf32> to vector<32x1024xf32>
    %slice3A_1059 = vector.extract_strided_slice %select_n3A_1054 {offsets = [0, 0], sizes = [32, 1024], strides = [1, 1]} : vector<64x1024xf32> to vector<32x1024xf32>
    %gt3A_1060 = arith.cmpf ogt, %slice3A_1058, %slice3A_1059 : vector<32x1024xf32>
    %slice3A_1061 = vector.extract_strided_slice %select_n3A_1054 {offsets = [32, 0], sizes = [32, 1024], strides = [1, 1]} : vector<64x1024xf32> to vector<32x1024xf32>
    %slice3A_1062 = vector.extract_strided_slice %select_n3A_1054 {offsets = [0, 0], sizes = [32, 1024], strides = [1, 1]} : vector<64x1024xf32> to vector<32x1024xf32>
    %select_n3A_1063 = arith.select %gt3A_1060, %slice3A_1061, %slice3A_1062 : vector<32x1024xi1>, vector<32x1024xf32>
    %slice3A_1064 = vector.extract_strided_slice %select_n3A_1057 {offsets = [32, 0], sizes = [32, 1024], strides = [1, 1]} : vector<64x1024xi32> to vector<32x1024xi32>
    %slice3A_1065 = vector.extract_strided_slice %select_n3A_1057 {offsets = [0, 0], sizes = [32, 1024], strides = [1, 1]} : vector<64x1024xi32> to vector<32x1024xi32>
    %select_n3A_1066 = arith.select %gt3A_1060, %slice3A_1064, %slice3A_1065 : vector<32x1024xi1>, vector<32x1024xi32>
    %slice3A_1067 = vector.extract_strided_slice %select_n3A_1063 {offsets = [16, 0], sizes = [16, 1024], strides = [1, 1]} : vector<32x1024xf32> to vector<16x1024xf32>
    %slice3A_1068 = vector.extract_strided_slice %select_n3A_1063 {offsets = [0, 0], sizes = [16, 1024], strides = [1, 1]} : vector<32x1024xf32> to vector<16x1024xf32>
    %gt3A_1069 = arith.cmpf ogt, %slice3A_1067, %slice3A_1068 : vector<16x1024xf32>
    %slice3A_1070 = vector.extract_strided_slice %select_n3A_1063 {offsets = [16, 0], sizes = [16, 1024], strides = [1, 1]} : vector<32x1024xf32> to vector<16x1024xf32>
    %slice3A_1071 = vector.extract_strided_slice %select_n3A_1063 {offsets = [0, 0], sizes = [16, 1024], strides = [1, 1]} : vector<32x1024xf32> to vector<16x1024xf32>
    %select_n3A_1072 = arith.select %gt3A_1069, %slice3A_1070, %slice3A_1071 : vector<16x1024xi1>, vector<16x1024xf32>
    %slice3A_1073 = vector.extract_strided_slice %select_n3A_1066 {offsets = [16, 0], sizes = [16, 1024], strides = [1, 1]} : vector<32x1024xi32> to vector<16x1024xi32>
    %slice3A_1074 = vector.extract_strided_slice %select_n3A_1066 {offsets = [0, 0], sizes = [16, 1024], strides = [1, 1]} : vector<32x1024xi32> to vector<16x1024xi32>
    %select_n3A_1075 = arith.select %gt3A_1069, %slice3A_1073, %slice3A_1074 : vector<16x1024xi1>, vector<16x1024xi32>
    %slice3A_1076 = vector.extract_strided_slice %select_n3A_1072 {offsets = [8, 0], sizes = [8, 1024], strides = [1, 1]} : vector<16x1024xf32> to vector<8x1024xf32>
    %slice3A_1077 = vector.extract_strided_slice %select_n3A_1072 {offsets = [0, 0], sizes = [8, 1024], strides = [1, 1]} : vector<16x1024xf32> to vector<8x1024xf32>
    %gt3A_1078 = arith.cmpf ogt, %slice3A_1076, %slice3A_1077 : vector<8x1024xf32>
    %slice3A_1079 = vector.extract_strided_slice %select_n3A_1072 {offsets = [8, 0], sizes = [8, 1024], strides = [1, 1]} : vector<16x1024xf32> to vector<8x1024xf32>
    %slice3A_1080 = vector.extract_strided_slice %select_n3A_1072 {offsets = [0, 0], sizes = [8, 1024], strides = [1, 1]} : vector<16x1024xf32> to vector<8x1024xf32>
    %select_n3A_1081 = arith.select %gt3A_1078, %slice3A_1079, %slice3A_1080 : vector<8x1024xi1>, vector<8x1024xf32>
    %slice3A_1082 = vector.extract_strided_slice %select_n3A_1075 {offsets = [8, 0], sizes = [8, 1024], strides = [1, 1]} : vector<16x1024xi32> to vector<8x1024xi32>
    %slice3A_1083 = vector.extract_strided_slice %select_n3A_1075 {offsets = [0, 0], sizes = [8, 1024], strides = [1, 1]} : vector<16x1024xi32> to vector<8x1024xi32>
    %select_n3A_1084 = arith.select %gt3A_1078, %slice3A_1082, %slice3A_1083 : vector<8x1024xi1>, vector<8x1024xi32>
    %slice3A_1085 = vector.extract_strided_slice %select_n3A_1081 {offsets = [4, 0], sizes = [4, 1024], strides = [1, 1]} : vector<8x1024xf32> to vector<4x1024xf32>
    %slice3A_1086 = vector.extract_strided_slice %select_n3A_1081 {offsets = [0, 0], sizes = [4, 1024], strides = [1, 1]} : vector<8x1024xf32> to vector<4x1024xf32>
    %gt3A_1087 = arith.cmpf ogt, %slice3A_1085, %slice3A_1086 : vector<4x1024xf32>
    %slice3A_1088 = vector.extract_strided_slice %select_n3A_1081 {offsets = [4, 0], sizes = [4, 1024], strides = [1, 1]} : vector<8x1024xf32> to vector<4x1024xf32>
    %slice3A_1089 = vector.extract_strided_slice %select_n3A_1081 {offsets = [0, 0], sizes = [4, 1024], strides = [1, 1]} : vector<8x1024xf32> to vector<4x1024xf32>
    %select_n3A_1090 = arith.select %gt3A_1087, %slice3A_1088, %slice3A_1089 : vector<4x1024xi1>, vector<4x1024xf32>
    %slice3A_1091 = vector.extract_strided_slice %select_n3A_1084 {offsets = [4, 0], sizes = [4, 1024], strides = [1, 1]} : vector<8x1024xi32> to vector<4x1024xi32>
    %slice3A_1092 = vector.extract_strided_slice %select_n3A_1084 {offsets = [0, 0], sizes = [4, 1024], strides = [1, 1]} : vector<8x1024xi32> to vector<4x1024xi32>
    %select_n3A_1093 = arith.select %gt3A_1087, %slice3A_1091, %slice3A_1092 : vector<4x1024xi1>, vector<4x1024xi32>
    %slice3A_1094 = vector.extract_strided_slice %select_n3A_1090 {offsets = [2, 0], sizes = [2, 1024], strides = [1, 1]} : vector<4x1024xf32> to vector<2x1024xf32>
    %slice3A_1095 = vector.extract_strided_slice %select_n3A_1090 {offsets = [0, 0], sizes = [2, 1024], strides = [1, 1]} : vector<4x1024xf32> to vector<2x1024xf32>
    %gt3A_1096 = arith.cmpf ogt, %slice3A_1094, %slice3A_1095 : vector<2x1024xf32>
    %slice3A_1097 = vector.extract_strided_slice %select_n3A_1090 {offsets = [2, 0], sizes = [2, 1024], strides = [1, 1]} : vector<4x1024xf32> to vector<2x1024xf32>
    %slice3A_1098 = vector.extract_strided_slice %select_n3A_1090 {offsets = [0, 0], sizes = [2, 1024], strides = [1, 1]} : vector<4x1024xf32> to vector<2x1024xf32>
    %select_n3A_1099 = arith.select %gt3A_1096, %slice3A_1097, %slice3A_1098 : vector<2x1024xi1>, vector<2x1024xf32>
    %slice3A_1100 = vector.extract_strided_slice %select_n3A_1093 {offsets = [2, 0], sizes = [2, 1024], strides = [1, 1]} : vector<4x1024xi32> to vector<2x1024xi32>
    %slice3A_1101 = vector.extract_strided_slice %select_n3A_1093 {offsets = [0, 0], sizes = [2, 1024], strides = [1, 1]} : vector<4x1024xi32> to vector<2x1024xi32>
    %select_n3A_1102 = arith.select %gt3A_1096, %slice3A_1100, %slice3A_1101 : vector<2x1024xi1>, vector<2x1024xi32>
    %slice3A_1103 = vector.extract_strided_slice %select_n3A_1099 {offsets = [1, 0], sizes = [1, 1024], strides = [1, 1]} : vector<2x1024xf32> to vector<1x1024xf32>
    %slice3A_1104 = vector.extract_strided_slice %select_n3A_1099 {offsets = [0, 0], sizes = [1, 1024], strides = [1, 1]} : vector<2x1024xf32> to vector<1x1024xf32>
    %gt3A_1105 = arith.cmpf ogt, %slice3A_1103, %slice3A_1104 : vector<1x1024xf32>
    %slice3A_1106 = vector.extract_strided_slice %select_n3A_1099 {offsets = [1, 0], sizes = [1, 1024], strides = [1, 1]} : vector<2x1024xf32> to vector<1x1024xf32>
    %slice3A_1107 = vector.extract_strided_slice %select_n3A_1099 {offsets = [0, 0], sizes = [1, 1024], strides = [1, 1]} : vector<2x1024xf32> to vector<1x1024xf32>
    %select_n3A_1108 = arith.select %gt3A_1105, %slice3A_1106, %slice3A_1107 : vector<1x1024xi1>, vector<1x1024xf32>
    %slice3A_1109 = vector.extract_strided_slice %select_n3A_1102 {offsets = [1, 0], sizes = [1, 1024], strides = [1, 1]} : vector<2x1024xi32> to vector<1x1024xi32>
    %slice3A_1110 = vector.extract_strided_slice %select_n3A_1102 {offsets = [0, 0], sizes = [1, 1024], strides = [1, 1]} : vector<2x1024xi32> to vector<1x1024xi32>
    %select_n3A_1111 = arith.select %gt3A_1105, %slice3A_1109, %slice3A_1110 : vector<1x1024xi1>, vector<1x1024xi32>
    %squeeze3A_1112 = vector.shape_cast %select_n3A_1108 : vector<1x1024xf32> to vector<1024xf32>
    %squeeze3A_1113 = vector.shape_cast %select_n3A_1111 : vector<1x1024xi32> to vector<1024xi32>
    %gt3A_1114 = arith.cmpf ogt, %squeeze3A_1112, %select_n3A_1029 : vector<1024xf32>
    %select_n3A_1115 = arith.select %gt3A_1114, %squeeze3A_1112, %select_n3A_1029 : vector<1024xi1>, vector<1024xf32>
    %select_n3A_1116 = arith.select %gt3A_1114, %squeeze3A_1113, %select_n3A_1030 : vector<1024xi1>, vector<1024xi32>
    %get3A_1117 = arith.constant 3328 : index
    %get3A_1118 = arith.constant 0 : index
    %get3A_1119 = vector.load %arg4[%get3A_1117, %get3A_1118] : memref<8192x32xf32, #tpu.memory_space<vmem>>, vector<256x32xf32>
    %dot_general3A_1120 = arith.constant dense<0.000000e+00> : vector<256x1024xf32>
    %dot_general3A_1121 = tpu.matmul %get3A_1119, %div3A_8, %dot_general3A_1120 {dimension_numbers = #tpu.dot_dimension_numbers<[1], [1], [0], [0], [0, 0, 1, 0], [], []>, transpose_lhs_hint = false} : vector<256x32xf32>, vector<1024x32xf32>, vector<256x1024xf32> -> vector<256x1024xf32>
    %iota3A_1122 = tpu.iota {dimensions = array<i32: 0>} : vector<256x1024xi32>
    %add3A_1123 = arith.constant 3328 : i32
    %add3A_1124 = vector.broadcast %add3A_1123 : i32 to vector<256x1024xi32>
    %add3A_1125 = arith.addi %iota3A_1122, %add3A_1124 : vector<256x1024xi32>
    %slice3A_1126 = vector.extract_strided_slice %dot_general3A_1121 {offsets = [128, 0], sizes = [128, 1024], strides = [1, 1]} : vector<256x1024xf32> to vector<128x1024xf32>
    %slice3A_1127 = vector.extract_strided_slice %dot_general3A_1121 {offsets = [0, 0], sizes = [128, 1024], strides = [1, 1]} : vector<256x1024xf32> to vector<128x1024xf32>
    %gt3A_1128 = arith.cmpf ogt, %slice3A_1126, %slice3A_1127 : vector<128x1024xf32>
    %slice3A_1129 = vector.extract_strided_slice %dot_general3A_1121 {offsets = [128, 0], sizes = [128, 1024], strides = [1, 1]} : vector<256x1024xf32> to vector<128x1024xf32>
    %slice3A_1130 = vector.extract_strided_slice %dot_general3A_1121 {offsets = [0, 0], sizes = [128, 1024], strides = [1, 1]} : vector<256x1024xf32> to vector<128x1024xf32>
    %select_n3A_1131 = arith.select %gt3A_1128, %slice3A_1129, %slice3A_1130 : vector<128x1024xi1>, vector<128x1024xf32>
    %slice3A_1132 = vector.extract_strided_slice %add3A_1125 {offsets = [128, 0], sizes = [128, 1024], strides = [1, 1]} : vector<256x1024xi32> to vector<128x1024xi32>
    %slice3A_1133 = vector.extract_strided_slice %add3A_1125 {offsets = [0, 0], sizes = [128, 1024], strides = [1, 1]} : vector<256x1024xi32> to vector<128x1024xi32>
    %select_n3A_1134 = arith.select %gt3A_1128, %slice3A_1132, %slice3A_1133 : vector<128x1024xi1>, vector<128x1024xi32>
    %slice3A_1135 = vector.extract_strided_slice %select_n3A_1131 {offsets = [64, 0], sizes = [64, 1024], strides = [1, 1]} : vector<128x1024xf32> to vector<64x1024xf32>
    %slice3A_1136 = vector.extract_strided_slice %select_n3A_1131 {offsets = [0, 0], sizes = [64, 1024], strides = [1, 1]} : vector<128x1024xf32> to vector<64x1024xf32>
    %gt3A_1137 = arith.cmpf ogt, %slice3A_1135, %slice3A_1136 : vector<64x1024xf32>
    %slice3A_1138 = vector.extract_strided_slice %select_n3A_1131 {offsets = [64, 0], sizes = [64, 1024], strides = [1, 1]} : vector<128x1024xf32> to vector<64x1024xf32>
    %slice3A_1139 = vector.extract_strided_slice %select_n3A_1131 {offsets = [0, 0], sizes = [64, 1024], strides = [1, 1]} : vector<128x1024xf32> to vector<64x1024xf32>
    %select_n3A_1140 = arith.select %gt3A_1137, %slice3A_1138, %slice3A_1139 : vector<64x1024xi1>, vector<64x1024xf32>
    %slice3A_1141 = vector.extract_strided_slice %select_n3A_1134 {offsets = [64, 0], sizes = [64, 1024], strides = [1, 1]} : vector<128x1024xi32> to vector<64x1024xi32>
    %slice3A_1142 = vector.extract_strided_slice %select_n3A_1134 {offsets = [0, 0], sizes = [64, 1024], strides = [1, 1]} : vector<128x1024xi32> to vector<64x1024xi32>
    %select_n3A_1143 = arith.select %gt3A_1137, %slice3A_1141, %slice3A_1142 : vector<64x1024xi1>, vector<64x1024xi32>
    %slice3A_1144 = vector.extract_strided_slice %select_n3A_1140 {offsets = [32, 0], sizes = [32, 1024], strides = [1, 1]} : vector<64x1024xf32> to vector<32x1024xf32>
    %slice3A_1145 = vector.extract_strided_slice %select_n3A_1140 {offsets = [0, 0], sizes = [32, 1024], strides = [1, 1]} : vector<64x1024xf32> to vector<32x1024xf32>
    %gt3A_1146 = arith.cmpf ogt, %slice3A_1144, %slice3A_1145 : vector<32x1024xf32>
    %slice3A_1147 = vector.extract_strided_slice %select_n3A_1140 {offsets = [32, 0], sizes = [32, 1024], strides = [1, 1]} : vector<64x1024xf32> to vector<32x1024xf32>
    %slice3A_1148 = vector.extract_strided_slice %select_n3A_1140 {offsets = [0, 0], sizes = [32, 1024], strides = [1, 1]} : vector<64x1024xf32> to vector<32x1024xf32>
    %select_n3A_1149 = arith.select %gt3A_1146, %slice3A_1147, %slice3A_1148 : vector<32x1024xi1>, vector<32x1024xf32>
    %slice3A_1150 = vector.extract_strided_slice %select_n3A_1143 {offsets = [32, 0], sizes = [32, 1024], strides = [1, 1]} : vector<64x1024xi32> to vector<32x1024xi32>
    %slice3A_1151 = vector.extract_strided_slice %select_n3A_1143 {offsets = [0, 0], sizes = [32, 1024], strides = [1, 1]} : vector<64x1024xi32> to vector<32x1024xi32>
    %select_n3A_1152 = arith.select %gt3A_1146, %slice3A_1150, %slice3A_1151 : vector<32x1024xi1>, vector<32x1024xi32>
    %slice3A_1153 = vector.extract_strided_slice %select_n3A_1149 {offsets = [16, 0], sizes = [16, 1024], strides = [1, 1]} : vector<32x1024xf32> to vector<16x1024xf32>
    %slice3A_1154 = vector.extract_strided_slice %select_n3A_1149 {offsets = [0, 0], sizes = [16, 1024], strides = [1, 1]} : vector<32x1024xf32> to vector<16x1024xf32>
    %gt3A_1155 = arith.cmpf ogt, %slice3A_1153, %slice3A_1154 : vector<16x1024xf32>
    %slice3A_1156 = vector.extract_strided_slice %select_n3A_1149 {offsets = [16, 0], sizes = [16, 1024], strides = [1, 1]} : vector<32x1024xf32> to vector<16x1024xf32>
    %slice3A_1157 = vector.extract_strided_slice %select_n3A_1149 {offsets = [0, 0], sizes = [16, 1024], strides = [1, 1]} : vector<32x1024xf32> to vector<16x1024xf32>
    %select_n3A_1158 = arith.select %gt3A_1155, %slice3A_1156, %slice3A_1157 : vector<16x1024xi1>, vector<16x1024xf32>
    %slice3A_1159 = vector.extract_strided_slice %select_n3A_1152 {offsets = [16, 0], sizes = [16, 1024], strides = [1, 1]} : vector<32x1024xi32> to vector<16x1024xi32>
    %slice3A_1160 = vector.extract_strided_slice %select_n3A_1152 {offsets = [0, 0], sizes = [16, 1024], strides = [1, 1]} : vector<32x1024xi32> to vector<16x1024xi32>
    %select_n3A_1161 = arith.select %gt3A_1155, %slice3A_1159, %slice3A_1160 : vector<16x1024xi1>, vector<16x1024xi32>
    %slice3A_1162 = vector.extract_strided_slice %select_n3A_1158 {offsets = [8, 0], sizes = [8, 1024], strides = [1, 1]} : vector<16x1024xf32> to vector<8x1024xf32>
    %slice3A_1163 = vector.extract_strided_slice %select_n3A_1158 {offsets = [0, 0], sizes = [8, 1024], strides = [1, 1]} : vector<16x1024xf32> to vector<8x1024xf32>
    %gt3A_1164 = arith.cmpf ogt, %slice3A_1162, %slice3A_1163 : vector<8x1024xf32>
    %slice3A_1165 = vector.extract_strided_slice %select_n3A_1158 {offsets = [8, 0], sizes = [8, 1024], strides = [1, 1]} : vector<16x1024xf32> to vector<8x1024xf32>
    %slice3A_1166 = vector.extract_strided_slice %select_n3A_1158 {offsets = [0, 0], sizes = [8, 1024], strides = [1, 1]} : vector<16x1024xf32> to vector<8x1024xf32>
    %select_n3A_1167 = arith.select %gt3A_1164, %slice3A_1165, %slice3A_1166 : vector<8x1024xi1>, vector<8x1024xf32>
    %slice3A_1168 = vector.extract_strided_slice %select_n3A_1161 {offsets = [8, 0], sizes = [8, 1024], strides = [1, 1]} : vector<16x1024xi32> to vector<8x1024xi32>
    %slice3A_1169 = vector.extract_strided_slice %select_n3A_1161 {offsets = [0, 0], sizes = [8, 1024], strides = [1, 1]} : vector<16x1024xi32> to vector<8x1024xi32>
    %select_n3A_1170 = arith.select %gt3A_1164, %slice3A_1168, %slice3A_1169 : vector<8x1024xi1>, vector<8x1024xi32>
    %slice3A_1171 = vector.extract_strided_slice %select_n3A_1167 {offsets = [4, 0], sizes = [4, 1024], strides = [1, 1]} : vector<8x1024xf32> to vector<4x1024xf32>
    %slice3A_1172 = vector.extract_strided_slice %select_n3A_1167 {offsets = [0, 0], sizes = [4, 1024], strides = [1, 1]} : vector<8x1024xf32> to vector<4x1024xf32>
    %gt3A_1173 = arith.cmpf ogt, %slice3A_1171, %slice3A_1172 : vector<4x1024xf32>
    %slice3A_1174 = vector.extract_strided_slice %select_n3A_1167 {offsets = [4, 0], sizes = [4, 1024], strides = [1, 1]} : vector<8x1024xf32> to vector<4x1024xf32>
    %slice3A_1175 = vector.extract_strided_slice %select_n3A_1167 {offsets = [0, 0], sizes = [4, 1024], strides = [1, 1]} : vector<8x1024xf32> to vector<4x1024xf32>
    %select_n3A_1176 = arith.select %gt3A_1173, %slice3A_1174, %slice3A_1175 : vector<4x1024xi1>, vector<4x1024xf32>
    %slice3A_1177 = vector.extract_strided_slice %select_n3A_1170 {offsets = [4, 0], sizes = [4, 1024], strides = [1, 1]} : vector<8x1024xi32> to vector<4x1024xi32>
    %slice3A_1178 = vector.extract_strided_slice %select_n3A_1170 {offsets = [0, 0], sizes = [4, 1024], strides = [1, 1]} : vector<8x1024xi32> to vector<4x1024xi32>
    %select_n3A_1179 = arith.select %gt3A_1173, %slice3A_1177, %slice3A_1178 : vector<4x1024xi1>, vector<4x1024xi32>
    %slice3A_1180 = vector.extract_strided_slice %select_n3A_1176 {offsets = [2, 0], sizes = [2, 1024], strides = [1, 1]} : vector<4x1024xf32> to vector<2x1024xf32>
    %slice3A_1181 = vector.extract_strided_slice %select_n3A_1176 {offsets = [0, 0], sizes = [2, 1024], strides = [1, 1]} : vector<4x1024xf32> to vector<2x1024xf32>
    %gt3A_1182 = arith.cmpf ogt, %slice3A_1180, %slice3A_1181 : vector<2x1024xf32>
    %slice3A_1183 = vector.extract_strided_slice %select_n3A_1176 {offsets = [2, 0], sizes = [2, 1024], strides = [1, 1]} : vector<4x1024xf32> to vector<2x1024xf32>
    %slice3A_1184 = vector.extract_strided_slice %select_n3A_1176 {offsets = [0, 0], sizes = [2, 1024], strides = [1, 1]} : vector<4x1024xf32> to vector<2x1024xf32>
    %select_n3A_1185 = arith.select %gt3A_1182, %slice3A_1183, %slice3A_1184 : vector<2x1024xi1>, vector<2x1024xf32>
    %slice3A_1186 = vector.extract_strided_slice %select_n3A_1179 {offsets = [2, 0], sizes = [2, 1024], strides = [1, 1]} : vector<4x1024xi32> to vector<2x1024xi32>
    %slice3A_1187 = vector.extract_strided_slice %select_n3A_1179 {offsets = [0, 0], sizes = [2, 1024], strides = [1, 1]} : vector<4x1024xi32> to vector<2x1024xi32>
    %select_n3A_1188 = arith.select %gt3A_1182, %slice3A_1186, %slice3A_1187 : vector<2x1024xi1>, vector<2x1024xi32>
    %slice3A_1189 = vector.extract_strided_slice %select_n3A_1185 {offsets = [1, 0], sizes = [1, 1024], strides = [1, 1]} : vector<2x1024xf32> to vector<1x1024xf32>
    %slice3A_1190 = vector.extract_strided_slice %select_n3A_1185 {offsets = [0, 0], sizes = [1, 1024], strides = [1, 1]} : vector<2x1024xf32> to vector<1x1024xf32>
    %gt3A_1191 = arith.cmpf ogt, %slice3A_1189, %slice3A_1190 : vector<1x1024xf32>
    %slice3A_1192 = vector.extract_strided_slice %select_n3A_1185 {offsets = [1, 0], sizes = [1, 1024], strides = [1, 1]} : vector<2x1024xf32> to vector<1x1024xf32>
    %slice3A_1193 = vector.extract_strided_slice %select_n3A_1185 {offsets = [0, 0], sizes = [1, 1024], strides = [1, 1]} : vector<2x1024xf32> to vector<1x1024xf32>
    %select_n3A_1194 = arith.select %gt3A_1191, %slice3A_1192, %slice3A_1193 : vector<1x1024xi1>, vector<1x1024xf32>
    %slice3A_1195 = vector.extract_strided_slice %select_n3A_1188 {offsets = [1, 0], sizes = [1, 1024], strides = [1, 1]} : vector<2x1024xi32> to vector<1x1024xi32>
    %slice3A_1196 = vector.extract_strided_slice %select_n3A_1188 {offsets = [0, 0], sizes = [1, 1024], strides = [1, 1]} : vector<2x1024xi32> to vector<1x1024xi32>
    %select_n3A_1197 = arith.select %gt3A_1191, %slice3A_1195, %slice3A_1196 : vector<1x1024xi1>, vector<1x1024xi32>
    %squeeze3A_1198 = vector.shape_cast %select_n3A_1194 : vector<1x1024xf32> to vector<1024xf32>
    %squeeze3A_1199 = vector.shape_cast %select_n3A_1197 : vector<1x1024xi32> to vector<1024xi32>
    %gt3A_1200 = arith.cmpf ogt, %squeeze3A_1198, %select_n3A_1115 : vector<1024xf32>
    %select_n3A_1201 = arith.select %gt3A_1200, %squeeze3A_1198, %select_n3A_1115 : vector<1024xi1>, vector<1024xf32>
    %select_n3A_1202 = arith.select %gt3A_1200, %squeeze3A_1199, %select_n3A_1116 : vector<1024xi1>, vector<1024xi32>
    %get3A_1203 = arith.constant 3584 : index
    %get3A_1204 = arith.constant 0 : index
    %get3A_1205 = vector.load %arg4[%get3A_1203, %get3A_1204] : memref<8192x32xf32, #tpu.memory_space<vmem>>, vector<256x32xf32>
    %dot_general3A_1206 = arith.constant dense<0.000000e+00> : vector<256x1024xf32>
    %dot_general3A_1207 = tpu.matmul %get3A_1205, %div3A_8, %dot_general3A_1206 {dimension_numbers = #tpu.dot_dimension_numbers<[1], [1], [0], [0], [0, 0, 1, 0], [], []>, transpose_lhs_hint = false} : vector<256x32xf32>, vector<1024x32xf32>, vector<256x1024xf32> -> vector<256x1024xf32>
    %iota3A_1208 = tpu.iota {dimensions = array<i32: 0>} : vector<256x1024xi32>
    %add3A_1209 = arith.constant 3584 : i32
    %add3A_1210 = vector.broadcast %add3A_1209 : i32 to vector<256x1024xi32>
    %add3A_1211 = arith.addi %iota3A_1208, %add3A_1210 : vector<256x1024xi32>
    %slice3A_1212 = vector.extract_strided_slice %dot_general3A_1207 {offsets = [128, 0], sizes = [128, 1024], strides = [1, 1]} : vector<256x1024xf32> to vector<128x1024xf32>
    %slice3A_1213 = vector.extract_strided_slice %dot_general3A_1207 {offsets = [0, 0], sizes = [128, 1024], strides = [1, 1]} : vector<256x1024xf32> to vector<128x1024xf32>
    %gt3A_1214 = arith.cmpf ogt, %slice3A_1212, %slice3A_1213 : vector<128x1024xf32>
    %slice3A_1215 = vector.extract_strided_slice %dot_general3A_1207 {offsets = [128, 0], sizes = [128, 1024], strides = [1, 1]} : vector<256x1024xf32> to vector<128x1024xf32>
    %slice3A_1216 = vector.extract_strided_slice %dot_general3A_1207 {offsets = [0, 0], sizes = [128, 1024], strides = [1, 1]} : vector<256x1024xf32> to vector<128x1024xf32>
    %select_n3A_1217 = arith.select %gt3A_1214, %slice3A_1215, %slice3A_1216 : vector<128x1024xi1>, vector<128x1024xf32>
    %slice3A_1218 = vector.extract_strided_slice %add3A_1211 {offsets = [128, 0], sizes = [128, 1024], strides = [1, 1]} : vector<256x1024xi32> to vector<128x1024xi32>
    %slice3A_1219 = vector.extract_strided_slice %add3A_1211 {offsets = [0, 0], sizes = [128, 1024], strides = [1, 1]} : vector<256x1024xi32> to vector<128x1024xi32>
    %select_n3A_1220 = arith.select %gt3A_1214, %slice3A_1218, %slice3A_1219 : vector<128x1024xi1>, vector<128x1024xi32>
    %slice3A_1221 = vector.extract_strided_slice %select_n3A_1217 {offsets = [64, 0], sizes = [64, 1024], strides = [1, 1]} : vector<128x1024xf32> to vector<64x1024xf32>
    %slice3A_1222 = vector.extract_strided_slice %select_n3A_1217 {offsets = [0, 0], sizes = [64, 1024], strides = [1, 1]} : vector<128x1024xf32> to vector<64x1024xf32>
    %gt3A_1223 = arith.cmpf ogt, %slice3A_1221, %slice3A_1222 : vector<64x1024xf32>
    %slice3A_1224 = vector.extract_strided_slice %select_n3A_1217 {offsets = [64, 0], sizes = [64, 1024], strides = [1, 1]} : vector<128x1024xf32> to vector<64x1024xf32>
    %slice3A_1225 = vector.extract_strided_slice %select_n3A_1217 {offsets = [0, 0], sizes = [64, 1024], strides = [1, 1]} : vector<128x1024xf32> to vector<64x1024xf32>
    %select_n3A_1226 = arith.select %gt3A_1223, %slice3A_1224, %slice3A_1225 : vector<64x1024xi1>, vector<64x1024xf32>
    %slice3A_1227 = vector.extract_strided_slice %select_n3A_1220 {offsets = [64, 0], sizes = [64, 1024], strides = [1, 1]} : vector<128x1024xi32> to vector<64x1024xi32>
    %slice3A_1228 = vector.extract_strided_slice %select_n3A_1220 {offsets = [0, 0], sizes = [64, 1024], strides = [1, 1]} : vector<128x1024xi32> to vector<64x1024xi32>
    %select_n3A_1229 = arith.select %gt3A_1223, %slice3A_1227, %slice3A_1228 : vector<64x1024xi1>, vector<64x1024xi32>
    %slice3A_1230 = vector.extract_strided_slice %select_n3A_1226 {offsets = [32, 0], sizes = [32, 1024], strides = [1, 1]} : vector<64x1024xf32> to vector<32x1024xf32>
    %slice3A_1231 = vector.extract_strided_slice %select_n3A_1226 {offsets = [0, 0], sizes = [32, 1024], strides = [1, 1]} : vector<64x1024xf32> to vector<32x1024xf32>
    %gt3A_1232 = arith.cmpf ogt, %slice3A_1230, %slice3A_1231 : vector<32x1024xf32>
    %slice3A_1233 = vector.extract_strided_slice %select_n3A_1226 {offsets = [32, 0], sizes = [32, 1024], strides = [1, 1]} : vector<64x1024xf32> to vector<32x1024xf32>
    %slice3A_1234 = vector.extract_strided_slice %select_n3A_1226 {offsets = [0, 0], sizes = [32, 1024], strides = [1, 1]} : vector<64x1024xf32> to vector<32x1024xf32>
    %select_n3A_1235 = arith.select %gt3A_1232, %slice3A_1233, %slice3A_1234 : vector<32x1024xi1>, vector<32x1024xf32>
    %slice3A_1236 = vector.extract_strided_slice %select_n3A_1229 {offsets = [32, 0], sizes = [32, 1024], strides = [1, 1]} : vector<64x1024xi32> to vector<32x1024xi32>
    %slice3A_1237 = vector.extract_strided_slice %select_n3A_1229 {offsets = [0, 0], sizes = [32, 1024], strides = [1, 1]} : vector<64x1024xi32> to vector<32x1024xi32>
    %select_n3A_1238 = arith.select %gt3A_1232, %slice3A_1236, %slice3A_1237 : vector<32x1024xi1>, vector<32x1024xi32>
    %slice3A_1239 = vector.extract_strided_slice %select_n3A_1235 {offsets = [16, 0], sizes = [16, 1024], strides = [1, 1]} : vector<32x1024xf32> to vector<16x1024xf32>
    %slice3A_1240 = vector.extract_strided_slice %select_n3A_1235 {offsets = [0, 0], sizes = [16, 1024], strides = [1, 1]} : vector<32x1024xf32> to vector<16x1024xf32>
    %gt3A_1241 = arith.cmpf ogt, %slice3A_1239, %slice3A_1240 : vector<16x1024xf32>
    %slice3A_1242 = vector.extract_strided_slice %select_n3A_1235 {offsets = [16, 0], sizes = [16, 1024], strides = [1, 1]} : vector<32x1024xf32> to vector<16x1024xf32>
    %slice3A_1243 = vector.extract_strided_slice %select_n3A_1235 {offsets = [0, 0], sizes = [16, 1024], strides = [1, 1]} : vector<32x1024xf32> to vector<16x1024xf32>
    %select_n3A_1244 = arith.select %gt3A_1241, %slice3A_1242, %slice3A_1243 : vector<16x1024xi1>, vector<16x1024xf32>
    %slice3A_1245 = vector.extract_strided_slice %select_n3A_1238 {offsets = [16, 0], sizes = [16, 1024], strides = [1, 1]} : vector<32x1024xi32> to vector<16x1024xi32>
    %slice3A_1246 = vector.extract_strided_slice %select_n3A_1238 {offsets = [0, 0], sizes = [16, 1024], strides = [1, 1]} : vector<32x1024xi32> to vector<16x1024xi32>
    %select_n3A_1247 = arith.select %gt3A_1241, %slice3A_1245, %slice3A_1246 : vector<16x1024xi1>, vector<16x1024xi32>
    %slice3A_1248 = vector.extract_strided_slice %select_n3A_1244 {offsets = [8, 0], sizes = [8, 1024], strides = [1, 1]} : vector<16x1024xf32> to vector<8x1024xf32>
    %slice3A_1249 = vector.extract_strided_slice %select_n3A_1244 {offsets = [0, 0], sizes = [8, 1024], strides = [1, 1]} : vector<16x1024xf32> to vector<8x1024xf32>
    %gt3A_1250 = arith.cmpf ogt, %slice3A_1248, %slice3A_1249 : vector<8x1024xf32>
    %slice3A_1251 = vector.extract_strided_slice %select_n3A_1244 {offsets = [8, 0], sizes = [8, 1024], strides = [1, 1]} : vector<16x1024xf32> to vector<8x1024xf32>
    %slice3A_1252 = vector.extract_strided_slice %select_n3A_1244 {offsets = [0, 0], sizes = [8, 1024], strides = [1, 1]} : vector<16x1024xf32> to vector<8x1024xf32>
    %select_n3A_1253 = arith.select %gt3A_1250, %slice3A_1251, %slice3A_1252 : vector<8x1024xi1>, vector<8x1024xf32>
    %slice3A_1254 = vector.extract_strided_slice %select_n3A_1247 {offsets = [8, 0], sizes = [8, 1024], strides = [1, 1]} : vector<16x1024xi32> to vector<8x1024xi32>
    %slice3A_1255 = vector.extract_strided_slice %select_n3A_1247 {offsets = [0, 0], sizes = [8, 1024], strides = [1, 1]} : vector<16x1024xi32> to vector<8x1024xi32>
    %select_n3A_1256 = arith.select %gt3A_1250, %slice3A_1254, %slice3A_1255 : vector<8x1024xi1>, vector<8x1024xi32>
    %slice3A_1257 = vector.extract_strided_slice %select_n3A_1253 {offsets = [4, 0], sizes = [4, 1024], strides = [1, 1]} : vector<8x1024xf32> to vector<4x1024xf32>
    %slice3A_1258 = vector.extract_strided_slice %select_n3A_1253 {offsets = [0, 0], sizes = [4, 1024], strides = [1, 1]} : vector<8x1024xf32> to vector<4x1024xf32>
    %gt3A_1259 = arith.cmpf ogt, %slice3A_1257, %slice3A_1258 : vector<4x1024xf32>
    %slice3A_1260 = vector.extract_strided_slice %select_n3A_1253 {offsets = [4, 0], sizes = [4, 1024], strides = [1, 1]} : vector<8x1024xf32> to vector<4x1024xf32>
    %slice3A_1261 = vector.extract_strided_slice %select_n3A_1253 {offsets = [0, 0], sizes = [4, 1024], strides = [1, 1]} : vector<8x1024xf32> to vector<4x1024xf32>
    %select_n3A_1262 = arith.select %gt3A_1259, %slice3A_1260, %slice3A_1261 : vector<4x1024xi1>, vector<4x1024xf32>
    %slice3A_1263 = vector.extract_strided_slice %select_n3A_1256 {offsets = [4, 0], sizes = [4, 1024], strides = [1, 1]} : vector<8x1024xi32> to vector<4x1024xi32>
    %slice3A_1264 = vector.extract_strided_slice %select_n3A_1256 {offsets = [0, 0], sizes = [4, 1024], strides = [1, 1]} : vector<8x1024xi32> to vector<4x1024xi32>
    %select_n3A_1265 = arith.select %gt3A_1259, %slice3A_1263, %slice3A_1264 : vector<4x1024xi1>, vector<4x1024xi32>
    %slice3A_1266 = vector.extract_strided_slice %select_n3A_1262 {offsets = [2, 0], sizes = [2, 1024], strides = [1, 1]} : vector<4x1024xf32> to vector<2x1024xf32>
    %slice3A_1267 = vector.extract_strided_slice %select_n3A_1262 {offsets = [0, 0], sizes = [2, 1024], strides = [1, 1]} : vector<4x1024xf32> to vector<2x1024xf32>
    %gt3A_1268 = arith.cmpf ogt, %slice3A_1266, %slice3A_1267 : vector<2x1024xf32>
    %slice3A_1269 = vector.extract_strided_slice %select_n3A_1262 {offsets = [2, 0], sizes = [2, 1024], strides = [1, 1]} : vector<4x1024xf32> to vector<2x1024xf32>
    %slice3A_1270 = vector.extract_strided_slice %select_n3A_1262 {offsets = [0, 0], sizes = [2, 1024], strides = [1, 1]} : vector<4x1024xf32> to vector<2x1024xf32>
    %select_n3A_1271 = arith.select %gt3A_1268, %slice3A_1269, %slice3A_1270 : vector<2x1024xi1>, vector<2x1024xf32>
    %slice3A_1272 = vector.extract_strided_slice %select_n3A_1265 {offsets = [2, 0], sizes = [2, 1024], strides = [1, 1]} : vector<4x1024xi32> to vector<2x1024xi32>
    %slice3A_1273 = vector.extract_strided_slice %select_n3A_1265 {offsets = [0, 0], sizes = [2, 1024], strides = [1, 1]} : vector<4x1024xi32> to vector<2x1024xi32>
    %select_n3A_1274 = arith.select %gt3A_1268, %slice3A_1272, %slice3A_1273 : vector<2x1024xi1>, vector<2x1024xi32>
    %slice3A_1275 = vector.extract_strided_slice %select_n3A_1271 {offsets = [1, 0], sizes = [1, 1024], strides = [1, 1]} : vector<2x1024xf32> to vector<1x1024xf32>
    %slice3A_1276 = vector.extract_strided_slice %select_n3A_1271 {offsets = [0, 0], sizes = [1, 1024], strides = [1, 1]} : vector<2x1024xf32> to vector<1x1024xf32>
    %gt3A_1277 = arith.cmpf ogt, %slice3A_1275, %slice3A_1276 : vector<1x1024xf32>
    %slice3A_1278 = vector.extract_strided_slice %select_n3A_1271 {offsets = [1, 0], sizes = [1, 1024], strides = [1, 1]} : vector<2x1024xf32> to vector<1x1024xf32>
    %slice3A_1279 = vector.extract_strided_slice %select_n3A_1271 {offsets = [0, 0], sizes = [1, 1024], strides = [1, 1]} : vector<2x1024xf32> to vector<1x1024xf32>
    %select_n3A_1280 = arith.select %gt3A_1277, %slice3A_1278, %slice3A_1279 : vector<1x1024xi1>, vector<1x1024xf32>
    %slice3A_1281 = vector.extract_strided_slice %select_n3A_1274 {offsets = [1, 0], sizes = [1, 1024], strides = [1, 1]} : vector<2x1024xi32> to vector<1x1024xi32>
    %slice3A_1282 = vector.extract_strided_slice %select_n3A_1274 {offsets = [0, 0], sizes = [1, 1024], strides = [1, 1]} : vector<2x1024xi32> to vector<1x1024xi32>
    %select_n3A_1283 = arith.select %gt3A_1277, %slice3A_1281, %slice3A_1282 : vector<1x1024xi1>, vector<1x1024xi32>
    %squeeze3A_1284 = vector.shape_cast %select_n3A_1280 : vector<1x1024xf32> to vector<1024xf32>
    %squeeze3A_1285 = vector.shape_cast %select_n3A_1283 : vector<1x1024xi32> to vector<1024xi32>
    %gt3A_1286 = arith.cmpf ogt, %squeeze3A_1284, %select_n3A_1201 : vector<1024xf32>
    %select_n3A_1287 = arith.select %gt3A_1286, %squeeze3A_1284, %select_n3A_1201 : vector<1024xi1>, vector<1024xf32>
    %select_n3A_1288 = arith.select %gt3A_1286, %squeeze3A_1285, %select_n3A_1202 : vector<1024xi1>, vector<1024xi32>
    %get3A_1289 = arith.constant 3840 : index
    %get3A_1290 = arith.constant 0 : index
    %get3A_1291 = vector.load %arg4[%get3A_1289, %get3A_1290] : memref<8192x32xf32, #tpu.memory_space<vmem>>, vector<256x32xf32>
    %dot_general3A_1292 = arith.constant dense<0.000000e+00> : vector<256x1024xf32>
    %dot_general3A_1293 = tpu.matmul %get3A_1291, %div3A_8, %dot_general3A_1292 {dimension_numbers = #tpu.dot_dimension_numbers<[1], [1], [0], [0], [0, 0, 1, 0], [], []>, transpose_lhs_hint = false} : vector<256x32xf32>, vector<1024x32xf32>, vector<256x1024xf32> -> vector<256x1024xf32>
    %iota3A_1294 = tpu.iota {dimensions = array<i32: 0>} : vector<256x1024xi32>
    %add3A_1295 = arith.constant 3840 : i32
    %add3A_1296 = vector.broadcast %add3A_1295 : i32 to vector<256x1024xi32>
    %add3A_1297 = arith.addi %iota3A_1294, %add3A_1296 : vector<256x1024xi32>
    %slice3A_1298 = vector.extract_strided_slice %dot_general3A_1293 {offsets = [128, 0], sizes = [128, 1024], strides = [1, 1]} : vector<256x1024xf32> to vector<128x1024xf32>
    %slice3A_1299 = vector.extract_strided_slice %dot_general3A_1293 {offsets = [0, 0], sizes = [128, 1024], strides = [1, 1]} : vector<256x1024xf32> to vector<128x1024xf32>
    %gt3A_1300 = arith.cmpf ogt, %slice3A_1298, %slice3A_1299 : vector<128x1024xf32>
    %slice3A_1301 = vector.extract_strided_slice %dot_general3A_1293 {offsets = [128, 0], sizes = [128, 1024], strides = [1, 1]} : vector<256x1024xf32> to vector<128x1024xf32>
    %slice3A_1302 = vector.extract_strided_slice %dot_general3A_1293 {offsets = [0, 0], sizes = [128, 1024], strides = [1, 1]} : vector<256x1024xf32> to vector<128x1024xf32>
    %select_n3A_1303 = arith.select %gt3A_1300, %slice3A_1301, %slice3A_1302 : vector<128x1024xi1>, vector<128x1024xf32>
    %slice3A_1304 = vector.extract_strided_slice %add3A_1297 {offsets = [128, 0], sizes = [128, 1024], strides = [1, 1]} : vector<256x1024xi32> to vector<128x1024xi32>
    %slice3A_1305 = vector.extract_strided_slice %add3A_1297 {offsets = [0, 0], sizes = [128, 1024], strides = [1, 1]} : vector<256x1024xi32> to vector<128x1024xi32>
    %select_n3A_1306 = arith.select %gt3A_1300, %slice3A_1304, %slice3A_1305 : vector<128x1024xi1>, vector<128x1024xi32>
    %slice3A_1307 = vector.extract_strided_slice %select_n3A_1303 {offsets = [64, 0], sizes = [64, 1024], strides = [1, 1]} : vector<128x1024xf32> to vector<64x1024xf32>
    %slice3A_1308 = vector.extract_strided_slice %select_n3A_1303 {offsets = [0, 0], sizes = [64, 1024], strides = [1, 1]} : vector<128x1024xf32> to vector<64x1024xf32>
    %gt3A_1309 = arith.cmpf ogt, %slice3A_1307, %slice3A_1308 : vector<64x1024xf32>
    %slice3A_1310 = vector.extract_strided_slice %select_n3A_1303 {offsets = [64, 0], sizes = [64, 1024], strides = [1, 1]} : vector<128x1024xf32> to vector<64x1024xf32>
    %slice3A_1311 = vector.extract_strided_slice %select_n3A_1303 {offsets = [0, 0], sizes = [64, 1024], strides = [1, 1]} : vector<128x1024xf32> to vector<64x1024xf32>
    %select_n3A_1312 = arith.select %gt3A_1309, %slice3A_1310, %slice3A_1311 : vector<64x1024xi1>, vector<64x1024xf32>
    %slice3A_1313 = vector.extract_strided_slice %select_n3A_1306 {offsets = [64, 0], sizes = [64, 1024], strides = [1, 1]} : vector<128x1024xi32> to vector<64x1024xi32>
    %slice3A_1314 = vector.extract_strided_slice %select_n3A_1306 {offsets = [0, 0], sizes = [64, 1024], strides = [1, 1]} : vector<128x1024xi32> to vector<64x1024xi32>
    %select_n3A_1315 = arith.select %gt3A_1309, %slice3A_1313, %slice3A_1314 : vector<64x1024xi1>, vector<64x1024xi32>
    %slice3A_1316 = vector.extract_strided_slice %select_n3A_1312 {offsets = [32, 0], sizes = [32, 1024], strides = [1, 1]} : vector<64x1024xf32> to vector<32x1024xf32>
    %slice3A_1317 = vector.extract_strided_slice %select_n3A_1312 {offsets = [0, 0], sizes = [32, 1024], strides = [1, 1]} : vector<64x1024xf32> to vector<32x1024xf32>
    %gt3A_1318 = arith.cmpf ogt, %slice3A_1316, %slice3A_1317 : vector<32x1024xf32>
    %slice3A_1319 = vector.extract_strided_slice %select_n3A_1312 {offsets = [32, 0], sizes = [32, 1024], strides = [1, 1]} : vector<64x1024xf32> to vector<32x1024xf32>
    %slice3A_1320 = vector.extract_strided_slice %select_n3A_1312 {offsets = [0, 0], sizes = [32, 1024], strides = [1, 1]} : vector<64x1024xf32> to vector<32x1024xf32>
    %select_n3A_1321 = arith.select %gt3A_1318, %slice3A_1319, %slice3A_1320 : vector<32x1024xi1>, vector<32x1024xf32>
    %slice3A_1322 = vector.extract_strided_slice %select_n3A_1315 {offsets = [32, 0], sizes = [32, 1024], strides = [1, 1]} : vector<64x1024xi32> to vector<32x1024xi32>
    %slice3A_1323 = vector.extract_strided_slice %select_n3A_1315 {offsets = [0, 0], sizes = [32, 1024], strides = [1, 1]} : vector<64x1024xi32> to vector<32x1024xi32>
    %select_n3A_1324 = arith.select %gt3A_1318, %slice3A_1322, %slice3A_1323 : vector<32x1024xi1>, vector<32x1024xi32>
    %slice3A_1325 = vector.extract_strided_slice %select_n3A_1321 {offsets = [16, 0], sizes = [16, 1024], strides = [1, 1]} : vector<32x1024xf32> to vector<16x1024xf32>
    %slice3A_1326 = vector.extract_strided_slice %select_n3A_1321 {offsets = [0, 0], sizes = [16, 1024], strides = [1, 1]} : vector<32x1024xf32> to vector<16x1024xf32>
    %gt3A_1327 = arith.cmpf ogt, %slice3A_1325, %slice3A_1326 : vector<16x1024xf32>
    %slice3A_1328 = vector.extract_strided_slice %select_n3A_1321 {offsets = [16, 0], sizes = [16, 1024], strides = [1, 1]} : vector<32x1024xf32> to vector<16x1024xf32>
    %slice3A_1329 = vector.extract_strided_slice %select_n3A_1321 {offsets = [0, 0], sizes = [16, 1024], strides = [1, 1]} : vector<32x1024xf32> to vector<16x1024xf32>
    %select_n3A_1330 = arith.select %gt3A_1327, %slice3A_1328, %slice3A_1329 : vector<16x1024xi1>, vector<16x1024xf32>
    %slice3A_1331 = vector.extract_strided_slice %select_n3A_1324 {offsets = [16, 0], sizes = [16, 1024], strides = [1, 1]} : vector<32x1024xi32> to vector<16x1024xi32>
    %slice3A_1332 = vector.extract_strided_slice %select_n3A_1324 {offsets = [0, 0], sizes = [16, 1024], strides = [1, 1]} : vector<32x1024xi32> to vector<16x1024xi32>
    %select_n3A_1333 = arith.select %gt3A_1327, %slice3A_1331, %slice3A_1332 : vector<16x1024xi1>, vector<16x1024xi32>
    %slice3A_1334 = vector.extract_strided_slice %select_n3A_1330 {offsets = [8, 0], sizes = [8, 1024], strides = [1, 1]} : vector<16x1024xf32> to vector<8x1024xf32>
    %slice3A_1335 = vector.extract_strided_slice %select_n3A_1330 {offsets = [0, 0], sizes = [8, 1024], strides = [1, 1]} : vector<16x1024xf32> to vector<8x1024xf32>
    %gt3A_1336 = arith.cmpf ogt, %slice3A_1334, %slice3A_1335 : vector<8x1024xf32>
    %slice3A_1337 = vector.extract_strided_slice %select_n3A_1330 {offsets = [8, 0], sizes = [8, 1024], strides = [1, 1]} : vector<16x1024xf32> to vector<8x1024xf32>
    %slice3A_1338 = vector.extract_strided_slice %select_n3A_1330 {offsets = [0, 0], sizes = [8, 1024], strides = [1, 1]} : vector<16x1024xf32> to vector<8x1024xf32>
    %select_n3A_1339 = arith.select %gt3A_1336, %slice3A_1337, %slice3A_1338 : vector<8x1024xi1>, vector<8x1024xf32>
    %slice3A_1340 = vector.extract_strided_slice %select_n3A_1333 {offsets = [8, 0], sizes = [8, 1024], strides = [1, 1]} : vector<16x1024xi32> to vector<8x1024xi32>
    %slice3A_1341 = vector.extract_strided_slice %select_n3A_1333 {offsets = [0, 0], sizes = [8, 1024], strides = [1, 1]} : vector<16x1024xi32> to vector<8x1024xi32>
    %select_n3A_1342 = arith.select %gt3A_1336, %slice3A_1340, %slice3A_1341 : vector<8x1024xi1>, vector<8x1024xi32>
    %slice3A_1343 = vector.extract_strided_slice %select_n3A_1339 {offsets = [4, 0], sizes = [4, 1024], strides = [1, 1]} : vector<8x1024xf32> to vector<4x1024xf32>
    %slice3A_1344 = vector.extract_strided_slice %select_n3A_1339 {offsets = [0, 0], sizes = [4, 1024], strides = [1, 1]} : vector<8x1024xf32> to vector<4x1024xf32>
    %gt3A_1345 = arith.cmpf ogt, %slice3A_1343, %slice3A_1344 : vector<4x1024xf32>
    %slice3A_1346 = vector.extract_strided_slice %select_n3A_1339 {offsets = [4, 0], sizes = [4, 1024], strides = [1, 1]} : vector<8x1024xf32> to vector<4x1024xf32>
    %slice3A_1347 = vector.extract_strided_slice %select_n3A_1339 {offsets = [0, 0], sizes = [4, 1024], strides = [1, 1]} : vector<8x1024xf32> to vector<4x1024xf32>
    %select_n3A_1348 = arith.select %gt3A_1345, %slice3A_1346, %slice3A_1347 : vector<4x1024xi1>, vector<4x1024xf32>
    %slice3A_1349 = vector.extract_strided_slice %select_n3A_1342 {offsets = [4, 0], sizes = [4, 1024], strides = [1, 1]} : vector<8x1024xi32> to vector<4x1024xi32>
    %slice3A_1350 = vector.extract_strided_slice %select_n3A_1342 {offsets = [0, 0], sizes = [4, 1024], strides = [1, 1]} : vector<8x1024xi32> to vector<4x1024xi32>
    %select_n3A_1351 = arith.select %gt3A_1345, %slice3A_1349, %slice3A_1350 : vector<4x1024xi1>, vector<4x1024xi32>
    %slice3A_1352 = vector.extract_strided_slice %select_n3A_1348 {offsets = [2, 0], sizes = [2, 1024], strides = [1, 1]} : vector<4x1024xf32> to vector<2x1024xf32>
    %slice3A_1353 = vector.extract_strided_slice %select_n3A_1348 {offsets = [0, 0], sizes = [2, 1024], strides = [1, 1]} : vector<4x1024xf32> to vector<2x1024xf32>
    %gt3A_1354 = arith.cmpf ogt, %slice3A_1352, %slice3A_1353 : vector<2x1024xf32>
    %slice3A_1355 = vector.extract_strided_slice %select_n3A_1348 {offsets = [2, 0], sizes = [2, 1024], strides = [1, 1]} : vector<4x1024xf32> to vector<2x1024xf32>
    %slice3A_1356 = vector.extract_strided_slice %select_n3A_1348 {offsets = [0, 0], sizes = [2, 1024], strides = [1, 1]} : vector<4x1024xf32> to vector<2x1024xf32>
    %select_n3A_1357 = arith.select %gt3A_1354, %slice3A_1355, %slice3A_1356 : vector<2x1024xi1>, vector<2x1024xf32>
    %slice3A_1358 = vector.extract_strided_slice %select_n3A_1351 {offsets = [2, 0], sizes = [2, 1024], strides = [1, 1]} : vector<4x1024xi32> to vector<2x1024xi32>
    %slice3A_1359 = vector.extract_strided_slice %select_n3A_1351 {offsets = [0, 0], sizes = [2, 1024], strides = [1, 1]} : vector<4x1024xi32> to vector<2x1024xi32>
    %select_n3A_1360 = arith.select %gt3A_1354, %slice3A_1358, %slice3A_1359 : vector<2x1024xi1>, vector<2x1024xi32>
    %slice3A_1361 = vector.extract_strided_slice %select_n3A_1357 {offsets = [1, 0], sizes = [1, 1024], strides = [1, 1]} : vector<2x1024xf32> to vector<1x1024xf32>
    %slice3A_1362 = vector.extract_strided_slice %select_n3A_1357 {offsets = [0, 0], sizes = [1, 1024], strides = [1, 1]} : vector<2x1024xf32> to vector<1x1024xf32>
    %gt3A_1363 = arith.cmpf ogt, %slice3A_1361, %slice3A_1362 : vector<1x1024xf32>
    %slice3A_1364 = vector.extract_strided_slice %select_n3A_1357 {offsets = [1, 0], sizes = [1, 1024], strides = [1, 1]} : vector<2x1024xf32> to vector<1x1024xf32>
    %slice3A_1365 = vector.extract_strided_slice %select_n3A_1357 {offsets = [0, 0], sizes = [1, 1024], strides = [1, 1]} : vector<2x1024xf32> to vector<1x1024xf32>
    %select_n3A_1366 = arith.select %gt3A_1363, %slice3A_1364, %slice3A_1365 : vector<1x1024xi1>, vector<1x1024xf32>
    %slice3A_1367 = vector.extract_strided_slice %select_n3A_1360 {offsets = [1, 0], sizes = [1, 1024], strides = [1, 1]} : vector<2x1024xi32> to vector<1x1024xi32>
    %slice3A_1368 = vector.extract_strided_slice %select_n3A_1360 {offsets = [0, 0], sizes = [1, 1024], strides = [1, 1]} : vector<2x1024xi32> to vector<1x1024xi32>
    %select_n3A_1369 = arith.select %gt3A_1363, %slice3A_1367, %slice3A_1368 : vector<1x1024xi1>, vector<1x1024xi32>
    %squeeze3A_1370 = vector.shape_cast %select_n3A_1366 : vector<1x1024xf32> to vector<1024xf32>
    %squeeze3A_1371 = vector.shape_cast %select_n3A_1369 : vector<1x1024xi32> to vector<1024xi32>
    %gt3A_1372 = arith.cmpf ogt, %squeeze3A_1370, %select_n3A_1287 : vector<1024xf32>
    %select_n3A_1373 = arith.select %gt3A_1372, %squeeze3A_1370, %select_n3A_1287 : vector<1024xi1>, vector<1024xf32>
    %select_n3A_1374 = arith.select %gt3A_1372, %squeeze3A_1371, %select_n3A_1288 : vector<1024xi1>, vector<1024xi32>
    %get3A_1375 = arith.constant 4096 : index
    %get3A_1376 = arith.constant 0 : index
    %get3A_1377 = vector.load %arg4[%get3A_1375, %get3A_1376] : memref<8192x32xf32, #tpu.memory_space<vmem>>, vector<256x32xf32>
    %dot_general3A_1378 = arith.constant dense<0.000000e+00> : vector<256x1024xf32>
    %dot_general3A_1379 = tpu.matmul %get3A_1377, %div3A_8, %dot_general3A_1378 {dimension_numbers = #tpu.dot_dimension_numbers<[1], [1], [0], [0], [0, 0, 1, 0], [], []>, transpose_lhs_hint = false} : vector<256x32xf32>, vector<1024x32xf32>, vector<256x1024xf32> -> vector<256x1024xf32>
    %iota3A_1380 = tpu.iota {dimensions = array<i32: 0>} : vector<256x1024xi32>
    %add3A_1381 = arith.constant 4096 : i32
    %add3A_1382 = vector.broadcast %add3A_1381 : i32 to vector<256x1024xi32>
    %add3A_1383 = arith.addi %iota3A_1380, %add3A_1382 : vector<256x1024xi32>
    %slice3A_1384 = vector.extract_strided_slice %dot_general3A_1379 {offsets = [128, 0], sizes = [128, 1024], strides = [1, 1]} : vector<256x1024xf32> to vector<128x1024xf32>
    %slice3A_1385 = vector.extract_strided_slice %dot_general3A_1379 {offsets = [0, 0], sizes = [128, 1024], strides = [1, 1]} : vector<256x1024xf32> to vector<128x1024xf32>
    %gt3A_1386 = arith.cmpf ogt, %slice3A_1384, %slice3A_1385 : vector<128x1024xf32>
    %slice3A_1387 = vector.extract_strided_slice %dot_general3A_1379 {offsets = [128, 0], sizes = [128, 1024], strides = [1, 1]} : vector<256x1024xf32> to vector<128x1024xf32>
    %slice3A_1388 = vector.extract_strided_slice %dot_general3A_1379 {offsets = [0, 0], sizes = [128, 1024], strides = [1, 1]} : vector<256x1024xf32> to vector<128x1024xf32>
    %select_n3A_1389 = arith.select %gt3A_1386, %slice3A_1387, %slice3A_1388 : vector<128x1024xi1>, vector<128x1024xf32>
    %slice3A_1390 = vector.extract_strided_slice %add3A_1383 {offsets = [128, 0], sizes = [128, 1024], strides = [1, 1]} : vector<256x1024xi32> to vector<128x1024xi32>
    %slice3A_1391 = vector.extract_strided_slice %add3A_1383 {offsets = [0, 0], sizes = [128, 1024], strides = [1, 1]} : vector<256x1024xi32> to vector<128x1024xi32>
    %select_n3A_1392 = arith.select %gt3A_1386, %slice3A_1390, %slice3A_1391 : vector<128x1024xi1>, vector<128x1024xi32>
    %slice3A_1393 = vector.extract_strided_slice %select_n3A_1389 {offsets = [64, 0], sizes = [64, 1024], strides = [1, 1]} : vector<128x1024xf32> to vector<64x1024xf32>
    %slice3A_1394 = vector.extract_strided_slice %select_n3A_1389 {offsets = [0, 0], sizes = [64, 1024], strides = [1, 1]} : vector<128x1024xf32> to vector<64x1024xf32>
    %gt3A_1395 = arith.cmpf ogt, %slice3A_1393, %slice3A_1394 : vector<64x1024xf32>
    %slice3A_1396 = vector.extract_strided_slice %select_n3A_1389 {offsets = [64, 0], sizes = [64, 1024], strides = [1, 1]} : vector<128x1024xf32> to vector<64x1024xf32>
    %slice3A_1397 = vector.extract_strided_slice %select_n3A_1389 {offsets = [0, 0], sizes = [64, 1024], strides = [1, 1]} : vector<128x1024xf32> to vector<64x1024xf32>
    %select_n3A_1398 = arith.select %gt3A_1395, %slice3A_1396, %slice3A_1397 : vector<64x1024xi1>, vector<64x1024xf32>
    %slice3A_1399 = vector.extract_strided_slice %select_n3A_1392 {offsets = [64, 0], sizes = [64, 1024], strides = [1, 1]} : vector<128x1024xi32> to vector<64x1024xi32>
    %slice3A_1400 = vector.extract_strided_slice %select_n3A_1392 {offsets = [0, 0], sizes = [64, 1024], strides = [1, 1]} : vector<128x1024xi32> to vector<64x1024xi32>
    %select_n3A_1401 = arith.select %gt3A_1395, %slice3A_1399, %slice3A_1400 : vector<64x1024xi1>, vector<64x1024xi32>
    %slice3A_1402 = vector.extract_strided_slice %select_n3A_1398 {offsets = [32, 0], sizes = [32, 1024], strides = [1, 1]} : vector<64x1024xf32> to vector<32x1024xf32>
    %slice3A_1403 = vector.extract_strided_slice %select_n3A_1398 {offsets = [0, 0], sizes = [32, 1024], strides = [1, 1]} : vector<64x1024xf32> to vector<32x1024xf32>
    %gt3A_1404 = arith.cmpf ogt, %slice3A_1402, %slice3A_1403 : vector<32x1024xf32>
    %slice3A_1405 = vector.extract_strided_slice %select_n3A_1398 {offsets = [32, 0], sizes = [32, 1024], strides = [1, 1]} : vector<64x1024xf32> to vector<32x1024xf32>
    %slice3A_1406 = vector.extract_strided_slice %select_n3A_1398 {offsets = [0, 0], sizes = [32, 1024], strides = [1, 1]} : vector<64x1024xf32> to vector<32x1024xf32>
    %select_n3A_1407 = arith.select %gt3A_1404, %slice3A_1405, %slice3A_1406 : vector<32x1024xi1>, vector<32x1024xf32>
    %slice3A_1408 = vector.extract_strided_slice %select_n3A_1401 {offsets = [32, 0], sizes = [32, 1024], strides = [1, 1]} : vector<64x1024xi32> to vector<32x1024xi32>
    %slice3A_1409 = vector.extract_strided_slice %select_n3A_1401 {offsets = [0, 0], sizes = [32, 1024], strides = [1, 1]} : vector<64x1024xi32> to vector<32x1024xi32>
    %select_n3A_1410 = arith.select %gt3A_1404, %slice3A_1408, %slice3A_1409 : vector<32x1024xi1>, vector<32x1024xi32>
    %slice3A_1411 = vector.extract_strided_slice %select_n3A_1407 {offsets = [16, 0], sizes = [16, 1024], strides = [1, 1]} : vector<32x1024xf32> to vector<16x1024xf32>
    %slice3A_1412 = vector.extract_strided_slice %select_n3A_1407 {offsets = [0, 0], sizes = [16, 1024], strides = [1, 1]} : vector<32x1024xf32> to vector<16x1024xf32>
    %gt3A_1413 = arith.cmpf ogt, %slice3A_1411, %slice3A_1412 : vector<16x1024xf32>
    %slice3A_1414 = vector.extract_strided_slice %select_n3A_1407 {offsets = [16, 0], sizes = [16, 1024], strides = [1, 1]} : vector<32x1024xf32> to vector<16x1024xf32>
    %slice3A_1415 = vector.extract_strided_slice %select_n3A_1407 {offsets = [0, 0], sizes = [16, 1024], strides = [1, 1]} : vector<32x1024xf32> to vector<16x1024xf32>
    %select_n3A_1416 = arith.select %gt3A_1413, %slice3A_1414, %slice3A_1415 : vector<16x1024xi1>, vector<16x1024xf32>
    %slice3A_1417 = vector.extract_strided_slice %select_n3A_1410 {offsets = [16, 0], sizes = [16, 1024], strides = [1, 1]} : vector<32x1024xi32> to vector<16x1024xi32>
    %slice3A_1418 = vector.extract_strided_slice %select_n3A_1410 {offsets = [0, 0], sizes = [16, 1024], strides = [1, 1]} : vector<32x1024xi32> to vector<16x1024xi32>
    %select_n3A_1419 = arith.select %gt3A_1413, %slice3A_1417, %slice3A_1418 : vector<16x1024xi1>, vector<16x1024xi32>
    %slice3A_1420 = vector.extract_strided_slice %select_n3A_1416 {offsets = [8, 0], sizes = [8, 1024], strides = [1, 1]} : vector<16x1024xf32> to vector<8x1024xf32>
    %slice3A_1421 = vector.extract_strided_slice %select_n3A_1416 {offsets = [0, 0], sizes = [8, 1024], strides = [1, 1]} : vector<16x1024xf32> to vector<8x1024xf32>
    %gt3A_1422 = arith.cmpf ogt, %slice3A_1420, %slice3A_1421 : vector<8x1024xf32>
    %slice3A_1423 = vector.extract_strided_slice %select_n3A_1416 {offsets = [8, 0], sizes = [8, 1024], strides = [1, 1]} : vector<16x1024xf32> to vector<8x1024xf32>
    %slice3A_1424 = vector.extract_strided_slice %select_n3A_1416 {offsets = [0, 0], sizes = [8, 1024], strides = [1, 1]} : vector<16x1024xf32> to vector<8x1024xf32>
    %select_n3A_1425 = arith.select %gt3A_1422, %slice3A_1423, %slice3A_1424 : vector<8x1024xi1>, vector<8x1024xf32>
    %slice3A_1426 = vector.extract_strided_slice %select_n3A_1419 {offsets = [8, 0], sizes = [8, 1024], strides = [1, 1]} : vector<16x1024xi32> to vector<8x1024xi32>
    %slice3A_1427 = vector.extract_strided_slice %select_n3A_1419 {offsets = [0, 0], sizes = [8, 1024], strides = [1, 1]} : vector<16x1024xi32> to vector<8x1024xi32>
    %select_n3A_1428 = arith.select %gt3A_1422, %slice3A_1426, %slice3A_1427 : vector<8x1024xi1>, vector<8x1024xi32>
    %slice3A_1429 = vector.extract_strided_slice %select_n3A_1425 {offsets = [4, 0], sizes = [4, 1024], strides = [1, 1]} : vector<8x1024xf32> to vector<4x1024xf32>
    %slice3A_1430 = vector.extract_strided_slice %select_n3A_1425 {offsets = [0, 0], sizes = [4, 1024], strides = [1, 1]} : vector<8x1024xf32> to vector<4x1024xf32>
    %gt3A_1431 = arith.cmpf ogt, %slice3A_1429, %slice3A_1430 : vector<4x1024xf32>
    %slice3A_1432 = vector.extract_strided_slice %select_n3A_1425 {offsets = [4, 0], sizes = [4, 1024], strides = [1, 1]} : vector<8x1024xf32> to vector<4x1024xf32>
    %slice3A_1433 = vector.extract_strided_slice %select_n3A_1425 {offsets = [0, 0], sizes = [4, 1024], strides = [1, 1]} : vector<8x1024xf32> to vector<4x1024xf32>
    %select_n3A_1434 = arith.select %gt3A_1431, %slice3A_1432, %slice3A_1433 : vector<4x1024xi1>, vector<4x1024xf32>
    %slice3A_1435 = vector.extract_strided_slice %select_n3A_1428 {offsets = [4, 0], sizes = [4, 1024], strides = [1, 1]} : vector<8x1024xi32> to vector<4x1024xi32>
    %slice3A_1436 = vector.extract_strided_slice %select_n3A_1428 {offsets = [0, 0], sizes = [4, 1024], strides = [1, 1]} : vector<8x1024xi32> to vector<4x1024xi32>
    %select_n3A_1437 = arith.select %gt3A_1431, %slice3A_1435, %slice3A_1436 : vector<4x1024xi1>, vector<4x1024xi32>
    %slice3A_1438 = vector.extract_strided_slice %select_n3A_1434 {offsets = [2, 0], sizes = [2, 1024], strides = [1, 1]} : vector<4x1024xf32> to vector<2x1024xf32>
    %slice3A_1439 = vector.extract_strided_slice %select_n3A_1434 {offsets = [0, 0], sizes = [2, 1024], strides = [1, 1]} : vector<4x1024xf32> to vector<2x1024xf32>
    %gt3A_1440 = arith.cmpf ogt, %slice3A_1438, %slice3A_1439 : vector<2x1024xf32>
    %slice3A_1441 = vector.extract_strided_slice %select_n3A_1434 {offsets = [2, 0], sizes = [2, 1024], strides = [1, 1]} : vector<4x1024xf32> to vector<2x1024xf32>
    %slice3A_1442 = vector.extract_strided_slice %select_n3A_1434 {offsets = [0, 0], sizes = [2, 1024], strides = [1, 1]} : vector<4x1024xf32> to vector<2x1024xf32>
    %select_n3A_1443 = arith.select %gt3A_1440, %slice3A_1441, %slice3A_1442 : vector<2x1024xi1>, vector<2x1024xf32>
    %slice3A_1444 = vector.extract_strided_slice %select_n3A_1437 {offsets = [2, 0], sizes = [2, 1024], strides = [1, 1]} : vector<4x1024xi32> to vector<2x1024xi32>
    %slice3A_1445 = vector.extract_strided_slice %select_n3A_1437 {offsets = [0, 0], sizes = [2, 1024], strides = [1, 1]} : vector<4x1024xi32> to vector<2x1024xi32>
    %select_n3A_1446 = arith.select %gt3A_1440, %slice3A_1444, %slice3A_1445 : vector<2x1024xi1>, vector<2x1024xi32>
    %slice3A_1447 = vector.extract_strided_slice %select_n3A_1443 {offsets = [1, 0], sizes = [1, 1024], strides = [1, 1]} : vector<2x1024xf32> to vector<1x1024xf32>
    %slice3A_1448 = vector.extract_strided_slice %select_n3A_1443 {offsets = [0, 0], sizes = [1, 1024], strides = [1, 1]} : vector<2x1024xf32> to vector<1x1024xf32>
    %gt3A_1449 = arith.cmpf ogt, %slice3A_1447, %slice3A_1448 : vector<1x1024xf32>
    %slice3A_1450 = vector.extract_strided_slice %select_n3A_1443 {offsets = [1, 0], sizes = [1, 1024], strides = [1, 1]} : vector<2x1024xf32> to vector<1x1024xf32>
    %slice3A_1451 = vector.extract_strided_slice %select_n3A_1443 {offsets = [0, 0], sizes = [1, 1024], strides = [1, 1]} : vector<2x1024xf32> to vector<1x1024xf32>
    %select_n3A_1452 = arith.select %gt3A_1449, %slice3A_1450, %slice3A_1451 : vector<1x1024xi1>, vector<1x1024xf32>
    %slice3A_1453 = vector.extract_strided_slice %select_n3A_1446 {offsets = [1, 0], sizes = [1, 1024], strides = [1, 1]} : vector<2x1024xi32> to vector<1x1024xi32>
    %slice3A_1454 = vector.extract_strided_slice %select_n3A_1446 {offsets = [0, 0], sizes = [1, 1024], strides = [1, 1]} : vector<2x1024xi32> to vector<1x1024xi32>
    %select_n3A_1455 = arith.select %gt3A_1449, %slice3A_1453, %slice3A_1454 : vector<1x1024xi1>, vector<1x1024xi32>
    %squeeze3A_1456 = vector.shape_cast %select_n3A_1452 : vector<1x1024xf32> to vector<1024xf32>
    %squeeze3A_1457 = vector.shape_cast %select_n3A_1455 : vector<1x1024xi32> to vector<1024xi32>
    %gt3A_1458 = arith.cmpf ogt, %squeeze3A_1456, %select_n3A_1373 : vector<1024xf32>
    %select_n3A_1459 = arith.select %gt3A_1458, %squeeze3A_1456, %select_n3A_1373 : vector<1024xi1>, vector<1024xf32>
    %select_n3A_1460 = arith.select %gt3A_1458, %squeeze3A_1457, %select_n3A_1374 : vector<1024xi1>, vector<1024xi32>
    %get3A_1461 = arith.constant 4352 : index
    %get3A_1462 = arith.constant 0 : index
    %get3A_1463 = vector.load %arg4[%get3A_1461, %get3A_1462] : memref<8192x32xf32, #tpu.memory_space<vmem>>, vector<256x32xf32>
    %dot_general3A_1464 = arith.constant dense<0.000000e+00> : vector<256x1024xf32>
    %dot_general3A_1465 = tpu.matmul %get3A_1463, %div3A_8, %dot_general3A_1464 {dimension_numbers = #tpu.dot_dimension_numbers<[1], [1], [0], [0], [0, 0, 1, 0], [], []>, transpose_lhs_hint = false} : vector<256x32xf32>, vector<1024x32xf32>, vector<256x1024xf32> -> vector<256x1024xf32>
    %iota3A_1466 = tpu.iota {dimensions = array<i32: 0>} : vector<256x1024xi32>
    %add3A_1467 = arith.constant 4352 : i32
    %add3A_1468 = vector.broadcast %add3A_1467 : i32 to vector<256x1024xi32>
    %add3A_1469 = arith.addi %iota3A_1466, %add3A_1468 : vector<256x1024xi32>
    %slice3A_1470 = vector.extract_strided_slice %dot_general3A_1465 {offsets = [128, 0], sizes = [128, 1024], strides = [1, 1]} : vector<256x1024xf32> to vector<128x1024xf32>
    %slice3A_1471 = vector.extract_strided_slice %dot_general3A_1465 {offsets = [0, 0], sizes = [128, 1024], strides = [1, 1]} : vector<256x1024xf32> to vector<128x1024xf32>
    %gt3A_1472 = arith.cmpf ogt, %slice3A_1470, %slice3A_1471 : vector<128x1024xf32>
    %slice3A_1473 = vector.extract_strided_slice %dot_general3A_1465 {offsets = [128, 0], sizes = [128, 1024], strides = [1, 1]} : vector<256x1024xf32> to vector<128x1024xf32>
    %slice3A_1474 = vector.extract_strided_slice %dot_general3A_1465 {offsets = [0, 0], sizes = [128, 1024], strides = [1, 1]} : vector<256x1024xf32> to vector<128x1024xf32>
    %select_n3A_1475 = arith.select %gt3A_1472, %slice3A_1473, %slice3A_1474 : vector<128x1024xi1>, vector<128x1024xf32>
    %slice3A_1476 = vector.extract_strided_slice %add3A_1469 {offsets = [128, 0], sizes = [128, 1024], strides = [1, 1]} : vector<256x1024xi32> to vector<128x1024xi32>
    %slice3A_1477 = vector.extract_strided_slice %add3A_1469 {offsets = [0, 0], sizes = [128, 1024], strides = [1, 1]} : vector<256x1024xi32> to vector<128x1024xi32>
    %select_n3A_1478 = arith.select %gt3A_1472, %slice3A_1476, %slice3A_1477 : vector<128x1024xi1>, vector<128x1024xi32>
    %slice3A_1479 = vector.extract_strided_slice %select_n3A_1475 {offsets = [64, 0], sizes = [64, 1024], strides = [1, 1]} : vector<128x1024xf32> to vector<64x1024xf32>
    %slice3A_1480 = vector.extract_strided_slice %select_n3A_1475 {offsets = [0, 0], sizes = [64, 1024], strides = [1, 1]} : vector<128x1024xf32> to vector<64x1024xf32>
    %gt3A_1481 = arith.cmpf ogt, %slice3A_1479, %slice3A_1480 : vector<64x1024xf32>
    %slice3A_1482 = vector.extract_strided_slice %select_n3A_1475 {offsets = [64, 0], sizes = [64, 1024], strides = [1, 1]} : vector<128x1024xf32> to vector<64x1024xf32>
    %slice3A_1483 = vector.extract_strided_slice %select_n3A_1475 {offsets = [0, 0], sizes = [64, 1024], strides = [1, 1]} : vector<128x1024xf32> to vector<64x1024xf32>
    %select_n3A_1484 = arith.select %gt3A_1481, %slice3A_1482, %slice3A_1483 : vector<64x1024xi1>, vector<64x1024xf32>
    %slice3A_1485 = vector.extract_strided_slice %select_n3A_1478 {offsets = [64, 0], sizes = [64, 1024], strides = [1, 1]} : vector<128x1024xi32> to vector<64x1024xi32>
    %slice3A_1486 = vector.extract_strided_slice %select_n3A_1478 {offsets = [0, 0], sizes = [64, 1024], strides = [1, 1]} : vector<128x1024xi32> to vector<64x1024xi32>
    %select_n3A_1487 = arith.select %gt3A_1481, %slice3A_1485, %slice3A_1486 : vector<64x1024xi1>, vector<64x1024xi32>
    %slice3A_1488 = vector.extract_strided_slice %select_n3A_1484 {offsets = [32, 0], sizes = [32, 1024], strides = [1, 1]} : vector<64x1024xf32> to vector<32x1024xf32>
    %slice3A_1489 = vector.extract_strided_slice %select_n3A_1484 {offsets = [0, 0], sizes = [32, 1024], strides = [1, 1]} : vector<64x1024xf32> to vector<32x1024xf32>
    %gt3A_1490 = arith.cmpf ogt, %slice3A_1488, %slice3A_1489 : vector<32x1024xf32>
    %slice3A_1491 = vector.extract_strided_slice %select_n3A_1484 {offsets = [32, 0], sizes = [32, 1024], strides = [1, 1]} : vector<64x1024xf32> to vector<32x1024xf32>
    %slice3A_1492 = vector.extract_strided_slice %select_n3A_1484 {offsets = [0, 0], sizes = [32, 1024], strides = [1, 1]} : vector<64x1024xf32> to vector<32x1024xf32>
    %select_n3A_1493 = arith.select %gt3A_1490, %slice3A_1491, %slice3A_1492 : vector<32x1024xi1>, vector<32x1024xf32>
    %slice3A_1494 = vector.extract_strided_slice %select_n3A_1487 {offsets = [32, 0], sizes = [32, 1024], strides = [1, 1]} : vector<64x1024xi32> to vector<32x1024xi32>
    %slice3A_1495 = vector.extract_strided_slice %select_n3A_1487 {offsets = [0, 0], sizes = [32, 1024], strides = [1, 1]} : vector<64x1024xi32> to vector<32x1024xi32>
    %select_n3A_1496 = arith.select %gt3A_1490, %slice3A_1494, %slice3A_1495 : vector<32x1024xi1>, vector<32x1024xi32>
    %slice3A_1497 = vector.extract_strided_slice %select_n3A_1493 {offsets = [16, 0], sizes = [16, 1024], strides = [1, 1]} : vector<32x1024xf32> to vector<16x1024xf32>
    %slice3A_1498 = vector.extract_strided_slice %select_n3A_1493 {offsets = [0, 0], sizes = [16, 1024], strides = [1, 1]} : vector<32x1024xf32> to vector<16x1024xf32>
    %gt3A_1499 = arith.cmpf ogt, %slice3A_1497, %slice3A_1498 : vector<16x1024xf32>
    %slice3A_1500 = vector.extract_strided_slice %select_n3A_1493 {offsets = [16, 0], sizes = [16, 1024], strides = [1, 1]} : vector<32x1024xf32> to vector<16x1024xf32>
    %slice3A_1501 = vector.extract_strided_slice %select_n3A_1493 {offsets = [0, 0], sizes = [16, 1024], strides = [1, 1]} : vector<32x1024xf32> to vector<16x1024xf32>
    %select_n3A_1502 = arith.select %gt3A_1499, %slice3A_1500, %slice3A_1501 : vector<16x1024xi1>, vector<16x1024xf32>
    %slice3A_1503 = vector.extract_strided_slice %select_n3A_1496 {offsets = [16, 0], sizes = [16, 1024], strides = [1, 1]} : vector<32x1024xi32> to vector<16x1024xi32>
    %slice3A_1504 = vector.extract_strided_slice %select_n3A_1496 {offsets = [0, 0], sizes = [16, 1024], strides = [1, 1]} : vector<32x1024xi32> to vector<16x1024xi32>
    %select_n3A_1505 = arith.select %gt3A_1499, %slice3A_1503, %slice3A_1504 : vector<16x1024xi1>, vector<16x1024xi32>
    %slice3A_1506 = vector.extract_strided_slice %select_n3A_1502 {offsets = [8, 0], sizes = [8, 1024], strides = [1, 1]} : vector<16x1024xf32> to vector<8x1024xf32>
    %slice3A_1507 = vector.extract_strided_slice %select_n3A_1502 {offsets = [0, 0], sizes = [8, 1024], strides = [1, 1]} : vector<16x1024xf32> to vector<8x1024xf32>
    %gt3A_1508 = arith.cmpf ogt, %slice3A_1506, %slice3A_1507 : vector<8x1024xf32>
    %slice3A_1509 = vector.extract_strided_slice %select_n3A_1502 {offsets = [8, 0], sizes = [8, 1024], strides = [1, 1]} : vector<16x1024xf32> to vector<8x1024xf32>
    %slice3A_1510 = vector.extract_strided_slice %select_n3A_1502 {offsets = [0, 0], sizes = [8, 1024], strides = [1, 1]} : vector<16x1024xf32> to vector<8x1024xf32>
    %select_n3A_1511 = arith.select %gt3A_1508, %slice3A_1509, %slice3A_1510 : vector<8x1024xi1>, vector<8x1024xf32>
    %slice3A_1512 = vector.extract_strided_slice %select_n3A_1505 {offsets = [8, 0], sizes = [8, 1024], strides = [1, 1]} : vector<16x1024xi32> to vector<8x1024xi32>
    %slice3A_1513 = vector.extract_strided_slice %select_n3A_1505 {offsets = [0, 0], sizes = [8, 1024], strides = [1, 1]} : vector<16x1024xi32> to vector<8x1024xi32>
    %select_n3A_1514 = arith.select %gt3A_1508, %slice3A_1512, %slice3A_1513 : vector<8x1024xi1>, vector<8x1024xi32>
    %slice3A_1515 = vector.extract_strided_slice %select_n3A_1511 {offsets = [4, 0], sizes = [4, 1024], strides = [1, 1]} : vector<8x1024xf32> to vector<4x1024xf32>
    %slice3A_1516 = vector.extract_strided_slice %select_n3A_1511 {offsets = [0, 0], sizes = [4, 1024], strides = [1, 1]} : vector<8x1024xf32> to vector<4x1024xf32>
    %gt3A_1517 = arith.cmpf ogt, %slice3A_1515, %slice3A_1516 : vector<4x1024xf32>
    %slice3A_1518 = vector.extract_strided_slice %select_n3A_1511 {offsets = [4, 0], sizes = [4, 1024], strides = [1, 1]} : vector<8x1024xf32> to vector<4x1024xf32>
    %slice3A_1519 = vector.extract_strided_slice %select_n3A_1511 {offsets = [0, 0], sizes = [4, 1024], strides = [1, 1]} : vector<8x1024xf32> to vector<4x1024xf32>
    %select_n3A_1520 = arith.select %gt3A_1517, %slice3A_1518, %slice3A_1519 : vector<4x1024xi1>, vector<4x1024xf32>
    %slice3A_1521 = vector.extract_strided_slice %select_n3A_1514 {offsets = [4, 0], sizes = [4, 1024], strides = [1, 1]} : vector<8x1024xi32> to vector<4x1024xi32>
    %slice3A_1522 = vector.extract_strided_slice %select_n3A_1514 {offsets = [0, 0], sizes = [4, 1024], strides = [1, 1]} : vector<8x1024xi32> to vector<4x1024xi32>
    %select_n3A_1523 = arith.select %gt3A_1517, %slice3A_1521, %slice3A_1522 : vector<4x1024xi1>, vector<4x1024xi32>
    %slice3A_1524 = vector.extract_strided_slice %select_n3A_1520 {offsets = [2, 0], sizes = [2, 1024], strides = [1, 1]} : vector<4x1024xf32> to vector<2x1024xf32>
    %slice3A_1525 = vector.extract_strided_slice %select_n3A_1520 {offsets = [0, 0], sizes = [2, 1024], strides = [1, 1]} : vector<4x1024xf32> to vector<2x1024xf32>
    %gt3A_1526 = arith.cmpf ogt, %slice3A_1524, %slice3A_1525 : vector<2x1024xf32>
    %slice3A_1527 = vector.extract_strided_slice %select_n3A_1520 {offsets = [2, 0], sizes = [2, 1024], strides = [1, 1]} : vector<4x1024xf32> to vector<2x1024xf32>
    %slice3A_1528 = vector.extract_strided_slice %select_n3A_1520 {offsets = [0, 0], sizes = [2, 1024], strides = [1, 1]} : vector<4x1024xf32> to vector<2x1024xf32>
    %select_n3A_1529 = arith.select %gt3A_1526, %slice3A_1527, %slice3A_1528 : vector<2x1024xi1>, vector<2x1024xf32>
    %slice3A_1530 = vector.extract_strided_slice %select_n3A_1523 {offsets = [2, 0], sizes = [2, 1024], strides = [1, 1]} : vector<4x1024xi32> to vector<2x1024xi32>
    %slice3A_1531 = vector.extract_strided_slice %select_n3A_1523 {offsets = [0, 0], sizes = [2, 1024], strides = [1, 1]} : vector<4x1024xi32> to vector<2x1024xi32>
    %select_n3A_1532 = arith.select %gt3A_1526, %slice3A_1530, %slice3A_1531 : vector<2x1024xi1>, vector<2x1024xi32>
    %slice3A_1533 = vector.extract_strided_slice %select_n3A_1529 {offsets = [1, 0], sizes = [1, 1024], strides = [1, 1]} : vector<2x1024xf32> to vector<1x1024xf32>
    %slice3A_1534 = vector.extract_strided_slice %select_n3A_1529 {offsets = [0, 0], sizes = [1, 1024], strides = [1, 1]} : vector<2x1024xf32> to vector<1x1024xf32>
    %gt3A_1535 = arith.cmpf ogt, %slice3A_1533, %slice3A_1534 : vector<1x1024xf32>
    %slice3A_1536 = vector.extract_strided_slice %select_n3A_1529 {offsets = [1, 0], sizes = [1, 1024], strides = [1, 1]} : vector<2x1024xf32> to vector<1x1024xf32>
    %slice3A_1537 = vector.extract_strided_slice %select_n3A_1529 {offsets = [0, 0], sizes = [1, 1024], strides = [1, 1]} : vector<2x1024xf32> to vector<1x1024xf32>
    %select_n3A_1538 = arith.select %gt3A_1535, %slice3A_1536, %slice3A_1537 : vector<1x1024xi1>, vector<1x1024xf32>
    %slice3A_1539 = vector.extract_strided_slice %select_n3A_1532 {offsets = [1, 0], sizes = [1, 1024], strides = [1, 1]} : vector<2x1024xi32> to vector<1x1024xi32>
    %slice3A_1540 = vector.extract_strided_slice %select_n3A_1532 {offsets = [0, 0], sizes = [1, 1024], strides = [1, 1]} : vector<2x1024xi32> to vector<1x1024xi32>
    %select_n3A_1541 = arith.select %gt3A_1535, %slice3A_1539, %slice3A_1540 : vector<1x1024xi1>, vector<1x1024xi32>
    %squeeze3A_1542 = vector.shape_cast %select_n3A_1538 : vector<1x1024xf32> to vector<1024xf32>
    %squeeze3A_1543 = vector.shape_cast %select_n3A_1541 : vector<1x1024xi32> to vector<1024xi32>
    %gt3A_1544 = arith.cmpf ogt, %squeeze3A_1542, %select_n3A_1459 : vector<1024xf32>
    %select_n3A_1545 = arith.select %gt3A_1544, %squeeze3A_1542, %select_n3A_1459 : vector<1024xi1>, vector<1024xf32>
    %select_n3A_1546 = arith.select %gt3A_1544, %squeeze3A_1543, %select_n3A_1460 : vector<1024xi1>, vector<1024xi32>
    %get3A_1547 = arith.constant 4608 : index
    %get3A_1548 = arith.constant 0 : index
    %get3A_1549 = vector.load %arg4[%get3A_1547, %get3A_1548] : memref<8192x32xf32, #tpu.memory_space<vmem>>, vector<256x32xf32>
    %dot_general3A_1550 = arith.constant dense<0.000000e+00> : vector<256x1024xf32>
    %dot_general3A_1551 = tpu.matmul %get3A_1549, %div3A_8, %dot_general3A_1550 {dimension_numbers = #tpu.dot_dimension_numbers<[1], [1], [0], [0], [0, 0, 1, 0], [], []>, transpose_lhs_hint = false} : vector<256x32xf32>, vector<1024x32xf32>, vector<256x1024xf32> -> vector<256x1024xf32>
    %iota3A_1552 = tpu.iota {dimensions = array<i32: 0>} : vector<256x1024xi32>
    %add3A_1553 = arith.constant 4608 : i32
    %add3A_1554 = vector.broadcast %add3A_1553 : i32 to vector<256x1024xi32>
    %add3A_1555 = arith.addi %iota3A_1552, %add3A_1554 : vector<256x1024xi32>
    %slice3A_1556 = vector.extract_strided_slice %dot_general3A_1551 {offsets = [128, 0], sizes = [128, 1024], strides = [1, 1]} : vector<256x1024xf32> to vector<128x1024xf32>
    %slice3A_1557 = vector.extract_strided_slice %dot_general3A_1551 {offsets = [0, 0], sizes = [128, 1024], strides = [1, 1]} : vector<256x1024xf32> to vector<128x1024xf32>
    %gt3A_1558 = arith.cmpf ogt, %slice3A_1556, %slice3A_1557 : vector<128x1024xf32>
    %slice3A_1559 = vector.extract_strided_slice %dot_general3A_1551 {offsets = [128, 0], sizes = [128, 1024], strides = [1, 1]} : vector<256x1024xf32> to vector<128x1024xf32>
    %slice3A_1560 = vector.extract_strided_slice %dot_general3A_1551 {offsets = [0, 0], sizes = [128, 1024], strides = [1, 1]} : vector<256x1024xf32> to vector<128x1024xf32>
    %select_n3A_1561 = arith.select %gt3A_1558, %slice3A_1559, %slice3A_1560 : vector<128x1024xi1>, vector<128x1024xf32>
    %slice3A_1562 = vector.extract_strided_slice %add3A_1555 {offsets = [128, 0], sizes = [128, 1024], strides = [1, 1]} : vector<256x1024xi32> to vector<128x1024xi32>
    %slice3A_1563 = vector.extract_strided_slice %add3A_1555 {offsets = [0, 0], sizes = [128, 1024], strides = [1, 1]} : vector<256x1024xi32> to vector<128x1024xi32>
    %select_n3A_1564 = arith.select %gt3A_1558, %slice3A_1562, %slice3A_1563 : vector<128x1024xi1>, vector<128x1024xi32>
    %slice3A_1565 = vector.extract_strided_slice %select_n3A_1561 {offsets = [64, 0], sizes = [64, 1024], strides = [1, 1]} : vector<128x1024xf32> to vector<64x1024xf32>
    %slice3A_1566 = vector.extract_strided_slice %select_n3A_1561 {offsets = [0, 0], sizes = [64, 1024], strides = [1, 1]} : vector<128x1024xf32> to vector<64x1024xf32>
    %gt3A_1567 = arith.cmpf ogt, %slice3A_1565, %slice3A_1566 : vector<64x1024xf32>
    %slice3A_1568 = vector.extract_strided_slice %select_n3A_1561 {offsets = [64, 0], sizes = [64, 1024], strides = [1, 1]} : vector<128x1024xf32> to vector<64x1024xf32>
    %slice3A_1569 = vector.extract_strided_slice %select_n3A_1561 {offsets = [0, 0], sizes = [64, 1024], strides = [1, 1]} : vector<128x1024xf32> to vector<64x1024xf32>
    %select_n3A_1570 = arith.select %gt3A_1567, %slice3A_1568, %slice3A_1569 : vector<64x1024xi1>, vector<64x1024xf32>
    %slice3A_1571 = vector.extract_strided_slice %select_n3A_1564 {offsets = [64, 0], sizes = [64, 1024], strides = [1, 1]} : vector<128x1024xi32> to vector<64x1024xi32>
    %slice3A_1572 = vector.extract_strided_slice %select_n3A_1564 {offsets = [0, 0], sizes = [64, 1024], strides = [1, 1]} : vector<128x1024xi32> to vector<64x1024xi32>
    %select_n3A_1573 = arith.select %gt3A_1567, %slice3A_1571, %slice3A_1572 : vector<64x1024xi1>, vector<64x1024xi32>
    %slice3A_1574 = vector.extract_strided_slice %select_n3A_1570 {offsets = [32, 0], sizes = [32, 1024], strides = [1, 1]} : vector<64x1024xf32> to vector<32x1024xf32>
    %slice3A_1575 = vector.extract_strided_slice %select_n3A_1570 {offsets = [0, 0], sizes = [32, 1024], strides = [1, 1]} : vector<64x1024xf32> to vector<32x1024xf32>
    %gt3A_1576 = arith.cmpf ogt, %slice3A_1574, %slice3A_1575 : vector<32x1024xf32>
    %slice3A_1577 = vector.extract_strided_slice %select_n3A_1570 {offsets = [32, 0], sizes = [32, 1024], strides = [1, 1]} : vector<64x1024xf32> to vector<32x1024xf32>
    %slice3A_1578 = vector.extract_strided_slice %select_n3A_1570 {offsets = [0, 0], sizes = [32, 1024], strides = [1, 1]} : vector<64x1024xf32> to vector<32x1024xf32>
    %select_n3A_1579 = arith.select %gt3A_1576, %slice3A_1577, %slice3A_1578 : vector<32x1024xi1>, vector<32x1024xf32>
    %slice3A_1580 = vector.extract_strided_slice %select_n3A_1573 {offsets = [32, 0], sizes = [32, 1024], strides = [1, 1]} : vector<64x1024xi32> to vector<32x1024xi32>
    %slice3A_1581 = vector.extract_strided_slice %select_n3A_1573 {offsets = [0, 0], sizes = [32, 1024], strides = [1, 1]} : vector<64x1024xi32> to vector<32x1024xi32>
    %select_n3A_1582 = arith.select %gt3A_1576, %slice3A_1580, %slice3A_1581 : vector<32x1024xi1>, vector<32x1024xi32>
    %slice3A_1583 = vector.extract_strided_slice %select_n3A_1579 {offsets = [16, 0], sizes = [16, 1024], strides = [1, 1]} : vector<32x1024xf32> to vector<16x1024xf32>
    %slice3A_1584 = vector.extract_strided_slice %select_n3A_1579 {offsets = [0, 0], sizes = [16, 1024], strides = [1, 1]} : vector<32x1024xf32> to vector<16x1024xf32>
    %gt3A_1585 = arith.cmpf ogt, %slice3A_1583, %slice3A_1584 : vector<16x1024xf32>
    %slice3A_1586 = vector.extract_strided_slice %select_n3A_1579 {offsets = [16, 0], sizes = [16, 1024], strides = [1, 1]} : vector<32x1024xf32> to vector<16x1024xf32>
    %slice3A_1587 = vector.extract_strided_slice %select_n3A_1579 {offsets = [0, 0], sizes = [16, 1024], strides = [1, 1]} : vector<32x1024xf32> to vector<16x1024xf32>
    %select_n3A_1588 = arith.select %gt3A_1585, %slice3A_1586, %slice3A_1587 : vector<16x1024xi1>, vector<16x1024xf32>
    %slice3A_1589 = vector.extract_strided_slice %select_n3A_1582 {offsets = [16, 0], sizes = [16, 1024], strides = [1, 1]} : vector<32x1024xi32> to vector<16x1024xi32>
    %slice3A_1590 = vector.extract_strided_slice %select_n3A_1582 {offsets = [0, 0], sizes = [16, 1024], strides = [1, 1]} : vector<32x1024xi32> to vector<16x1024xi32>
    %select_n3A_1591 = arith.select %gt3A_1585, %slice3A_1589, %slice3A_1590 : vector<16x1024xi1>, vector<16x1024xi32>
    %slice3A_1592 = vector.extract_strided_slice %select_n3A_1588 {offsets = [8, 0], sizes = [8, 1024], strides = [1, 1]} : vector<16x1024xf32> to vector<8x1024xf32>
    %slice3A_1593 = vector.extract_strided_slice %select_n3A_1588 {offsets = [0, 0], sizes = [8, 1024], strides = [1, 1]} : vector<16x1024xf32> to vector<8x1024xf32>
    %gt3A_1594 = arith.cmpf ogt, %slice3A_1592, %slice3A_1593 : vector<8x1024xf32>
    %slice3A_1595 = vector.extract_strided_slice %select_n3A_1588 {offsets = [8, 0], sizes = [8, 1024], strides = [1, 1]} : vector<16x1024xf32> to vector<8x1024xf32>
    %slice3A_1596 = vector.extract_strided_slice %select_n3A_1588 {offsets = [0, 0], sizes = [8, 1024], strides = [1, 1]} : vector<16x1024xf32> to vector<8x1024xf32>
    %select_n3A_1597 = arith.select %gt3A_1594, %slice3A_1595, %slice3A_1596 : vector<8x1024xi1>, vector<8x1024xf32>
    %slice3A_1598 = vector.extract_strided_slice %select_n3A_1591 {offsets = [8, 0], sizes = [8, 1024], strides = [1, 1]} : vector<16x1024xi32> to vector<8x1024xi32>
    %slice3A_1599 = vector.extract_strided_slice %select_n3A_1591 {offsets = [0, 0], sizes = [8, 1024], strides = [1, 1]} : vector<16x1024xi32> to vector<8x1024xi32>
    %select_n3A_1600 = arith.select %gt3A_1594, %slice3A_1598, %slice3A_1599 : vector<8x1024xi1>, vector<8x1024xi32>
    %slice3A_1601 = vector.extract_strided_slice %select_n3A_1597 {offsets = [4, 0], sizes = [4, 1024], strides = [1, 1]} : vector<8x1024xf32> to vector<4x1024xf32>
    %slice3A_1602 = vector.extract_strided_slice %select_n3A_1597 {offsets = [0, 0], sizes = [4, 1024], strides = [1, 1]} : vector<8x1024xf32> to vector<4x1024xf32>
    %gt3A_1603 = arith.cmpf ogt, %slice3A_1601, %slice3A_1602 : vector<4x1024xf32>
    %slice3A_1604 = vector.extract_strided_slice %select_n3A_1597 {offsets = [4, 0], sizes = [4, 1024], strides = [1, 1]} : vector<8x1024xf32> to vector<4x1024xf32>
    %slice3A_1605 = vector.extract_strided_slice %select_n3A_1597 {offsets = [0, 0], sizes = [4, 1024], strides = [1, 1]} : vector<8x1024xf32> to vector<4x1024xf32>
    %select_n3A_1606 = arith.select %gt3A_1603, %slice3A_1604, %slice3A_1605 : vector<4x1024xi1>, vector<4x1024xf32>
    %slice3A_1607 = vector.extract_strided_slice %select_n3A_1600 {offsets = [4, 0], sizes = [4, 1024], strides = [1, 1]} : vector<8x1024xi32> to vector<4x1024xi32>
    %slice3A_1608 = vector.extract_strided_slice %select_n3A_1600 {offsets = [0, 0], sizes = [4, 1024], strides = [1, 1]} : vector<8x1024xi32> to vector<4x1024xi32>
    %select_n3A_1609 = arith.select %gt3A_1603, %slice3A_1607, %slice3A_1608 : vector<4x1024xi1>, vector<4x1024xi32>
    %slice3A_1610 = vector.extract_strided_slice %select_n3A_1606 {offsets = [2, 0], sizes = [2, 1024], strides = [1, 1]} : vector<4x1024xf32> to vector<2x1024xf32>
    %slice3A_1611 = vector.extract_strided_slice %select_n3A_1606 {offsets = [0, 0], sizes = [2, 1024], strides = [1, 1]} : vector<4x1024xf32> to vector<2x1024xf32>
    %gt3A_1612 = arith.cmpf ogt, %slice3A_1610, %slice3A_1611 : vector<2x1024xf32>
    %slice3A_1613 = vector.extract_strided_slice %select_n3A_1606 {offsets = [2, 0], sizes = [2, 1024], strides = [1, 1]} : vector<4x1024xf32> to vector<2x1024xf32>
    %slice3A_1614 = vector.extract_strided_slice %select_n3A_1606 {offsets = [0, 0], sizes = [2, 1024], strides = [1, 1]} : vector<4x1024xf32> to vector<2x1024xf32>
    %select_n3A_1615 = arith.select %gt3A_1612, %slice3A_1613, %slice3A_1614 : vector<2x1024xi1>, vector<2x1024xf32>
    %slice3A_1616 = vector.extract_strided_slice %select_n3A_1609 {offsets = [2, 0], sizes = [2, 1024], strides = [1, 1]} : vector<4x1024xi32> to vector<2x1024xi32>
    %slice3A_1617 = vector.extract_strided_slice %select_n3A_1609 {offsets = [0, 0], sizes = [2, 1024], strides = [1, 1]} : vector<4x1024xi32> to vector<2x1024xi32>
    %select_n3A_1618 = arith.select %gt3A_1612, %slice3A_1616, %slice3A_1617 : vector<2x1024xi1>, vector<2x1024xi32>
    %slice3A_1619 = vector.extract_strided_slice %select_n3A_1615 {offsets = [1, 0], sizes = [1, 1024], strides = [1, 1]} : vector<2x1024xf32> to vector<1x1024xf32>
    %slice3A_1620 = vector.extract_strided_slice %select_n3A_1615 {offsets = [0, 0], sizes = [1, 1024], strides = [1, 1]} : vector<2x1024xf32> to vector<1x1024xf32>
    %gt3A_1621 = arith.cmpf ogt, %slice3A_1619, %slice3A_1620 : vector<1x1024xf32>
    %slice3A_1622 = vector.extract_strided_slice %select_n3A_1615 {offsets = [1, 0], sizes = [1, 1024], strides = [1, 1]} : vector<2x1024xf32> to vector<1x1024xf32>
    %slice3A_1623 = vector.extract_strided_slice %select_n3A_1615 {offsets = [0, 0], sizes = [1, 1024], strides = [1, 1]} : vector<2x1024xf32> to vector<1x1024xf32>
    %select_n3A_1624 = arith.select %gt3A_1621, %slice3A_1622, %slice3A_1623 : vector<1x1024xi1>, vector<1x1024xf32>
    %slice3A_1625 = vector.extract_strided_slice %select_n3A_1618 {offsets = [1, 0], sizes = [1, 1024], strides = [1, 1]} : vector<2x1024xi32> to vector<1x1024xi32>
    %slice3A_1626 = vector.extract_strided_slice %select_n3A_1618 {offsets = [0, 0], sizes = [1, 1024], strides = [1, 1]} : vector<2x1024xi32> to vector<1x1024xi32>
    %select_n3A_1627 = arith.select %gt3A_1621, %slice3A_1625, %slice3A_1626 : vector<1x1024xi1>, vector<1x1024xi32>
    %squeeze3A_1628 = vector.shape_cast %select_n3A_1624 : vector<1x1024xf32> to vector<1024xf32>
    %squeeze3A_1629 = vector.shape_cast %select_n3A_1627 : vector<1x1024xi32> to vector<1024xi32>
    %gt3A_1630 = arith.cmpf ogt, %squeeze3A_1628, %select_n3A_1545 : vector<1024xf32>
    %select_n3A_1631 = arith.select %gt3A_1630, %squeeze3A_1628, %select_n3A_1545 : vector<1024xi1>, vector<1024xf32>
    %select_n3A_1632 = arith.select %gt3A_1630, %squeeze3A_1629, %select_n3A_1546 : vector<1024xi1>, vector<1024xi32>
    %get3A_1633 = arith.constant 4864 : index
    %get3A_1634 = arith.constant 0 : index
    %get3A_1635 = vector.load %arg4[%get3A_1633, %get3A_1634] : memref<8192x32xf32, #tpu.memory_space<vmem>>, vector<256x32xf32>
    %dot_general3A_1636 = arith.constant dense<0.000000e+00> : vector<256x1024xf32>
    %dot_general3A_1637 = tpu.matmul %get3A_1635, %div3A_8, %dot_general3A_1636 {dimension_numbers = #tpu.dot_dimension_numbers<[1], [1], [0], [0], [0, 0, 1, 0], [], []>, transpose_lhs_hint = false} : vector<256x32xf32>, vector<1024x32xf32>, vector<256x1024xf32> -> vector<256x1024xf32>
    %iota3A_1638 = tpu.iota {dimensions = array<i32: 0>} : vector<256x1024xi32>
    %add3A_1639 = arith.constant 4864 : i32
    %add3A_1640 = vector.broadcast %add3A_1639 : i32 to vector<256x1024xi32>
    %add3A_1641 = arith.addi %iota3A_1638, %add3A_1640 : vector<256x1024xi32>
    %slice3A_1642 = vector.extract_strided_slice %dot_general3A_1637 {offsets = [128, 0], sizes = [128, 1024], strides = [1, 1]} : vector<256x1024xf32> to vector<128x1024xf32>
    %slice3A_1643 = vector.extract_strided_slice %dot_general3A_1637 {offsets = [0, 0], sizes = [128, 1024], strides = [1, 1]} : vector<256x1024xf32> to vector<128x1024xf32>
    %gt3A_1644 = arith.cmpf ogt, %slice3A_1642, %slice3A_1643 : vector<128x1024xf32>
    %slice3A_1645 = vector.extract_strided_slice %dot_general3A_1637 {offsets = [128, 0], sizes = [128, 1024], strides = [1, 1]} : vector<256x1024xf32> to vector<128x1024xf32>
    %slice3A_1646 = vector.extract_strided_slice %dot_general3A_1637 {offsets = [0, 0], sizes = [128, 1024], strides = [1, 1]} : vector<256x1024xf32> to vector<128x1024xf32>
    %select_n3A_1647 = arith.select %gt3A_1644, %slice3A_1645, %slice3A_1646 : vector<128x1024xi1>, vector<128x1024xf32>
    %slice3A_1648 = vector.extract_strided_slice %add3A_1641 {offsets = [128, 0], sizes = [128, 1024], strides = [1, 1]} : vector<256x1024xi32> to vector<128x1024xi32>
    %slice3A_1649 = vector.extract_strided_slice %add3A_1641 {offsets = [0, 0], sizes = [128, 1024], strides = [1, 1]} : vector<256x1024xi32> to vector<128x1024xi32>
    %select_n3A_1650 = arith.select %gt3A_1644, %slice3A_1648, %slice3A_1649 : vector<128x1024xi1>, vector<128x1024xi32>
    %slice3A_1651 = vector.extract_strided_slice %select_n3A_1647 {offsets = [64, 0], sizes = [64, 1024], strides = [1, 1]} : vector<128x1024xf32> to vector<64x1024xf32>
    %slice3A_1652 = vector.extract_strided_slice %select_n3A_1647 {offsets = [0, 0], sizes = [64, 1024], strides = [1, 1]} : vector<128x1024xf32> to vector<64x1024xf32>
    %gt3A_1653 = arith.cmpf ogt, %slice3A_1651, %slice3A_1652 : vector<64x1024xf32>
    %slice3A_1654 = vector.extract_strided_slice %select_n3A_1647 {offsets = [64, 0], sizes = [64, 1024], strides = [1, 1]} : vector<128x1024xf32> to vector<64x1024xf32>
    %slice3A_1655 = vector.extract_strided_slice %select_n3A_1647 {offsets = [0, 0], sizes = [64, 1024], strides = [1, 1]} : vector<128x1024xf32> to vector<64x1024xf32>
    %select_n3A_1656 = arith.select %gt3A_1653, %slice3A_1654, %slice3A_1655 : vector<64x1024xi1>, vector<64x1024xf32>
    %slice3A_1657 = vector.extract_strided_slice %select_n3A_1650 {offsets = [64, 0], sizes = [64, 1024], strides = [1, 1]} : vector<128x1024xi32> to vector<64x1024xi32>
    %slice3A_1658 = vector.extract_strided_slice %select_n3A_1650 {offsets = [0, 0], sizes = [64, 1024], strides = [1, 1]} : vector<128x1024xi32> to vector<64x1024xi32>
    %select_n3A_1659 = arith.select %gt3A_1653, %slice3A_1657, %slice3A_1658 : vector<64x1024xi1>, vector<64x1024xi32>
    %slice3A_1660 = vector.extract_strided_slice %select_n3A_1656 {offsets = [32, 0], sizes = [32, 1024], strides = [1, 1]} : vector<64x1024xf32> to vector<32x1024xf32>
    %slice3A_1661 = vector.extract_strided_slice %select_n3A_1656 {offsets = [0, 0], sizes = [32, 1024], strides = [1, 1]} : vector<64x1024xf32> to vector<32x1024xf32>
    %gt3A_1662 = arith.cmpf ogt, %slice3A_1660, %slice3A_1661 : vector<32x1024xf32>
    %slice3A_1663 = vector.extract_strided_slice %select_n3A_1656 {offsets = [32, 0], sizes = [32, 1024], strides = [1, 1]} : vector<64x1024xf32> to vector<32x1024xf32>
    %slice3A_1664 = vector.extract_strided_slice %select_n3A_1656 {offsets = [0, 0], sizes = [32, 1024], strides = [1, 1]} : vector<64x1024xf32> to vector<32x1024xf32>
    %select_n3A_1665 = arith.select %gt3A_1662, %slice3A_1663, %slice3A_1664 : vector<32x1024xi1>, vector<32x1024xf32>
    %slice3A_1666 = vector.extract_strided_slice %select_n3A_1659 {offsets = [32, 0], sizes = [32, 1024], strides = [1, 1]} : vector<64x1024xi32> to vector<32x1024xi32>
    %slice3A_1667 = vector.extract_strided_slice %select_n3A_1659 {offsets = [0, 0], sizes = [32, 1024], strides = [1, 1]} : vector<64x1024xi32> to vector<32x1024xi32>
    %select_n3A_1668 = arith.select %gt3A_1662, %slice3A_1666, %slice3A_1667 : vector<32x1024xi1>, vector<32x1024xi32>
    %slice3A_1669 = vector.extract_strided_slice %select_n3A_1665 {offsets = [16, 0], sizes = [16, 1024], strides = [1, 1]} : vector<32x1024xf32> to vector<16x1024xf32>
    %slice3A_1670 = vector.extract_strided_slice %select_n3A_1665 {offsets = [0, 0], sizes = [16, 1024], strides = [1, 1]} : vector<32x1024xf32> to vector<16x1024xf32>
    %gt3A_1671 = arith.cmpf ogt, %slice3A_1669, %slice3A_1670 : vector<16x1024xf32>
    %slice3A_1672 = vector.extract_strided_slice %select_n3A_1665 {offsets = [16, 0], sizes = [16, 1024], strides = [1, 1]} : vector<32x1024xf32> to vector<16x1024xf32>
    %slice3A_1673 = vector.extract_strided_slice %select_n3A_1665 {offsets = [0, 0], sizes = [16, 1024], strides = [1, 1]} : vector<32x1024xf32> to vector<16x1024xf32>
    %select_n3A_1674 = arith.select %gt3A_1671, %slice3A_1672, %slice3A_1673 : vector<16x1024xi1>, vector<16x1024xf32>
    %slice3A_1675 = vector.extract_strided_slice %select_n3A_1668 {offsets = [16, 0], sizes = [16, 1024], strides = [1, 1]} : vector<32x1024xi32> to vector<16x1024xi32>
    %slice3A_1676 = vector.extract_strided_slice %select_n3A_1668 {offsets = [0, 0], sizes = [16, 1024], strides = [1, 1]} : vector<32x1024xi32> to vector<16x1024xi32>
    %select_n3A_1677 = arith.select %gt3A_1671, %slice3A_1675, %slice3A_1676 : vector<16x1024xi1>, vector<16x1024xi32>
    %slice3A_1678 = vector.extract_strided_slice %select_n3A_1674 {offsets = [8, 0], sizes = [8, 1024], strides = [1, 1]} : vector<16x1024xf32> to vector<8x1024xf32>
    %slice3A_1679 = vector.extract_strided_slice %select_n3A_1674 {offsets = [0, 0], sizes = [8, 1024], strides = [1, 1]} : vector<16x1024xf32> to vector<8x1024xf32>
    %gt3A_1680 = arith.cmpf ogt, %slice3A_1678, %slice3A_1679 : vector<8x1024xf32>
    %slice3A_1681 = vector.extract_strided_slice %select_n3A_1674 {offsets = [8, 0], sizes = [8, 1024], strides = [1, 1]} : vector<16x1024xf32> to vector<8x1024xf32>
    %slice3A_1682 = vector.extract_strided_slice %select_n3A_1674 {offsets = [0, 0], sizes = [8, 1024], strides = [1, 1]} : vector<16x1024xf32> to vector<8x1024xf32>
    %select_n3A_1683 = arith.select %gt3A_1680, %slice3A_1681, %slice3A_1682 : vector<8x1024xi1>, vector<8x1024xf32>
    %slice3A_1684 = vector.extract_strided_slice %select_n3A_1677 {offsets = [8, 0], sizes = [8, 1024], strides = [1, 1]} : vector<16x1024xi32> to vector<8x1024xi32>
    %slice3A_1685 = vector.extract_strided_slice %select_n3A_1677 {offsets = [0, 0], sizes = [8, 1024], strides = [1, 1]} : vector<16x1024xi32> to vector<8x1024xi32>
    %select_n3A_1686 = arith.select %gt3A_1680, %slice3A_1684, %slice3A_1685 : vector<8x1024xi1>, vector<8x1024xi32>
    %slice3A_1687 = vector.extract_strided_slice %select_n3A_1683 {offsets = [4, 0], sizes = [4, 1024], strides = [1, 1]} : vector<8x1024xf32> to vector<4x1024xf32>
    %slice3A_1688 = vector.extract_strided_slice %select_n3A_1683 {offsets = [0, 0], sizes = [4, 1024], strides = [1, 1]} : vector<8x1024xf32> to vector<4x1024xf32>
    %gt3A_1689 = arith.cmpf ogt, %slice3A_1687, %slice3A_1688 : vector<4x1024xf32>
    %slice3A_1690 = vector.extract_strided_slice %select_n3A_1683 {offsets = [4, 0], sizes = [4, 1024], strides = [1, 1]} : vector<8x1024xf32> to vector<4x1024xf32>
    %slice3A_1691 = vector.extract_strided_slice %select_n3A_1683 {offsets = [0, 0], sizes = [4, 1024], strides = [1, 1]} : vector<8x1024xf32> to vector<4x1024xf32>
    %select_n3A_1692 = arith.select %gt3A_1689, %slice3A_1690, %slice3A_1691 : vector<4x1024xi1>, vector<4x1024xf32>
    %slice3A_1693 = vector.extract_strided_slice %select_n3A_1686 {offsets = [4, 0], sizes = [4, 1024], strides = [1, 1]} : vector<8x1024xi32> to vector<4x1024xi32>
    %slice3A_1694 = vector.extract_strided_slice %select_n3A_1686 {offsets = [0, 0], sizes = [4, 1024], strides = [1, 1]} : vector<8x1024xi32> to vector<4x1024xi32>
    %select_n3A_1695 = arith.select %gt3A_1689, %slice3A_1693, %slice3A_1694 : vector<4x1024xi1>, vector<4x1024xi32>
    %slice3A_1696 = vector.extract_strided_slice %select_n3A_1692 {offsets = [2, 0], sizes = [2, 1024], strides = [1, 1]} : vector<4x1024xf32> to vector<2x1024xf32>
    %slice3A_1697 = vector.extract_strided_slice %select_n3A_1692 {offsets = [0, 0], sizes = [2, 1024], strides = [1, 1]} : vector<4x1024xf32> to vector<2x1024xf32>
    %gt3A_1698 = arith.cmpf ogt, %slice3A_1696, %slice3A_1697 : vector<2x1024xf32>
    %slice3A_1699 = vector.extract_strided_slice %select_n3A_1692 {offsets = [2, 0], sizes = [2, 1024], strides = [1, 1]} : vector<4x1024xf32> to vector<2x1024xf32>
    %slice3A_1700 = vector.extract_strided_slice %select_n3A_1692 {offsets = [0, 0], sizes = [2, 1024], strides = [1, 1]} : vector<4x1024xf32> to vector<2x1024xf32>
    %select_n3A_1701 = arith.select %gt3A_1698, %slice3A_1699, %slice3A_1700 : vector<2x1024xi1>, vector<2x1024xf32>
    %slice3A_1702 = vector.extract_strided_slice %select_n3A_1695 {offsets = [2, 0], sizes = [2, 1024], strides = [1, 1]} : vector<4x1024xi32> to vector<2x1024xi32>
    %slice3A_1703 = vector.extract_strided_slice %select_n3A_1695 {offsets = [0, 0], sizes = [2, 1024], strides = [1, 1]} : vector<4x1024xi32> to vector<2x1024xi32>
    %select_n3A_1704 = arith.select %gt3A_1698, %slice3A_1702, %slice3A_1703 : vector<2x1024xi1>, vector<2x1024xi32>
    %slice3A_1705 = vector.extract_strided_slice %select_n3A_1701 {offsets = [1, 0], sizes = [1, 1024], strides = [1, 1]} : vector<2x1024xf32> to vector<1x1024xf32>
    %slice3A_1706 = vector.extract_strided_slice %select_n3A_1701 {offsets = [0, 0], sizes = [1, 1024], strides = [1, 1]} : vector<2x1024xf32> to vector<1x1024xf32>
    %gt3A_1707 = arith.cmpf ogt, %slice3A_1705, %slice3A_1706 : vector<1x1024xf32>
    %slice3A_1708 = vector.extract_strided_slice %select_n3A_1701 {offsets = [1, 0], sizes = [1, 1024], strides = [1, 1]} : vector<2x1024xf32> to vector<1x1024xf32>
    %slice3A_1709 = vector.extract_strided_slice %select_n3A_1701 {offsets = [0, 0], sizes = [1, 1024], strides = [1, 1]} : vector<2x1024xf32> to vector<1x1024xf32>
    %select_n3A_1710 = arith.select %gt3A_1707, %slice3A_1708, %slice3A_1709 : vector<1x1024xi1>, vector<1x1024xf32>
    %slice3A_1711 = vector.extract_strided_slice %select_n3A_1704 {offsets = [1, 0], sizes = [1, 1024], strides = [1, 1]} : vector<2x1024xi32> to vector<1x1024xi32>
    %slice3A_1712 = vector.extract_strided_slice %select_n3A_1704 {offsets = [0, 0], sizes = [1, 1024], strides = [1, 1]} : vector<2x1024xi32> to vector<1x1024xi32>
    %select_n3A_1713 = arith.select %gt3A_1707, %slice3A_1711, %slice3A_1712 : vector<1x1024xi1>, vector<1x1024xi32>
    %squeeze3A_1714 = vector.shape_cast %select_n3A_1710 : vector<1x1024xf32> to vector<1024xf32>
    %squeeze3A_1715 = vector.shape_cast %select_n3A_1713 : vector<1x1024xi32> to vector<1024xi32>
    %gt3A_1716 = arith.cmpf ogt, %squeeze3A_1714, %select_n3A_1631 : vector<1024xf32>
    %select_n3A_1717 = arith.select %gt3A_1716, %squeeze3A_1714, %select_n3A_1631 : vector<1024xi1>, vector<1024xf32>
    %select_n3A_1718 = arith.select %gt3A_1716, %squeeze3A_1715, %select_n3A_1632 : vector<1024xi1>, vector<1024xi32>
    %get3A_1719 = arith.constant 5120 : index
    %get3A_1720 = arith.constant 0 : index
    %get3A_1721 = vector.load %arg4[%get3A_1719, %get3A_1720] : memref<8192x32xf32, #tpu.memory_space<vmem>>, vector<256x32xf32>
    %dot_general3A_1722 = arith.constant dense<0.000000e+00> : vector<256x1024xf32>
    %dot_general3A_1723 = tpu.matmul %get3A_1721, %div3A_8, %dot_general3A_1722 {dimension_numbers = #tpu.dot_dimension_numbers<[1], [1], [0], [0], [0, 0, 1, 0], [], []>, transpose_lhs_hint = false} : vector<256x32xf32>, vector<1024x32xf32>, vector<256x1024xf32> -> vector<256x1024xf32>
    %iota3A_1724 = tpu.iota {dimensions = array<i32: 0>} : vector<256x1024xi32>
    %add3A_1725 = arith.constant 5120 : i32
    %add3A_1726 = vector.broadcast %add3A_1725 : i32 to vector<256x1024xi32>
    %add3A_1727 = arith.addi %iota3A_1724, %add3A_1726 : vector<256x1024xi32>
    %slice3A_1728 = vector.extract_strided_slice %dot_general3A_1723 {offsets = [128, 0], sizes = [128, 1024], strides = [1, 1]} : vector<256x1024xf32> to vector<128x1024xf32>
    %slice3A_1729 = vector.extract_strided_slice %dot_general3A_1723 {offsets = [0, 0], sizes = [128, 1024], strides = [1, 1]} : vector<256x1024xf32> to vector<128x1024xf32>
    %gt3A_1730 = arith.cmpf ogt, %slice3A_1728, %slice3A_1729 : vector<128x1024xf32>
    %slice3A_1731 = vector.extract_strided_slice %dot_general3A_1723 {offsets = [128, 0], sizes = [128, 1024], strides = [1, 1]} : vector<256x1024xf32> to vector<128x1024xf32>
    %slice3A_1732 = vector.extract_strided_slice %dot_general3A_1723 {offsets = [0, 0], sizes = [128, 1024], strides = [1, 1]} : vector<256x1024xf32> to vector<128x1024xf32>
    %select_n3A_1733 = arith.select %gt3A_1730, %slice3A_1731, %slice3A_1732 : vector<128x1024xi1>, vector<128x1024xf32>
    %slice3A_1734 = vector.extract_strided_slice %add3A_1727 {offsets = [128, 0], sizes = [128, 1024], strides = [1, 1]} : vector<256x1024xi32> to vector<128x1024xi32>
    %slice3A_1735 = vector.extract_strided_slice %add3A_1727 {offsets = [0, 0], sizes = [128, 1024], strides = [1, 1]} : vector<256x1024xi32> to vector<128x1024xi32>
    %select_n3A_1736 = arith.select %gt3A_1730, %slice3A_1734, %slice3A_1735 : vector<128x1024xi1>, vector<128x1024xi32>
    %slice3A_1737 = vector.extract_strided_slice %select_n3A_1733 {offsets = [64, 0], sizes = [64, 1024], strides = [1, 1]} : vector<128x1024xf32> to vector<64x1024xf32>
    %slice3A_1738 = vector.extract_strided_slice %select_n3A_1733 {offsets = [0, 0], sizes = [64, 1024], strides = [1, 1]} : vector<128x1024xf32> to vector<64x1024xf32>
    %gt3A_1739 = arith.cmpf ogt, %slice3A_1737, %slice3A_1738 : vector<64x1024xf32>
    %slice3A_1740 = vector.extract_strided_slice %select_n3A_1733 {offsets = [64, 0], sizes = [64, 1024], strides = [1, 1]} : vector<128x1024xf32> to vector<64x1024xf32>
    %slice3A_1741 = vector.extract_strided_slice %select_n3A_1733 {offsets = [0, 0], sizes = [64, 1024], strides = [1, 1]} : vector<128x1024xf32> to vector<64x1024xf32>
    %select_n3A_1742 = arith.select %gt3A_1739, %slice3A_1740, %slice3A_1741 : vector<64x1024xi1>, vector<64x1024xf32>
    %slice3A_1743 = vector.extract_strided_slice %select_n3A_1736 {offsets = [64, 0], sizes = [64, 1024], strides = [1, 1]} : vector<128x1024xi32> to vector<64x1024xi32>
    %slice3A_1744 = vector.extract_strided_slice %select_n3A_1736 {offsets = [0, 0], sizes = [64, 1024], strides = [1, 1]} : vector<128x1024xi32> to vector<64x1024xi32>
    %select_n3A_1745 = arith.select %gt3A_1739, %slice3A_1743, %slice3A_1744 : vector<64x1024xi1>, vector<64x1024xi32>
    %slice3A_1746 = vector.extract_strided_slice %select_n3A_1742 {offsets = [32, 0], sizes = [32, 1024], strides = [1, 1]} : vector<64x1024xf32> to vector<32x1024xf32>
    %slice3A_1747 = vector.extract_strided_slice %select_n3A_1742 {offsets = [0, 0], sizes = [32, 1024], strides = [1, 1]} : vector<64x1024xf32> to vector<32x1024xf32>
    %gt3A_1748 = arith.cmpf ogt, %slice3A_1746, %slice3A_1747 : vector<32x1024xf32>
    %slice3A_1749 = vector.extract_strided_slice %select_n3A_1742 {offsets = [32, 0], sizes = [32, 1024], strides = [1, 1]} : vector<64x1024xf32> to vector<32x1024xf32>
    %slice3A_1750 = vector.extract_strided_slice %select_n3A_1742 {offsets = [0, 0], sizes = [32, 1024], strides = [1, 1]} : vector<64x1024xf32> to vector<32x1024xf32>
    %select_n3A_1751 = arith.select %gt3A_1748, %slice3A_1749, %slice3A_1750 : vector<32x1024xi1>, vector<32x1024xf32>
    %slice3A_1752 = vector.extract_strided_slice %select_n3A_1745 {offsets = [32, 0], sizes = [32, 1024], strides = [1, 1]} : vector<64x1024xi32> to vector<32x1024xi32>
    %slice3A_1753 = vector.extract_strided_slice %select_n3A_1745 {offsets = [0, 0], sizes = [32, 1024], strides = [1, 1]} : vector<64x1024xi32> to vector<32x1024xi32>
    %select_n3A_1754 = arith.select %gt3A_1748, %slice3A_1752, %slice3A_1753 : vector<32x1024xi1>, vector<32x1024xi32>
    %slice3A_1755 = vector.extract_strided_slice %select_n3A_1751 {offsets = [16, 0], sizes = [16, 1024], strides = [1, 1]} : vector<32x1024xf32> to vector<16x1024xf32>
    %slice3A_1756 = vector.extract_strided_slice %select_n3A_1751 {offsets = [0, 0], sizes = [16, 1024], strides = [1, 1]} : vector<32x1024xf32> to vector<16x1024xf32>
    %gt3A_1757 = arith.cmpf ogt, %slice3A_1755, %slice3A_1756 : vector<16x1024xf32>
    %slice3A_1758 = vector.extract_strided_slice %select_n3A_1751 {offsets = [16, 0], sizes = [16, 1024], strides = [1, 1]} : vector<32x1024xf32> to vector<16x1024xf32>
    %slice3A_1759 = vector.extract_strided_slice %select_n3A_1751 {offsets = [0, 0], sizes = [16, 1024], strides = [1, 1]} : vector<32x1024xf32> to vector<16x1024xf32>
    %select_n3A_1760 = arith.select %gt3A_1757, %slice3A_1758, %slice3A_1759 : vector<16x1024xi1>, vector<16x1024xf32>
    %slice3A_1761 = vector.extract_strided_slice %select_n3A_1754 {offsets = [16, 0], sizes = [16, 1024], strides = [1, 1]} : vector<32x1024xi32> to vector<16x1024xi32>
    %slice3A_1762 = vector.extract_strided_slice %select_n3A_1754 {offsets = [0, 0], sizes = [16, 1024], strides = [1, 1]} : vector<32x1024xi32> to vector<16x1024xi32>
    %select_n3A_1763 = arith.select %gt3A_1757, %slice3A_1761, %slice3A_1762 : vector<16x1024xi1>, vector<16x1024xi32>
    %slice3A_1764 = vector.extract_strided_slice %select_n3A_1760 {offsets = [8, 0], sizes = [8, 1024], strides = [1, 1]} : vector<16x1024xf32> to vector<8x1024xf32>
    %slice3A_1765 = vector.extract_strided_slice %select_n3A_1760 {offsets = [0, 0], sizes = [8, 1024], strides = [1, 1]} : vector<16x1024xf32> to vector<8x1024xf32>
    %gt3A_1766 = arith.cmpf ogt, %slice3A_1764, %slice3A_1765 : vector<8x1024xf32>
    %slice3A_1767 = vector.extract_strided_slice %select_n3A_1760 {offsets = [8, 0], sizes = [8, 1024], strides = [1, 1]} : vector<16x1024xf32> to vector<8x1024xf32>
    %slice3A_1768 = vector.extract_strided_slice %select_n3A_1760 {offsets = [0, 0], sizes = [8, 1024], strides = [1, 1]} : vector<16x1024xf32> to vector<8x1024xf32>
    %select_n3A_1769 = arith.select %gt3A_1766, %slice3A_1767, %slice3A_1768 : vector<8x1024xi1>, vector<8x1024xf32>
    %slice3A_1770 = vector.extract_strided_slice %select_n3A_1763 {offsets = [8, 0], sizes = [8, 1024], strides = [1, 1]} : vector<16x1024xi32> to vector<8x1024xi32>
    %slice3A_1771 = vector.extract_strided_slice %select_n3A_1763 {offsets = [0, 0], sizes = [8, 1024], strides = [1, 1]} : vector<16x1024xi32> to vector<8x1024xi32>
    %select_n3A_1772 = arith.select %gt3A_1766, %slice3A_1770, %slice3A_1771 : vector<8x1024xi1>, vector<8x1024xi32>
    %slice3A_1773 = vector.extract_strided_slice %select_n3A_1769 {offsets = [4, 0], sizes = [4, 1024], strides = [1, 1]} : vector<8x1024xf32> to vector<4x1024xf32>
    %slice3A_1774 = vector.extract_strided_slice %select_n3A_1769 {offsets = [0, 0], sizes = [4, 1024], strides = [1, 1]} : vector<8x1024xf32> to vector<4x1024xf32>
    %gt3A_1775 = arith.cmpf ogt, %slice3A_1773, %slice3A_1774 : vector<4x1024xf32>
    %slice3A_1776 = vector.extract_strided_slice %select_n3A_1769 {offsets = [4, 0], sizes = [4, 1024], strides = [1, 1]} : vector<8x1024xf32> to vector<4x1024xf32>
    %slice3A_1777 = vector.extract_strided_slice %select_n3A_1769 {offsets = [0, 0], sizes = [4, 1024], strides = [1, 1]} : vector<8x1024xf32> to vector<4x1024xf32>
    %select_n3A_1778 = arith.select %gt3A_1775, %slice3A_1776, %slice3A_1777 : vector<4x1024xi1>, vector<4x1024xf32>
    %slice3A_1779 = vector.extract_strided_slice %select_n3A_1772 {offsets = [4, 0], sizes = [4, 1024], strides = [1, 1]} : vector<8x1024xi32> to vector<4x1024xi32>
    %slice3A_1780 = vector.extract_strided_slice %select_n3A_1772 {offsets = [0, 0], sizes = [4, 1024], strides = [1, 1]} : vector<8x1024xi32> to vector<4x1024xi32>
    %select_n3A_1781 = arith.select %gt3A_1775, %slice3A_1779, %slice3A_1780 : vector<4x1024xi1>, vector<4x1024xi32>
    %slice3A_1782 = vector.extract_strided_slice %select_n3A_1778 {offsets = [2, 0], sizes = [2, 1024], strides = [1, 1]} : vector<4x1024xf32> to vector<2x1024xf32>
    %slice3A_1783 = vector.extract_strided_slice %select_n3A_1778 {offsets = [0, 0], sizes = [2, 1024], strides = [1, 1]} : vector<4x1024xf32> to vector<2x1024xf32>
    %gt3A_1784 = arith.cmpf ogt, %slice3A_1782, %slice3A_1783 : vector<2x1024xf32>
    %slice3A_1785 = vector.extract_strided_slice %select_n3A_1778 {offsets = [2, 0], sizes = [2, 1024], strides = [1, 1]} : vector<4x1024xf32> to vector<2x1024xf32>
    %slice3A_1786 = vector.extract_strided_slice %select_n3A_1778 {offsets = [0, 0], sizes = [2, 1024], strides = [1, 1]} : vector<4x1024xf32> to vector<2x1024xf32>
    %select_n3A_1787 = arith.select %gt3A_1784, %slice3A_1785, %slice3A_1786 : vector<2x1024xi1>, vector<2x1024xf32>
    %slice3A_1788 = vector.extract_strided_slice %select_n3A_1781 {offsets = [2, 0], sizes = [2, 1024], strides = [1, 1]} : vector<4x1024xi32> to vector<2x1024xi32>
    %slice3A_1789 = vector.extract_strided_slice %select_n3A_1781 {offsets = [0, 0], sizes = [2, 1024], strides = [1, 1]} : vector<4x1024xi32> to vector<2x1024xi32>
    %select_n3A_1790 = arith.select %gt3A_1784, %slice3A_1788, %slice3A_1789 : vector<2x1024xi1>, vector<2x1024xi32>
    %slice3A_1791 = vector.extract_strided_slice %select_n3A_1787 {offsets = [1, 0], sizes = [1, 1024], strides = [1, 1]} : vector<2x1024xf32> to vector<1x1024xf32>
    %slice3A_1792 = vector.extract_strided_slice %select_n3A_1787 {offsets = [0, 0], sizes = [1, 1024], strides = [1, 1]} : vector<2x1024xf32> to vector<1x1024xf32>
    %gt3A_1793 = arith.cmpf ogt, %slice3A_1791, %slice3A_1792 : vector<1x1024xf32>
    %slice3A_1794 = vector.extract_strided_slice %select_n3A_1787 {offsets = [1, 0], sizes = [1, 1024], strides = [1, 1]} : vector<2x1024xf32> to vector<1x1024xf32>
    %slice3A_1795 = vector.extract_strided_slice %select_n3A_1787 {offsets = [0, 0], sizes = [1, 1024], strides = [1, 1]} : vector<2x1024xf32> to vector<1x1024xf32>
    %select_n3A_1796 = arith.select %gt3A_1793, %slice3A_1794, %slice3A_1795 : vector<1x1024xi1>, vector<1x1024xf32>
    %slice3A_1797 = vector.extract_strided_slice %select_n3A_1790 {offsets = [1, 0], sizes = [1, 1024], strides = [1, 1]} : vector<2x1024xi32> to vector<1x1024xi32>
    %slice3A_1798 = vector.extract_strided_slice %select_n3A_1790 {offsets = [0, 0], sizes = [1, 1024], strides = [1, 1]} : vector<2x1024xi32> to vector<1x1024xi32>
    %select_n3A_1799 = arith.select %gt3A_1793, %slice3A_1797, %slice3A_1798 : vector<1x1024xi1>, vector<1x1024xi32>
    %squeeze3A_1800 = vector.shape_cast %select_n3A_1796 : vector<1x1024xf32> to vector<1024xf32>
    %squeeze3A_1801 = vector.shape_cast %select_n3A_1799 : vector<1x1024xi32> to vector<1024xi32>
    %gt3A_1802 = arith.cmpf ogt, %squeeze3A_1800, %select_n3A_1717 : vector<1024xf32>
    %select_n3A_1803 = arith.select %gt3A_1802, %squeeze3A_1800, %select_n3A_1717 : vector<1024xi1>, vector<1024xf32>
    %select_n3A_1804 = arith.select %gt3A_1802, %squeeze3A_1801, %select_n3A_1718 : vector<1024xi1>, vector<1024xi32>
    %get3A_1805 = arith.constant 5376 : index
    %get3A_1806 = arith.constant 0 : index
    %get3A_1807 = vector.load %arg4[%get3A_1805, %get3A_1806] : memref<8192x32xf32, #tpu.memory_space<vmem>>, vector<256x32xf32>
    %dot_general3A_1808 = arith.constant dense<0.000000e+00> : vector<256x1024xf32>
    %dot_general3A_1809 = tpu.matmul %get3A_1807, %div3A_8, %dot_general3A_1808 {dimension_numbers = #tpu.dot_dimension_numbers<[1], [1], [0], [0], [0, 0, 1, 0], [], []>, transpose_lhs_hint = false} : vector<256x32xf32>, vector<1024x32xf32>, vector<256x1024xf32> -> vector<256x1024xf32>
    %iota3A_1810 = tpu.iota {dimensions = array<i32: 0>} : vector<256x1024xi32>
    %add3A_1811 = arith.constant 5376 : i32
    %add3A_1812 = vector.broadcast %add3A_1811 : i32 to vector<256x1024xi32>
    %add3A_1813 = arith.addi %iota3A_1810, %add3A_1812 : vector<256x1024xi32>
    %slice3A_1814 = vector.extract_strided_slice %dot_general3A_1809 {offsets = [128, 0], sizes = [128, 1024], strides = [1, 1]} : vector<256x1024xf32> to vector<128x1024xf32>
    %slice3A_1815 = vector.extract_strided_slice %dot_general3A_1809 {offsets = [0, 0], sizes = [128, 1024], strides = [1, 1]} : vector<256x1024xf32> to vector<128x1024xf32>
    %gt3A_1816 = arith.cmpf ogt, %slice3A_1814, %slice3A_1815 : vector<128x1024xf32>
    %slice3A_1817 = vector.extract_strided_slice %dot_general3A_1809 {offsets = [128, 0], sizes = [128, 1024], strides = [1, 1]} : vector<256x1024xf32> to vector<128x1024xf32>
    %slice3A_1818 = vector.extract_strided_slice %dot_general3A_1809 {offsets = [0, 0], sizes = [128, 1024], strides = [1, 1]} : vector<256x1024xf32> to vector<128x1024xf32>
    %select_n3A_1819 = arith.select %gt3A_1816, %slice3A_1817, %slice3A_1818 : vector<128x1024xi1>, vector<128x1024xf32>
    %slice3A_1820 = vector.extract_strided_slice %add3A_1813 {offsets = [128, 0], sizes = [128, 1024], strides = [1, 1]} : vector<256x1024xi32> to vector<128x1024xi32>
    %slice3A_1821 = vector.extract_strided_slice %add3A_1813 {offsets = [0, 0], sizes = [128, 1024], strides = [1, 1]} : vector<256x1024xi32> to vector<128x1024xi32>
    %select_n3A_1822 = arith.select %gt3A_1816, %slice3A_1820, %slice3A_1821 : vector<128x1024xi1>, vector<128x1024xi32>
    %slice3A_1823 = vector.extract_strided_slice %select_n3A_1819 {offsets = [64, 0], sizes = [64, 1024], strides = [1, 1]} : vector<128x1024xf32> to vector<64x1024xf32>
    %slice3A_1824 = vector.extract_strided_slice %select_n3A_1819 {offsets = [0, 0], sizes = [64, 1024], strides = [1, 1]} : vector<128x1024xf32> to vector<64x1024xf32>
    %gt3A_1825 = arith.cmpf ogt, %slice3A_1823, %slice3A_1824 : vector<64x1024xf32>
    %slice3A_1826 = vector.extract_strided_slice %select_n3A_1819 {offsets = [64, 0], sizes = [64, 1024], strides = [1, 1]} : vector<128x1024xf32> to vector<64x1024xf32>
    %slice3A_1827 = vector.extract_strided_slice %select_n3A_1819 {offsets = [0, 0], sizes = [64, 1024], strides = [1, 1]} : vector<128x1024xf32> to vector<64x1024xf32>
    %select_n3A_1828 = arith.select %gt3A_1825, %slice3A_1826, %slice3A_1827 : vector<64x1024xi1>, vector<64x1024xf32>
    %slice3A_1829 = vector.extract_strided_slice %select_n3A_1822 {offsets = [64, 0], sizes = [64, 1024], strides = [1, 1]} : vector<128x1024xi32> to vector<64x1024xi32>
    %slice3A_1830 = vector.extract_strided_slice %select_n3A_1822 {offsets = [0, 0], sizes = [64, 1024], strides = [1, 1]} : vector<128x1024xi32> to vector<64x1024xi32>
    %select_n3A_1831 = arith.select %gt3A_1825, %slice3A_1829, %slice3A_1830 : vector<64x1024xi1>, vector<64x1024xi32>
    %slice3A_1832 = vector.extract_strided_slice %select_n3A_1828 {offsets = [32, 0], sizes = [32, 1024], strides = [1, 1]} : vector<64x1024xf32> to vector<32x1024xf32>
    %slice3A_1833 = vector.extract_strided_slice %select_n3A_1828 {offsets = [0, 0], sizes = [32, 1024], strides = [1, 1]} : vector<64x1024xf32> to vector<32x1024xf32>
    %gt3A_1834 = arith.cmpf ogt, %slice3A_1832, %slice3A_1833 : vector<32x1024xf32>
    %slice3A_1835 = vector.extract_strided_slice %select_n3A_1828 {offsets = [32, 0], sizes = [32, 1024], strides = [1, 1]} : vector<64x1024xf32> to vector<32x1024xf32>
    %slice3A_1836 = vector.extract_strided_slice %select_n3A_1828 {offsets = [0, 0], sizes = [32, 1024], strides = [1, 1]} : vector<64x1024xf32> to vector<32x1024xf32>
    %select_n3A_1837 = arith.select %gt3A_1834, %slice3A_1835, %slice3A_1836 : vector<32x1024xi1>, vector<32x1024xf32>
    %slice3A_1838 = vector.extract_strided_slice %select_n3A_1831 {offsets = [32, 0], sizes = [32, 1024], strides = [1, 1]} : vector<64x1024xi32> to vector<32x1024xi32>
    %slice3A_1839 = vector.extract_strided_slice %select_n3A_1831 {offsets = [0, 0], sizes = [32, 1024], strides = [1, 1]} : vector<64x1024xi32> to vector<32x1024xi32>
    %select_n3A_1840 = arith.select %gt3A_1834, %slice3A_1838, %slice3A_1839 : vector<32x1024xi1>, vector<32x1024xi32>
    %slice3A_1841 = vector.extract_strided_slice %select_n3A_1837 {offsets = [16, 0], sizes = [16, 1024], strides = [1, 1]} : vector<32x1024xf32> to vector<16x1024xf32>
    %slice3A_1842 = vector.extract_strided_slice %select_n3A_1837 {offsets = [0, 0], sizes = [16, 1024], strides = [1, 1]} : vector<32x1024xf32> to vector<16x1024xf32>
    %gt3A_1843 = arith.cmpf ogt, %slice3A_1841, %slice3A_1842 : vector<16x1024xf32>
    %slice3A_1844 = vector.extract_strided_slice %select_n3A_1837 {offsets = [16, 0], sizes = [16, 1024], strides = [1, 1]} : vector<32x1024xf32> to vector<16x1024xf32>
    %slice3A_1845 = vector.extract_strided_slice %select_n3A_1837 {offsets = [0, 0], sizes = [16, 1024], strides = [1, 1]} : vector<32x1024xf32> to vector<16x1024xf32>
    %select_n3A_1846 = arith.select %gt3A_1843, %slice3A_1844, %slice3A_1845 : vector<16x1024xi1>, vector<16x1024xf32>
    %slice3A_1847 = vector.extract_strided_slice %select_n3A_1840 {offsets = [16, 0], sizes = [16, 1024], strides = [1, 1]} : vector<32x1024xi32> to vector<16x1024xi32>
    %slice3A_1848 = vector.extract_strided_slice %select_n3A_1840 {offsets = [0, 0], sizes = [16, 1024], strides = [1, 1]} : vector<32x1024xi32> to vector<16x1024xi32>
    %select_n3A_1849 = arith.select %gt3A_1843, %slice3A_1847, %slice3A_1848 : vector<16x1024xi1>, vector<16x1024xi32>
    %slice3A_1850 = vector.extract_strided_slice %select_n3A_1846 {offsets = [8, 0], sizes = [8, 1024], strides = [1, 1]} : vector<16x1024xf32> to vector<8x1024xf32>
    %slice3A_1851 = vector.extract_strided_slice %select_n3A_1846 {offsets = [0, 0], sizes = [8, 1024], strides = [1, 1]} : vector<16x1024xf32> to vector<8x1024xf32>
    %gt3A_1852 = arith.cmpf ogt, %slice3A_1850, %slice3A_1851 : vector<8x1024xf32>
    %slice3A_1853 = vector.extract_strided_slice %select_n3A_1846 {offsets = [8, 0], sizes = [8, 1024], strides = [1, 1]} : vector<16x1024xf32> to vector<8x1024xf32>
    %slice3A_1854 = vector.extract_strided_slice %select_n3A_1846 {offsets = [0, 0], sizes = [8, 1024], strides = [1, 1]} : vector<16x1024xf32> to vector<8x1024xf32>
    %select_n3A_1855 = arith.select %gt3A_1852, %slice3A_1853, %slice3A_1854 : vector<8x1024xi1>, vector<8x1024xf32>
    %slice3A_1856 = vector.extract_strided_slice %select_n3A_1849 {offsets = [8, 0], sizes = [8, 1024], strides = [1, 1]} : vector<16x1024xi32> to vector<8x1024xi32>
    %slice3A_1857 = vector.extract_strided_slice %select_n3A_1849 {offsets = [0, 0], sizes = [8, 1024], strides = [1, 1]} : vector<16x1024xi32> to vector<8x1024xi32>
    %select_n3A_1858 = arith.select %gt3A_1852, %slice3A_1856, %slice3A_1857 : vector<8x1024xi1>, vector<8x1024xi32>
    %slice3A_1859 = vector.extract_strided_slice %select_n3A_1855 {offsets = [4, 0], sizes = [4, 1024], strides = [1, 1]} : vector<8x1024xf32> to vector<4x1024xf32>
    %slice3A_1860 = vector.extract_strided_slice %select_n3A_1855 {offsets = [0, 0], sizes = [4, 1024], strides = [1, 1]} : vector<8x1024xf32> to vector<4x1024xf32>
    %gt3A_1861 = arith.cmpf ogt, %slice3A_1859, %slice3A_1860 : vector<4x1024xf32>
    %slice3A_1862 = vector.extract_strided_slice %select_n3A_1855 {offsets = [4, 0], sizes = [4, 1024], strides = [1, 1]} : vector<8x1024xf32> to vector<4x1024xf32>
    %slice3A_1863 = vector.extract_strided_slice %select_n3A_1855 {offsets = [0, 0], sizes = [4, 1024], strides = [1, 1]} : vector<8x1024xf32> to vector<4x1024xf32>
    %select_n3A_1864 = arith.select %gt3A_1861, %slice3A_1862, %slice3A_1863 : vector<4x1024xi1>, vector<4x1024xf32>
    %slice3A_1865 = vector.extract_strided_slice %select_n3A_1858 {offsets = [4, 0], sizes = [4, 1024], strides = [1, 1]} : vector<8x1024xi32> to vector<4x1024xi32>
    %slice3A_1866 = vector.extract_strided_slice %select_n3A_1858 {offsets = [0, 0], sizes = [4, 1024], strides = [1, 1]} : vector<8x1024xi32> to vector<4x1024xi32>
    %select_n3A_1867 = arith.select %gt3A_1861, %slice3A_1865, %slice3A_1866 : vector<4x1024xi1>, vector<4x1024xi32>
    %slice3A_1868 = vector.extract_strided_slice %select_n3A_1864 {offsets = [2, 0], sizes = [2, 1024], strides = [1, 1]} : vector<4x1024xf32> to vector<2x1024xf32>
    %slice3A_1869 = vector.extract_strided_slice %select_n3A_1864 {offsets = [0, 0], sizes = [2, 1024], strides = [1, 1]} : vector<4x1024xf32> to vector<2x1024xf32>
    %gt3A_1870 = arith.cmpf ogt, %slice3A_1868, %slice3A_1869 : vector<2x1024xf32>
    %slice3A_1871 = vector.extract_strided_slice %select_n3A_1864 {offsets = [2, 0], sizes = [2, 1024], strides = [1, 1]} : vector<4x1024xf32> to vector<2x1024xf32>
    %slice3A_1872 = vector.extract_strided_slice %select_n3A_1864 {offsets = [0, 0], sizes = [2, 1024], strides = [1, 1]} : vector<4x1024xf32> to vector<2x1024xf32>
    %select_n3A_1873 = arith.select %gt3A_1870, %slice3A_1871, %slice3A_1872 : vector<2x1024xi1>, vector<2x1024xf32>
    %slice3A_1874 = vector.extract_strided_slice %select_n3A_1867 {offsets = [2, 0], sizes = [2, 1024], strides = [1, 1]} : vector<4x1024xi32> to vector<2x1024xi32>
    %slice3A_1875 = vector.extract_strided_slice %select_n3A_1867 {offsets = [0, 0], sizes = [2, 1024], strides = [1, 1]} : vector<4x1024xi32> to vector<2x1024xi32>
    %select_n3A_1876 = arith.select %gt3A_1870, %slice3A_1874, %slice3A_1875 : vector<2x1024xi1>, vector<2x1024xi32>
    %slice3A_1877 = vector.extract_strided_slice %select_n3A_1873 {offsets = [1, 0], sizes = [1, 1024], strides = [1, 1]} : vector<2x1024xf32> to vector<1x1024xf32>
    %slice3A_1878 = vector.extract_strided_slice %select_n3A_1873 {offsets = [0, 0], sizes = [1, 1024], strides = [1, 1]} : vector<2x1024xf32> to vector<1x1024xf32>
    %gt3A_1879 = arith.cmpf ogt, %slice3A_1877, %slice3A_1878 : vector<1x1024xf32>
    %slice3A_1880 = vector.extract_strided_slice %select_n3A_1873 {offsets = [1, 0], sizes = [1, 1024], strides = [1, 1]} : vector<2x1024xf32> to vector<1x1024xf32>
    %slice3A_1881 = vector.extract_strided_slice %select_n3A_1873 {offsets = [0, 0], sizes = [1, 1024], strides = [1, 1]} : vector<2x1024xf32> to vector<1x1024xf32>
    %select_n3A_1882 = arith.select %gt3A_1879, %slice3A_1880, %slice3A_1881 : vector<1x1024xi1>, vector<1x1024xf32>
    %slice3A_1883 = vector.extract_strided_slice %select_n3A_1876 {offsets = [1, 0], sizes = [1, 1024], strides = [1, 1]} : vector<2x1024xi32> to vector<1x1024xi32>
    %slice3A_1884 = vector.extract_strided_slice %select_n3A_1876 {offsets = [0, 0], sizes = [1, 1024], strides = [1, 1]} : vector<2x1024xi32> to vector<1x1024xi32>
    %select_n3A_1885 = arith.select %gt3A_1879, %slice3A_1883, %slice3A_1884 : vector<1x1024xi1>, vector<1x1024xi32>
    %squeeze3A_1886 = vector.shape_cast %select_n3A_1882 : vector<1x1024xf32> to vector<1024xf32>
    %squeeze3A_1887 = vector.shape_cast %select_n3A_1885 : vector<1x1024xi32> to vector<1024xi32>
    %gt3A_1888 = arith.cmpf ogt, %squeeze3A_1886, %select_n3A_1803 : vector<1024xf32>
    %select_n3A_1889 = arith.select %gt3A_1888, %squeeze3A_1886, %select_n3A_1803 : vector<1024xi1>, vector<1024xf32>
    %select_n3A_1890 = arith.select %gt3A_1888, %squeeze3A_1887, %select_n3A_1804 : vector<1024xi1>, vector<1024xi32>
    %get3A_1891 = arith.constant 5632 : index
    %get3A_1892 = arith.constant 0 : index
    %get3A_1893 = vector.load %arg4[%get3A_1891, %get3A_1892] : memref<8192x32xf32, #tpu.memory_space<vmem>>, vector<256x32xf32>
    %dot_general3A_1894 = arith.constant dense<0.000000e+00> : vector<256x1024xf32>
    %dot_general3A_1895 = tpu.matmul %get3A_1893, %div3A_8, %dot_general3A_1894 {dimension_numbers = #tpu.dot_dimension_numbers<[1], [1], [0], [0], [0, 0, 1, 0], [], []>, transpose_lhs_hint = false} : vector<256x32xf32>, vector<1024x32xf32>, vector<256x1024xf32> -> vector<256x1024xf32>
    %iota3A_1896 = tpu.iota {dimensions = array<i32: 0>} : vector<256x1024xi32>
    %add3A_1897 = arith.constant 5632 : i32
    %add3A_1898 = vector.broadcast %add3A_1897 : i32 to vector<256x1024xi32>
    %add3A_1899 = arith.addi %iota3A_1896, %add3A_1898 : vector<256x1024xi32>
    %slice3A_1900 = vector.extract_strided_slice %dot_general3A_1895 {offsets = [128, 0], sizes = [128, 1024], strides = [1, 1]} : vector<256x1024xf32> to vector<128x1024xf32>
    %slice3A_1901 = vector.extract_strided_slice %dot_general3A_1895 {offsets = [0, 0], sizes = [128, 1024], strides = [1, 1]} : vector<256x1024xf32> to vector<128x1024xf32>
    %gt3A_1902 = arith.cmpf ogt, %slice3A_1900, %slice3A_1901 : vector<128x1024xf32>
    %slice3A_1903 = vector.extract_strided_slice %dot_general3A_1895 {offsets = [128, 0], sizes = [128, 1024], strides = [1, 1]} : vector<256x1024xf32> to vector<128x1024xf32>
    %slice3A_1904 = vector.extract_strided_slice %dot_general3A_1895 {offsets = [0, 0], sizes = [128, 1024], strides = [1, 1]} : vector<256x1024xf32> to vector<128x1024xf32>
    %select_n3A_1905 = arith.select %gt3A_1902, %slice3A_1903, %slice3A_1904 : vector<128x1024xi1>, vector<128x1024xf32>
    %slice3A_1906 = vector.extract_strided_slice %add3A_1899 {offsets = [128, 0], sizes = [128, 1024], strides = [1, 1]} : vector<256x1024xi32> to vector<128x1024xi32>
    %slice3A_1907 = vector.extract_strided_slice %add3A_1899 {offsets = [0, 0], sizes = [128, 1024], strides = [1, 1]} : vector<256x1024xi32> to vector<128x1024xi32>
    %select_n3A_1908 = arith.select %gt3A_1902, %slice3A_1906, %slice3A_1907 : vector<128x1024xi1>, vector<128x1024xi32>
    %slice3A_1909 = vector.extract_strided_slice %select_n3A_1905 {offsets = [64, 0], sizes = [64, 1024], strides = [1, 1]} : vector<128x1024xf32> to vector<64x1024xf32>
    %slice3A_1910 = vector.extract_strided_slice %select_n3A_1905 {offsets = [0, 0], sizes = [64, 1024], strides = [1, 1]} : vector<128x1024xf32> to vector<64x1024xf32>
    %gt3A_1911 = arith.cmpf ogt, %slice3A_1909, %slice3A_1910 : vector<64x1024xf32>
    %slice3A_1912 = vector.extract_strided_slice %select_n3A_1905 {offsets = [64, 0], sizes = [64, 1024], strides = [1, 1]} : vector<128x1024xf32> to vector<64x1024xf32>
    %slice3A_1913 = vector.extract_strided_slice %select_n3A_1905 {offsets = [0, 0], sizes = [64, 1024], strides = [1, 1]} : vector<128x1024xf32> to vector<64x1024xf32>
    %select_n3A_1914 = arith.select %gt3A_1911, %slice3A_1912, %slice3A_1913 : vector<64x1024xi1>, vector<64x1024xf32>
    %slice3A_1915 = vector.extract_strided_slice %select_n3A_1908 {offsets = [64, 0], sizes = [64, 1024], strides = [1, 1]} : vector<128x1024xi32> to vector<64x1024xi32>
    %slice3A_1916 = vector.extract_strided_slice %select_n3A_1908 {offsets = [0, 0], sizes = [64, 1024], strides = [1, 1]} : vector<128x1024xi32> to vector<64x1024xi32>
    %select_n3A_1917 = arith.select %gt3A_1911, %slice3A_1915, %slice3A_1916 : vector<64x1024xi1>, vector<64x1024xi32>
    %slice3A_1918 = vector.extract_strided_slice %select_n3A_1914 {offsets = [32, 0], sizes = [32, 1024], strides = [1, 1]} : vector<64x1024xf32> to vector<32x1024xf32>
    %slice3A_1919 = vector.extract_strided_slice %select_n3A_1914 {offsets = [0, 0], sizes = [32, 1024], strides = [1, 1]} : vector<64x1024xf32> to vector<32x1024xf32>
    %gt3A_1920 = arith.cmpf ogt, %slice3A_1918, %slice3A_1919 : vector<32x1024xf32>
    %slice3A_1921 = vector.extract_strided_slice %select_n3A_1914 {offsets = [32, 0], sizes = [32, 1024], strides = [1, 1]} : vector<64x1024xf32> to vector<32x1024xf32>
    %slice3A_1922 = vector.extract_strided_slice %select_n3A_1914 {offsets = [0, 0], sizes = [32, 1024], strides = [1, 1]} : vector<64x1024xf32> to vector<32x1024xf32>
    %select_n3A_1923 = arith.select %gt3A_1920, %slice3A_1921, %slice3A_1922 : vector<32x1024xi1>, vector<32x1024xf32>
    %slice3A_1924 = vector.extract_strided_slice %select_n3A_1917 {offsets = [32, 0], sizes = [32, 1024], strides = [1, 1]} : vector<64x1024xi32> to vector<32x1024xi32>
    %slice3A_1925 = vector.extract_strided_slice %select_n3A_1917 {offsets = [0, 0], sizes = [32, 1024], strides = [1, 1]} : vector<64x1024xi32> to vector<32x1024xi32>
    %select_n3A_1926 = arith.select %gt3A_1920, %slice3A_1924, %slice3A_1925 : vector<32x1024xi1>, vector<32x1024xi32>
    %slice3A_1927 = vector.extract_strided_slice %select_n3A_1923 {offsets = [16, 0], sizes = [16, 1024], strides = [1, 1]} : vector<32x1024xf32> to vector<16x1024xf32>
    %slice3A_1928 = vector.extract_strided_slice %select_n3A_1923 {offsets = [0, 0], sizes = [16, 1024], strides = [1, 1]} : vector<32x1024xf32> to vector<16x1024xf32>
    %gt3A_1929 = arith.cmpf ogt, %slice3A_1927, %slice3A_1928 : vector<16x1024xf32>
    %slice3A_1930 = vector.extract_strided_slice %select_n3A_1923 {offsets = [16, 0], sizes = [16, 1024], strides = [1, 1]} : vector<32x1024xf32> to vector<16x1024xf32>
    %slice3A_1931 = vector.extract_strided_slice %select_n3A_1923 {offsets = [0, 0], sizes = [16, 1024], strides = [1, 1]} : vector<32x1024xf32> to vector<16x1024xf32>
    %select_n3A_1932 = arith.select %gt3A_1929, %slice3A_1930, %slice3A_1931 : vector<16x1024xi1>, vector<16x1024xf32>
    %slice3A_1933 = vector.extract_strided_slice %select_n3A_1926 {offsets = [16, 0], sizes = [16, 1024], strides = [1, 1]} : vector<32x1024xi32> to vector<16x1024xi32>
    %slice3A_1934 = vector.extract_strided_slice %select_n3A_1926 {offsets = [0, 0], sizes = [16, 1024], strides = [1, 1]} : vector<32x1024xi32> to vector<16x1024xi32>
    %select_n3A_1935 = arith.select %gt3A_1929, %slice3A_1933, %slice3A_1934 : vector<16x1024xi1>, vector<16x1024xi32>
    %slice3A_1936 = vector.extract_strided_slice %select_n3A_1932 {offsets = [8, 0], sizes = [8, 1024], strides = [1, 1]} : vector<16x1024xf32> to vector<8x1024xf32>
    %slice3A_1937 = vector.extract_strided_slice %select_n3A_1932 {offsets = [0, 0], sizes = [8, 1024], strides = [1, 1]} : vector<16x1024xf32> to vector<8x1024xf32>
    %gt3A_1938 = arith.cmpf ogt, %slice3A_1936, %slice3A_1937 : vector<8x1024xf32>
    %slice3A_1939 = vector.extract_strided_slice %select_n3A_1932 {offsets = [8, 0], sizes = [8, 1024], strides = [1, 1]} : vector<16x1024xf32> to vector<8x1024xf32>
    %slice3A_1940 = vector.extract_strided_slice %select_n3A_1932 {offsets = [0, 0], sizes = [8, 1024], strides = [1, 1]} : vector<16x1024xf32> to vector<8x1024xf32>
    %select_n3A_1941 = arith.select %gt3A_1938, %slice3A_1939, %slice3A_1940 : vector<8x1024xi1>, vector<8x1024xf32>
    %slice3A_1942 = vector.extract_strided_slice %select_n3A_1935 {offsets = [8, 0], sizes = [8, 1024], strides = [1, 1]} : vector<16x1024xi32> to vector<8x1024xi32>
    %slice3A_1943 = vector.extract_strided_slice %select_n3A_1935 {offsets = [0, 0], sizes = [8, 1024], strides = [1, 1]} : vector<16x1024xi32> to vector<8x1024xi32>
    %select_n3A_1944 = arith.select %gt3A_1938, %slice3A_1942, %slice3A_1943 : vector<8x1024xi1>, vector<8x1024xi32>
    %slice3A_1945 = vector.extract_strided_slice %select_n3A_1941 {offsets = [4, 0], sizes = [4, 1024], strides = [1, 1]} : vector<8x1024xf32> to vector<4x1024xf32>
    %slice3A_1946 = vector.extract_strided_slice %select_n3A_1941 {offsets = [0, 0], sizes = [4, 1024], strides = [1, 1]} : vector<8x1024xf32> to vector<4x1024xf32>
    %gt3A_1947 = arith.cmpf ogt, %slice3A_1945, %slice3A_1946 : vector<4x1024xf32>
    %slice3A_1948 = vector.extract_strided_slice %select_n3A_1941 {offsets = [4, 0], sizes = [4, 1024], strides = [1, 1]} : vector<8x1024xf32> to vector<4x1024xf32>
    %slice3A_1949 = vector.extract_strided_slice %select_n3A_1941 {offsets = [0, 0], sizes = [4, 1024], strides = [1, 1]} : vector<8x1024xf32> to vector<4x1024xf32>
    %select_n3A_1950 = arith.select %gt3A_1947, %slice3A_1948, %slice3A_1949 : vector<4x1024xi1>, vector<4x1024xf32>
    %slice3A_1951 = vector.extract_strided_slice %select_n3A_1944 {offsets = [4, 0], sizes = [4, 1024], strides = [1, 1]} : vector<8x1024xi32> to vector<4x1024xi32>
    %slice3A_1952 = vector.extract_strided_slice %select_n3A_1944 {offsets = [0, 0], sizes = [4, 1024], strides = [1, 1]} : vector<8x1024xi32> to vector<4x1024xi32>
    %select_n3A_1953 = arith.select %gt3A_1947, %slice3A_1951, %slice3A_1952 : vector<4x1024xi1>, vector<4x1024xi32>
    %slice3A_1954 = vector.extract_strided_slice %select_n3A_1950 {offsets = [2, 0], sizes = [2, 1024], strides = [1, 1]} : vector<4x1024xf32> to vector<2x1024xf32>
    %slice3A_1955 = vector.extract_strided_slice %select_n3A_1950 {offsets = [0, 0], sizes = [2, 1024], strides = [1, 1]} : vector<4x1024xf32> to vector<2x1024xf32>
    %gt3A_1956 = arith.cmpf ogt, %slice3A_1954, %slice3A_1955 : vector<2x1024xf32>
    %slice3A_1957 = vector.extract_strided_slice %select_n3A_1950 {offsets = [2, 0], sizes = [2, 1024], strides = [1, 1]} : vector<4x1024xf32> to vector<2x1024xf32>
    %slice3A_1958 = vector.extract_strided_slice %select_n3A_1950 {offsets = [0, 0], sizes = [2, 1024], strides = [1, 1]} : vector<4x1024xf32> to vector<2x1024xf32>
    %select_n3A_1959 = arith.select %gt3A_1956, %slice3A_1957, %slice3A_1958 : vector<2x1024xi1>, vector<2x1024xf32>
    %slice3A_1960 = vector.extract_strided_slice %select_n3A_1953 {offsets = [2, 0], sizes = [2, 1024], strides = [1, 1]} : vector<4x1024xi32> to vector<2x1024xi32>
    %slice3A_1961 = vector.extract_strided_slice %select_n3A_1953 {offsets = [0, 0], sizes = [2, 1024], strides = [1, 1]} : vector<4x1024xi32> to vector<2x1024xi32>
    %select_n3A_1962 = arith.select %gt3A_1956, %slice3A_1960, %slice3A_1961 : vector<2x1024xi1>, vector<2x1024xi32>
    %slice3A_1963 = vector.extract_strided_slice %select_n3A_1959 {offsets = [1, 0], sizes = [1, 1024], strides = [1, 1]} : vector<2x1024xf32> to vector<1x1024xf32>
    %slice3A_1964 = vector.extract_strided_slice %select_n3A_1959 {offsets = [0, 0], sizes = [1, 1024], strides = [1, 1]} : vector<2x1024xf32> to vector<1x1024xf32>
    %gt3A_1965 = arith.cmpf ogt, %slice3A_1963, %slice3A_1964 : vector<1x1024xf32>
    %slice3A_1966 = vector.extract_strided_slice %select_n3A_1959 {offsets = [1, 0], sizes = [1, 1024], strides = [1, 1]} : vector<2x1024xf32> to vector<1x1024xf32>
    %slice3A_1967 = vector.extract_strided_slice %select_n3A_1959 {offsets = [0, 0], sizes = [1, 1024], strides = [1, 1]} : vector<2x1024xf32> to vector<1x1024xf32>
    %select_n3A_1968 = arith.select %gt3A_1965, %slice3A_1966, %slice3A_1967 : vector<1x1024xi1>, vector<1x1024xf32>
    %slice3A_1969 = vector.extract_strided_slice %select_n3A_1962 {offsets = [1, 0], sizes = [1, 1024], strides = [1, 1]} : vector<2x1024xi32> to vector<1x1024xi32>
    %slice3A_1970 = vector.extract_strided_slice %select_n3A_1962 {offsets = [0, 0], sizes = [1, 1024], strides = [1, 1]} : vector<2x1024xi32> to vector<1x1024xi32>
    %select_n3A_1971 = arith.select %gt3A_1965, %slice3A_1969, %slice3A_1970 : vector<1x1024xi1>, vector<1x1024xi32>
    %squeeze3A_1972 = vector.shape_cast %select_n3A_1968 : vector<1x1024xf32> to vector<1024xf32>
    %squeeze3A_1973 = vector.shape_cast %select_n3A_1971 : vector<1x1024xi32> to vector<1024xi32>
    %gt3A_1974 = arith.cmpf ogt, %squeeze3A_1972, %select_n3A_1889 : vector<1024xf32>
    %select_n3A_1975 = arith.select %gt3A_1974, %squeeze3A_1972, %select_n3A_1889 : vector<1024xi1>, vector<1024xf32>
    %select_n3A_1976 = arith.select %gt3A_1974, %squeeze3A_1973, %select_n3A_1890 : vector<1024xi1>, vector<1024xi32>
    %get3A_1977 = arith.constant 5888 : index
    %get3A_1978 = arith.constant 0 : index
    %get3A_1979 = vector.load %arg4[%get3A_1977, %get3A_1978] : memref<8192x32xf32, #tpu.memory_space<vmem>>, vector<256x32xf32>
    %dot_general3A_1980 = arith.constant dense<0.000000e+00> : vector<256x1024xf32>
    %dot_general3A_1981 = tpu.matmul %get3A_1979, %div3A_8, %dot_general3A_1980 {dimension_numbers = #tpu.dot_dimension_numbers<[1], [1], [0], [0], [0, 0, 1, 0], [], []>, transpose_lhs_hint = false} : vector<256x32xf32>, vector<1024x32xf32>, vector<256x1024xf32> -> vector<256x1024xf32>
    %iota3A_1982 = tpu.iota {dimensions = array<i32: 0>} : vector<256x1024xi32>
    %add3A_1983 = arith.constant 5888 : i32
    %add3A_1984 = vector.broadcast %add3A_1983 : i32 to vector<256x1024xi32>
    %add3A_1985 = arith.addi %iota3A_1982, %add3A_1984 : vector<256x1024xi32>
    %slice3A_1986 = vector.extract_strided_slice %dot_general3A_1981 {offsets = [128, 0], sizes = [128, 1024], strides = [1, 1]} : vector<256x1024xf32> to vector<128x1024xf32>
    %slice3A_1987 = vector.extract_strided_slice %dot_general3A_1981 {offsets = [0, 0], sizes = [128, 1024], strides = [1, 1]} : vector<256x1024xf32> to vector<128x1024xf32>
    %gt3A_1988 = arith.cmpf ogt, %slice3A_1986, %slice3A_1987 : vector<128x1024xf32>
    %slice3A_1989 = vector.extract_strided_slice %dot_general3A_1981 {offsets = [128, 0], sizes = [128, 1024], strides = [1, 1]} : vector<256x1024xf32> to vector<128x1024xf32>
    %slice3A_1990 = vector.extract_strided_slice %dot_general3A_1981 {offsets = [0, 0], sizes = [128, 1024], strides = [1, 1]} : vector<256x1024xf32> to vector<128x1024xf32>
    %select_n3A_1991 = arith.select %gt3A_1988, %slice3A_1989, %slice3A_1990 : vector<128x1024xi1>, vector<128x1024xf32>
    %slice3A_1992 = vector.extract_strided_slice %add3A_1985 {offsets = [128, 0], sizes = [128, 1024], strides = [1, 1]} : vector<256x1024xi32> to vector<128x1024xi32>
    %slice3A_1993 = vector.extract_strided_slice %add3A_1985 {offsets = [0, 0], sizes = [128, 1024], strides = [1, 1]} : vector<256x1024xi32> to vector<128x1024xi32>
    %select_n3A_1994 = arith.select %gt3A_1988, %slice3A_1992, %slice3A_1993 : vector<128x1024xi1>, vector<128x1024xi32>
    %slice3A_1995 = vector.extract_strided_slice %select_n3A_1991 {offsets = [64, 0], sizes = [64, 1024], strides = [1, 1]} : vector<128x1024xf32> to vector<64x1024xf32>
    %slice3A_1996 = vector.extract_strided_slice %select_n3A_1991 {offsets = [0, 0], sizes = [64, 1024], strides = [1, 1]} : vector<128x1024xf32> to vector<64x1024xf32>
    %gt3A_1997 = arith.cmpf ogt, %slice3A_1995, %slice3A_1996 : vector<64x1024xf32>
    %slice3A_1998 = vector.extract_strided_slice %select_n3A_1991 {offsets = [64, 0], sizes = [64, 1024], strides = [1, 1]} : vector<128x1024xf32> to vector<64x1024xf32>
    %slice3A_1999 = vector.extract_strided_slice %select_n3A_1991 {offsets = [0, 0], sizes = [64, 1024], strides = [1, 1]} : vector<128x1024xf32> to vector<64x1024xf32>
    %select_n3A_2000 = arith.select %gt3A_1997, %slice3A_1998, %slice3A_1999 : vector<64x1024xi1>, vector<64x1024xf32>
    %slice3A_2001 = vector.extract_strided_slice %select_n3A_1994 {offsets = [64, 0], sizes = [64, 1024], strides = [1, 1]} : vector<128x1024xi32> to vector<64x1024xi32>
    %slice3A_2002 = vector.extract_strided_slice %select_n3A_1994 {offsets = [0, 0], sizes = [64, 1024], strides = [1, 1]} : vector<128x1024xi32> to vector<64x1024xi32>
    %select_n3A_2003 = arith.select %gt3A_1997, %slice3A_2001, %slice3A_2002 : vector<64x1024xi1>, vector<64x1024xi32>
    %slice3A_2004 = vector.extract_strided_slice %select_n3A_2000 {offsets = [32, 0], sizes = [32, 1024], strides = [1, 1]} : vector<64x1024xf32> to vector<32x1024xf32>
    %slice3A_2005 = vector.extract_strided_slice %select_n3A_2000 {offsets = [0, 0], sizes = [32, 1024], strides = [1, 1]} : vector<64x1024xf32> to vector<32x1024xf32>
    %gt3A_2006 = arith.cmpf ogt, %slice3A_2004, %slice3A_2005 : vector<32x1024xf32>
    %slice3A_2007 = vector.extract_strided_slice %select_n3A_2000 {offsets = [32, 0], sizes = [32, 1024], strides = [1, 1]} : vector<64x1024xf32> to vector<32x1024xf32>
    %slice3A_2008 = vector.extract_strided_slice %select_n3A_2000 {offsets = [0, 0], sizes = [32, 1024], strides = [1, 1]} : vector<64x1024xf32> to vector<32x1024xf32>
    %select_n3A_2009 = arith.select %gt3A_2006, %slice3A_2007, %slice3A_2008 : vector<32x1024xi1>, vector<32x1024xf32>
    %slice3A_2010 = vector.extract_strided_slice %select_n3A_2003 {offsets = [32, 0], sizes = [32, 1024], strides = [1, 1]} : vector<64x1024xi32> to vector<32x1024xi32>
    %slice3A_2011 = vector.extract_strided_slice %select_n3A_2003 {offsets = [0, 0], sizes = [32, 1024], strides = [1, 1]} : vector<64x1024xi32> to vector<32x1024xi32>
    %select_n3A_2012 = arith.select %gt3A_2006, %slice3A_2010, %slice3A_2011 : vector<32x1024xi1>, vector<32x1024xi32>
    %slice3A_2013 = vector.extract_strided_slice %select_n3A_2009 {offsets = [16, 0], sizes = [16, 1024], strides = [1, 1]} : vector<32x1024xf32> to vector<16x1024xf32>
    %slice3A_2014 = vector.extract_strided_slice %select_n3A_2009 {offsets = [0, 0], sizes = [16, 1024], strides = [1, 1]} : vector<32x1024xf32> to vector<16x1024xf32>
    %gt3A_2015 = arith.cmpf ogt, %slice3A_2013, %slice3A_2014 : vector<16x1024xf32>
    %slice3A_2016 = vector.extract_strided_slice %select_n3A_2009 {offsets = [16, 0], sizes = [16, 1024], strides = [1, 1]} : vector<32x1024xf32> to vector<16x1024xf32>
    %slice3A_2017 = vector.extract_strided_slice %select_n3A_2009 {offsets = [0, 0], sizes = [16, 1024], strides = [1, 1]} : vector<32x1024xf32> to vector<16x1024xf32>
    %select_n3A_2018 = arith.select %gt3A_2015, %slice3A_2016, %slice3A_2017 : vector<16x1024xi1>, vector<16x1024xf32>
    %slice3A_2019 = vector.extract_strided_slice %select_n3A_2012 {offsets = [16, 0], sizes = [16, 1024], strides = [1, 1]} : vector<32x1024xi32> to vector<16x1024xi32>
    %slice3A_2020 = vector.extract_strided_slice %select_n3A_2012 {offsets = [0, 0], sizes = [16, 1024], strides = [1, 1]} : vector<32x1024xi32> to vector<16x1024xi32>
    %select_n3A_2021 = arith.select %gt3A_2015, %slice3A_2019, %slice3A_2020 : vector<16x1024xi1>, vector<16x1024xi32>
    %slice3A_2022 = vector.extract_strided_slice %select_n3A_2018 {offsets = [8, 0], sizes = [8, 1024], strides = [1, 1]} : vector<16x1024xf32> to vector<8x1024xf32>
    %slice3A_2023 = vector.extract_strided_slice %select_n3A_2018 {offsets = [0, 0], sizes = [8, 1024], strides = [1, 1]} : vector<16x1024xf32> to vector<8x1024xf32>
    %gt3A_2024 = arith.cmpf ogt, %slice3A_2022, %slice3A_2023 : vector<8x1024xf32>
    %slice3A_2025 = vector.extract_strided_slice %select_n3A_2018 {offsets = [8, 0], sizes = [8, 1024], strides = [1, 1]} : vector<16x1024xf32> to vector<8x1024xf32>
    %slice3A_2026 = vector.extract_strided_slice %select_n3A_2018 {offsets = [0, 0], sizes = [8, 1024], strides = [1, 1]} : vector<16x1024xf32> to vector<8x1024xf32>
    %select_n3A_2027 = arith.select %gt3A_2024, %slice3A_2025, %slice3A_2026 : vector<8x1024xi1>, vector<8x1024xf32>
    %slice3A_2028 = vector.extract_strided_slice %select_n3A_2021 {offsets = [8, 0], sizes = [8, 1024], strides = [1, 1]} : vector<16x1024xi32> to vector<8x1024xi32>
    %slice3A_2029 = vector.extract_strided_slice %select_n3A_2021 {offsets = [0, 0], sizes = [8, 1024], strides = [1, 1]} : vector<16x1024xi32> to vector<8x1024xi32>
    %select_n3A_2030 = arith.select %gt3A_2024, %slice3A_2028, %slice3A_2029 : vector<8x1024xi1>, vector<8x1024xi32>
    %slice3A_2031 = vector.extract_strided_slice %select_n3A_2027 {offsets = [4, 0], sizes = [4, 1024], strides = [1, 1]} : vector<8x1024xf32> to vector<4x1024xf32>
    %slice3A_2032 = vector.extract_strided_slice %select_n3A_2027 {offsets = [0, 0], sizes = [4, 1024], strides = [1, 1]} : vector<8x1024xf32> to vector<4x1024xf32>
    %gt3A_2033 = arith.cmpf ogt, %slice3A_2031, %slice3A_2032 : vector<4x1024xf32>
    %slice3A_2034 = vector.extract_strided_slice %select_n3A_2027 {offsets = [4, 0], sizes = [4, 1024], strides = [1, 1]} : vector<8x1024xf32> to vector<4x1024xf32>
    %slice3A_2035 = vector.extract_strided_slice %select_n3A_2027 {offsets = [0, 0], sizes = [4, 1024], strides = [1, 1]} : vector<8x1024xf32> to vector<4x1024xf32>
    %select_n3A_2036 = arith.select %gt3A_2033, %slice3A_2034, %slice3A_2035 : vector<4x1024xi1>, vector<4x1024xf32>
    %slice3A_2037 = vector.extract_strided_slice %select_n3A_2030 {offsets = [4, 0], sizes = [4, 1024], strides = [1, 1]} : vector<8x1024xi32> to vector<4x1024xi32>
    %slice3A_2038 = vector.extract_strided_slice %select_n3A_2030 {offsets = [0, 0], sizes = [4, 1024], strides = [1, 1]} : vector<8x1024xi32> to vector<4x1024xi32>
    %select_n3A_2039 = arith.select %gt3A_2033, %slice3A_2037, %slice3A_2038 : vector<4x1024xi1>, vector<4x1024xi32>
    %slice3A_2040 = vector.extract_strided_slice %select_n3A_2036 {offsets = [2, 0], sizes = [2, 1024], strides = [1, 1]} : vector<4x1024xf32> to vector<2x1024xf32>
    %slice3A_2041 = vector.extract_strided_slice %select_n3A_2036 {offsets = [0, 0], sizes = [2, 1024], strides = [1, 1]} : vector<4x1024xf32> to vector<2x1024xf32>
    %gt3A_2042 = arith.cmpf ogt, %slice3A_2040, %slice3A_2041 : vector<2x1024xf32>
    %slice3A_2043 = vector.extract_strided_slice %select_n3A_2036 {offsets = [2, 0], sizes = [2, 1024], strides = [1, 1]} : vector<4x1024xf32> to vector<2x1024xf32>
    %slice3A_2044 = vector.extract_strided_slice %select_n3A_2036 {offsets = [0, 0], sizes = [2, 1024], strides = [1, 1]} : vector<4x1024xf32> to vector<2x1024xf32>
    %select_n3A_2045 = arith.select %gt3A_2042, %slice3A_2043, %slice3A_2044 : vector<2x1024xi1>, vector<2x1024xf32>
    %slice3A_2046 = vector.extract_strided_slice %select_n3A_2039 {offsets = [2, 0], sizes = [2, 1024], strides = [1, 1]} : vector<4x1024xi32> to vector<2x1024xi32>
    %slice3A_2047 = vector.extract_strided_slice %select_n3A_2039 {offsets = [0, 0], sizes = [2, 1024], strides = [1, 1]} : vector<4x1024xi32> to vector<2x1024xi32>
    %select_n3A_2048 = arith.select %gt3A_2042, %slice3A_2046, %slice3A_2047 : vector<2x1024xi1>, vector<2x1024xi32>
    %slice3A_2049 = vector.extract_strided_slice %select_n3A_2045 {offsets = [1, 0], sizes = [1, 1024], strides = [1, 1]} : vector<2x1024xf32> to vector<1x1024xf32>
    %slice3A_2050 = vector.extract_strided_slice %select_n3A_2045 {offsets = [0, 0], sizes = [1, 1024], strides = [1, 1]} : vector<2x1024xf32> to vector<1x1024xf32>
    %gt3A_2051 = arith.cmpf ogt, %slice3A_2049, %slice3A_2050 : vector<1x1024xf32>
    %slice3A_2052 = vector.extract_strided_slice %select_n3A_2045 {offsets = [1, 0], sizes = [1, 1024], strides = [1, 1]} : vector<2x1024xf32> to vector<1x1024xf32>
    %slice3A_2053 = vector.extract_strided_slice %select_n3A_2045 {offsets = [0, 0], sizes = [1, 1024], strides = [1, 1]} : vector<2x1024xf32> to vector<1x1024xf32>
    %select_n3A_2054 = arith.select %gt3A_2051, %slice3A_2052, %slice3A_2053 : vector<1x1024xi1>, vector<1x1024xf32>
    %slice3A_2055 = vector.extract_strided_slice %select_n3A_2048 {offsets = [1, 0], sizes = [1, 1024], strides = [1, 1]} : vector<2x1024xi32> to vector<1x1024xi32>
    %slice3A_2056 = vector.extract_strided_slice %select_n3A_2048 {offsets = [0, 0], sizes = [1, 1024], strides = [1, 1]} : vector<2x1024xi32> to vector<1x1024xi32>
    %select_n3A_2057 = arith.select %gt3A_2051, %slice3A_2055, %slice3A_2056 : vector<1x1024xi1>, vector<1x1024xi32>
    %squeeze3A_2058 = vector.shape_cast %select_n3A_2054 : vector<1x1024xf32> to vector<1024xf32>
    %squeeze3A_2059 = vector.shape_cast %select_n3A_2057 : vector<1x1024xi32> to vector<1024xi32>
    %gt3A_2060 = arith.cmpf ogt, %squeeze3A_2058, %select_n3A_1975 : vector<1024xf32>
    %select_n3A_2061 = arith.select %gt3A_2060, %squeeze3A_2058, %select_n3A_1975 : vector<1024xi1>, vector<1024xf32>
    %select_n3A_2062 = arith.select %gt3A_2060, %squeeze3A_2059, %select_n3A_1976 : vector<1024xi1>, vector<1024xi32>
    %get3A_2063 = arith.constant 6144 : index
    %get3A_2064 = arith.constant 0 : index
    %get3A_2065 = vector.load %arg4[%get3A_2063, %get3A_2064] : memref<8192x32xf32, #tpu.memory_space<vmem>>, vector<256x32xf32>
    %dot_general3A_2066 = arith.constant dense<0.000000e+00> : vector<256x1024xf32>
    %dot_general3A_2067 = tpu.matmul %get3A_2065, %div3A_8, %dot_general3A_2066 {dimension_numbers = #tpu.dot_dimension_numbers<[1], [1], [0], [0], [0, 0, 1, 0], [], []>, transpose_lhs_hint = false} : vector<256x32xf32>, vector<1024x32xf32>, vector<256x1024xf32> -> vector<256x1024xf32>
    %iota3A_2068 = tpu.iota {dimensions = array<i32: 0>} : vector<256x1024xi32>
    %add3A_2069 = arith.constant 6144 : i32
    %add3A_2070 = vector.broadcast %add3A_2069 : i32 to vector<256x1024xi32>
    %add3A_2071 = arith.addi %iota3A_2068, %add3A_2070 : vector<256x1024xi32>
    %slice3A_2072 = vector.extract_strided_slice %dot_general3A_2067 {offsets = [128, 0], sizes = [128, 1024], strides = [1, 1]} : vector<256x1024xf32> to vector<128x1024xf32>
    %slice3A_2073 = vector.extract_strided_slice %dot_general3A_2067 {offsets = [0, 0], sizes = [128, 1024], strides = [1, 1]} : vector<256x1024xf32> to vector<128x1024xf32>
    %gt3A_2074 = arith.cmpf ogt, %slice3A_2072, %slice3A_2073 : vector<128x1024xf32>
    %slice3A_2075 = vector.extract_strided_slice %dot_general3A_2067 {offsets = [128, 0], sizes = [128, 1024], strides = [1, 1]} : vector<256x1024xf32> to vector<128x1024xf32>
    %slice3A_2076 = vector.extract_strided_slice %dot_general3A_2067 {offsets = [0, 0], sizes = [128, 1024], strides = [1, 1]} : vector<256x1024xf32> to vector<128x1024xf32>
    %select_n3A_2077 = arith.select %gt3A_2074, %slice3A_2075, %slice3A_2076 : vector<128x1024xi1>, vector<128x1024xf32>
    %slice3A_2078 = vector.extract_strided_slice %add3A_2071 {offsets = [128, 0], sizes = [128, 1024], strides = [1, 1]} : vector<256x1024xi32> to vector<128x1024xi32>
    %slice3A_2079 = vector.extract_strided_slice %add3A_2071 {offsets = [0, 0], sizes = [128, 1024], strides = [1, 1]} : vector<256x1024xi32> to vector<128x1024xi32>
    %select_n3A_2080 = arith.select %gt3A_2074, %slice3A_2078, %slice3A_2079 : vector<128x1024xi1>, vector<128x1024xi32>
    %slice3A_2081 = vector.extract_strided_slice %select_n3A_2077 {offsets = [64, 0], sizes = [64, 1024], strides = [1, 1]} : vector<128x1024xf32> to vector<64x1024xf32>
    %slice3A_2082 = vector.extract_strided_slice %select_n3A_2077 {offsets = [0, 0], sizes = [64, 1024], strides = [1, 1]} : vector<128x1024xf32> to vector<64x1024xf32>
    %gt3A_2083 = arith.cmpf ogt, %slice3A_2081, %slice3A_2082 : vector<64x1024xf32>
    %slice3A_2084 = vector.extract_strided_slice %select_n3A_2077 {offsets = [64, 0], sizes = [64, 1024], strides = [1, 1]} : vector<128x1024xf32> to vector<64x1024xf32>
    %slice3A_2085 = vector.extract_strided_slice %select_n3A_2077 {offsets = [0, 0], sizes = [64, 1024], strides = [1, 1]} : vector<128x1024xf32> to vector<64x1024xf32>
    %select_n3A_2086 = arith.select %gt3A_2083, %slice3A_2084, %slice3A_2085 : vector<64x1024xi1>, vector<64x1024xf32>
    %slice3A_2087 = vector.extract_strided_slice %select_n3A_2080 {offsets = [64, 0], sizes = [64, 1024], strides = [1, 1]} : vector<128x1024xi32> to vector<64x1024xi32>
    %slice3A_2088 = vector.extract_strided_slice %select_n3A_2080 {offsets = [0, 0], sizes = [64, 1024], strides = [1, 1]} : vector<128x1024xi32> to vector<64x1024xi32>
    %select_n3A_2089 = arith.select %gt3A_2083, %slice3A_2087, %slice3A_2088 : vector<64x1024xi1>, vector<64x1024xi32>
    %slice3A_2090 = vector.extract_strided_slice %select_n3A_2086 {offsets = [32, 0], sizes = [32, 1024], strides = [1, 1]} : vector<64x1024xf32> to vector<32x1024xf32>
    %slice3A_2091 = vector.extract_strided_slice %select_n3A_2086 {offsets = [0, 0], sizes = [32, 1024], strides = [1, 1]} : vector<64x1024xf32> to vector<32x1024xf32>
    %gt3A_2092 = arith.cmpf ogt, %slice3A_2090, %slice3A_2091 : vector<32x1024xf32>
    %slice3A_2093 = vector.extract_strided_slice %select_n3A_2086 {offsets = [32, 0], sizes = [32, 1024], strides = [1, 1]} : vector<64x1024xf32> to vector<32x1024xf32>
    %slice3A_2094 = vector.extract_strided_slice %select_n3A_2086 {offsets = [0, 0], sizes = [32, 1024], strides = [1, 1]} : vector<64x1024xf32> to vector<32x1024xf32>
    %select_n3A_2095 = arith.select %gt3A_2092, %slice3A_2093, %slice3A_2094 : vector<32x1024xi1>, vector<32x1024xf32>
    %slice3A_2096 = vector.extract_strided_slice %select_n3A_2089 {offsets = [32, 0], sizes = [32, 1024], strides = [1, 1]} : vector<64x1024xi32> to vector<32x1024xi32>
    %slice3A_2097 = vector.extract_strided_slice %select_n3A_2089 {offsets = [0, 0], sizes = [32, 1024], strides = [1, 1]} : vector<64x1024xi32> to vector<32x1024xi32>
    %select_n3A_2098 = arith.select %gt3A_2092, %slice3A_2096, %slice3A_2097 : vector<32x1024xi1>, vector<32x1024xi32>
    %slice3A_2099 = vector.extract_strided_slice %select_n3A_2095 {offsets = [16, 0], sizes = [16, 1024], strides = [1, 1]} : vector<32x1024xf32> to vector<16x1024xf32>
    %slice3A_2100 = vector.extract_strided_slice %select_n3A_2095 {offsets = [0, 0], sizes = [16, 1024], strides = [1, 1]} : vector<32x1024xf32> to vector<16x1024xf32>
    %gt3A_2101 = arith.cmpf ogt, %slice3A_2099, %slice3A_2100 : vector<16x1024xf32>
    %slice3A_2102 = vector.extract_strided_slice %select_n3A_2095 {offsets = [16, 0], sizes = [16, 1024], strides = [1, 1]} : vector<32x1024xf32> to vector<16x1024xf32>
    %slice3A_2103 = vector.extract_strided_slice %select_n3A_2095 {offsets = [0, 0], sizes = [16, 1024], strides = [1, 1]} : vector<32x1024xf32> to vector<16x1024xf32>
    %select_n3A_2104 = arith.select %gt3A_2101, %slice3A_2102, %slice3A_2103 : vector<16x1024xi1>, vector<16x1024xf32>
    %slice3A_2105 = vector.extract_strided_slice %select_n3A_2098 {offsets = [16, 0], sizes = [16, 1024], strides = [1, 1]} : vector<32x1024xi32> to vector<16x1024xi32>
    %slice3A_2106 = vector.extract_strided_slice %select_n3A_2098 {offsets = [0, 0], sizes = [16, 1024], strides = [1, 1]} : vector<32x1024xi32> to vector<16x1024xi32>
    %select_n3A_2107 = arith.select %gt3A_2101, %slice3A_2105, %slice3A_2106 : vector<16x1024xi1>, vector<16x1024xi32>
    %slice3A_2108 = vector.extract_strided_slice %select_n3A_2104 {offsets = [8, 0], sizes = [8, 1024], strides = [1, 1]} : vector<16x1024xf32> to vector<8x1024xf32>
    %slice3A_2109 = vector.extract_strided_slice %select_n3A_2104 {offsets = [0, 0], sizes = [8, 1024], strides = [1, 1]} : vector<16x1024xf32> to vector<8x1024xf32>
    %gt3A_2110 = arith.cmpf ogt, %slice3A_2108, %slice3A_2109 : vector<8x1024xf32>
    %slice3A_2111 = vector.extract_strided_slice %select_n3A_2104 {offsets = [8, 0], sizes = [8, 1024], strides = [1, 1]} : vector<16x1024xf32> to vector<8x1024xf32>
    %slice3A_2112 = vector.extract_strided_slice %select_n3A_2104 {offsets = [0, 0], sizes = [8, 1024], strides = [1, 1]} : vector<16x1024xf32> to vector<8x1024xf32>
    %select_n3A_2113 = arith.select %gt3A_2110, %slice3A_2111, %slice3A_2112 : vector<8x1024xi1>, vector<8x1024xf32>
    %slice3A_2114 = vector.extract_strided_slice %select_n3A_2107 {offsets = [8, 0], sizes = [8, 1024], strides = [1, 1]} : vector<16x1024xi32> to vector<8x1024xi32>
    %slice3A_2115 = vector.extract_strided_slice %select_n3A_2107 {offsets = [0, 0], sizes = [8, 1024], strides = [1, 1]} : vector<16x1024xi32> to vector<8x1024xi32>
    %select_n3A_2116 = arith.select %gt3A_2110, %slice3A_2114, %slice3A_2115 : vector<8x1024xi1>, vector<8x1024xi32>
    %slice3A_2117 = vector.extract_strided_slice %select_n3A_2113 {offsets = [4, 0], sizes = [4, 1024], strides = [1, 1]} : vector<8x1024xf32> to vector<4x1024xf32>
    %slice3A_2118 = vector.extract_strided_slice %select_n3A_2113 {offsets = [0, 0], sizes = [4, 1024], strides = [1, 1]} : vector<8x1024xf32> to vector<4x1024xf32>
    %gt3A_2119 = arith.cmpf ogt, %slice3A_2117, %slice3A_2118 : vector<4x1024xf32>
    %slice3A_2120 = vector.extract_strided_slice %select_n3A_2113 {offsets = [4, 0], sizes = [4, 1024], strides = [1, 1]} : vector<8x1024xf32> to vector<4x1024xf32>
    %slice3A_2121 = vector.extract_strided_slice %select_n3A_2113 {offsets = [0, 0], sizes = [4, 1024], strides = [1, 1]} : vector<8x1024xf32> to vector<4x1024xf32>
    %select_n3A_2122 = arith.select %gt3A_2119, %slice3A_2120, %slice3A_2121 : vector<4x1024xi1>, vector<4x1024xf32>
    %slice3A_2123 = vector.extract_strided_slice %select_n3A_2116 {offsets = [4, 0], sizes = [4, 1024], strides = [1, 1]} : vector<8x1024xi32> to vector<4x1024xi32>
    %slice3A_2124 = vector.extract_strided_slice %select_n3A_2116 {offsets = [0, 0], sizes = [4, 1024], strides = [1, 1]} : vector<8x1024xi32> to vector<4x1024xi32>
    %select_n3A_2125 = arith.select %gt3A_2119, %slice3A_2123, %slice3A_2124 : vector<4x1024xi1>, vector<4x1024xi32>
    %slice3A_2126 = vector.extract_strided_slice %select_n3A_2122 {offsets = [2, 0], sizes = [2, 1024], strides = [1, 1]} : vector<4x1024xf32> to vector<2x1024xf32>
    %slice3A_2127 = vector.extract_strided_slice %select_n3A_2122 {offsets = [0, 0], sizes = [2, 1024], strides = [1, 1]} : vector<4x1024xf32> to vector<2x1024xf32>
    %gt3A_2128 = arith.cmpf ogt, %slice3A_2126, %slice3A_2127 : vector<2x1024xf32>
    %slice3A_2129 = vector.extract_strided_slice %select_n3A_2122 {offsets = [2, 0], sizes = [2, 1024], strides = [1, 1]} : vector<4x1024xf32> to vector<2x1024xf32>
    %slice3A_2130 = vector.extract_strided_slice %select_n3A_2122 {offsets = [0, 0], sizes = [2, 1024], strides = [1, 1]} : vector<4x1024xf32> to vector<2x1024xf32>
    %select_n3A_2131 = arith.select %gt3A_2128, %slice3A_2129, %slice3A_2130 : vector<2x1024xi1>, vector<2x1024xf32>
    %slice3A_2132 = vector.extract_strided_slice %select_n3A_2125 {offsets = [2, 0], sizes = [2, 1024], strides = [1, 1]} : vector<4x1024xi32> to vector<2x1024xi32>
    %slice3A_2133 = vector.extract_strided_slice %select_n3A_2125 {offsets = [0, 0], sizes = [2, 1024], strides = [1, 1]} : vector<4x1024xi32> to vector<2x1024xi32>
    %select_n3A_2134 = arith.select %gt3A_2128, %slice3A_2132, %slice3A_2133 : vector<2x1024xi1>, vector<2x1024xi32>
    %slice3A_2135 = vector.extract_strided_slice %select_n3A_2131 {offsets = [1, 0], sizes = [1, 1024], strides = [1, 1]} : vector<2x1024xf32> to vector<1x1024xf32>
    %slice3A_2136 = vector.extract_strided_slice %select_n3A_2131 {offsets = [0, 0], sizes = [1, 1024], strides = [1, 1]} : vector<2x1024xf32> to vector<1x1024xf32>
    %gt3A_2137 = arith.cmpf ogt, %slice3A_2135, %slice3A_2136 : vector<1x1024xf32>
    %slice3A_2138 = vector.extract_strided_slice %select_n3A_2131 {offsets = [1, 0], sizes = [1, 1024], strides = [1, 1]} : vector<2x1024xf32> to vector<1x1024xf32>
    %slice3A_2139 = vector.extract_strided_slice %select_n3A_2131 {offsets = [0, 0], sizes = [1, 1024], strides = [1, 1]} : vector<2x1024xf32> to vector<1x1024xf32>
    %select_n3A_2140 = arith.select %gt3A_2137, %slice3A_2138, %slice3A_2139 : vector<1x1024xi1>, vector<1x1024xf32>
    %slice3A_2141 = vector.extract_strided_slice %select_n3A_2134 {offsets = [1, 0], sizes = [1, 1024], strides = [1, 1]} : vector<2x1024xi32> to vector<1x1024xi32>
    %slice3A_2142 = vector.extract_strided_slice %select_n3A_2134 {offsets = [0, 0], sizes = [1, 1024], strides = [1, 1]} : vector<2x1024xi32> to vector<1x1024xi32>
    %select_n3A_2143 = arith.select %gt3A_2137, %slice3A_2141, %slice3A_2142 : vector<1x1024xi1>, vector<1x1024xi32>
    %squeeze3A_2144 = vector.shape_cast %select_n3A_2140 : vector<1x1024xf32> to vector<1024xf32>
    %squeeze3A_2145 = vector.shape_cast %select_n3A_2143 : vector<1x1024xi32> to vector<1024xi32>
    %gt3A_2146 = arith.cmpf ogt, %squeeze3A_2144, %select_n3A_2061 : vector<1024xf32>
    %select_n3A_2147 = arith.select %gt3A_2146, %squeeze3A_2144, %select_n3A_2061 : vector<1024xi1>, vector<1024xf32>
    %select_n3A_2148 = arith.select %gt3A_2146, %squeeze3A_2145, %select_n3A_2062 : vector<1024xi1>, vector<1024xi32>
    %get3A_2149 = arith.constant 6400 : index
    %get3A_2150 = arith.constant 0 : index
    %get3A_2151 = vector.load %arg4[%get3A_2149, %get3A_2150] : memref<8192x32xf32, #tpu.memory_space<vmem>>, vector<256x32xf32>
    %dot_general3A_2152 = arith.constant dense<0.000000e+00> : vector<256x1024xf32>
    %dot_general3A_2153 = tpu.matmul %get3A_2151, %div3A_8, %dot_general3A_2152 {dimension_numbers = #tpu.dot_dimension_numbers<[1], [1], [0], [0], [0, 0, 1, 0], [], []>, transpose_lhs_hint = false} : vector<256x32xf32>, vector<1024x32xf32>, vector<256x1024xf32> -> vector<256x1024xf32>
    %iota3A_2154 = tpu.iota {dimensions = array<i32: 0>} : vector<256x1024xi32>
    %add3A_2155 = arith.constant 6400 : i32
    %add3A_2156 = vector.broadcast %add3A_2155 : i32 to vector<256x1024xi32>
    %add3A_2157 = arith.addi %iota3A_2154, %add3A_2156 : vector<256x1024xi32>
    %slice3A_2158 = vector.extract_strided_slice %dot_general3A_2153 {offsets = [128, 0], sizes = [128, 1024], strides = [1, 1]} : vector<256x1024xf32> to vector<128x1024xf32>
    %slice3A_2159 = vector.extract_strided_slice %dot_general3A_2153 {offsets = [0, 0], sizes = [128, 1024], strides = [1, 1]} : vector<256x1024xf32> to vector<128x1024xf32>
    %gt3A_2160 = arith.cmpf ogt, %slice3A_2158, %slice3A_2159 : vector<128x1024xf32>
    %slice3A_2161 = vector.extract_strided_slice %dot_general3A_2153 {offsets = [128, 0], sizes = [128, 1024], strides = [1, 1]} : vector<256x1024xf32> to vector<128x1024xf32>
    %slice3A_2162 = vector.extract_strided_slice %dot_general3A_2153 {offsets = [0, 0], sizes = [128, 1024], strides = [1, 1]} : vector<256x1024xf32> to vector<128x1024xf32>
    %select_n3A_2163 = arith.select %gt3A_2160, %slice3A_2161, %slice3A_2162 : vector<128x1024xi1>, vector<128x1024xf32>
    %slice3A_2164 = vector.extract_strided_slice %add3A_2157 {offsets = [128, 0], sizes = [128, 1024], strides = [1, 1]} : vector<256x1024xi32> to vector<128x1024xi32>
    %slice3A_2165 = vector.extract_strided_slice %add3A_2157 {offsets = [0, 0], sizes = [128, 1024], strides = [1, 1]} : vector<256x1024xi32> to vector<128x1024xi32>
    %select_n3A_2166 = arith.select %gt3A_2160, %slice3A_2164, %slice3A_2165 : vector<128x1024xi1>, vector<128x1024xi32>
    %slice3A_2167 = vector.extract_strided_slice %select_n3A_2163 {offsets = [64, 0], sizes = [64, 1024], strides = [1, 1]} : vector<128x1024xf32> to vector<64x1024xf32>
    %slice3A_2168 = vector.extract_strided_slice %select_n3A_2163 {offsets = [0, 0], sizes = [64, 1024], strides = [1, 1]} : vector<128x1024xf32> to vector<64x1024xf32>
    %gt3A_2169 = arith.cmpf ogt, %slice3A_2167, %slice3A_2168 : vector<64x1024xf32>
    %slice3A_2170 = vector.extract_strided_slice %select_n3A_2163 {offsets = [64, 0], sizes = [64, 1024], strides = [1, 1]} : vector<128x1024xf32> to vector<64x1024xf32>
    %slice3A_2171 = vector.extract_strided_slice %select_n3A_2163 {offsets = [0, 0], sizes = [64, 1024], strides = [1, 1]} : vector<128x1024xf32> to vector<64x1024xf32>
    %select_n3A_2172 = arith.select %gt3A_2169, %slice3A_2170, %slice3A_2171 : vector<64x1024xi1>, vector<64x1024xf32>
    %slice3A_2173 = vector.extract_strided_slice %select_n3A_2166 {offsets = [64, 0], sizes = [64, 1024], strides = [1, 1]} : vector<128x1024xi32> to vector<64x1024xi32>
    %slice3A_2174 = vector.extract_strided_slice %select_n3A_2166 {offsets = [0, 0], sizes = [64, 1024], strides = [1, 1]} : vector<128x1024xi32> to vector<64x1024xi32>
    %select_n3A_2175 = arith.select %gt3A_2169, %slice3A_2173, %slice3A_2174 : vector<64x1024xi1>, vector<64x1024xi32>
    %slice3A_2176 = vector.extract_strided_slice %select_n3A_2172 {offsets = [32, 0], sizes = [32, 1024], strides = [1, 1]} : vector<64x1024xf32> to vector<32x1024xf32>
    %slice3A_2177 = vector.extract_strided_slice %select_n3A_2172 {offsets = [0, 0], sizes = [32, 1024], strides = [1, 1]} : vector<64x1024xf32> to vector<32x1024xf32>
    %gt3A_2178 = arith.cmpf ogt, %slice3A_2176, %slice3A_2177 : vector<32x1024xf32>
    %slice3A_2179 = vector.extract_strided_slice %select_n3A_2172 {offsets = [32, 0], sizes = [32, 1024], strides = [1, 1]} : vector<64x1024xf32> to vector<32x1024xf32>
    %slice3A_2180 = vector.extract_strided_slice %select_n3A_2172 {offsets = [0, 0], sizes = [32, 1024], strides = [1, 1]} : vector<64x1024xf32> to vector<32x1024xf32>
    %select_n3A_2181 = arith.select %gt3A_2178, %slice3A_2179, %slice3A_2180 : vector<32x1024xi1>, vector<32x1024xf32>
    %slice3A_2182 = vector.extract_strided_slice %select_n3A_2175 {offsets = [32, 0], sizes = [32, 1024], strides = [1, 1]} : vector<64x1024xi32> to vector<32x1024xi32>
    %slice3A_2183 = vector.extract_strided_slice %select_n3A_2175 {offsets = [0, 0], sizes = [32, 1024], strides = [1, 1]} : vector<64x1024xi32> to vector<32x1024xi32>
    %select_n3A_2184 = arith.select %gt3A_2178, %slice3A_2182, %slice3A_2183 : vector<32x1024xi1>, vector<32x1024xi32>
    %slice3A_2185 = vector.extract_strided_slice %select_n3A_2181 {offsets = [16, 0], sizes = [16, 1024], strides = [1, 1]} : vector<32x1024xf32> to vector<16x1024xf32>
    %slice3A_2186 = vector.extract_strided_slice %select_n3A_2181 {offsets = [0, 0], sizes = [16, 1024], strides = [1, 1]} : vector<32x1024xf32> to vector<16x1024xf32>
    %gt3A_2187 = arith.cmpf ogt, %slice3A_2185, %slice3A_2186 : vector<16x1024xf32>
    %slice3A_2188 = vector.extract_strided_slice %select_n3A_2181 {offsets = [16, 0], sizes = [16, 1024], strides = [1, 1]} : vector<32x1024xf32> to vector<16x1024xf32>
    %slice3A_2189 = vector.extract_strided_slice %select_n3A_2181 {offsets = [0, 0], sizes = [16, 1024], strides = [1, 1]} : vector<32x1024xf32> to vector<16x1024xf32>
    %select_n3A_2190 = arith.select %gt3A_2187, %slice3A_2188, %slice3A_2189 : vector<16x1024xi1>, vector<16x1024xf32>
    %slice3A_2191 = vector.extract_strided_slice %select_n3A_2184 {offsets = [16, 0], sizes = [16, 1024], strides = [1, 1]} : vector<32x1024xi32> to vector<16x1024xi32>
    %slice3A_2192 = vector.extract_strided_slice %select_n3A_2184 {offsets = [0, 0], sizes = [16, 1024], strides = [1, 1]} : vector<32x1024xi32> to vector<16x1024xi32>
    %select_n3A_2193 = arith.select %gt3A_2187, %slice3A_2191, %slice3A_2192 : vector<16x1024xi1>, vector<16x1024xi32>
    %slice3A_2194 = vector.extract_strided_slice %select_n3A_2190 {offsets = [8, 0], sizes = [8, 1024], strides = [1, 1]} : vector<16x1024xf32> to vector<8x1024xf32>
    %slice3A_2195 = vector.extract_strided_slice %select_n3A_2190 {offsets = [0, 0], sizes = [8, 1024], strides = [1, 1]} : vector<16x1024xf32> to vector<8x1024xf32>
    %gt3A_2196 = arith.cmpf ogt, %slice3A_2194, %slice3A_2195 : vector<8x1024xf32>
    %slice3A_2197 = vector.extract_strided_slice %select_n3A_2190 {offsets = [8, 0], sizes = [8, 1024], strides = [1, 1]} : vector<16x1024xf32> to vector<8x1024xf32>
    %slice3A_2198 = vector.extract_strided_slice %select_n3A_2190 {offsets = [0, 0], sizes = [8, 1024], strides = [1, 1]} : vector<16x1024xf32> to vector<8x1024xf32>
    %select_n3A_2199 = arith.select %gt3A_2196, %slice3A_2197, %slice3A_2198 : vector<8x1024xi1>, vector<8x1024xf32>
    %slice3A_2200 = vector.extract_strided_slice %select_n3A_2193 {offsets = [8, 0], sizes = [8, 1024], strides = [1, 1]} : vector<16x1024xi32> to vector<8x1024xi32>
    %slice3A_2201 = vector.extract_strided_slice %select_n3A_2193 {offsets = [0, 0], sizes = [8, 1024], strides = [1, 1]} : vector<16x1024xi32> to vector<8x1024xi32>
    %select_n3A_2202 = arith.select %gt3A_2196, %slice3A_2200, %slice3A_2201 : vector<8x1024xi1>, vector<8x1024xi32>
    %slice3A_2203 = vector.extract_strided_slice %select_n3A_2199 {offsets = [4, 0], sizes = [4, 1024], strides = [1, 1]} : vector<8x1024xf32> to vector<4x1024xf32>
    %slice3A_2204 = vector.extract_strided_slice %select_n3A_2199 {offsets = [0, 0], sizes = [4, 1024], strides = [1, 1]} : vector<8x1024xf32> to vector<4x1024xf32>
    %gt3A_2205 = arith.cmpf ogt, %slice3A_2203, %slice3A_2204 : vector<4x1024xf32>
    %slice3A_2206 = vector.extract_strided_slice %select_n3A_2199 {offsets = [4, 0], sizes = [4, 1024], strides = [1, 1]} : vector<8x1024xf32> to vector<4x1024xf32>
    %slice3A_2207 = vector.extract_strided_slice %select_n3A_2199 {offsets = [0, 0], sizes = [4, 1024], strides = [1, 1]} : vector<8x1024xf32> to vector<4x1024xf32>
    %select_n3A_2208 = arith.select %gt3A_2205, %slice3A_2206, %slice3A_2207 : vector<4x1024xi1>, vector<4x1024xf32>
    %slice3A_2209 = vector.extract_strided_slice %select_n3A_2202 {offsets = [4, 0], sizes = [4, 1024], strides = [1, 1]} : vector<8x1024xi32> to vector<4x1024xi32>
    %slice3A_2210 = vector.extract_strided_slice %select_n3A_2202 {offsets = [0, 0], sizes = [4, 1024], strides = [1, 1]} : vector<8x1024xi32> to vector<4x1024xi32>
    %select_n3A_2211 = arith.select %gt3A_2205, %slice3A_2209, %slice3A_2210 : vector<4x1024xi1>, vector<4x1024xi32>
    %slice3A_2212 = vector.extract_strided_slice %select_n3A_2208 {offsets = [2, 0], sizes = [2, 1024], strides = [1, 1]} : vector<4x1024xf32> to vector<2x1024xf32>
    %slice3A_2213 = vector.extract_strided_slice %select_n3A_2208 {offsets = [0, 0], sizes = [2, 1024], strides = [1, 1]} : vector<4x1024xf32> to vector<2x1024xf32>
    %gt3A_2214 = arith.cmpf ogt, %slice3A_2212, %slice3A_2213 : vector<2x1024xf32>
    %slice3A_2215 = vector.extract_strided_slice %select_n3A_2208 {offsets = [2, 0], sizes = [2, 1024], strides = [1, 1]} : vector<4x1024xf32> to vector<2x1024xf32>
    %slice3A_2216 = vector.extract_strided_slice %select_n3A_2208 {offsets = [0, 0], sizes = [2, 1024], strides = [1, 1]} : vector<4x1024xf32> to vector<2x1024xf32>
    %select_n3A_2217 = arith.select %gt3A_2214, %slice3A_2215, %slice3A_2216 : vector<2x1024xi1>, vector<2x1024xf32>
    %slice3A_2218 = vector.extract_strided_slice %select_n3A_2211 {offsets = [2, 0], sizes = [2, 1024], strides = [1, 1]} : vector<4x1024xi32> to vector<2x1024xi32>
    %slice3A_2219 = vector.extract_strided_slice %select_n3A_2211 {offsets = [0, 0], sizes = [2, 1024], strides = [1, 1]} : vector<4x1024xi32> to vector<2x1024xi32>
    %select_n3A_2220 = arith.select %gt3A_2214, %slice3A_2218, %slice3A_2219 : vector<2x1024xi1>, vector<2x1024xi32>
    %slice3A_2221 = vector.extract_strided_slice %select_n3A_2217 {offsets = [1, 0], sizes = [1, 1024], strides = [1, 1]} : vector<2x1024xf32> to vector<1x1024xf32>
    %slice3A_2222 = vector.extract_strided_slice %select_n3A_2217 {offsets = [0, 0], sizes = [1, 1024], strides = [1, 1]} : vector<2x1024xf32> to vector<1x1024xf32>
    %gt3A_2223 = arith.cmpf ogt, %slice3A_2221, %slice3A_2222 : vector<1x1024xf32>
    %slice3A_2224 = vector.extract_strided_slice %select_n3A_2217 {offsets = [1, 0], sizes = [1, 1024], strides = [1, 1]} : vector<2x1024xf32> to vector<1x1024xf32>
    %slice3A_2225 = vector.extract_strided_slice %select_n3A_2217 {offsets = [0, 0], sizes = [1, 1024], strides = [1, 1]} : vector<2x1024xf32> to vector<1x1024xf32>
    %select_n3A_2226 = arith.select %gt3A_2223, %slice3A_2224, %slice3A_2225 : vector<1x1024xi1>, vector<1x1024xf32>
    %slice3A_2227 = vector.extract_strided_slice %select_n3A_2220 {offsets = [1, 0], sizes = [1, 1024], strides = [1, 1]} : vector<2x1024xi32> to vector<1x1024xi32>
    %slice3A_2228 = vector.extract_strided_slice %select_n3A_2220 {offsets = [0, 0], sizes = [1, 1024], strides = [1, 1]} : vector<2x1024xi32> to vector<1x1024xi32>
    %select_n3A_2229 = arith.select %gt3A_2223, %slice3A_2227, %slice3A_2228 : vector<1x1024xi1>, vector<1x1024xi32>
    %squeeze3A_2230 = vector.shape_cast %select_n3A_2226 : vector<1x1024xf32> to vector<1024xf32>
    %squeeze3A_2231 = vector.shape_cast %select_n3A_2229 : vector<1x1024xi32> to vector<1024xi32>
    %gt3A_2232 = arith.cmpf ogt, %squeeze3A_2230, %select_n3A_2147 : vector<1024xf32>
    %select_n3A_2233 = arith.select %gt3A_2232, %squeeze3A_2230, %select_n3A_2147 : vector<1024xi1>, vector<1024xf32>
    %select_n3A_2234 = arith.select %gt3A_2232, %squeeze3A_2231, %select_n3A_2148 : vector<1024xi1>, vector<1024xi32>
    %get3A_2235 = arith.constant 6656 : index
    %get3A_2236 = arith.constant 0 : index
    %get3A_2237 = vector.load %arg4[%get3A_2235, %get3A_2236] : memref<8192x32xf32, #tpu.memory_space<vmem>>, vector<256x32xf32>
    %dot_general3A_2238 = arith.constant dense<0.000000e+00> : vector<256x1024xf32>
    %dot_general3A_2239 = tpu.matmul %get3A_2237, %div3A_8, %dot_general3A_2238 {dimension_numbers = #tpu.dot_dimension_numbers<[1], [1], [0], [0], [0, 0, 1, 0], [], []>, transpose_lhs_hint = false} : vector<256x32xf32>, vector<1024x32xf32>, vector<256x1024xf32> -> vector<256x1024xf32>
    %iota3A_2240 = tpu.iota {dimensions = array<i32: 0>} : vector<256x1024xi32>
    %add3A_2241 = arith.constant 6656 : i32
    %add3A_2242 = vector.broadcast %add3A_2241 : i32 to vector<256x1024xi32>
    %add3A_2243 = arith.addi %iota3A_2240, %add3A_2242 : vector<256x1024xi32>
    %slice3A_2244 = vector.extract_strided_slice %dot_general3A_2239 {offsets = [128, 0], sizes = [128, 1024], strides = [1, 1]} : vector<256x1024xf32> to vector<128x1024xf32>
    %slice3A_2245 = vector.extract_strided_slice %dot_general3A_2239 {offsets = [0, 0], sizes = [128, 1024], strides = [1, 1]} : vector<256x1024xf32> to vector<128x1024xf32>
    %gt3A_2246 = arith.cmpf ogt, %slice3A_2244, %slice3A_2245 : vector<128x1024xf32>
    %slice3A_2247 = vector.extract_strided_slice %dot_general3A_2239 {offsets = [128, 0], sizes = [128, 1024], strides = [1, 1]} : vector<256x1024xf32> to vector<128x1024xf32>
    %slice3A_2248 = vector.extract_strided_slice %dot_general3A_2239 {offsets = [0, 0], sizes = [128, 1024], strides = [1, 1]} : vector<256x1024xf32> to vector<128x1024xf32>
    %select_n3A_2249 = arith.select %gt3A_2246, %slice3A_2247, %slice3A_2248 : vector<128x1024xi1>, vector<128x1024xf32>
    %slice3A_2250 = vector.extract_strided_slice %add3A_2243 {offsets = [128, 0], sizes = [128, 1024], strides = [1, 1]} : vector<256x1024xi32> to vector<128x1024xi32>
    %slice3A_2251 = vector.extract_strided_slice %add3A_2243 {offsets = [0, 0], sizes = [128, 1024], strides = [1, 1]} : vector<256x1024xi32> to vector<128x1024xi32>
    %select_n3A_2252 = arith.select %gt3A_2246, %slice3A_2250, %slice3A_2251 : vector<128x1024xi1>, vector<128x1024xi32>
    %slice3A_2253 = vector.extract_strided_slice %select_n3A_2249 {offsets = [64, 0], sizes = [64, 1024], strides = [1, 1]} : vector<128x1024xf32> to vector<64x1024xf32>
    %slice3A_2254 = vector.extract_strided_slice %select_n3A_2249 {offsets = [0, 0], sizes = [64, 1024], strides = [1, 1]} : vector<128x1024xf32> to vector<64x1024xf32>
    %gt3A_2255 = arith.cmpf ogt, %slice3A_2253, %slice3A_2254 : vector<64x1024xf32>
    %slice3A_2256 = vector.extract_strided_slice %select_n3A_2249 {offsets = [64, 0], sizes = [64, 1024], strides = [1, 1]} : vector<128x1024xf32> to vector<64x1024xf32>
    %slice3A_2257 = vector.extract_strided_slice %select_n3A_2249 {offsets = [0, 0], sizes = [64, 1024], strides = [1, 1]} : vector<128x1024xf32> to vector<64x1024xf32>
    %select_n3A_2258 = arith.select %gt3A_2255, %slice3A_2256, %slice3A_2257 : vector<64x1024xi1>, vector<64x1024xf32>
    %slice3A_2259 = vector.extract_strided_slice %select_n3A_2252 {offsets = [64, 0], sizes = [64, 1024], strides = [1, 1]} : vector<128x1024xi32> to vector<64x1024xi32>
    %slice3A_2260 = vector.extract_strided_slice %select_n3A_2252 {offsets = [0, 0], sizes = [64, 1024], strides = [1, 1]} : vector<128x1024xi32> to vector<64x1024xi32>
    %select_n3A_2261 = arith.select %gt3A_2255, %slice3A_2259, %slice3A_2260 : vector<64x1024xi1>, vector<64x1024xi32>
    %slice3A_2262 = vector.extract_strided_slice %select_n3A_2258 {offsets = [32, 0], sizes = [32, 1024], strides = [1, 1]} : vector<64x1024xf32> to vector<32x1024xf32>
    %slice3A_2263 = vector.extract_strided_slice %select_n3A_2258 {offsets = [0, 0], sizes = [32, 1024], strides = [1, 1]} : vector<64x1024xf32> to vector<32x1024xf32>
    %gt3A_2264 = arith.cmpf ogt, %slice3A_2262, %slice3A_2263 : vector<32x1024xf32>
    %slice3A_2265 = vector.extract_strided_slice %select_n3A_2258 {offsets = [32, 0], sizes = [32, 1024], strides = [1, 1]} : vector<64x1024xf32> to vector<32x1024xf32>
    %slice3A_2266 = vector.extract_strided_slice %select_n3A_2258 {offsets = [0, 0], sizes = [32, 1024], strides = [1, 1]} : vector<64x1024xf32> to vector<32x1024xf32>
    %select_n3A_2267 = arith.select %gt3A_2264, %slice3A_2265, %slice3A_2266 : vector<32x1024xi1>, vector<32x1024xf32>
    %slice3A_2268 = vector.extract_strided_slice %select_n3A_2261 {offsets = [32, 0], sizes = [32, 1024], strides = [1, 1]} : vector<64x1024xi32> to vector<32x1024xi32>
    %slice3A_2269 = vector.extract_strided_slice %select_n3A_2261 {offsets = [0, 0], sizes = [32, 1024], strides = [1, 1]} : vector<64x1024xi32> to vector<32x1024xi32>
    %select_n3A_2270 = arith.select %gt3A_2264, %slice3A_2268, %slice3A_2269 : vector<32x1024xi1>, vector<32x1024xi32>
    %slice3A_2271 = vector.extract_strided_slice %select_n3A_2267 {offsets = [16, 0], sizes = [16, 1024], strides = [1, 1]} : vector<32x1024xf32> to vector<16x1024xf32>
    %slice3A_2272 = vector.extract_strided_slice %select_n3A_2267 {offsets = [0, 0], sizes = [16, 1024], strides = [1, 1]} : vector<32x1024xf32> to vector<16x1024xf32>
    %gt3A_2273 = arith.cmpf ogt, %slice3A_2271, %slice3A_2272 : vector<16x1024xf32>
    %slice3A_2274 = vector.extract_strided_slice %select_n3A_2267 {offsets = [16, 0], sizes = [16, 1024], strides = [1, 1]} : vector<32x1024xf32> to vector<16x1024xf32>
    %slice3A_2275 = vector.extract_strided_slice %select_n3A_2267 {offsets = [0, 0], sizes = [16, 1024], strides = [1, 1]} : vector<32x1024xf32> to vector<16x1024xf32>
    %select_n3A_2276 = arith.select %gt3A_2273, %slice3A_2274, %slice3A_2275 : vector<16x1024xi1>, vector<16x1024xf32>
    %slice3A_2277 = vector.extract_strided_slice %select_n3A_2270 {offsets = [16, 0], sizes = [16, 1024], strides = [1, 1]} : vector<32x1024xi32> to vector<16x1024xi32>
    %slice3A_2278 = vector.extract_strided_slice %select_n3A_2270 {offsets = [0, 0], sizes = [16, 1024], strides = [1, 1]} : vector<32x1024xi32> to vector<16x1024xi32>
    %select_n3A_2279 = arith.select %gt3A_2273, %slice3A_2277, %slice3A_2278 : vector<16x1024xi1>, vector<16x1024xi32>
    %slice3A_2280 = vector.extract_strided_slice %select_n3A_2276 {offsets = [8, 0], sizes = [8, 1024], strides = [1, 1]} : vector<16x1024xf32> to vector<8x1024xf32>
    %slice3A_2281 = vector.extract_strided_slice %select_n3A_2276 {offsets = [0, 0], sizes = [8, 1024], strides = [1, 1]} : vector<16x1024xf32> to vector<8x1024xf32>
    %gt3A_2282 = arith.cmpf ogt, %slice3A_2280, %slice3A_2281 : vector<8x1024xf32>
    %slice3A_2283 = vector.extract_strided_slice %select_n3A_2276 {offsets = [8, 0], sizes = [8, 1024], strides = [1, 1]} : vector<16x1024xf32> to vector<8x1024xf32>
    %slice3A_2284 = vector.extract_strided_slice %select_n3A_2276 {offsets = [0, 0], sizes = [8, 1024], strides = [1, 1]} : vector<16x1024xf32> to vector<8x1024xf32>
    %select_n3A_2285 = arith.select %gt3A_2282, %slice3A_2283, %slice3A_2284 : vector<8x1024xi1>, vector<8x1024xf32>
    %slice3A_2286 = vector.extract_strided_slice %select_n3A_2279 {offsets = [8, 0], sizes = [8, 1024], strides = [1, 1]} : vector<16x1024xi32> to vector<8x1024xi32>
    %slice3A_2287 = vector.extract_strided_slice %select_n3A_2279 {offsets = [0, 0], sizes = [8, 1024], strides = [1, 1]} : vector<16x1024xi32> to vector<8x1024xi32>
    %select_n3A_2288 = arith.select %gt3A_2282, %slice3A_2286, %slice3A_2287 : vector<8x1024xi1>, vector<8x1024xi32>
    %slice3A_2289 = vector.extract_strided_slice %select_n3A_2285 {offsets = [4, 0], sizes = [4, 1024], strides = [1, 1]} : vector<8x1024xf32> to vector<4x1024xf32>
    %slice3A_2290 = vector.extract_strided_slice %select_n3A_2285 {offsets = [0, 0], sizes = [4, 1024], strides = [1, 1]} : vector<8x1024xf32> to vector<4x1024xf32>
    %gt3A_2291 = arith.cmpf ogt, %slice3A_2289, %slice3A_2290 : vector<4x1024xf32>
    %slice3A_2292 = vector.extract_strided_slice %select_n3A_2285 {offsets = [4, 0], sizes = [4, 1024], strides = [1, 1]} : vector<8x1024xf32> to vector<4x1024xf32>
    %slice3A_2293 = vector.extract_strided_slice %select_n3A_2285 {offsets = [0, 0], sizes = [4, 1024], strides = [1, 1]} : vector<8x1024xf32> to vector<4x1024xf32>
    %select_n3A_2294 = arith.select %gt3A_2291, %slice3A_2292, %slice3A_2293 : vector<4x1024xi1>, vector<4x1024xf32>
    %slice3A_2295 = vector.extract_strided_slice %select_n3A_2288 {offsets = [4, 0], sizes = [4, 1024], strides = [1, 1]} : vector<8x1024xi32> to vector<4x1024xi32>
    %slice3A_2296 = vector.extract_strided_slice %select_n3A_2288 {offsets = [0, 0], sizes = [4, 1024], strides = [1, 1]} : vector<8x1024xi32> to vector<4x1024xi32>
    %select_n3A_2297 = arith.select %gt3A_2291, %slice3A_2295, %slice3A_2296 : vector<4x1024xi1>, vector<4x1024xi32>
    %slice3A_2298 = vector.extract_strided_slice %select_n3A_2294 {offsets = [2, 0], sizes = [2, 1024], strides = [1, 1]} : vector<4x1024xf32> to vector<2x1024xf32>
    %slice3A_2299 = vector.extract_strided_slice %select_n3A_2294 {offsets = [0, 0], sizes = [2, 1024], strides = [1, 1]} : vector<4x1024xf32> to vector<2x1024xf32>
    %gt3A_2300 = arith.cmpf ogt, %slice3A_2298, %slice3A_2299 : vector<2x1024xf32>
    %slice3A_2301 = vector.extract_strided_slice %select_n3A_2294 {offsets = [2, 0], sizes = [2, 1024], strides = [1, 1]} : vector<4x1024xf32> to vector<2x1024xf32>
    %slice3A_2302 = vector.extract_strided_slice %select_n3A_2294 {offsets = [0, 0], sizes = [2, 1024], strides = [1, 1]} : vector<4x1024xf32> to vector<2x1024xf32>
    %select_n3A_2303 = arith.select %gt3A_2300, %slice3A_2301, %slice3A_2302 : vector<2x1024xi1>, vector<2x1024xf32>
    %slice3A_2304 = vector.extract_strided_slice %select_n3A_2297 {offsets = [2, 0], sizes = [2, 1024], strides = [1, 1]} : vector<4x1024xi32> to vector<2x1024xi32>
    %slice3A_2305 = vector.extract_strided_slice %select_n3A_2297 {offsets = [0, 0], sizes = [2, 1024], strides = [1, 1]} : vector<4x1024xi32> to vector<2x1024xi32>
    %select_n3A_2306 = arith.select %gt3A_2300, %slice3A_2304, %slice3A_2305 : vector<2x1024xi1>, vector<2x1024xi32>
    %slice3A_2307 = vector.extract_strided_slice %select_n3A_2303 {offsets = [1, 0], sizes = [1, 1024], strides = [1, 1]} : vector<2x1024xf32> to vector<1x1024xf32>
    %slice3A_2308 = vector.extract_strided_slice %select_n3A_2303 {offsets = [0, 0], sizes = [1, 1024], strides = [1, 1]} : vector<2x1024xf32> to vector<1x1024xf32>
    %gt3A_2309 = arith.cmpf ogt, %slice3A_2307, %slice3A_2308 : vector<1x1024xf32>
    %slice3A_2310 = vector.extract_strided_slice %select_n3A_2303 {offsets = [1, 0], sizes = [1, 1024], strides = [1, 1]} : vector<2x1024xf32> to vector<1x1024xf32>
    %slice3A_2311 = vector.extract_strided_slice %select_n3A_2303 {offsets = [0, 0], sizes = [1, 1024], strides = [1, 1]} : vector<2x1024xf32> to vector<1x1024xf32>
    %select_n3A_2312 = arith.select %gt3A_2309, %slice3A_2310, %slice3A_2311 : vector<1x1024xi1>, vector<1x1024xf32>
    %slice3A_2313 = vector.extract_strided_slice %select_n3A_2306 {offsets = [1, 0], sizes = [1, 1024], strides = [1, 1]} : vector<2x1024xi32> to vector<1x1024xi32>
    %slice3A_2314 = vector.extract_strided_slice %select_n3A_2306 {offsets = [0, 0], sizes = [1, 1024], strides = [1, 1]} : vector<2x1024xi32> to vector<1x1024xi32>
    %select_n3A_2315 = arith.select %gt3A_2309, %slice3A_2313, %slice3A_2314 : vector<1x1024xi1>, vector<1x1024xi32>
    %squeeze3A_2316 = vector.shape_cast %select_n3A_2312 : vector<1x1024xf32> to vector<1024xf32>
    %squeeze3A_2317 = vector.shape_cast %select_n3A_2315 : vector<1x1024xi32> to vector<1024xi32>
    %gt3A_2318 = arith.cmpf ogt, %squeeze3A_2316, %select_n3A_2233 : vector<1024xf32>
    %select_n3A_2319 = arith.select %gt3A_2318, %squeeze3A_2316, %select_n3A_2233 : vector<1024xi1>, vector<1024xf32>
    %select_n3A_2320 = arith.select %gt3A_2318, %squeeze3A_2317, %select_n3A_2234 : vector<1024xi1>, vector<1024xi32>
    %get3A_2321 = arith.constant 6912 : index
    %get3A_2322 = arith.constant 0 : index
    %get3A_2323 = vector.load %arg4[%get3A_2321, %get3A_2322] : memref<8192x32xf32, #tpu.memory_space<vmem>>, vector<256x32xf32>
    %dot_general3A_2324 = arith.constant dense<0.000000e+00> : vector<256x1024xf32>
    %dot_general3A_2325 = tpu.matmul %get3A_2323, %div3A_8, %dot_general3A_2324 {dimension_numbers = #tpu.dot_dimension_numbers<[1], [1], [0], [0], [0, 0, 1, 0], [], []>, transpose_lhs_hint = false} : vector<256x32xf32>, vector<1024x32xf32>, vector<256x1024xf32> -> vector<256x1024xf32>
    %iota3A_2326 = tpu.iota {dimensions = array<i32: 0>} : vector<256x1024xi32>
    %add3A_2327 = arith.constant 6912 : i32
    %add3A_2328 = vector.broadcast %add3A_2327 : i32 to vector<256x1024xi32>
    %add3A_2329 = arith.addi %iota3A_2326, %add3A_2328 : vector<256x1024xi32>
    %slice3A_2330 = vector.extract_strided_slice %dot_general3A_2325 {offsets = [128, 0], sizes = [128, 1024], strides = [1, 1]} : vector<256x1024xf32> to vector<128x1024xf32>
    %slice3A_2331 = vector.extract_strided_slice %dot_general3A_2325 {offsets = [0, 0], sizes = [128, 1024], strides = [1, 1]} : vector<256x1024xf32> to vector<128x1024xf32>
    %gt3A_2332 = arith.cmpf ogt, %slice3A_2330, %slice3A_2331 : vector<128x1024xf32>
    %slice3A_2333 = vector.extract_strided_slice %dot_general3A_2325 {offsets = [128, 0], sizes = [128, 1024], strides = [1, 1]} : vector<256x1024xf32> to vector<128x1024xf32>
    %slice3A_2334 = vector.extract_strided_slice %dot_general3A_2325 {offsets = [0, 0], sizes = [128, 1024], strides = [1, 1]} : vector<256x1024xf32> to vector<128x1024xf32>
    %select_n3A_2335 = arith.select %gt3A_2332, %slice3A_2333, %slice3A_2334 : vector<128x1024xi1>, vector<128x1024xf32>
    %slice3A_2336 = vector.extract_strided_slice %add3A_2329 {offsets = [128, 0], sizes = [128, 1024], strides = [1, 1]} : vector<256x1024xi32> to vector<128x1024xi32>
    %slice3A_2337 = vector.extract_strided_slice %add3A_2329 {offsets = [0, 0], sizes = [128, 1024], strides = [1, 1]} : vector<256x1024xi32> to vector<128x1024xi32>
    %select_n3A_2338 = arith.select %gt3A_2332, %slice3A_2336, %slice3A_2337 : vector<128x1024xi1>, vector<128x1024xi32>
    %slice3A_2339 = vector.extract_strided_slice %select_n3A_2335 {offsets = [64, 0], sizes = [64, 1024], strides = [1, 1]} : vector<128x1024xf32> to vector<64x1024xf32>
    %slice3A_2340 = vector.extract_strided_slice %select_n3A_2335 {offsets = [0, 0], sizes = [64, 1024], strides = [1, 1]} : vector<128x1024xf32> to vector<64x1024xf32>
    %gt3A_2341 = arith.cmpf ogt, %slice3A_2339, %slice3A_2340 : vector<64x1024xf32>
    %slice3A_2342 = vector.extract_strided_slice %select_n3A_2335 {offsets = [64, 0], sizes = [64, 1024], strides = [1, 1]} : vector<128x1024xf32> to vector<64x1024xf32>
    %slice3A_2343 = vector.extract_strided_slice %select_n3A_2335 {offsets = [0, 0], sizes = [64, 1024], strides = [1, 1]} : vector<128x1024xf32> to vector<64x1024xf32>
    %select_n3A_2344 = arith.select %gt3A_2341, %slice3A_2342, %slice3A_2343 : vector<64x1024xi1>, vector<64x1024xf32>
    %slice3A_2345 = vector.extract_strided_slice %select_n3A_2338 {offsets = [64, 0], sizes = [64, 1024], strides = [1, 1]} : vector<128x1024xi32> to vector<64x1024xi32>
    %slice3A_2346 = vector.extract_strided_slice %select_n3A_2338 {offsets = [0, 0], sizes = [64, 1024], strides = [1, 1]} : vector<128x1024xi32> to vector<64x1024xi32>
    %select_n3A_2347 = arith.select %gt3A_2341, %slice3A_2345, %slice3A_2346 : vector<64x1024xi1>, vector<64x1024xi32>
    %slice3A_2348 = vector.extract_strided_slice %select_n3A_2344 {offsets = [32, 0], sizes = [32, 1024], strides = [1, 1]} : vector<64x1024xf32> to vector<32x1024xf32>
    %slice3A_2349 = vector.extract_strided_slice %select_n3A_2344 {offsets = [0, 0], sizes = [32, 1024], strides = [1, 1]} : vector<64x1024xf32> to vector<32x1024xf32>
    %gt3A_2350 = arith.cmpf ogt, %slice3A_2348, %slice3A_2349 : vector<32x1024xf32>
    %slice3A_2351 = vector.extract_strided_slice %select_n3A_2344 {offsets = [32, 0], sizes = [32, 1024], strides = [1, 1]} : vector<64x1024xf32> to vector<32x1024xf32>
    %slice3A_2352 = vector.extract_strided_slice %select_n3A_2344 {offsets = [0, 0], sizes = [32, 1024], strides = [1, 1]} : vector<64x1024xf32> to vector<32x1024xf32>
    %select_n3A_2353 = arith.select %gt3A_2350, %slice3A_2351, %slice3A_2352 : vector<32x1024xi1>, vector<32x1024xf32>
    %slice3A_2354 = vector.extract_strided_slice %select_n3A_2347 {offsets = [32, 0], sizes = [32, 1024], strides = [1, 1]} : vector<64x1024xi32> to vector<32x1024xi32>
    %slice3A_2355 = vector.extract_strided_slice %select_n3A_2347 {offsets = [0, 0], sizes = [32, 1024], strides = [1, 1]} : vector<64x1024xi32> to vector<32x1024xi32>
    %select_n3A_2356 = arith.select %gt3A_2350, %slice3A_2354, %slice3A_2355 : vector<32x1024xi1>, vector<32x1024xi32>
    %slice3A_2357 = vector.extract_strided_slice %select_n3A_2353 {offsets = [16, 0], sizes = [16, 1024], strides = [1, 1]} : vector<32x1024xf32> to vector<16x1024xf32>
    %slice3A_2358 = vector.extract_strided_slice %select_n3A_2353 {offsets = [0, 0], sizes = [16, 1024], strides = [1, 1]} : vector<32x1024xf32> to vector<16x1024xf32>
    %gt3A_2359 = arith.cmpf ogt, %slice3A_2357, %slice3A_2358 : vector<16x1024xf32>
    %slice3A_2360 = vector.extract_strided_slice %select_n3A_2353 {offsets = [16, 0], sizes = [16, 1024], strides = [1, 1]} : vector<32x1024xf32> to vector<16x1024xf32>
    %slice3A_2361 = vector.extract_strided_slice %select_n3A_2353 {offsets = [0, 0], sizes = [16, 1024], strides = [1, 1]} : vector<32x1024xf32> to vector<16x1024xf32>
    %select_n3A_2362 = arith.select %gt3A_2359, %slice3A_2360, %slice3A_2361 : vector<16x1024xi1>, vector<16x1024xf32>
    %slice3A_2363 = vector.extract_strided_slice %select_n3A_2356 {offsets = [16, 0], sizes = [16, 1024], strides = [1, 1]} : vector<32x1024xi32> to vector<16x1024xi32>
    %slice3A_2364 = vector.extract_strided_slice %select_n3A_2356 {offsets = [0, 0], sizes = [16, 1024], strides = [1, 1]} : vector<32x1024xi32> to vector<16x1024xi32>
    %select_n3A_2365 = arith.select %gt3A_2359, %slice3A_2363, %slice3A_2364 : vector<16x1024xi1>, vector<16x1024xi32>
    %slice3A_2366 = vector.extract_strided_slice %select_n3A_2362 {offsets = [8, 0], sizes = [8, 1024], strides = [1, 1]} : vector<16x1024xf32> to vector<8x1024xf32>
    %slice3A_2367 = vector.extract_strided_slice %select_n3A_2362 {offsets = [0, 0], sizes = [8, 1024], strides = [1, 1]} : vector<16x1024xf32> to vector<8x1024xf32>
    %gt3A_2368 = arith.cmpf ogt, %slice3A_2366, %slice3A_2367 : vector<8x1024xf32>
    %slice3A_2369 = vector.extract_strided_slice %select_n3A_2362 {offsets = [8, 0], sizes = [8, 1024], strides = [1, 1]} : vector<16x1024xf32> to vector<8x1024xf32>
    %slice3A_2370 = vector.extract_strided_slice %select_n3A_2362 {offsets = [0, 0], sizes = [8, 1024], strides = [1, 1]} : vector<16x1024xf32> to vector<8x1024xf32>
    %select_n3A_2371 = arith.select %gt3A_2368, %slice3A_2369, %slice3A_2370 : vector<8x1024xi1>, vector<8x1024xf32>
    %slice3A_2372 = vector.extract_strided_slice %select_n3A_2365 {offsets = [8, 0], sizes = [8, 1024], strides = [1, 1]} : vector<16x1024xi32> to vector<8x1024xi32>
    %slice3A_2373 = vector.extract_strided_slice %select_n3A_2365 {offsets = [0, 0], sizes = [8, 1024], strides = [1, 1]} : vector<16x1024xi32> to vector<8x1024xi32>
    %select_n3A_2374 = arith.select %gt3A_2368, %slice3A_2372, %slice3A_2373 : vector<8x1024xi1>, vector<8x1024xi32>
    %slice3A_2375 = vector.extract_strided_slice %select_n3A_2371 {offsets = [4, 0], sizes = [4, 1024], strides = [1, 1]} : vector<8x1024xf32> to vector<4x1024xf32>
    %slice3A_2376 = vector.extract_strided_slice %select_n3A_2371 {offsets = [0, 0], sizes = [4, 1024], strides = [1, 1]} : vector<8x1024xf32> to vector<4x1024xf32>
    %gt3A_2377 = arith.cmpf ogt, %slice3A_2375, %slice3A_2376 : vector<4x1024xf32>
    %slice3A_2378 = vector.extract_strided_slice %select_n3A_2371 {offsets = [4, 0], sizes = [4, 1024], strides = [1, 1]} : vector<8x1024xf32> to vector<4x1024xf32>
    %slice3A_2379 = vector.extract_strided_slice %select_n3A_2371 {offsets = [0, 0], sizes = [4, 1024], strides = [1, 1]} : vector<8x1024xf32> to vector<4x1024xf32>
    %select_n3A_2380 = arith.select %gt3A_2377, %slice3A_2378, %slice3A_2379 : vector<4x1024xi1>, vector<4x1024xf32>
    %slice3A_2381 = vector.extract_strided_slice %select_n3A_2374 {offsets = [4, 0], sizes = [4, 1024], strides = [1, 1]} : vector<8x1024xi32> to vector<4x1024xi32>
    %slice3A_2382 = vector.extract_strided_slice %select_n3A_2374 {offsets = [0, 0], sizes = [4, 1024], strides = [1, 1]} : vector<8x1024xi32> to vector<4x1024xi32>
    %select_n3A_2383 = arith.select %gt3A_2377, %slice3A_2381, %slice3A_2382 : vector<4x1024xi1>, vector<4x1024xi32>
    %slice3A_2384 = vector.extract_strided_slice %select_n3A_2380 {offsets = [2, 0], sizes = [2, 1024], strides = [1, 1]} : vector<4x1024xf32> to vector<2x1024xf32>
    %slice3A_2385 = vector.extract_strided_slice %select_n3A_2380 {offsets = [0, 0], sizes = [2, 1024], strides = [1, 1]} : vector<4x1024xf32> to vector<2x1024xf32>
    %gt3A_2386 = arith.cmpf ogt, %slice3A_2384, %slice3A_2385 : vector<2x1024xf32>
    %slice3A_2387 = vector.extract_strided_slice %select_n3A_2380 {offsets = [2, 0], sizes = [2, 1024], strides = [1, 1]} : vector<4x1024xf32> to vector<2x1024xf32>
    %slice3A_2388 = vector.extract_strided_slice %select_n3A_2380 {offsets = [0, 0], sizes = [2, 1024], strides = [1, 1]} : vector<4x1024xf32> to vector<2x1024xf32>
    %select_n3A_2389 = arith.select %gt3A_2386, %slice3A_2387, %slice3A_2388 : vector<2x1024xi1>, vector<2x1024xf32>
    %slice3A_2390 = vector.extract_strided_slice %select_n3A_2383 {offsets = [2, 0], sizes = [2, 1024], strides = [1, 1]} : vector<4x1024xi32> to vector<2x1024xi32>
    %slice3A_2391 = vector.extract_strided_slice %select_n3A_2383 {offsets = [0, 0], sizes = [2, 1024], strides = [1, 1]} : vector<4x1024xi32> to vector<2x1024xi32>
    %select_n3A_2392 = arith.select %gt3A_2386, %slice3A_2390, %slice3A_2391 : vector<2x1024xi1>, vector<2x1024xi32>
    %slice3A_2393 = vector.extract_strided_slice %select_n3A_2389 {offsets = [1, 0], sizes = [1, 1024], strides = [1, 1]} : vector<2x1024xf32> to vector<1x1024xf32>
    %slice3A_2394 = vector.extract_strided_slice %select_n3A_2389 {offsets = [0, 0], sizes = [1, 1024], strides = [1, 1]} : vector<2x1024xf32> to vector<1x1024xf32>
    %gt3A_2395 = arith.cmpf ogt, %slice3A_2393, %slice3A_2394 : vector<1x1024xf32>
    %slice3A_2396 = vector.extract_strided_slice %select_n3A_2389 {offsets = [1, 0], sizes = [1, 1024], strides = [1, 1]} : vector<2x1024xf32> to vector<1x1024xf32>
    %slice3A_2397 = vector.extract_strided_slice %select_n3A_2389 {offsets = [0, 0], sizes = [1, 1024], strides = [1, 1]} : vector<2x1024xf32> to vector<1x1024xf32>
    %select_n3A_2398 = arith.select %gt3A_2395, %slice3A_2396, %slice3A_2397 : vector<1x1024xi1>, vector<1x1024xf32>
    %slice3A_2399 = vector.extract_strided_slice %select_n3A_2392 {offsets = [1, 0], sizes = [1, 1024], strides = [1, 1]} : vector<2x1024xi32> to vector<1x1024xi32>
    %slice3A_2400 = vector.extract_strided_slice %select_n3A_2392 {offsets = [0, 0], sizes = [1, 1024], strides = [1, 1]} : vector<2x1024xi32> to vector<1x1024xi32>
    %select_n3A_2401 = arith.select %gt3A_2395, %slice3A_2399, %slice3A_2400 : vector<1x1024xi1>, vector<1x1024xi32>
    %squeeze3A_2402 = vector.shape_cast %select_n3A_2398 : vector<1x1024xf32> to vector<1024xf32>
    %squeeze3A_2403 = vector.shape_cast %select_n3A_2401 : vector<1x1024xi32> to vector<1024xi32>
    %gt3A_2404 = arith.cmpf ogt, %squeeze3A_2402, %select_n3A_2319 : vector<1024xf32>
    %select_n3A_2405 = arith.select %gt3A_2404, %squeeze3A_2402, %select_n3A_2319 : vector<1024xi1>, vector<1024xf32>
    %select_n3A_2406 = arith.select %gt3A_2404, %squeeze3A_2403, %select_n3A_2320 : vector<1024xi1>, vector<1024xi32>
    %get3A_2407 = arith.constant 7168 : index
    %get3A_2408 = arith.constant 0 : index
    %get3A_2409 = vector.load %arg4[%get3A_2407, %get3A_2408] : memref<8192x32xf32, #tpu.memory_space<vmem>>, vector<256x32xf32>
    %dot_general3A_2410 = arith.constant dense<0.000000e+00> : vector<256x1024xf32>
    %dot_general3A_2411 = tpu.matmul %get3A_2409, %div3A_8, %dot_general3A_2410 {dimension_numbers = #tpu.dot_dimension_numbers<[1], [1], [0], [0], [0, 0, 1, 0], [], []>, transpose_lhs_hint = false} : vector<256x32xf32>, vector<1024x32xf32>, vector<256x1024xf32> -> vector<256x1024xf32>
    %iota3A_2412 = tpu.iota {dimensions = array<i32: 0>} : vector<256x1024xi32>
    %add3A_2413 = arith.constant 7168 : i32
    %add3A_2414 = vector.broadcast %add3A_2413 : i32 to vector<256x1024xi32>
    %add3A_2415 = arith.addi %iota3A_2412, %add3A_2414 : vector<256x1024xi32>
    %slice3A_2416 = vector.extract_strided_slice %dot_general3A_2411 {offsets = [128, 0], sizes = [128, 1024], strides = [1, 1]} : vector<256x1024xf32> to vector<128x1024xf32>
    %slice3A_2417 = vector.extract_strided_slice %dot_general3A_2411 {offsets = [0, 0], sizes = [128, 1024], strides = [1, 1]} : vector<256x1024xf32> to vector<128x1024xf32>
    %gt3A_2418 = arith.cmpf ogt, %slice3A_2416, %slice3A_2417 : vector<128x1024xf32>
    %slice3A_2419 = vector.extract_strided_slice %dot_general3A_2411 {offsets = [128, 0], sizes = [128, 1024], strides = [1, 1]} : vector<256x1024xf32> to vector<128x1024xf32>
    %slice3A_2420 = vector.extract_strided_slice %dot_general3A_2411 {offsets = [0, 0], sizes = [128, 1024], strides = [1, 1]} : vector<256x1024xf32> to vector<128x1024xf32>
    %select_n3A_2421 = arith.select %gt3A_2418, %slice3A_2419, %slice3A_2420 : vector<128x1024xi1>, vector<128x1024xf32>
    %slice3A_2422 = vector.extract_strided_slice %add3A_2415 {offsets = [128, 0], sizes = [128, 1024], strides = [1, 1]} : vector<256x1024xi32> to vector<128x1024xi32>
    %slice3A_2423 = vector.extract_strided_slice %add3A_2415 {offsets = [0, 0], sizes = [128, 1024], strides = [1, 1]} : vector<256x1024xi32> to vector<128x1024xi32>
    %select_n3A_2424 = arith.select %gt3A_2418, %slice3A_2422, %slice3A_2423 : vector<128x1024xi1>, vector<128x1024xi32>
    %slice3A_2425 = vector.extract_strided_slice %select_n3A_2421 {offsets = [64, 0], sizes = [64, 1024], strides = [1, 1]} : vector<128x1024xf32> to vector<64x1024xf32>
    %slice3A_2426 = vector.extract_strided_slice %select_n3A_2421 {offsets = [0, 0], sizes = [64, 1024], strides = [1, 1]} : vector<128x1024xf32> to vector<64x1024xf32>
    %gt3A_2427 = arith.cmpf ogt, %slice3A_2425, %slice3A_2426 : vector<64x1024xf32>
    %slice3A_2428 = vector.extract_strided_slice %select_n3A_2421 {offsets = [64, 0], sizes = [64, 1024], strides = [1, 1]} : vector<128x1024xf32> to vector<64x1024xf32>
    %slice3A_2429 = vector.extract_strided_slice %select_n3A_2421 {offsets = [0, 0], sizes = [64, 1024], strides = [1, 1]} : vector<128x1024xf32> to vector<64x1024xf32>
    %select_n3A_2430 = arith.select %gt3A_2427, %slice3A_2428, %slice3A_2429 : vector<64x1024xi1>, vector<64x1024xf32>
    %slice3A_2431 = vector.extract_strided_slice %select_n3A_2424 {offsets = [64, 0], sizes = [64, 1024], strides = [1, 1]} : vector<128x1024xi32> to vector<64x1024xi32>
    %slice3A_2432 = vector.extract_strided_slice %select_n3A_2424 {offsets = [0, 0], sizes = [64, 1024], strides = [1, 1]} : vector<128x1024xi32> to vector<64x1024xi32>
    %select_n3A_2433 = arith.select %gt3A_2427, %slice3A_2431, %slice3A_2432 : vector<64x1024xi1>, vector<64x1024xi32>
    %slice3A_2434 = vector.extract_strided_slice %select_n3A_2430 {offsets = [32, 0], sizes = [32, 1024], strides = [1, 1]} : vector<64x1024xf32> to vector<32x1024xf32>
    %slice3A_2435 = vector.extract_strided_slice %select_n3A_2430 {offsets = [0, 0], sizes = [32, 1024], strides = [1, 1]} : vector<64x1024xf32> to vector<32x1024xf32>
    %gt3A_2436 = arith.cmpf ogt, %slice3A_2434, %slice3A_2435 : vector<32x1024xf32>
    %slice3A_2437 = vector.extract_strided_slice %select_n3A_2430 {offsets = [32, 0], sizes = [32, 1024], strides = [1, 1]} : vector<64x1024xf32> to vector<32x1024xf32>
    %slice3A_2438 = vector.extract_strided_slice %select_n3A_2430 {offsets = [0, 0], sizes = [32, 1024], strides = [1, 1]} : vector<64x1024xf32> to vector<32x1024xf32>
    %select_n3A_2439 = arith.select %gt3A_2436, %slice3A_2437, %slice3A_2438 : vector<32x1024xi1>, vector<32x1024xf32>
    %slice3A_2440 = vector.extract_strided_slice %select_n3A_2433 {offsets = [32, 0], sizes = [32, 1024], strides = [1, 1]} : vector<64x1024xi32> to vector<32x1024xi32>
    %slice3A_2441 = vector.extract_strided_slice %select_n3A_2433 {offsets = [0, 0], sizes = [32, 1024], strides = [1, 1]} : vector<64x1024xi32> to vector<32x1024xi32>
    %select_n3A_2442 = arith.select %gt3A_2436, %slice3A_2440, %slice3A_2441 : vector<32x1024xi1>, vector<32x1024xi32>
    %slice3A_2443 = vector.extract_strided_slice %select_n3A_2439 {offsets = [16, 0], sizes = [16, 1024], strides = [1, 1]} : vector<32x1024xf32> to vector<16x1024xf32>
    %slice3A_2444 = vector.extract_strided_slice %select_n3A_2439 {offsets = [0, 0], sizes = [16, 1024], strides = [1, 1]} : vector<32x1024xf32> to vector<16x1024xf32>
    %gt3A_2445 = arith.cmpf ogt, %slice3A_2443, %slice3A_2444 : vector<16x1024xf32>
    %slice3A_2446 = vector.extract_strided_slice %select_n3A_2439 {offsets = [16, 0], sizes = [16, 1024], strides = [1, 1]} : vector<32x1024xf32> to vector<16x1024xf32>
    %slice3A_2447 = vector.extract_strided_slice %select_n3A_2439 {offsets = [0, 0], sizes = [16, 1024], strides = [1, 1]} : vector<32x1024xf32> to vector<16x1024xf32>
    %select_n3A_2448 = arith.select %gt3A_2445, %slice3A_2446, %slice3A_2447 : vector<16x1024xi1>, vector<16x1024xf32>
    %slice3A_2449 = vector.extract_strided_slice %select_n3A_2442 {offsets = [16, 0], sizes = [16, 1024], strides = [1, 1]} : vector<32x1024xi32> to vector<16x1024xi32>
    %slice3A_2450 = vector.extract_strided_slice %select_n3A_2442 {offsets = [0, 0], sizes = [16, 1024], strides = [1, 1]} : vector<32x1024xi32> to vector<16x1024xi32>
    %select_n3A_2451 = arith.select %gt3A_2445, %slice3A_2449, %slice3A_2450 : vector<16x1024xi1>, vector<16x1024xi32>
    %slice3A_2452 = vector.extract_strided_slice %select_n3A_2448 {offsets = [8, 0], sizes = [8, 1024], strides = [1, 1]} : vector<16x1024xf32> to vector<8x1024xf32>
    %slice3A_2453 = vector.extract_strided_slice %select_n3A_2448 {offsets = [0, 0], sizes = [8, 1024], strides = [1, 1]} : vector<16x1024xf32> to vector<8x1024xf32>
    %gt3A_2454 = arith.cmpf ogt, %slice3A_2452, %slice3A_2453 : vector<8x1024xf32>
    %slice3A_2455 = vector.extract_strided_slice %select_n3A_2448 {offsets = [8, 0], sizes = [8, 1024], strides = [1, 1]} : vector<16x1024xf32> to vector<8x1024xf32>
    %slice3A_2456 = vector.extract_strided_slice %select_n3A_2448 {offsets = [0, 0], sizes = [8, 1024], strides = [1, 1]} : vector<16x1024xf32> to vector<8x1024xf32>
    %select_n3A_2457 = arith.select %gt3A_2454, %slice3A_2455, %slice3A_2456 : vector<8x1024xi1>, vector<8x1024xf32>
    %slice3A_2458 = vector.extract_strided_slice %select_n3A_2451 {offsets = [8, 0], sizes = [8, 1024], strides = [1, 1]} : vector<16x1024xi32> to vector<8x1024xi32>
    %slice3A_2459 = vector.extract_strided_slice %select_n3A_2451 {offsets = [0, 0], sizes = [8, 1024], strides = [1, 1]} : vector<16x1024xi32> to vector<8x1024xi32>
    %select_n3A_2460 = arith.select %gt3A_2454, %slice3A_2458, %slice3A_2459 : vector<8x1024xi1>, vector<8x1024xi32>
    %slice3A_2461 = vector.extract_strided_slice %select_n3A_2457 {offsets = [4, 0], sizes = [4, 1024], strides = [1, 1]} : vector<8x1024xf32> to vector<4x1024xf32>
    %slice3A_2462 = vector.extract_strided_slice %select_n3A_2457 {offsets = [0, 0], sizes = [4, 1024], strides = [1, 1]} : vector<8x1024xf32> to vector<4x1024xf32>
    %gt3A_2463 = arith.cmpf ogt, %slice3A_2461, %slice3A_2462 : vector<4x1024xf32>
    %slice3A_2464 = vector.extract_strided_slice %select_n3A_2457 {offsets = [4, 0], sizes = [4, 1024], strides = [1, 1]} : vector<8x1024xf32> to vector<4x1024xf32>
    %slice3A_2465 = vector.extract_strided_slice %select_n3A_2457 {offsets = [0, 0], sizes = [4, 1024], strides = [1, 1]} : vector<8x1024xf32> to vector<4x1024xf32>
    %select_n3A_2466 = arith.select %gt3A_2463, %slice3A_2464, %slice3A_2465 : vector<4x1024xi1>, vector<4x1024xf32>
    %slice3A_2467 = vector.extract_strided_slice %select_n3A_2460 {offsets = [4, 0], sizes = [4, 1024], strides = [1, 1]} : vector<8x1024xi32> to vector<4x1024xi32>
    %slice3A_2468 = vector.extract_strided_slice %select_n3A_2460 {offsets = [0, 0], sizes = [4, 1024], strides = [1, 1]} : vector<8x1024xi32> to vector<4x1024xi32>
    %select_n3A_2469 = arith.select %gt3A_2463, %slice3A_2467, %slice3A_2468 : vector<4x1024xi1>, vector<4x1024xi32>
    %slice3A_2470 = vector.extract_strided_slice %select_n3A_2466 {offsets = [2, 0], sizes = [2, 1024], strides = [1, 1]} : vector<4x1024xf32> to vector<2x1024xf32>
    %slice3A_2471 = vector.extract_strided_slice %select_n3A_2466 {offsets = [0, 0], sizes = [2, 1024], strides = [1, 1]} : vector<4x1024xf32> to vector<2x1024xf32>
    %gt3A_2472 = arith.cmpf ogt, %slice3A_2470, %slice3A_2471 : vector<2x1024xf32>
    %slice3A_2473 = vector.extract_strided_slice %select_n3A_2466 {offsets = [2, 0], sizes = [2, 1024], strides = [1, 1]} : vector<4x1024xf32> to vector<2x1024xf32>
    %slice3A_2474 = vector.extract_strided_slice %select_n3A_2466 {offsets = [0, 0], sizes = [2, 1024], strides = [1, 1]} : vector<4x1024xf32> to vector<2x1024xf32>
    %select_n3A_2475 = arith.select %gt3A_2472, %slice3A_2473, %slice3A_2474 : vector<2x1024xi1>, vector<2x1024xf32>
    %slice3A_2476 = vector.extract_strided_slice %select_n3A_2469 {offsets = [2, 0], sizes = [2, 1024], strides = [1, 1]} : vector<4x1024xi32> to vector<2x1024xi32>
    %slice3A_2477 = vector.extract_strided_slice %select_n3A_2469 {offsets = [0, 0], sizes = [2, 1024], strides = [1, 1]} : vector<4x1024xi32> to vector<2x1024xi32>
    %select_n3A_2478 = arith.select %gt3A_2472, %slice3A_2476, %slice3A_2477 : vector<2x1024xi1>, vector<2x1024xi32>
    %slice3A_2479 = vector.extract_strided_slice %select_n3A_2475 {offsets = [1, 0], sizes = [1, 1024], strides = [1, 1]} : vector<2x1024xf32> to vector<1x1024xf32>
    %slice3A_2480 = vector.extract_strided_slice %select_n3A_2475 {offsets = [0, 0], sizes = [1, 1024], strides = [1, 1]} : vector<2x1024xf32> to vector<1x1024xf32>
    %gt3A_2481 = arith.cmpf ogt, %slice3A_2479, %slice3A_2480 : vector<1x1024xf32>
    %slice3A_2482 = vector.extract_strided_slice %select_n3A_2475 {offsets = [1, 0], sizes = [1, 1024], strides = [1, 1]} : vector<2x1024xf32> to vector<1x1024xf32>
    %slice3A_2483 = vector.extract_strided_slice %select_n3A_2475 {offsets = [0, 0], sizes = [1, 1024], strides = [1, 1]} : vector<2x1024xf32> to vector<1x1024xf32>
    %select_n3A_2484 = arith.select %gt3A_2481, %slice3A_2482, %slice3A_2483 : vector<1x1024xi1>, vector<1x1024xf32>
    %slice3A_2485 = vector.extract_strided_slice %select_n3A_2478 {offsets = [1, 0], sizes = [1, 1024], strides = [1, 1]} : vector<2x1024xi32> to vector<1x1024xi32>
    %slice3A_2486 = vector.extract_strided_slice %select_n3A_2478 {offsets = [0, 0], sizes = [1, 1024], strides = [1, 1]} : vector<2x1024xi32> to vector<1x1024xi32>
    %select_n3A_2487 = arith.select %gt3A_2481, %slice3A_2485, %slice3A_2486 : vector<1x1024xi1>, vector<1x1024xi32>
    %squeeze3A_2488 = vector.shape_cast %select_n3A_2484 : vector<1x1024xf32> to vector<1024xf32>
    %squeeze3A_2489 = vector.shape_cast %select_n3A_2487 : vector<1x1024xi32> to vector<1024xi32>
    %gt3A_2490 = arith.cmpf ogt, %squeeze3A_2488, %select_n3A_2405 : vector<1024xf32>
    %select_n3A_2491 = arith.select %gt3A_2490, %squeeze3A_2488, %select_n3A_2405 : vector<1024xi1>, vector<1024xf32>
    %select_n3A_2492 = arith.select %gt3A_2490, %squeeze3A_2489, %select_n3A_2406 : vector<1024xi1>, vector<1024xi32>
    %get3A_2493 = arith.constant 7424 : index
    %get3A_2494 = arith.constant 0 : index
    %get3A_2495 = vector.load %arg4[%get3A_2493, %get3A_2494] : memref<8192x32xf32, #tpu.memory_space<vmem>>, vector<256x32xf32>
    %dot_general3A_2496 = arith.constant dense<0.000000e+00> : vector<256x1024xf32>
    %dot_general3A_2497 = tpu.matmul %get3A_2495, %div3A_8, %dot_general3A_2496 {dimension_numbers = #tpu.dot_dimension_numbers<[1], [1], [0], [0], [0, 0, 1, 0], [], []>, transpose_lhs_hint = false} : vector<256x32xf32>, vector<1024x32xf32>, vector<256x1024xf32> -> vector<256x1024xf32>
    %iota3A_2498 = tpu.iota {dimensions = array<i32: 0>} : vector<256x1024xi32>
    %add3A_2499 = arith.constant 7424 : i32
    %add3A_2500 = vector.broadcast %add3A_2499 : i32 to vector<256x1024xi32>
    %add3A_2501 = arith.addi %iota3A_2498, %add3A_2500 : vector<256x1024xi32>
    %slice3A_2502 = vector.extract_strided_slice %dot_general3A_2497 {offsets = [128, 0], sizes = [128, 1024], strides = [1, 1]} : vector<256x1024xf32> to vector<128x1024xf32>
    %slice3A_2503 = vector.extract_strided_slice %dot_general3A_2497 {offsets = [0, 0], sizes = [128, 1024], strides = [1, 1]} : vector<256x1024xf32> to vector<128x1024xf32>
    %gt3A_2504 = arith.cmpf ogt, %slice3A_2502, %slice3A_2503 : vector<128x1024xf32>
    %slice3A_2505 = vector.extract_strided_slice %dot_general3A_2497 {offsets = [128, 0], sizes = [128, 1024], strides = [1, 1]} : vector<256x1024xf32> to vector<128x1024xf32>
    %slice3A_2506 = vector.extract_strided_slice %dot_general3A_2497 {offsets = [0, 0], sizes = [128, 1024], strides = [1, 1]} : vector<256x1024xf32> to vector<128x1024xf32>
    %select_n3A_2507 = arith.select %gt3A_2504, %slice3A_2505, %slice3A_2506 : vector<128x1024xi1>, vector<128x1024xf32>
    %slice3A_2508 = vector.extract_strided_slice %add3A_2501 {offsets = [128, 0], sizes = [128, 1024], strides = [1, 1]} : vector<256x1024xi32> to vector<128x1024xi32>
    %slice3A_2509 = vector.extract_strided_slice %add3A_2501 {offsets = [0, 0], sizes = [128, 1024], strides = [1, 1]} : vector<256x1024xi32> to vector<128x1024xi32>
    %select_n3A_2510 = arith.select %gt3A_2504, %slice3A_2508, %slice3A_2509 : vector<128x1024xi1>, vector<128x1024xi32>
    %slice3A_2511 = vector.extract_strided_slice %select_n3A_2507 {offsets = [64, 0], sizes = [64, 1024], strides = [1, 1]} : vector<128x1024xf32> to vector<64x1024xf32>
    %slice3A_2512 = vector.extract_strided_slice %select_n3A_2507 {offsets = [0, 0], sizes = [64, 1024], strides = [1, 1]} : vector<128x1024xf32> to vector<64x1024xf32>
    %gt3A_2513 = arith.cmpf ogt, %slice3A_2511, %slice3A_2512 : vector<64x1024xf32>
    %slice3A_2514 = vector.extract_strided_slice %select_n3A_2507 {offsets = [64, 0], sizes = [64, 1024], strides = [1, 1]} : vector<128x1024xf32> to vector<64x1024xf32>
    %slice3A_2515 = vector.extract_strided_slice %select_n3A_2507 {offsets = [0, 0], sizes = [64, 1024], strides = [1, 1]} : vector<128x1024xf32> to vector<64x1024xf32>
    %select_n3A_2516 = arith.select %gt3A_2513, %slice3A_2514, %slice3A_2515 : vector<64x1024xi1>, vector<64x1024xf32>
    %slice3A_2517 = vector.extract_strided_slice %select_n3A_2510 {offsets = [64, 0], sizes = [64, 1024], strides = [1, 1]} : vector<128x1024xi32> to vector<64x1024xi32>
    %slice3A_2518 = vector.extract_strided_slice %select_n3A_2510 {offsets = [0, 0], sizes = [64, 1024], strides = [1, 1]} : vector<128x1024xi32> to vector<64x1024xi32>
    %select_n3A_2519 = arith.select %gt3A_2513, %slice3A_2517, %slice3A_2518 : vector<64x1024xi1>, vector<64x1024xi32>
    %slice3A_2520 = vector.extract_strided_slice %select_n3A_2516 {offsets = [32, 0], sizes = [32, 1024], strides = [1, 1]} : vector<64x1024xf32> to vector<32x1024xf32>
    %slice3A_2521 = vector.extract_strided_slice %select_n3A_2516 {offsets = [0, 0], sizes = [32, 1024], strides = [1, 1]} : vector<64x1024xf32> to vector<32x1024xf32>
    %gt3A_2522 = arith.cmpf ogt, %slice3A_2520, %slice3A_2521 : vector<32x1024xf32>
    %slice3A_2523 = vector.extract_strided_slice %select_n3A_2516 {offsets = [32, 0], sizes = [32, 1024], strides = [1, 1]} : vector<64x1024xf32> to vector<32x1024xf32>
    %slice3A_2524 = vector.extract_strided_slice %select_n3A_2516 {offsets = [0, 0], sizes = [32, 1024], strides = [1, 1]} : vector<64x1024xf32> to vector<32x1024xf32>
    %select_n3A_2525 = arith.select %gt3A_2522, %slice3A_2523, %slice3A_2524 : vector<32x1024xi1>, vector<32x1024xf32>
    %slice3A_2526 = vector.extract_strided_slice %select_n3A_2519 {offsets = [32, 0], sizes = [32, 1024], strides = [1, 1]} : vector<64x1024xi32> to vector<32x1024xi32>
    %slice3A_2527 = vector.extract_strided_slice %select_n3A_2519 {offsets = [0, 0], sizes = [32, 1024], strides = [1, 1]} : vector<64x1024xi32> to vector<32x1024xi32>
    %select_n3A_2528 = arith.select %gt3A_2522, %slice3A_2526, %slice3A_2527 : vector<32x1024xi1>, vector<32x1024xi32>
    %slice3A_2529 = vector.extract_strided_slice %select_n3A_2525 {offsets = [16, 0], sizes = [16, 1024], strides = [1, 1]} : vector<32x1024xf32> to vector<16x1024xf32>
    %slice3A_2530 = vector.extract_strided_slice %select_n3A_2525 {offsets = [0, 0], sizes = [16, 1024], strides = [1, 1]} : vector<32x1024xf32> to vector<16x1024xf32>
    %gt3A_2531 = arith.cmpf ogt, %slice3A_2529, %slice3A_2530 : vector<16x1024xf32>
    %slice3A_2532 = vector.extract_strided_slice %select_n3A_2525 {offsets = [16, 0], sizes = [16, 1024], strides = [1, 1]} : vector<32x1024xf32> to vector<16x1024xf32>
    %slice3A_2533 = vector.extract_strided_slice %select_n3A_2525 {offsets = [0, 0], sizes = [16, 1024], strides = [1, 1]} : vector<32x1024xf32> to vector<16x1024xf32>
    %select_n3A_2534 = arith.select %gt3A_2531, %slice3A_2532, %slice3A_2533 : vector<16x1024xi1>, vector<16x1024xf32>
    %slice3A_2535 = vector.extract_strided_slice %select_n3A_2528 {offsets = [16, 0], sizes = [16, 1024], strides = [1, 1]} : vector<32x1024xi32> to vector<16x1024xi32>
    %slice3A_2536 = vector.extract_strided_slice %select_n3A_2528 {offsets = [0, 0], sizes = [16, 1024], strides = [1, 1]} : vector<32x1024xi32> to vector<16x1024xi32>
    %select_n3A_2537 = arith.select %gt3A_2531, %slice3A_2535, %slice3A_2536 : vector<16x1024xi1>, vector<16x1024xi32>
    %slice3A_2538 = vector.extract_strided_slice %select_n3A_2534 {offsets = [8, 0], sizes = [8, 1024], strides = [1, 1]} : vector<16x1024xf32> to vector<8x1024xf32>
    %slice3A_2539 = vector.extract_strided_slice %select_n3A_2534 {offsets = [0, 0], sizes = [8, 1024], strides = [1, 1]} : vector<16x1024xf32> to vector<8x1024xf32>
    %gt3A_2540 = arith.cmpf ogt, %slice3A_2538, %slice3A_2539 : vector<8x1024xf32>
    %slice3A_2541 = vector.extract_strided_slice %select_n3A_2534 {offsets = [8, 0], sizes = [8, 1024], strides = [1, 1]} : vector<16x1024xf32> to vector<8x1024xf32>
    %slice3A_2542 = vector.extract_strided_slice %select_n3A_2534 {offsets = [0, 0], sizes = [8, 1024], strides = [1, 1]} : vector<16x1024xf32> to vector<8x1024xf32>
    %select_n3A_2543 = arith.select %gt3A_2540, %slice3A_2541, %slice3A_2542 : vector<8x1024xi1>, vector<8x1024xf32>
    %slice3A_2544 = vector.extract_strided_slice %select_n3A_2537 {offsets = [8, 0], sizes = [8, 1024], strides = [1, 1]} : vector<16x1024xi32> to vector<8x1024xi32>
    %slice3A_2545 = vector.extract_strided_slice %select_n3A_2537 {offsets = [0, 0], sizes = [8, 1024], strides = [1, 1]} : vector<16x1024xi32> to vector<8x1024xi32>
    %select_n3A_2546 = arith.select %gt3A_2540, %slice3A_2544, %slice3A_2545 : vector<8x1024xi1>, vector<8x1024xi32>
    %slice3A_2547 = vector.extract_strided_slice %select_n3A_2543 {offsets = [4, 0], sizes = [4, 1024], strides = [1, 1]} : vector<8x1024xf32> to vector<4x1024xf32>
    %slice3A_2548 = vector.extract_strided_slice %select_n3A_2543 {offsets = [0, 0], sizes = [4, 1024], strides = [1, 1]} : vector<8x1024xf32> to vector<4x1024xf32>
    %gt3A_2549 = arith.cmpf ogt, %slice3A_2547, %slice3A_2548 : vector<4x1024xf32>
    %slice3A_2550 = vector.extract_strided_slice %select_n3A_2543 {offsets = [4, 0], sizes = [4, 1024], strides = [1, 1]} : vector<8x1024xf32> to vector<4x1024xf32>
    %slice3A_2551 = vector.extract_strided_slice %select_n3A_2543 {offsets = [0, 0], sizes = [4, 1024], strides = [1, 1]} : vector<8x1024xf32> to vector<4x1024xf32>
    %select_n3A_2552 = arith.select %gt3A_2549, %slice3A_2550, %slice3A_2551 : vector<4x1024xi1>, vector<4x1024xf32>
    %slice3A_2553 = vector.extract_strided_slice %select_n3A_2546 {offsets = [4, 0], sizes = [4, 1024], strides = [1, 1]} : vector<8x1024xi32> to vector<4x1024xi32>
    %slice3A_2554 = vector.extract_strided_slice %select_n3A_2546 {offsets = [0, 0], sizes = [4, 1024], strides = [1, 1]} : vector<8x1024xi32> to vector<4x1024xi32>
    %select_n3A_2555 = arith.select %gt3A_2549, %slice3A_2553, %slice3A_2554 : vector<4x1024xi1>, vector<4x1024xi32>
    %slice3A_2556 = vector.extract_strided_slice %select_n3A_2552 {offsets = [2, 0], sizes = [2, 1024], strides = [1, 1]} : vector<4x1024xf32> to vector<2x1024xf32>
    %slice3A_2557 = vector.extract_strided_slice %select_n3A_2552 {offsets = [0, 0], sizes = [2, 1024], strides = [1, 1]} : vector<4x1024xf32> to vector<2x1024xf32>
    %gt3A_2558 = arith.cmpf ogt, %slice3A_2556, %slice3A_2557 : vector<2x1024xf32>
    %slice3A_2559 = vector.extract_strided_slice %select_n3A_2552 {offsets = [2, 0], sizes = [2, 1024], strides = [1, 1]} : vector<4x1024xf32> to vector<2x1024xf32>
    %slice3A_2560 = vector.extract_strided_slice %select_n3A_2552 {offsets = [0, 0], sizes = [2, 1024], strides = [1, 1]} : vector<4x1024xf32> to vector<2x1024xf32>
    %select_n3A_2561 = arith.select %gt3A_2558, %slice3A_2559, %slice3A_2560 : vector<2x1024xi1>, vector<2x1024xf32>
    %slice3A_2562 = vector.extract_strided_slice %select_n3A_2555 {offsets = [2, 0], sizes = [2, 1024], strides = [1, 1]} : vector<4x1024xi32> to vector<2x1024xi32>
    %slice3A_2563 = vector.extract_strided_slice %select_n3A_2555 {offsets = [0, 0], sizes = [2, 1024], strides = [1, 1]} : vector<4x1024xi32> to vector<2x1024xi32>
    %select_n3A_2564 = arith.select %gt3A_2558, %slice3A_2562, %slice3A_2563 : vector<2x1024xi1>, vector<2x1024xi32>
    %slice3A_2565 = vector.extract_strided_slice %select_n3A_2561 {offsets = [1, 0], sizes = [1, 1024], strides = [1, 1]} : vector<2x1024xf32> to vector<1x1024xf32>
    %slice3A_2566 = vector.extract_strided_slice %select_n3A_2561 {offsets = [0, 0], sizes = [1, 1024], strides = [1, 1]} : vector<2x1024xf32> to vector<1x1024xf32>
    %gt3A_2567 = arith.cmpf ogt, %slice3A_2565, %slice3A_2566 : vector<1x1024xf32>
    %slice3A_2568 = vector.extract_strided_slice %select_n3A_2561 {offsets = [1, 0], sizes = [1, 1024], strides = [1, 1]} : vector<2x1024xf32> to vector<1x1024xf32>
    %slice3A_2569 = vector.extract_strided_slice %select_n3A_2561 {offsets = [0, 0], sizes = [1, 1024], strides = [1, 1]} : vector<2x1024xf32> to vector<1x1024xf32>
    %select_n3A_2570 = arith.select %gt3A_2567, %slice3A_2568, %slice3A_2569 : vector<1x1024xi1>, vector<1x1024xf32>
    %slice3A_2571 = vector.extract_strided_slice %select_n3A_2564 {offsets = [1, 0], sizes = [1, 1024], strides = [1, 1]} : vector<2x1024xi32> to vector<1x1024xi32>
    %slice3A_2572 = vector.extract_strided_slice %select_n3A_2564 {offsets = [0, 0], sizes = [1, 1024], strides = [1, 1]} : vector<2x1024xi32> to vector<1x1024xi32>
    %select_n3A_2573 = arith.select %gt3A_2567, %slice3A_2571, %slice3A_2572 : vector<1x1024xi1>, vector<1x1024xi32>
    %squeeze3A_2574 = vector.shape_cast %select_n3A_2570 : vector<1x1024xf32> to vector<1024xf32>
    %squeeze3A_2575 = vector.shape_cast %select_n3A_2573 : vector<1x1024xi32> to vector<1024xi32>
    %gt3A_2576 = arith.cmpf ogt, %squeeze3A_2574, %select_n3A_2491 : vector<1024xf32>
    %select_n3A_2577 = arith.select %gt3A_2576, %squeeze3A_2574, %select_n3A_2491 : vector<1024xi1>, vector<1024xf32>
    %select_n3A_2578 = arith.select %gt3A_2576, %squeeze3A_2575, %select_n3A_2492 : vector<1024xi1>, vector<1024xi32>
    %get3A_2579 = arith.constant 7680 : index
    %get3A_2580 = arith.constant 0 : index
    %get3A_2581 = vector.load %arg4[%get3A_2579, %get3A_2580] : memref<8192x32xf32, #tpu.memory_space<vmem>>, vector<256x32xf32>
    %dot_general3A_2582 = arith.constant dense<0.000000e+00> : vector<256x1024xf32>
    %dot_general3A_2583 = tpu.matmul %get3A_2581, %div3A_8, %dot_general3A_2582 {dimension_numbers = #tpu.dot_dimension_numbers<[1], [1], [0], [0], [0, 0, 1, 0], [], []>, transpose_lhs_hint = false} : vector<256x32xf32>, vector<1024x32xf32>, vector<256x1024xf32> -> vector<256x1024xf32>
    %iota3A_2584 = tpu.iota {dimensions = array<i32: 0>} : vector<256x1024xi32>
    %add3A_2585 = arith.constant 7680 : i32
    %add3A_2586 = vector.broadcast %add3A_2585 : i32 to vector<256x1024xi32>
    %add3A_2587 = arith.addi %iota3A_2584, %add3A_2586 : vector<256x1024xi32>
    %slice3A_2588 = vector.extract_strided_slice %dot_general3A_2583 {offsets = [128, 0], sizes = [128, 1024], strides = [1, 1]} : vector<256x1024xf32> to vector<128x1024xf32>
    %slice3A_2589 = vector.extract_strided_slice %dot_general3A_2583 {offsets = [0, 0], sizes = [128, 1024], strides = [1, 1]} : vector<256x1024xf32> to vector<128x1024xf32>
    %gt3A_2590 = arith.cmpf ogt, %slice3A_2588, %slice3A_2589 : vector<128x1024xf32>
    %slice3A_2591 = vector.extract_strided_slice %dot_general3A_2583 {offsets = [128, 0], sizes = [128, 1024], strides = [1, 1]} : vector<256x1024xf32> to vector<128x1024xf32>
    %slice3A_2592 = vector.extract_strided_slice %dot_general3A_2583 {offsets = [0, 0], sizes = [128, 1024], strides = [1, 1]} : vector<256x1024xf32> to vector<128x1024xf32>
    %select_n3A_2593 = arith.select %gt3A_2590, %slice3A_2591, %slice3A_2592 : vector<128x1024xi1>, vector<128x1024xf32>
    %slice3A_2594 = vector.extract_strided_slice %add3A_2587 {offsets = [128, 0], sizes = [128, 1024], strides = [1, 1]} : vector<256x1024xi32> to vector<128x1024xi32>
    %slice3A_2595 = vector.extract_strided_slice %add3A_2587 {offsets = [0, 0], sizes = [128, 1024], strides = [1, 1]} : vector<256x1024xi32> to vector<128x1024xi32>
    %select_n3A_2596 = arith.select %gt3A_2590, %slice3A_2594, %slice3A_2595 : vector<128x1024xi1>, vector<128x1024xi32>
    %slice3A_2597 = vector.extract_strided_slice %select_n3A_2593 {offsets = [64, 0], sizes = [64, 1024], strides = [1, 1]} : vector<128x1024xf32> to vector<64x1024xf32>
    %slice3A_2598 = vector.extract_strided_slice %select_n3A_2593 {offsets = [0, 0], sizes = [64, 1024], strides = [1, 1]} : vector<128x1024xf32> to vector<64x1024xf32>
    %gt3A_2599 = arith.cmpf ogt, %slice3A_2597, %slice3A_2598 : vector<64x1024xf32>
    %slice3A_2600 = vector.extract_strided_slice %select_n3A_2593 {offsets = [64, 0], sizes = [64, 1024], strides = [1, 1]} : vector<128x1024xf32> to vector<64x1024xf32>
    %slice3A_2601 = vector.extract_strided_slice %select_n3A_2593 {offsets = [0, 0], sizes = [64, 1024], strides = [1, 1]} : vector<128x1024xf32> to vector<64x1024xf32>
    %select_n3A_2602 = arith.select %gt3A_2599, %slice3A_2600, %slice3A_2601 : vector<64x1024xi1>, vector<64x1024xf32>
    %slice3A_2603 = vector.extract_strided_slice %select_n3A_2596 {offsets = [64, 0], sizes = [64, 1024], strides = [1, 1]} : vector<128x1024xi32> to vector<64x1024xi32>
    %slice3A_2604 = vector.extract_strided_slice %select_n3A_2596 {offsets = [0, 0], sizes = [64, 1024], strides = [1, 1]} : vector<128x1024xi32> to vector<64x1024xi32>
    %select_n3A_2605 = arith.select %gt3A_2599, %slice3A_2603, %slice3A_2604 : vector<64x1024xi1>, vector<64x1024xi32>
    %slice3A_2606 = vector.extract_strided_slice %select_n3A_2602 {offsets = [32, 0], sizes = [32, 1024], strides = [1, 1]} : vector<64x1024xf32> to vector<32x1024xf32>
    %slice3A_2607 = vector.extract_strided_slice %select_n3A_2602 {offsets = [0, 0], sizes = [32, 1024], strides = [1, 1]} : vector<64x1024xf32> to vector<32x1024xf32>
    %gt3A_2608 = arith.cmpf ogt, %slice3A_2606, %slice3A_2607 : vector<32x1024xf32>
    %slice3A_2609 = vector.extract_strided_slice %select_n3A_2602 {offsets = [32, 0], sizes = [32, 1024], strides = [1, 1]} : vector<64x1024xf32> to vector<32x1024xf32>
    %slice3A_2610 = vector.extract_strided_slice %select_n3A_2602 {offsets = [0, 0], sizes = [32, 1024], strides = [1, 1]} : vector<64x1024xf32> to vector<32x1024xf32>
    %select_n3A_2611 = arith.select %gt3A_2608, %slice3A_2609, %slice3A_2610 : vector<32x1024xi1>, vector<32x1024xf32>
    %slice3A_2612 = vector.extract_strided_slice %select_n3A_2605 {offsets = [32, 0], sizes = [32, 1024], strides = [1, 1]} : vector<64x1024xi32> to vector<32x1024xi32>
    %slice3A_2613 = vector.extract_strided_slice %select_n3A_2605 {offsets = [0, 0], sizes = [32, 1024], strides = [1, 1]} : vector<64x1024xi32> to vector<32x1024xi32>
    %select_n3A_2614 = arith.select %gt3A_2608, %slice3A_2612, %slice3A_2613 : vector<32x1024xi1>, vector<32x1024xi32>
    %slice3A_2615 = vector.extract_strided_slice %select_n3A_2611 {offsets = [16, 0], sizes = [16, 1024], strides = [1, 1]} : vector<32x1024xf32> to vector<16x1024xf32>
    %slice3A_2616 = vector.extract_strided_slice %select_n3A_2611 {offsets = [0, 0], sizes = [16, 1024], strides = [1, 1]} : vector<32x1024xf32> to vector<16x1024xf32>
    %gt3A_2617 = arith.cmpf ogt, %slice3A_2615, %slice3A_2616 : vector<16x1024xf32>
    %slice3A_2618 = vector.extract_strided_slice %select_n3A_2611 {offsets = [16, 0], sizes = [16, 1024], strides = [1, 1]} : vector<32x1024xf32> to vector<16x1024xf32>
    %slice3A_2619 = vector.extract_strided_slice %select_n3A_2611 {offsets = [0, 0], sizes = [16, 1024], strides = [1, 1]} : vector<32x1024xf32> to vector<16x1024xf32>
    %select_n3A_2620 = arith.select %gt3A_2617, %slice3A_2618, %slice3A_2619 : vector<16x1024xi1>, vector<16x1024xf32>
    %slice3A_2621 = vector.extract_strided_slice %select_n3A_2614 {offsets = [16, 0], sizes = [16, 1024], strides = [1, 1]} : vector<32x1024xi32> to vector<16x1024xi32>
    %slice3A_2622 = vector.extract_strided_slice %select_n3A_2614 {offsets = [0, 0], sizes = [16, 1024], strides = [1, 1]} : vector<32x1024xi32> to vector<16x1024xi32>
    %select_n3A_2623 = arith.select %gt3A_2617, %slice3A_2621, %slice3A_2622 : vector<16x1024xi1>, vector<16x1024xi32>
    %slice3A_2624 = vector.extract_strided_slice %select_n3A_2620 {offsets = [8, 0], sizes = [8, 1024], strides = [1, 1]} : vector<16x1024xf32> to vector<8x1024xf32>
    %slice3A_2625 = vector.extract_strided_slice %select_n3A_2620 {offsets = [0, 0], sizes = [8, 1024], strides = [1, 1]} : vector<16x1024xf32> to vector<8x1024xf32>
    %gt3A_2626 = arith.cmpf ogt, %slice3A_2624, %slice3A_2625 : vector<8x1024xf32>
    %slice3A_2627 = vector.extract_strided_slice %select_n3A_2620 {offsets = [8, 0], sizes = [8, 1024], strides = [1, 1]} : vector<16x1024xf32> to vector<8x1024xf32>
    %slice3A_2628 = vector.extract_strided_slice %select_n3A_2620 {offsets = [0, 0], sizes = [8, 1024], strides = [1, 1]} : vector<16x1024xf32> to vector<8x1024xf32>
    %select_n3A_2629 = arith.select %gt3A_2626, %slice3A_2627, %slice3A_2628 : vector<8x1024xi1>, vector<8x1024xf32>
    %slice3A_2630 = vector.extract_strided_slice %select_n3A_2623 {offsets = [8, 0], sizes = [8, 1024], strides = [1, 1]} : vector<16x1024xi32> to vector<8x1024xi32>
    %slice3A_2631 = vector.extract_strided_slice %select_n3A_2623 {offsets = [0, 0], sizes = [8, 1024], strides = [1, 1]} : vector<16x1024xi32> to vector<8x1024xi32>
    %select_n3A_2632 = arith.select %gt3A_2626, %slice3A_2630, %slice3A_2631 : vector<8x1024xi1>, vector<8x1024xi32>
    %slice3A_2633 = vector.extract_strided_slice %select_n3A_2629 {offsets = [4, 0], sizes = [4, 1024], strides = [1, 1]} : vector<8x1024xf32> to vector<4x1024xf32>
    %slice3A_2634 = vector.extract_strided_slice %select_n3A_2629 {offsets = [0, 0], sizes = [4, 1024], strides = [1, 1]} : vector<8x1024xf32> to vector<4x1024xf32>
    %gt3A_2635 = arith.cmpf ogt, %slice3A_2633, %slice3A_2634 : vector<4x1024xf32>
    %slice3A_2636 = vector.extract_strided_slice %select_n3A_2629 {offsets = [4, 0], sizes = [4, 1024], strides = [1, 1]} : vector<8x1024xf32> to vector<4x1024xf32>
    %slice3A_2637 = vector.extract_strided_slice %select_n3A_2629 {offsets = [0, 0], sizes = [4, 1024], strides = [1, 1]} : vector<8x1024xf32> to vector<4x1024xf32>
    %select_n3A_2638 = arith.select %gt3A_2635, %slice3A_2636, %slice3A_2637 : vector<4x1024xi1>, vector<4x1024xf32>
    %slice3A_2639 = vector.extract_strided_slice %select_n3A_2632 {offsets = [4, 0], sizes = [4, 1024], strides = [1, 1]} : vector<8x1024xi32> to vector<4x1024xi32>
    %slice3A_2640 = vector.extract_strided_slice %select_n3A_2632 {offsets = [0, 0], sizes = [4, 1024], strides = [1, 1]} : vector<8x1024xi32> to vector<4x1024xi32>
    %select_n3A_2641 = arith.select %gt3A_2635, %slice3A_2639, %slice3A_2640 : vector<4x1024xi1>, vector<4x1024xi32>
    %slice3A_2642 = vector.extract_strided_slice %select_n3A_2638 {offsets = [2, 0], sizes = [2, 1024], strides = [1, 1]} : vector<4x1024xf32> to vector<2x1024xf32>
    %slice3A_2643 = vector.extract_strided_slice %select_n3A_2638 {offsets = [0, 0], sizes = [2, 1024], strides = [1, 1]} : vector<4x1024xf32> to vector<2x1024xf32>
    %gt3A_2644 = arith.cmpf ogt, %slice3A_2642, %slice3A_2643 : vector<2x1024xf32>
    %slice3A_2645 = vector.extract_strided_slice %select_n3A_2638 {offsets = [2, 0], sizes = [2, 1024], strides = [1, 1]} : vector<4x1024xf32> to vector<2x1024xf32>
    %slice3A_2646 = vector.extract_strided_slice %select_n3A_2638 {offsets = [0, 0], sizes = [2, 1024], strides = [1, 1]} : vector<4x1024xf32> to vector<2x1024xf32>
    %select_n3A_2647 = arith.select %gt3A_2644, %slice3A_2645, %slice3A_2646 : vector<2x1024xi1>, vector<2x1024xf32>
    %slice3A_2648 = vector.extract_strided_slice %select_n3A_2641 {offsets = [2, 0], sizes = [2, 1024], strides = [1, 1]} : vector<4x1024xi32> to vector<2x1024xi32>
    %slice3A_2649 = vector.extract_strided_slice %select_n3A_2641 {offsets = [0, 0], sizes = [2, 1024], strides = [1, 1]} : vector<4x1024xi32> to vector<2x1024xi32>
    %select_n3A_2650 = arith.select %gt3A_2644, %slice3A_2648, %slice3A_2649 : vector<2x1024xi1>, vector<2x1024xi32>
    %slice3A_2651 = vector.extract_strided_slice %select_n3A_2647 {offsets = [1, 0], sizes = [1, 1024], strides = [1, 1]} : vector<2x1024xf32> to vector<1x1024xf32>
    %slice3A_2652 = vector.extract_strided_slice %select_n3A_2647 {offsets = [0, 0], sizes = [1, 1024], strides = [1, 1]} : vector<2x1024xf32> to vector<1x1024xf32>
    %gt3A_2653 = arith.cmpf ogt, %slice3A_2651, %slice3A_2652 : vector<1x1024xf32>
    %slice3A_2654 = vector.extract_strided_slice %select_n3A_2647 {offsets = [1, 0], sizes = [1, 1024], strides = [1, 1]} : vector<2x1024xf32> to vector<1x1024xf32>
    %slice3A_2655 = vector.extract_strided_slice %select_n3A_2647 {offsets = [0, 0], sizes = [1, 1024], strides = [1, 1]} : vector<2x1024xf32> to vector<1x1024xf32>
    %select_n3A_2656 = arith.select %gt3A_2653, %slice3A_2654, %slice3A_2655 : vector<1x1024xi1>, vector<1x1024xf32>
    %slice3A_2657 = vector.extract_strided_slice %select_n3A_2650 {offsets = [1, 0], sizes = [1, 1024], strides = [1, 1]} : vector<2x1024xi32> to vector<1x1024xi32>
    %slice3A_2658 = vector.extract_strided_slice %select_n3A_2650 {offsets = [0, 0], sizes = [1, 1024], strides = [1, 1]} : vector<2x1024xi32> to vector<1x1024xi32>
    %select_n3A_2659 = arith.select %gt3A_2653, %slice3A_2657, %slice3A_2658 : vector<1x1024xi1>, vector<1x1024xi32>
    %squeeze3A_2660 = vector.shape_cast %select_n3A_2656 : vector<1x1024xf32> to vector<1024xf32>
    %squeeze3A_2661 = vector.shape_cast %select_n3A_2659 : vector<1x1024xi32> to vector<1024xi32>
    %gt3A_2662 = arith.cmpf ogt, %squeeze3A_2660, %select_n3A_2577 : vector<1024xf32>
    %select_n3A_2663 = arith.select %gt3A_2662, %squeeze3A_2660, %select_n3A_2577 : vector<1024xi1>, vector<1024xf32>
    %select_n3A_2664 = arith.select %gt3A_2662, %squeeze3A_2661, %select_n3A_2578 : vector<1024xi1>, vector<1024xi32>
    %get3A_2665 = arith.constant 7936 : index
    %get3A_2666 = arith.constant 0 : index
    %get3A_2667 = vector.load %arg4[%get3A_2665, %get3A_2666] : memref<8192x32xf32, #tpu.memory_space<vmem>>, vector<256x32xf32>
    %dot_general3A_2668 = arith.constant dense<0.000000e+00> : vector<256x1024xf32>
    %dot_general3A_2669 = tpu.matmul %get3A_2667, %div3A_8, %dot_general3A_2668 {dimension_numbers = #tpu.dot_dimension_numbers<[1], [1], [0], [0], [0, 0, 1, 0], [], []>, transpose_lhs_hint = false} : vector<256x32xf32>, vector<1024x32xf32>, vector<256x1024xf32> -> vector<256x1024xf32>
    %iota3A_2670 = tpu.iota {dimensions = array<i32: 0>} : vector<256x1024xi32>
    %add3A_2671 = arith.constant 7936 : i32
    %add3A_2672 = vector.broadcast %add3A_2671 : i32 to vector<256x1024xi32>
    %add3A_2673 = arith.addi %iota3A_2670, %add3A_2672 : vector<256x1024xi32>
    %slice3A_2674 = vector.extract_strided_slice %dot_general3A_2669 {offsets = [128, 0], sizes = [128, 1024], strides = [1, 1]} : vector<256x1024xf32> to vector<128x1024xf32>
    %slice3A_2675 = vector.extract_strided_slice %dot_general3A_2669 {offsets = [0, 0], sizes = [128, 1024], strides = [1, 1]} : vector<256x1024xf32> to vector<128x1024xf32>
    %gt3A_2676 = arith.cmpf ogt, %slice3A_2674, %slice3A_2675 : vector<128x1024xf32>
    %slice3A_2677 = vector.extract_strided_slice %dot_general3A_2669 {offsets = [128, 0], sizes = [128, 1024], strides = [1, 1]} : vector<256x1024xf32> to vector<128x1024xf32>
    %slice3A_2678 = vector.extract_strided_slice %dot_general3A_2669 {offsets = [0, 0], sizes = [128, 1024], strides = [1, 1]} : vector<256x1024xf32> to vector<128x1024xf32>
    %select_n3A_2679 = arith.select %gt3A_2676, %slice3A_2677, %slice3A_2678 : vector<128x1024xi1>, vector<128x1024xf32>
    %slice3A_2680 = vector.extract_strided_slice %add3A_2673 {offsets = [128, 0], sizes = [128, 1024], strides = [1, 1]} : vector<256x1024xi32> to vector<128x1024xi32>
    %slice3A_2681 = vector.extract_strided_slice %add3A_2673 {offsets = [0, 0], sizes = [128, 1024], strides = [1, 1]} : vector<256x1024xi32> to vector<128x1024xi32>
    %select_n3A_2682 = arith.select %gt3A_2676, %slice3A_2680, %slice3A_2681 : vector<128x1024xi1>, vector<128x1024xi32>
    %slice3A_2683 = vector.extract_strided_slice %select_n3A_2679 {offsets = [64, 0], sizes = [64, 1024], strides = [1, 1]} : vector<128x1024xf32> to vector<64x1024xf32>
    %slice3A_2684 = vector.extract_strided_slice %select_n3A_2679 {offsets = [0, 0], sizes = [64, 1024], strides = [1, 1]} : vector<128x1024xf32> to vector<64x1024xf32>
    %gt3A_2685 = arith.cmpf ogt, %slice3A_2683, %slice3A_2684 : vector<64x1024xf32>
    %slice3A_2686 = vector.extract_strided_slice %select_n3A_2679 {offsets = [64, 0], sizes = [64, 1024], strides = [1, 1]} : vector<128x1024xf32> to vector<64x1024xf32>
    %slice3A_2687 = vector.extract_strided_slice %select_n3A_2679 {offsets = [0, 0], sizes = [64, 1024], strides = [1, 1]} : vector<128x1024xf32> to vector<64x1024xf32>
    %select_n3A_2688 = arith.select %gt3A_2685, %slice3A_2686, %slice3A_2687 : vector<64x1024xi1>, vector<64x1024xf32>
    %slice3A_2689 = vector.extract_strided_slice %select_n3A_2682 {offsets = [64, 0], sizes = [64, 1024], strides = [1, 1]} : vector<128x1024xi32> to vector<64x1024xi32>
    %slice3A_2690 = vector.extract_strided_slice %select_n3A_2682 {offsets = [0, 0], sizes = [64, 1024], strides = [1, 1]} : vector<128x1024xi32> to vector<64x1024xi32>
    %select_n3A_2691 = arith.select %gt3A_2685, %slice3A_2689, %slice3A_2690 : vector<64x1024xi1>, vector<64x1024xi32>
    %slice3A_2692 = vector.extract_strided_slice %select_n3A_2688 {offsets = [32, 0], sizes = [32, 1024], strides = [1, 1]} : vector<64x1024xf32> to vector<32x1024xf32>
    %slice3A_2693 = vector.extract_strided_slice %select_n3A_2688 {offsets = [0, 0], sizes = [32, 1024], strides = [1, 1]} : vector<64x1024xf32> to vector<32x1024xf32>
    %gt3A_2694 = arith.cmpf ogt, %slice3A_2692, %slice3A_2693 : vector<32x1024xf32>
    %slice3A_2695 = vector.extract_strided_slice %select_n3A_2688 {offsets = [32, 0], sizes = [32, 1024], strides = [1, 1]} : vector<64x1024xf32> to vector<32x1024xf32>
    %slice3A_2696 = vector.extract_strided_slice %select_n3A_2688 {offsets = [0, 0], sizes = [32, 1024], strides = [1, 1]} : vector<64x1024xf32> to vector<32x1024xf32>
    %select_n3A_2697 = arith.select %gt3A_2694, %slice3A_2695, %slice3A_2696 : vector<32x1024xi1>, vector<32x1024xf32>
    %slice3A_2698 = vector.extract_strided_slice %select_n3A_2691 {offsets = [32, 0], sizes = [32, 1024], strides = [1, 1]} : vector<64x1024xi32> to vector<32x1024xi32>
    %slice3A_2699 = vector.extract_strided_slice %select_n3A_2691 {offsets = [0, 0], sizes = [32, 1024], strides = [1, 1]} : vector<64x1024xi32> to vector<32x1024xi32>
    %select_n3A_2700 = arith.select %gt3A_2694, %slice3A_2698, %slice3A_2699 : vector<32x1024xi1>, vector<32x1024xi32>
    %slice3A_2701 = vector.extract_strided_slice %select_n3A_2697 {offsets = [16, 0], sizes = [16, 1024], strides = [1, 1]} : vector<32x1024xf32> to vector<16x1024xf32>
    %slice3A_2702 = vector.extract_strided_slice %select_n3A_2697 {offsets = [0, 0], sizes = [16, 1024], strides = [1, 1]} : vector<32x1024xf32> to vector<16x1024xf32>
    %gt3A_2703 = arith.cmpf ogt, %slice3A_2701, %slice3A_2702 : vector<16x1024xf32>
    %slice3A_2704 = vector.extract_strided_slice %select_n3A_2697 {offsets = [16, 0], sizes = [16, 1024], strides = [1, 1]} : vector<32x1024xf32> to vector<16x1024xf32>
    %slice3A_2705 = vector.extract_strided_slice %select_n3A_2697 {offsets = [0, 0], sizes = [16, 1024], strides = [1, 1]} : vector<32x1024xf32> to vector<16x1024xf32>
    %select_n3A_2706 = arith.select %gt3A_2703, %slice3A_2704, %slice3A_2705 : vector<16x1024xi1>, vector<16x1024xf32>
    %slice3A_2707 = vector.extract_strided_slice %select_n3A_2700 {offsets = [16, 0], sizes = [16, 1024], strides = [1, 1]} : vector<32x1024xi32> to vector<16x1024xi32>
    %slice3A_2708 = vector.extract_strided_slice %select_n3A_2700 {offsets = [0, 0], sizes = [16, 1024], strides = [1, 1]} : vector<32x1024xi32> to vector<16x1024xi32>
    %select_n3A_2709 = arith.select %gt3A_2703, %slice3A_2707, %slice3A_2708 : vector<16x1024xi1>, vector<16x1024xi32>
    %slice3A_2710 = vector.extract_strided_slice %select_n3A_2706 {offsets = [8, 0], sizes = [8, 1024], strides = [1, 1]} : vector<16x1024xf32> to vector<8x1024xf32>
    %slice3A_2711 = vector.extract_strided_slice %select_n3A_2706 {offsets = [0, 0], sizes = [8, 1024], strides = [1, 1]} : vector<16x1024xf32> to vector<8x1024xf32>
    %gt3A_2712 = arith.cmpf ogt, %slice3A_2710, %slice3A_2711 : vector<8x1024xf32>
    %slice3A_2713 = vector.extract_strided_slice %select_n3A_2706 {offsets = [8, 0], sizes = [8, 1024], strides = [1, 1]} : vector<16x1024xf32> to vector<8x1024xf32>
    %slice3A_2714 = vector.extract_strided_slice %select_n3A_2706 {offsets = [0, 0], sizes = [8, 1024], strides = [1, 1]} : vector<16x1024xf32> to vector<8x1024xf32>
    %select_n3A_2715 = arith.select %gt3A_2712, %slice3A_2713, %slice3A_2714 : vector<8x1024xi1>, vector<8x1024xf32>
    %slice3A_2716 = vector.extract_strided_slice %select_n3A_2709 {offsets = [8, 0], sizes = [8, 1024], strides = [1, 1]} : vector<16x1024xi32> to vector<8x1024xi32>
    %slice3A_2717 = vector.extract_strided_slice %select_n3A_2709 {offsets = [0, 0], sizes = [8, 1024], strides = [1, 1]} : vector<16x1024xi32> to vector<8x1024xi32>
    %select_n3A_2718 = arith.select %gt3A_2712, %slice3A_2716, %slice3A_2717 : vector<8x1024xi1>, vector<8x1024xi32>
    %slice3A_2719 = vector.extract_strided_slice %select_n3A_2715 {offsets = [4, 0], sizes = [4, 1024], strides = [1, 1]} : vector<8x1024xf32> to vector<4x1024xf32>
    %slice3A_2720 = vector.extract_strided_slice %select_n3A_2715 {offsets = [0, 0], sizes = [4, 1024], strides = [1, 1]} : vector<8x1024xf32> to vector<4x1024xf32>
    %gt3A_2721 = arith.cmpf ogt, %slice3A_2719, %slice3A_2720 : vector<4x1024xf32>
    %slice3A_2722 = vector.extract_strided_slice %select_n3A_2715 {offsets = [4, 0], sizes = [4, 1024], strides = [1, 1]} : vector<8x1024xf32> to vector<4x1024xf32>
    %slice3A_2723 = vector.extract_strided_slice %select_n3A_2715 {offsets = [0, 0], sizes = [4, 1024], strides = [1, 1]} : vector<8x1024xf32> to vector<4x1024xf32>
    %select_n3A_2724 = arith.select %gt3A_2721, %slice3A_2722, %slice3A_2723 : vector<4x1024xi1>, vector<4x1024xf32>
    %slice3A_2725 = vector.extract_strided_slice %select_n3A_2718 {offsets = [4, 0], sizes = [4, 1024], strides = [1, 1]} : vector<8x1024xi32> to vector<4x1024xi32>
    %slice3A_2726 = vector.extract_strided_slice %select_n3A_2718 {offsets = [0, 0], sizes = [4, 1024], strides = [1, 1]} : vector<8x1024xi32> to vector<4x1024xi32>
    %select_n3A_2727 = arith.select %gt3A_2721, %slice3A_2725, %slice3A_2726 : vector<4x1024xi1>, vector<4x1024xi32>
    %slice3A_2728 = vector.extract_strided_slice %select_n3A_2724 {offsets = [2, 0], sizes = [2, 1024], strides = [1, 1]} : vector<4x1024xf32> to vector<2x1024xf32>
    %slice3A_2729 = vector.extract_strided_slice %select_n3A_2724 {offsets = [0, 0], sizes = [2, 1024], strides = [1, 1]} : vector<4x1024xf32> to vector<2x1024xf32>
    %gt3A_2730 = arith.cmpf ogt, %slice3A_2728, %slice3A_2729 : vector<2x1024xf32>
    %slice3A_2731 = vector.extract_strided_slice %select_n3A_2724 {offsets = [2, 0], sizes = [2, 1024], strides = [1, 1]} : vector<4x1024xf32> to vector<2x1024xf32>
    %slice3A_2732 = vector.extract_strided_slice %select_n3A_2724 {offsets = [0, 0], sizes = [2, 1024], strides = [1, 1]} : vector<4x1024xf32> to vector<2x1024xf32>
    %select_n3A_2733 = arith.select %gt3A_2730, %slice3A_2731, %slice3A_2732 : vector<2x1024xi1>, vector<2x1024xf32>
    %slice3A_2734 = vector.extract_strided_slice %select_n3A_2727 {offsets = [2, 0], sizes = [2, 1024], strides = [1, 1]} : vector<4x1024xi32> to vector<2x1024xi32>
    %slice3A_2735 = vector.extract_strided_slice %select_n3A_2727 {offsets = [0, 0], sizes = [2, 1024], strides = [1, 1]} : vector<4x1024xi32> to vector<2x1024xi32>
    %select_n3A_2736 = arith.select %gt3A_2730, %slice3A_2734, %slice3A_2735 : vector<2x1024xi1>, vector<2x1024xi32>
    %slice3A_2737 = vector.extract_strided_slice %select_n3A_2733 {offsets = [1, 0], sizes = [1, 1024], strides = [1, 1]} : vector<2x1024xf32> to vector<1x1024xf32>
    %slice3A_2738 = vector.extract_strided_slice %select_n3A_2733 {offsets = [0, 0], sizes = [1, 1024], strides = [1, 1]} : vector<2x1024xf32> to vector<1x1024xf32>
    %gt3A_2739 = arith.cmpf ogt, %slice3A_2737, %slice3A_2738 : vector<1x1024xf32>
    %slice3A_2740 = vector.extract_strided_slice %select_n3A_2733 {offsets = [1, 0], sizes = [1, 1024], strides = [1, 1]} : vector<2x1024xf32> to vector<1x1024xf32>
    %slice3A_2741 = vector.extract_strided_slice %select_n3A_2733 {offsets = [0, 0], sizes = [1, 1024], strides = [1, 1]} : vector<2x1024xf32> to vector<1x1024xf32>
    %select_n3A_2742 = arith.select %gt3A_2739, %slice3A_2740, %slice3A_2741 : vector<1x1024xi1>, vector<1x1024xf32>
    %slice3A_2743 = vector.extract_strided_slice %select_n3A_2736 {offsets = [1, 0], sizes = [1, 1024], strides = [1, 1]} : vector<2x1024xi32> to vector<1x1024xi32>
    %slice3A_2744 = vector.extract_strided_slice %select_n3A_2736 {offsets = [0, 0], sizes = [1, 1024], strides = [1, 1]} : vector<2x1024xi32> to vector<1x1024xi32>
    %select_n3A_2745 = arith.select %gt3A_2739, %slice3A_2743, %slice3A_2744 : vector<1x1024xi1>, vector<1x1024xi32>
    %squeeze3A_2746 = vector.shape_cast %select_n3A_2742 : vector<1x1024xf32> to vector<1024xf32>
    %squeeze3A_2747 = vector.shape_cast %select_n3A_2745 : vector<1x1024xi32> to vector<1024xi32>
    %gt3A_2748 = arith.cmpf ogt, %squeeze3A_2746, %select_n3A_2663 : vector<1024xf32>
    %select_n3A_2749 = arith.select %gt3A_2748, %squeeze3A_2747, %select_n3A_2664 : vector<1024xi1>, vector<1024xi32>
    %swap3A = arith.constant 0 : index
    %swap3A_2750 = vector.load %arg3[%swap3A] : memref<1024xi32, #tpu.memory_space<vmem>>, vector<1024xi32>
    tpu.vector_store %arg3[%swap3A], %select_n3A_2749 {strides = array<i32>} : memref<1024xi32, #tpu.memory_space<vmem>>, vector<1024xi32>,
    return
  }
  func.func @transform_0(%arg0: i32) -> (i32, i32, i32) {
    %jit3A = arith.constant 1 : i32
    %div3A = arith.divsi %arg0, %jit3A : i32
    %sign3A = arith.constant 0 : i32
    %sign3A_0 = arith.cmpi sgt, %arg0, %sign3A : i32
    %sign3A_1 = arith.extui %sign3A_0 : i1 to i32
    %sign3A_2 = arith.constant 0 : i32
    %sign3A_3 = arith.cmpi slt, %arg0, %sign3A_2 : i32
    %sign3A_4 = arith.extui %sign3A_3 : i1 to i32
    %sign3A_5 = arith.subi %sign3A_1, %sign3A_4 : i32
    %sign3A_6 = arith.constant 0 : i32
    %sign3A_7 = arith.cmpi sgt, %jit3A, %sign3A_6 : i32
    %sign3A_8 = arith.extui %sign3A_7 : i1 to i32
    %sign3A_9 = arith.constant 0 : i32
    %sign3A_10 = arith.cmpi slt, %jit3A, %sign3A_9 : i32
    %sign3A_11 = arith.extui %sign3A_10 : i1 to i32
    %sign3A_12 = arith.subi %sign3A_8, %sign3A_11 : i32
    %ne3A = arith.cmpi ne, %sign3A_5, %sign3A_12 : i32
    %rem3A = arith.remsi %arg0, %jit3A : i32
    %ne3A_13 = arith.constant 0 : i32
    %ne3A_14 = arith.cmpi ne, %rem3A, %ne3A_13 : i32
    %and3A = arith.andi %ne3A, %ne3A_14 : i1
    %sub3A = arith.constant 1 : i32
    %sub3A_15 = arith.subi %div3A, %sub3A : i32
    %select_n3A = arith.select %and3A, %sub3A_15, %div3A : i32
    %jit3A_16 = arith.constant 1 : i32
    %eq3A = arith.constant 0 : i32
    %eq3A_17 = arith.cmpi eq, %jit3A_16, %eq3A : i32
    %jit3A_18 = arith.constant 1 : i32
    %select_n3A_19 = arith.select %eq3A_17, %jit3A_18, %jit3A_16 : i32
    %rem3A_20 = arith.remsi %arg0, %select_n3A_19 : i32
    %ne3A_21 = arith.constant 0 : i32
    %ne3A_22 = arith.cmpi ne, %rem3A_20, %ne3A_21 : i32
    %lt3A = arith.constant 0 : i32
    %lt3A_23 = arith.cmpi slt, %rem3A_20, %lt3A : i32
    %lt3A_24 = arith.constant 0 : i32
    %lt3A_25 = arith.cmpi slt, %select_n3A_19, %lt3A_24 : i32
    %ne3A_26 = arith.xori %lt3A_23, %lt3A_25 : i1
    %and3A_27 = arith.andi %ne3A_26, %ne3A_22 : i1
    %add3A = arith.addi %rem3A_20, %select_n3A_19 : i32
    %select_n3A_28 = arith.select %and3A_27, %add3A, %rem3A_20 : i32
    %c0_i32 = arith.constant 0 : i32
    %c0_i32_29 = arith.constant 0 : i32
    return %select_n3A, %select_n3A_28, %c0_i32 : i32, i32, i32
  }
  func.func @transform_1(%arg0: i32) -> (i32, i32) {
    %c0_i32 = arith.constant 0 : i32
    %c0_i32_0 = arith.constant 0 : i32
    %c0_i32_1 = arith.constant 0 : i32
    return %c0_i32, %c0_i32_0 : i32, i32
  }
  func.func @transform_2(%arg0: i32) -> i32 {
    %c0_i32 = arith.constant 0 : i32
    return %arg0 : i32
  }
}

module attributes {stable_mosaic.version = 14 : i64} {
  func.func @_finish_body(%arg0: memref<8x1024x32xf32, #tpu.memory_space<vmem>>, %arg1: memref<8192x32xf32, #tpu.memory_space<vmem>>, %arg2: memref<2x8192xf32, #tpu.memory_space<vmem>>, %arg3: memref<8x1024x32xf32, #tpu.memory_space<vmem>>, %arg4: memref<1x1xf32, #tpu.memory_space<vmem>>, %arg5: memref<1x1xf32, #tpu.memory_space<vmem>>) attributes {dimension_semantics = [], scalar_prefetch = 0 : i64, scratch_operands = 0 : i64, tpu.core_type = #tpu.core_type<tc>} {
    %get3A = arith.constant 0 : index
    %get3A_0 = arith.constant 0 : index
    %get3A_1 = arith.constant 0 : index
    %get3A_2 = vector.load %arg0[%get3A, %get3A_0, %get3A_1] : memref<8x1024x32xf32, #tpu.memory_space<vmem>>, vector<8x1024x32xf32>
    %get3A_3 = arith.constant 0 : index
    %get3A_4 = arith.constant 0 : index
    %get3A_5 = vector.load %arg1[%get3A_3, %get3A_4] : memref<8192x32xf32, #tpu.memory_space<vmem>>, vector<8192x32xf32>
    %reshape3A = vector.shape_cast %get3A_5 : vector<8192x32xf32> to vector<8x1024x32xf32>
    %sub3A = arith.subf %reshape3A, %get3A_2 : vector<8x1024x32xf32>
    %add3A = arith.addf %get3A_2, %sub3A : vector<8x1024x32xf32>
    %swap3A = arith.constant 0 : index
    %swap3A_6 = arith.constant 0 : index
    %swap3A_7 = arith.constant 0 : index
    %swap3A_8 = vector.load %arg3[%swap3A, %swap3A_6, %swap3A_7] : memref<8x1024x32xf32, #tpu.memory_space<vmem>>, vector<8x1024x32xf32>
    tpu.vector_store %arg3[%swap3A, %swap3A_6, %swap3A_7], %add3A {strides = array<i32>} : memref<8x1024x32xf32, #tpu.memory_space<vmem>>, vector<8x1024x32xf32>,
    %sub3A_9 = arith.subf %reshape3A, %get3A_2 : vector<8x1024x32xf32>
    %mul3A = arith.mulf %sub3A_9, %sub3A_9 : vector<8x1024x32xf32>
    %reduce_sum3A = vector.shape_cast %mul3A : vector<8x1024x32xf32> to vector<1x8x1024x32xf32>
    %reduce_sum3A_10 = arith.constant dense<0.000000e+00> : vector<1xf32>
    %reduce_sum3A_11 = vector.multi_reduction <add>, %reduce_sum3A, %reduce_sum3A_10 [1, 2, 3] : vector<1x8x1024x32xf32> to vector<1xf32>
    %reduce_sum3A_12 = vector.shape_cast %reduce_sum3A_11 : vector<1xf32> to vector<1x1x1x1xf32>
    %reduce_sum3A_13 = vector.extract %reduce_sum3A_12[0, 0, 0, 0] : f32 from vector<1x1x1x1xf32>
    %div3A = arith.constant 2.621440e+05 : f32
    %div3A_14 = arith.divf %reduce_sum3A_13, %div3A : f32
    %mul3A_15 = arith.constant 2.500000e-01 : f32
    %mul3A_16 = arith.mulf %mul3A_15, %div3A_14 : f32
    %add3A_17 = arith.addf %mul3A_16, %div3A_14 : f32
    %broadcast_in_dim3A = vector.broadcast %add3A_17 : f32 to vector<1x1xf32>
    %swap3A_18 = arith.constant 0 : index
    %swap3A_19 = arith.constant 0 : index
    %swap3A_20 = vector.load %arg4[%swap3A_18, %swap3A_19] : memref<1x1xf32, #tpu.memory_space<vmem>>, vector<1x1xf32>
    tpu.vector_store %arg4[%swap3A_18, %swap3A_19], %broadcast_in_dim3A {strides = array<i32>} : memref<1x1xf32, #tpu.memory_space<vmem>>, vector<1x1xf32>,
    %get3A_21 = arith.constant 0 : index
    %get3A_22 = arith.constant 0 : index
    %get3A_23 = vector.load %arg2[%get3A_21, %get3A_22] : memref<2x8192xf32, #tpu.memory_space<vmem>>, vector<1x8192xf32>
    %get3A_24 = vector.shape_cast %get3A_23 : vector<1x8192xf32> to vector<8192xf32>
    %get3A_25 = arith.constant 1 : index
    %get3A_26 = arith.constant 0 : index
    %get3A_27 = vector.load %arg2[%get3A_25, %get3A_26] : memref<2x8192xf32, #tpu.memory_space<vmem>>, vector<1x8192xf32>
    %get3A_28 = vector.shape_cast %get3A_27 : vector<1x8192xf32> to vector<8192xf32>
    %add3A_29 = arith.addf %get3A_24, %get3A_28 : vector<8192xf32>
    %mul3A_30 = arith.constant 1.22070313E-4 : f32
    %mul3A_31 = vector.broadcast %mul3A_30 : f32 to vector<8192xf32>
    %mul3A_32 = arith.mulf %add3A_29, %mul3A_31 : vector<8192xf32>
    %add3A_33 = arith.constant 1.000000e-10 : f32
    %add3A_34 = vector.broadcast %add3A_33 : f32 to vector<8192xf32>
    %add3A_35 = arith.addf %mul3A_32, %add3A_34 : vector<8192xf32>
    %log3A = math.log %add3A_35 : vector<8192xf32>
    %mul3A_36 = arith.mulf %mul3A_32, %log3A : vector<8192xf32>
    %reduce_sum3A_37 = vector.shape_cast %mul3A_36 : vector<8192xf32> to vector<1x8192xf32>
    %reduce_sum3A_38 = arith.constant dense<0.000000e+00> : vector<1xf32>
    %reduce_sum3A_39 = vector.multi_reduction <add>, %reduce_sum3A_37, %reduce_sum3A_38 [1] : vector<1x8192xf32> to vector<1xf32>
    %reduce_sum3A_40 = vector.shape_cast %reduce_sum3A_39 : vector<1xf32> to vector<1x1xf32>
    %reduce_sum3A_41 = vector.extract %reduce_sum3A_40[0, 0] : f32 from vector<1x1xf32>
    %neg3A = arith.constant 0.000000e+00 : f32
    %neg3A_42 = arith.subf %neg3A, %reduce_sum3A_41 : f32
    %exp3A = math.exp %neg3A_42 : f32
    %broadcast_in_dim3A_43 = vector.broadcast %exp3A : f32 to vector<1x1xf32>
    %swap3A_44 = arith.constant 0 : index
    %swap3A_45 = arith.constant 0 : index
    %swap3A_46 = vector.load %arg5[%swap3A_44, %swap3A_45] : memref<1x1xf32, #tpu.memory_space<vmem>>, vector<1x1xf32>
    tpu.vector_store %arg5[%swap3A_44, %swap3A_45], %broadcast_in_dim3A_43 {strides = array<i32>} : memref<1x1xf32, #tpu.memory_space<vmem>>, vector<1x1xf32>,
    return
  }
}

</mosaic_0001>

<sc_bundles>
// kernel: kernel.5.cloned.1.call-start
scs
__scs_entry_jumppad:
0x0: {  	(pc) =	sbr.rel $0x88, $3  }
0x1: {  	(tag) =	ssettag $0x0;
	lr =	simm.s32 $0x1  }
0x2: {  	[smem:$0x3F9F] =	sst lr;
	_ =	strace $0xD0000000  }
0x3: {  	_ = 	snop  }
0x4: {  	_ = 	snop  }
0x5: {  	_ = 	snop  }
0x6: {  	_ = 	snop  }
0x7: {  	_ = 	snop  }
__scs_overlays_trampoline_lowered:
0x8: {  	[smem:$0x3FAE] =	sst s0  }
0x9: {  	[smem:$0x3FAF] =	sst s1  }
0xa: {  	[smem:$0x3FB0] =	sst s2  }
0xb: {  	[smem:$0x3FB1] =	sst s3  }
0xc: {  	[smem:$0x3FB2] =	sst s4  }
0xd: {  	[smem:$0x3FB3] =	sst s5  }
0xe: {  	[smem:$0x3FB4] =	sst s6  }
0xf: {  	[smem:$0x3FB5] =	sst s7  }
0x10: {  	[smem:$0x3FB6] =	sst s8  }
0x11: {  	[smem:$0x3FB7] =	sst s9;
	s0 =	simm.s32 @!p0 $0x0  }
0x12: {  	s1 =	sld [smem:$0x3F9D];
	s0 =	simm.s32 @p0 $0x1  }
0x13: {  	[smem:$0x3FB8] =	sst s0;
	s0 =	simm.s32 @!p1 $0x0  }
0x14: {  	s2 =	sld [smem:$0x3F9C];
	s0 =	simm.s32 @p1 $0x1  }
0x15: {  	[smem:$0x3FB9] =	sst s0;
	s0 =	simm.s32 @!p2 $0x0  }
0x16: {  	s3 =	sld [smem:$0x3FDB];
	s0 =	simm.s32 @p2 $0x1  }
0x17: {  	s4 =	simm.s32 $0x1BF5;
	[smem:$0x3FBB] =	sst s0  }
0x18: {  	s0 =	sld [smem:$0x3F9E];
	_ =	swait.ge [sflag:s4], $0x0  }
0x19: {  	s7 =	sld [smem:$0x3F9F]  }
0x1a: {  	s8 =	sadd.s32 $0xFFFFE003, lr  }
0x1b: {  	s9 =	sadd.s32 $0xFFFFFEF7, lr;
	s5 =	simm.s32 $0xFFFFFFFF;
	p2 =	slt.u32 s8, $0xFFFFF086  }
0x1c: {  	p1 =	slt.u32 s9, $0xF7A;
	s5 =	simm.s32 @!p2 $0x0  }
0x1d: {  	s5 =	simm.s32 @p1 $0x1;
	p0 =	seq.s32 s7, s2  }
0x1e: {  	s7 =	smul.u32 @!p0 $0xF7A, s2;
	p2 =	seq.s32 @!p0 s5, $0x0  }
0x1f: {  	s9 =	smul.u32 $0xF7A, s1;
	s8 =	simm.s32 @!p0 $0x1BF5;
	p2 =	por !p2, p0  }
0x20: {  	[sflag:s8] =	ssyncset.s32 @!p0 $0xFFFFF086;
	s6 =	sadd.s32 @!p0 s3, s7;
	s7 =	simm.s32 @!p0 $0x108  }
0x21: {  	s3 =	sadd.s32 s3, s9;
	s6 =	sadd.s32 @!p0 $0x88, s6;
	s7 =	simm.s32 @p2 $0x1082  }
0x22: {  	[simem:s7], [sflag:s8] =	dma.local @!p0 [hbm:s6], $0xF7A  }
0x23: {  	s9 =	sor.u32 $0xD0000000, s2;
	s6 =	simm.s32 $0x108;
	_ =	swait.ge @!p0 [sflag:s8], $0x0  }
0x24: {  	s3 =	sadd.s32 $0x88, s3;
	s6 =	simm.s32 @!p1 $0x1082;
	[sflag:s4] =	ssyncset.s32 $0xFFFFF086  }
0x25: {  	[simem:s6], [sflag:s4] =	dma.local [hbm:s3], $0xF7A  }
0x26: {  	[smem:$0x3F9F] =	sst s1;
	(tag) =	ssettag s2;
	_ =	strace s9  }
0x27: {  	s1 =	sld [smem:$0x3FAF]  }
0x28: {  	s2 =	sld [smem:$0x3FB0]  }
0x29: {  	s4 =	sld [smem:$0x3FB2]  }
0x2a: {  	p0 =	seq.s32 s5, $0x0;
	s5 =	sld [smem:$0x3FB3]  }
0x2b: {  	s6 =	sld [smem:$0x3FB4]  }
0x2c: {  	s7 =	sld [smem:$0x3FB5]  }
0x2d: {  	s3 =	simm.s32 $0x108;
	s8 =	sld [smem:$0x3FB6]  }
0x2e: {  	s3 =	simm.s32 @!p0 $0x1082;
	s9 =	sld [smem:$0x3FB7]  }
0x2f: {  	lr =	sadd.s32 s0, s3;
	s0 =	sld [smem:$0x3FAE]  }
0x30: {  	s3 =	sld [smem:$0x3FB1]  }
0x31: {  	[smem:$0x3FBA] =	sst s10  }
0x32: {  	s10 =	sld [smem:$0x3FB8];
	_ =	sdelay $0x3  }
0x33: {  	p0 =	seq.s32 s10, $0x1;
	s10 =	sld [smem:$0x3FBA];
	_ =	sdelay $0x3  }
0x34: {  	[smem:$0x3FBA] =	sst s10  }
0x35: {  	s10 =	sld [smem:$0x3FB9];
	_ =	sdelay $0x3  }
0x36: {  	p1 =	seq.s32 s10, $0x1;
	s10 =	sld [smem:$0x3FBA];
	_ =	sdelay $0x3  }
0x37: {  	[smem:$0x3FBA] =	sst s10  }
0x38: {  	s10 =	sld [smem:$0x3FBB]  }
0x39: {  	_ = 	snop;
	(pc) =	sbr.ind lr, $3  }
0x3a: {  	_ = 	snop  }
0x3b: {  	_ = 	snop  }
0x3c: {  	p2 =	seq.s32 s10, $0x1;
	s10 =	sld [smem:$0x3FBA]  }
0x3d: {  	_ =	shalt  }
0x3e: {  	_ =	shalt  }
0x3f: {  	_ =	shalt  }
0x40: {  	_ =	shalt  }
0x41: {  	_ =	shalt  }
0x42: {  	_ =	shalt  }
0x43: {  	_ =	shalt  }
0x44: {  	_ =	shalt  }
0x45: {  	_ =	shalt  }
0x46: {  	_ =	shalt  }
0x47: {  	_ =	shalt  }
0x48: {  	_ =	shalt  }
0x49: {  	_ =	shalt  }
0x4a: {  	_ =	shalt  }
0x4b: {  	_ =	shalt  }
0x4c: {  	_ =	shalt  }
0x4d: {  	_ =	shalt  }
0x4e: {  	_ =	shalt  }
0x4f: {  	_ =	shalt  }
0x50: {  	_ =	shalt  }
0x51: {  	_ =	shalt  }
0x52: {  	_ =	shalt  }
0x53: {  	_ =	shalt  }
0x54: {  	_ =	shalt  }
0x55: {  	_ =	shalt  }
0x56: {  	_ =	shalt  }
0x57: {  	_ =	shalt  }
0x58: {  	_ =	shalt  }
0x59: {  	_ =	shalt  }
0x5a: {  	_ =	shalt  }
0x5b: {  	_ =	shalt  }
0x5c: {  	_ =	shalt  }
0x5d: {  	_ =	shalt  }
0x5e: {  	_ =	shalt  }
0x5f: {  	_ =	shalt  }
0x60: {  	_ =	shalt  }
0x61: {  	_ =	shalt  }
0x62: {  	_ =	shalt  }
0x63: {  	_ =	shalt  }
0x64: {  	_ =	shalt  }
0x65: {  	_ =	shalt  }
0x66: {  	_ =	shalt  }
0x67: {  	_ =	shalt  }
0x68: {  	_ =	shalt  }
0x69: {  	_ =	shalt  }
0x6a: {  	_ =	shalt  }
0x6b: {  	_ =	shalt  }
0x6c: {  	_ =	shalt  }
0x6d: {  	_ =	shalt  }
0x6e: {  	_ =	shalt  }
0x6f: {  	_ =	shalt  }
0x70: {  	_ =	shalt  }
0x71: {  	_ =	shalt  }
0x72: {  	_ =	shalt  }
0x73: {  	_ =	shalt  }
0x74: {  	_ =	shalt  }
0x75: {  	_ =	shalt  }
0x76: {  	_ =	shalt  }
0x77: {  	_ =	shalt  }
0x78: {  	_ =	shalt  }
0x79: {  	_ =	shalt  }
0x7a: {  	_ =	shalt  }
0x7b: {  	_ =	shalt  }
0x7c: {  	_ =	shalt  }
0x7d: {  	_ =	shalt  }
0x7e: {  	_ =	shalt  }
0x7f: {  	_ =	shalt  }
0x80: {  	_ =	shalt  }
0x81: {  	_ =	shalt  }
0x82: {  	_ =	shalt  }
0x83: {  	_ =	shalt  }
0x84: {  	_ =	shalt  }
0x85: {  	_ =	shalt  }
0x86: {  	_ =	shalt  }
0x87: {  	_ =	shalt  }
.Lfunc_end0:
.L_simem_size_0:
called_computation_lowered:
.L_overlay_start_0:
0x88: {  	s2 =	sld [smem:$0x3FD9]  }
0x89: {  	s3 =	sld [smem:$0x3FFE];
	_ =	sdelay $0x1  }
0x8a: {  	s1 =	srdreg.scid  }
0x8b: {  	s0 =	sand.u32 $0x1, s1  }
0x8c: {  	s14 =	sshll.u32 s0, $0xA;
	s2 =	sadd.s32 s3, s2  }
0x8d: {  	s2 =	sadd.s32 s2, s14  }
0x8e: {  	[smem:$0x3FC6] =	sst s2  }
0x8f: {  	_ = 	snop  }
0x90: {  	s2 =	sld [smem:$0x3FD0];
	_ =	sdelay $0x2  }
0x91: {  	s15 =	simm.s32 $0xA;
	s4 =	simm.s32 $0x10  }
0x92: {  	[smem:s4], [sflag:s15] =	dma.local [hbm:s2], $0x1  }
0x93: {  	_ =	swait.eq [sflag:s15], $0x1  }
0x94: {  	[sflag:s15] =	ssyncset.done $0x0  }
0x95: {  	s16 =	sld [smem:$0x10];
	[sflag:s15] =	ssyncadd.s32 $0xFFFFFFFF  }
0x96: {  	s17 =	sld [smem:$0x13];
	(tm) =	ssettm $0x1  }
0x97: {  	s18 =	sld [smem:$0x3FFB];
	_ =	sdelay $0x3  }
0x98: {  	_ =	strace s18  }
0x99: {  	s4 =	sld [smem:$0x3FFC];
	_ =	sdelay $0x3  }
0x9a: {  	_ =	strace s4  }
0x9b: {  	s4 =	sld [smem:$0x3FFD];
	_ =	sdelay $0x3  }
0x9c: {  	_ =	strace s4  }
0x9d: {  	_ =	strace $0x8FFFFFFF  }
0x9e: {  	s19 =	sld [smem:$0x3FDB];
	_ =	sdelay $0x1  }
0x9f: {  	s5 =	simm.s32 $_scs_section_size  }
0xa0: {  	s6 =	simm.s32 $_size__tile_overlayer_lowered;
	s7 =	simm.s32 $_tile_overlayer_lowered  }
0xa1: {  	s22 =	simm.s32 $0x1BFF;
	s21 =	sshll.u32 s7, $0x1;
	s4 =	sadd.s32 s5, s19  }
0xa2: {  	s8 =	simm.s32 $0x0;
	s20 =	sshll.u32 s6, $0x1;
	s6 =	sadd.s32 s21, s4  }
0xa3: {  	[timem:s8], [sflag:s22] =	dma.local [hbm:s6], s20  }
0xa4: {  	_ =	swait.ge [sflag:s22], s20  }
0xa5: {  	s5 =	ssub.s32 $0x0, s20;
	[sflag:s22] =	ssyncset.done $0x0  }
0xa6: {  	[sflag:s22] =	ssyncadd.s32 s5;
	_ =	sdelay $0x1  }
0xa7: {  	s23 =	simm.s32 $0x1B8B  }
0xa8: {  	_ =	swait.ge [sflag:s23], $0x1  }
0xa9: {  	[sflag:s23] =	ssyncset.done $0x0  }
0xaa: {  	s25 =	simm.s32 $0x1B8E;
	s24 =	sld [smem:$0x3FFE];
	[sflag:s23] =	ssyncadd.s32 $0xFFFFFFFF  }
0xab: {  	s26 =	simm.s32 $execute0_lowered;
	[smem:$0x3FD2] =	sst s25  }
0xac: {  	s6 =	sshll.u32 s26, $0x1;
	_ =	strace $0x80000046;
	[dreg:$0x1] =	wrdreg $0xFFFFFFFF  }
0xad: {  	s28 =	simm.s32 $_size_execute0_lowered;
	s4 =	sadd.s32 s4, s6;
	[dreg:$0x0] =	wrdreg $0x0  }
0xae: {  	s6 =	sshll.u32 s28, $0x1;
	[dreg:$0x2] =	wrdreg s4  }
0xaf: {  	[dreg:$0x3] =	wrdreg s6  }
0xb0: {  	[dreg:$0x4] =	wrdreg $0xC0  }
0xb1: {  	_ =	task [dreg:s8], $0x5FFFF  }
0xb2: {  	[dreg:$0x1] =	wrdreg $0xFFFFFFFF  }
0xb3: {  	[dreg:$0x0] =	wrdreg $0x60  }
0xb4: {  	[dreg:$0x2] =	wrdreg s16  }
0xb5: {  	[dreg:$0x3] =	wrdreg s17  }
0xb6: {  	[dreg:$0x4] =	wrdreg s24  }
0xb7: {  	[dreg:$0x5] =	wrdreg $0x24000  }
0xb8: {  	[dreg:$0x6] =	wrdreg $0x9  }
0xb9: {  	_ =	task.clear_ibuf [dreg:s8], $0x7FFFF;
	_ =	strace $0x90000046  }
0xba: {  	s29 =	simm.s32 $0x9;
	_ =	strace $0x80000048  }
0xbb: {  	_ =	swait.ge [sflag:s29], $0x1  }
0xbc: {  	[sflag:s29] =	ssyncadd.s32 $0xFFFFFFFF  }
0xbd: {  	_ =	strace $0x90000048  }
0xbe: {  	_ =	sfence  }
0xbf: {  	s30 =	sld [smem:$0x0];
	_ =	sdelay $0x2  }
0xc0: {  	s31 =	sshll.u32 s1, $0xD;
	s1 =	sshrl.u32 s1, $0x2  }
0xc1: {  	s3 =	sand.u32 $0x4000, s31;
	s1 =	sadd.s32 s1, s30  }
0xc2: {  	s0 =	sor.u32 s3, s0;
	s1 =	sshll.u32 s1, $0x11  }
0xc3: {  	s0 =	sor.u32 s1, s0  }
0xc4: {  	s0 =	sadd.s32 $0x8F2B, s0  }
0xc5: {  	[sflag:s0] =	ssyncadd.remote.s32 $0x1  }
0xc6: {  	_ =	sfence.sel $0xFFFF  }
0xc7: {  	[dreg:$0x0] =	wrdreg $0xFFFFFFFF;
	(pc) =	sbr.abs _section_cstart, $3  }
0xc8: {  	[dreg:$0x1] =	wrdreg $0xFFFFFFFF  }
0xc9: {  	_ =	task.clear_ibuf [dreg:s8], $0x2FFFF;
	_ =	strace $0x9FFFFFFF  }
0xca: {  	(tm) =	ssettm $0x7FFFFFFF  }
0xcb: {  	_ =	shalt  }
tec
execute0_lowered:
.L_overlay_start_1:
0x0: {  	(tag) =	ssettag $0x1  }
0x1: {  	s1 =	rddreg [dreg:$0x0]  }
0x2: {  	s5 =	rddreg [dreg:$0x1]  }
0x3: {  	s4 =	rddreg [dreg:$0x2]  }
0x4: {  	s2 =	rddreg [dreg:$0x3]  }
0x5: {  	s0 =	rddreg [dreg:$0x4];
	s3 =	simm.s32 $0x0  }
0x6: {  	s6 =	srdreg.scid;
	s11 =	stileid.u32;
	s15 =	simm.s32 $0x2200  }
0x7: {  	s16 =	simm.s32 $0x1;
	s17 =	simm.s32 $0x2100;
	s18 =	simm.s32 $0x2180  }
0x8: {  	[smem:$0x7FF] =	sst s3;
	s8 =	sadd.s32 $0x1400, s4;
	s6 =	sand.u32 $0x1, s6  }
0x9: {  	s9 =	sshll.u32 s11, $0x9;
	p0 =	sne.s32 s11, $0x0;
	s11 =	simm.s32 $0x2  }
0xa: {  	_ =	strace $0x80000047;
	s7 =	sshll.u32 s6, $0xA;
	s10 =	sshll.u32 s6, $0x8  }
0xb: {  	s25 =	ssub.s32 $0x2, s6;
	s6 =	sadd.s32 s9, s2;
	s19 =	sshrl.u32 @!p0 s2, $0x3  }
0xc: {  	s12 =	sadd.s32 s7, s4;
	s26 =	sor.u32 s10, s9;
	s28 =	sshrl.u32 s25, $0x1  }
0xd: {  	s10 =	sshrl.u32 s26, $0x3;
	s13 =	sor.u32 $0x80, s26;
	s14 =	ssub.s32 s25, s28  }
0xe: {  	s30 =	sshll.u32 s26, $0x2;
	s9 =	sadd.s32 $0xC00, s12;
	s12 =	simm.s32 $0x80  }
0xf: {  	s4 =	sadd.s32 s5, s10;
	s29 =	sshrl.u32 s13, $0x3;
	s31 =	sshll.u32 s13, $0x2  }
0x10: {  	s7 =	sadd.s32 s8, s30;
	s10 =	smax.u32 s14, $0x1;
	s13 =	simm.s32 $0x100  }
0x11: {  	v0 =	vimm.f32 $0.0e+00;
	v1 =	vimm.f32 $1.000000000e+00;
	s14 =	simm.s32 $0x1100;
	s5 =	sadd.s32 s5, s29;
	s8 =	sadd.s32 s8, s31  }
.LBB2_1:
0x12: {  	[tilespmem:s3], [sflag:$0x2] =	stream.linear.gather [hbm4b:s4+s3], $0x80, $0x38;
	[tilespmem:$0x2600] =	vst v63  }
0x13: {  	_ =	swait.ge [sflag:s11], $0x80  }
0x14: {  	[sflag:s11] =	ssyncset.done $0x0  }
0x15: {  	[sflag:s11] =	ssyncadd.s32 $0xFFFFFF80  }
0x16: {  	[tilespmem:s12], [sflag:$0x2] =	stream.linear.gather [hbm4b:s5+s3], $0x80, $0x38;
	[tilespmem:$0x2600] =	vst v63  }
0x17: {  	_ =	swait.ge [sflag:s11], $0x80  }
0x18: {  	[sflag:s11] =	ssyncset.done $0x0  }
0x19: {  	[sflag:s11] =	ssyncadd.s32 $0xFFFFFF80  }
0x1a: {  	[tilespmem:s13], [sflag:$0x1] =	stream.indirect.gather [hbm4b:s1+s12], $0x20, s3, s12, $0xb8;
	[tilespmem:$0x2600] =	vst v63  }
0x1b: {  	_ = 	snop  }
0x1c: {  	[tilespmem:s14], [sflag:$0x1] =	stream.indirect.gather [hbm4b:s1+s12], $0x20, s12, s12, $0xb8;
	[tilespmem:$0x2600] =	vst v63  }
0x1d: {  	[tilespmem:$0x2200] =	vst v0  }
0x1e: {  	[tilespmem:$0x2210] =	vst v0  }
0x1f: {  	[tilespmem:$0x2220] =	vst v0  }
0x20: {  	[tilespmem:$0x2230] =	vst v0  }
0x21: {  	[tilespmem:$0x2240] =	vst v0  }
0x22: {  	[tilespmem:$0x2250] =	vst v0  }
0x23: {  	[tilespmem:$0x2260] =	vst v0  }
0x24: {  	[tilespmem:$0x2270] =	vst v0  }
0x25: {  	[tilespmem:$0x2280] =	vst v0  }
0x26: {  	[tilespmem:$0x2290] =	vst v0  }
0x27: {  	[tilespmem:$0x22A0] =	vst v0  }
0x28: {  	[tilespmem:$0x22B0] =	vst v0  }
0x29: {  	[tilespmem:$0x22C0] =	vst v0  }
0x2a: {  	[tilespmem:$0x22D0] =	vst v0  }
0x2b: {  	[tilespmem:$0x22E0] =	vst v0  }
0x2c: {  	[tilespmem:$0x22F0] =	vst v0  }
0x2d: {  	[tilespmem:$0x2300] =	vst v0  }
0x2e: {  	[tilespmem:$0x2310] =	vst v0  }
0x2f: {  	[tilespmem:$0x2320] =	vst v0  }
0x30: {  	[tilespmem:$0x2330] =	vst v0  }
0x31: {  	[tilespmem:$0x2340] =	vst v0  }
0x32: {  	[tilespmem:$0x2350] =	vst v0  }
0x33: {  	[tilespmem:$0x2360] =	vst v0  }
0x34: {  	[tilespmem:$0x2370] =	vst v0  }
0x35: {  	[tilespmem:$0x2380] =	vst v0  }
0x36: {  	[tilespmem:$0x2390] =	vst v0  }
0x37: {  	[tilespmem:$0x23A0] =	vst v0  }
0x38: {  	[tilespmem:$0x23B0] =	vst v0  }
0x39: {  	[tilespmem:$0x23C0] =	vst v0  }
0x3a: {  	[tilespmem:$0x23D0] =	vst v0  }
0x3b: {  	[tilespmem:$0x23E0] =	vst v0  }
0x3c: {  	[tilespmem:$0x23F0] =	vst v0  }
0x3d: {  	[tilespmem:$0x2100] =	vst v1  }
0x3e: {  	[tilespmem:$0x2110] =	vst v1  }
0x3f: {  	[tilespmem:$0x2120] =	vst v1  }
0x40: {  	[tilespmem:$0x2130] =	vst v1  }
0x41: {  	[tilespmem:$0x2140] =	vst v1  }
0x42: {  	[tilespmem:$0x2150] =	vst v1  }
0x43: {  	[tilespmem:$0x2160] =	vst v1  }
0x44: {  	[tilespmem:$0x2170] =	vst v1  }
0x45: {  	[tilespmem:$0x2180] =	vst v1  }
0x46: {  	[tilespmem:$0x2190] =	vst v1  }
0x47: {  	[tilespmem:$0x21A0] =	vst v1  }
0x48: {  	[tilespmem:$0x21B0] =	vst v1  }
0x49: {  	[tilespmem:$0x21C0] =	vst v1  }
0x4a: {  	[tilespmem:$0x21D0] =	vst v1  }
0x4b: {  	[tilespmem:$0x21E0] =	vst v1  }
0x4c: {  	[tilespmem:$0x21F0] =	vst v1  }
0x4d: {  	[spmem:s6] =	stream.linear.scatter [tilespmem:s15], [sflag:$0x2], $0x200, $0x38;
	[tilespmem:$0x2600] =	vst v63  }
0x4e: {  	_ =	swait.ge [sflag:s11], $0x200  }
0x4f: {  	[sflag:s11] =	ssyncset.done $0x0  }
0x50: {  	[sflag:s11] =	ssyncadd.s32 $0xFFFFFE00  }
0x51: {  	_ =	swait.ge [sflag:s16], $0x1000  }
0x52: {  	[sflag:s16] =	ssyncset.done $0x0  }
0x53: {  	[sflag:s16] =	ssyncadd.s32 $0xFFFFF000  }
0x54: {  	_ =	swait.ge [sflag:s16], $0x1000  }
0x55: {  	[sflag:s16] =	ssyncset.done $0x0  }
0x56: {  	[sflag:s16] =	ssyncadd.s32 $0xFFFFF000  }
0x57: {  	[hbm4b:s7+s3] =	stream.linear.scatter [tilespmem:s13], [sflag:$0x2], $0x1000, $0x38;
	[tilespmem:$0x2600] =	vst v63  }
0x58: {  	_ =	swait.ge [sflag:s11], $0x1000  }
0x59: {  	[sflag:s11] =	ssyncset.done $0x0  }
0x5a: {  	[sflag:s11] =	ssyncadd.s32 $0xFFFFF000  }
0x5b: {  	[hbm4b:s8+s3] =	stream.linear.scatter [tilespmem:s14], [sflag:$0x2], $0x1000, $0x38;
	[tilespmem:$0x2600] =	vst v63  }
0x5c: {  	_ =	swait.ge [sflag:s11], $0x1000  }
0x5d: {  	[sflag:s11] =	ssyncset.done $0x0  }
0x5e: {  	[sflag:s11] =	ssyncadd.s32 $0xFFFFF000  }
0x5f: {  	[bflag:$0x0] =	sbarrier.arrive $0xFFFF  }
0x60: {  	[spmem:s2] =	stream.indirect.scatter.add.f32 [tilespmem:s17], [sflag:$0x2], $0x1, s3, s12, $0xb8;
	[tilespmem:$0x2600] =	vst v63  }
0x61: {  	_ =	swait.ge [sflag:s11], $0x80  }
0x62: {  	[sflag:s11] =	ssyncset.done $0x0  }
0x63: {  	[sflag:s11] =	ssyncadd.s32 $0xFFFFFF80  }
0x64: {  	[spmem:s2] =	stream.indirect.scatter.add.f32 [tilespmem:s18], [sflag:$0x2], $0x1, s12, s12, $0xb8;
	[tilespmem:$0x2600] =	vst v63  }
0x65: {  	_ =	swait.ge [sflag:s11], $0x80  }
0x66: {  	[sflag:s11] =	ssyncset.done $0x0  }
0x67: {  	s10 =	sadd.s32 $0xFFFFFFFF, s10;
	[sflag:s11] =	ssyncadd.s32 $0xFFFFFF80  }
0x68: {  	s20 =	simm.s32 @!p0 $0x1C02;
	p1 =	sne.s32 s10, $0x0;
	[bflag:$0x0] =	sbarrier.arrive $0xFFFF  }
0x69: {  	[hbm:s9], [sflag:s20] =	dma.local @!p0 [spmem:s19], $0x400  }
.Ltmp0:
0x6a: {  	_ = 	snop;
	(pc) =	sbr.rel @p1 .LBB2_1-.Ltmp0, $4  }
0x6b: {  	s20 =	simm.s32 @!p0 $0x2  }
0x6c: {  	_ =	swait.ge @!p0 [sflag:s20], $0x400  }
0x6d: {  	[sflag:s20] =	ssyncset.done @!p0 $0x0  }
0x6e: {  	[sflag:s20] =	ssyncadd.s32 @!p0 $0xFFFFFC00  }
0x6f: {  	_ =	sfence.sel $0x180000  }
0x70: {  	[bflag:$0x0] =	sbarrier.arrive $0xFFFF  }
0x71: {  	_ =	strace $0x90000047  }
0x72: {  	s0 =	sadd.s32 @!p0 $0x100000, s0;
	[bflag:$0x2] =	sbarrier.arrive $0xFFFF  }
0x73: {  	[sflag:s0] =	ssyncadd.tile.s32 @!p0 $0x1;
	_ =	shalt  }
.Lfunc_end2:
_tile_overlayer_lowered:
.L_overlay_start_2:
0x74: {  	(tag) =	ssettag $0x2  }
0x75: {  	s0 =	rddreg [dreg:$0x0];
	s2 =	stileid.u32  }
0x76: {  	s1 =	rddreg [dreg:$0x1];
	p0 =	sne.s32 s2, $0x0  }
0x77: {  	s3 =	rddreg [dreg:$0x2];
	[bflag:$0x3] =	sbarrier.arrive $0xFFFF;
	s2 =	simm.s32 @!p0 $0x1C02  }
0x78: {  	[timem:s3], [sflag:s2] =	dma.local @!p0 [hbm:s0], s1  }
0x79: {  	s0 =	simm.s32 @!p0 $0x2  }
0x7a: {  	_ =	swait.ge @!p0 [sflag:s0], s1  }
0x7b: {  	s1 =	ssub.s32 @!p0 $0x0, s1;
	[sflag:s0] =	ssyncset.done @!p0 $0x0  }
0x7c: {  	[sflag:s0] =	ssyncadd.s32 @!p0 s1  }
0x7d: {  	[bflag:$0x3] =	sbarrier.arrive $0xFFFF  }
0x7e: {  	_ =	shalt  }

</sc_bundles>
